<compile_context>
chip_gen: v7x
topology: tpu7x:2x2x1
jax: 0.10.2.dev20260603
libtpu: 0.0.44.dev20260713+nightly
codegen_flags: <defaults>
</compile_context>

<pallas_src>
import functools

import jax
import jax.numpy as jnp
from jax import lax
from jax.experimental import pallas as pl
from jax.experimental.pallas import tpu as pltpu
from jax.experimental.pallas import tpu_sc as plsc

BATCH = 16384
EMB = 32
HID = 64
GRP = 16


def _sc_gather(users, items, user_tableT, item_tableT):
    mesh = plsc.VectorSubcoreMesh(core_axis_name="c", subcore_axis_name="s")
    nw = mesh.num_cores * mesh.num_subcores
    b_per_w = BATCH // nw

    @functools.partial(
        pl.kernel,
        out_type=(
            jax.ShapeDtypeStruct((EMB, BATCH), jnp.float32),
            jax.ShapeDtypeStruct((EMB, BATCH), jnp.float32),
        ),
        mesh=mesh,
        scratch_types=[
            pltpu.VMEM((b_per_w,), jnp.int32),
            pltpu.VMEM((b_per_w,), jnp.int32),
            pltpu.VMEM((GRP, EMB, 128), jnp.float32),
            pltpu.VMEM((EMB, b_per_w), jnp.float32),
            pltpu.VMEM((EMB, b_per_w), jnp.float32),
            pltpu.SemaphoreType.DMA,
        ],
        compiler_params=pltpu.CompilerParams(
            use_tc_tiling_on_sc=True, needs_layout_passes=False),
    )
    def gather_kernel(users_hbm, items_hbm, ut_hbm, it_hbm, ue_hbm, ie_hbm,
                      uidx_v, iidx_v, blks_v, ucols_v, icols_v, sem):
        wid = lax.axis_index("s") * mesh.num_cores + lax.axis_index("c")
        base = pl.multiple_of(wid * b_per_w, b_per_w)
        pltpu.sync_copy(users_hbm.at[pl.ds(base, b_per_w)], uidx_v)
        pltpu.sync_copy(items_hbm.at[pl.ds(base, b_per_w)], iidx_v)

        lane = lax.iota(jnp.int32, 16)

        def process(idx_v, tbl_hbm, cols_v):
            def group(g, _):
                off = pl.multiple_of(g * GRP, GRP)
                v = idx_v[pl.ds(off, GRP)]
                cols = []
                for j in range(GRP):
                    c = jnp.sum(jnp.where(lane == j, v, 0))
                    cols.append(c)
                    blk = pl.multiple_of((c // 128) * 128, 128)
                    pltpu.async_copy(
                        tbl_hbm.at[:, pl.ds(blk, 128)], blks_v.at[j], sem)
                for j in range(GRP):
                    pltpu.make_async_copy(
                        tbl_hbm.at[:, pl.ds(0, 128)], blks_v.at[j], sem
                    ).wait()
                for j in range(GRP):
                    lv = jnp.full((16,), cols[j] % 128, jnp.int32)
                    top = plsc.load_gather(blks_v.at[j], [lane, lv])
                    bot = plsc.load_gather(blks_v.at[j], [lane + 16, lv])
                    dst = jnp.full((16,), off + j, jnp.int32)
                    plsc.store_scatter(cols_v, [lane, dst], top)
                    plsc.store_scatter(cols_v, [lane + 16, dst], bot)
                return 0
            lax.fori_loop(0, b_per_w // GRP, group, 0)

        process(uidx_v, ut_hbm, ucols_v)
        process(iidx_v, it_hbm, icols_v)

        pltpu.sync_copy(ucols_v, ue_hbm.at[:, pl.ds(base, b_per_w)])
        pltpu.sync_copy(icols_v, ie_hbm.at[:, pl.ds(base, b_per_w)])

    return gather_kernel(users, items, user_tableT, item_tableT)


def _mlp_kernel(ueT_ref, ieT_ref, w1u_ref, w1i_ref, b1_ref, w2_ref, b2_ref, out_ref):
    h = (jnp.dot(w1u_ref[...], ueT_ref[...], preferred_element_type=jnp.float32)
         + jnp.dot(w1i_ref[...], ieT_ref[...], preferred_element_type=jnp.float32)
         + b1_ref[...])
    h = jnp.maximum(h, 0.0)
    out_ref[...] = jnp.dot(w2_ref[...], h, preferred_element_type=jnp.float32) + b2_ref[...]


def _tc_mlp(ueT, ieT, W1, b1, W2, b2):
    cols = 2048
    grid = BATCH // cols
    w1u = W1[:, :EMB]
    w1i = W1[:, EMB:]
    out = pl.pallas_call(
        _mlp_kernel,
        grid=(grid,),
        in_specs=[
            pl.BlockSpec((EMB, cols), lambda i: (0, i)),
            pl.BlockSpec((EMB, cols), lambda i: (0, i)),
            pl.BlockSpec((HID, EMB), lambda i: (0, 0)),
            pl.BlockSpec((HID, EMB), lambda i: (0, 0)),
            pl.BlockSpec((HID, 1), lambda i: (0, 0)),
            pl.BlockSpec((1, HID), lambda i: (0, 0)),
            pl.BlockSpec((1, 1), lambda i: (0, 0)),
        ],
        out_specs=pl.BlockSpec((1, cols), lambda i: (0, i)),
        out_shape=jax.ShapeDtypeStruct((1, BATCH), jnp.float32),
    )(ueT, ieT, w1u, w1i, b1.reshape(HID, 1), W2, b2.reshape(1, 1))
    return out[0]


def kernel(users, items, user_table, item_table, W1, b1, W2, b2):
    perm = jnp.argsort(users)
    su = users[perm]
    si = items[perm]
    inv = jnp.zeros((BATCH,), jnp.int32).at[perm].set(
        lax.iota(jnp.int32, BATCH))
    ueT, ieT = _sc_gather(su, si, user_table.T, item_table.T)
    out_p = _tc_mlp(ueT, ieT, W1, b1, W2, b2)
    return out_p[inv]

# --- scband reference (transcript-rebuilt; emitter-appended) ---
"""Pipeline reference for scband-ncf-33088428048467 (READ-ONLY COPY).

The authoritative reference and input builder live on the scoring server;
editing this copy changes nothing except your own understanding.
"""

import jax, jax.numpy as jnp
import numpy as np

USER_NUM = 1000000
ITEM_NUM = 1000000
EMB = 32
HID = 64
BATCH = 16384
INIT_EMB = 0.01


def setup_inputs(seed: int = 0) -> dict:
    key = jax.random.key(seed)
    k1, k2, k3, k4, k5, k6, k7, k8 = jax.random.split(key, 8)
    users = jax.random.randint(k1, (BATCH,), 0, USER_NUM, dtype=jnp.int64 if jax.config.jax_enable_x64 else jnp.int32).astype(jnp.int32)
    items = jax.random.randint(k2, (BATCH,), 0, ITEM_NUM, dtype=jnp.int32)
    user_table = (jax.random.normal(k3, (USER_NUM, EMB), dtype=jnp.float32) * INIT_EMB).at[0].set(0.0)
    item_table = (jax.random.normal(k4, (ITEM_NUM, EMB), dtype=jnp.float32) * INIT_EMB).at[0].set(0.0)
    # nn.Linear default init: U(-1/sqrt(fan_in), 1/sqrt(fan_in))
    lim1 = 1.0 / np.sqrt(2 * EMB)
    W1 = jax.random.uniform(k5, (HID, 2 * EMB), dtype=jnp.float32, minval=-lim1, maxval=lim1)
    b1 = jax.random.uniform(k6, (HID,), dtype=jnp.float32, minval=-lim1, maxval=lim1)
    lim2 = 1.0 / np.sqrt(HID)
    W2 = jax.random.uniform(k7, (1, HID), dtype=jnp.float32, minval=-lim2, maxval=lim2)
    b2 = jax.random.uniform(k8, (1,), dtype=jnp.float32, minval=-lim2, maxval=lim2)
    return {"users": users, "items": items, "user_table": user_table, "item_table": item_table, "W1": W1, "b1": b1, "W2": W2, "b2": b2}


def reference(users, items, user_table, item_table, W1, b1, W2, b2):
    user_embedding = jnp.take(user_table, users, axis=0)
    item_embedding = jnp.take(item_table, items, axis=0)
    concat_embedding = jnp.concatenate([user_embedding, item_embedding], axis=-1)
    h = jnp.dot(concat_embedding, W1.T) + b1
    h = jax.nn.relu(h)
    out = jnp.dot(h, W2.T) + b2
    return jnp.squeeze(out, axis=-1)

if __name__ == "__main__":
    import jax
    _d = setup_inputs()
    print(jax.jit(kernel)(*tuple(_d.values())))

</pallas_src>

<mosaic_0001>
#map = affine_map<(d0, d1) -> (0)>
#map1 = affine_map<(d0, d1) -> (0, 0)>
module attributes {stable_mosaic.version = 14 : i64} {
  func.func @gather_kernel(%arg0: i32, %arg1: i32, %arg2: memref<16384xi32, #tpu.memory_space<hbm>>, %arg3: memref<16384xi32, #tpu.memory_space<hbm>>, %arg4: memref<32x1000000xf32, #tpu.memory_space<hbm>>, %arg5: memref<32x1000000xf32, #tpu.memory_space<hbm>>, %arg6: memref<32x16384xf32, #tpu.memory_space<hbm>>, %arg7: memref<32x16384xf32, #tpu.memory_space<hbm>>, %arg8: memref<512xi32, #tpu.memory_space<vmem>>, %arg9: memref<512xi32, #tpu.memory_space<vmem>>, %arg10: memref<16x32x128xf32, #tpu.memory_space<vmem>>, %arg11: memref<32x512xf32, #tpu.memory_space<vmem>>, %arg12: memref<32x512xf32, #tpu.memory_space<vmem>>, %arg13: memref<!tpu.dma_semaphore, #tpu.memory_space<semaphore_mem>>) attributes {dimension_semantics = [#tpu.dimension_semantics<core_parallel>, #tpu.dimension_semantics<subcore_parallel>], iteration_bounds = array<i64: 2, 16>, scalar_prefetch = 0 : i64, scratch_operands = 6 : i64, tpu.core_type = #tpu.core_type<sc_vector_subcore>, window_params = [{transform_indices = #map}, {transform_indices = #map}, {transform_indices = #map1}, {transform_indices = #map1}, {transform_indices = #map1}, {transform_indices = #map1}]} {
    %mul3A = arith.constant 2 : i32
    %mul3A_0 = arith.muli %arg1, %mul3A : i32
    %add3A = arith.addi %mul3A_0, %arg0 : i32
    %mul3A_1 = arith.constant 512 : i32
    %mul3A_2 = arith.muli %add3A, %mul3A_1 : i32
    %multiple_of3A = tpu.assume_multiple %mul3A_2, 512 : i32
    "tpu.region"() ({
      %run_scoped3A = tpu.sem_alloc : memref<!tpu.dma_semaphore, #tpu.memory_space<semaphore_mem>>
      %dma_start3A = tpu.memref_slice %arg2[%multiple_of3A] : memref<16384xi32, #tpu.memory_space<hbm>> -> memref<512xi32, #tpu.memory_space<hbm>>
      %dma_start3A_16 = tpu.memref_slice %arg2[%multiple_of3A] : memref<16384xi32, #tpu.memory_space<hbm>> -> memref<512xi32, #tpu.memory_space<hbm>>
      tpu.enqueue_dma source(%dma_start3A_16 : memref<512xi32, #tpu.memory_space<hbm>>) target(%arg8 : memref<512xi32, #tpu.memory_space<vmem>>) target_semaphore(%run_scoped3A : memref<!tpu.dma_semaphore, #tpu.memory_space<semaphore_mem>>)
      %dma_wait3A = tpu.memref_slice %arg2[%multiple_of3A] : memref<16384xi32, #tpu.memory_space<hbm>> -> memref<512xi32, #tpu.memory_space<hbm>>
      %dma_wait3A_17 = tpu.memref_slice %arg2[%multiple_of3A] : memref<16384xi32, #tpu.memory_space<hbm>> -> memref<512xi32, #tpu.memory_space<hbm>>
      tpu.wait_dma2 semaphore(%run_scoped3A : memref<!tpu.dma_semaphore, #tpu.memory_space<semaphore_mem>>) src(%dma_wait3A_17 : memref<512xi32, #tpu.memory_space<hbm>>) dst(%arg8 : memref<512xi32, #tpu.memory_space<vmem>>)
      tpu.yield
    }) : () -> ()
    "tpu.region"() ({
      %run_scoped3A = tpu.sem_alloc : memref<!tpu.dma_semaphore, #tpu.memory_space<semaphore_mem>>
      %dma_start3A = tpu.memref_slice %arg3[%multiple_of3A] : memref<16384xi32, #tpu.memory_space<hbm>> -> memref<512xi32, #tpu.memory_space<hbm>>
      %dma_start3A_16 = tpu.memref_slice %arg3[%multiple_of3A] : memref<16384xi32, #tpu.memory_space<hbm>> -> memref<512xi32, #tpu.memory_space<hbm>>
      tpu.enqueue_dma source(%dma_start3A_16 : memref<512xi32, #tpu.memory_space<hbm>>) target(%arg9 : memref<512xi32, #tpu.memory_space<vmem>>) target_semaphore(%run_scoped3A : memref<!tpu.dma_semaphore, #tpu.memory_space<semaphore_mem>>)
      %dma_wait3A = tpu.memref_slice %arg3[%multiple_of3A] : memref<16384xi32, #tpu.memory_space<hbm>> -> memref<512xi32, #tpu.memory_space<hbm>>
      %dma_wait3A_17 = tpu.memref_slice %arg3[%multiple_of3A] : memref<16384xi32, #tpu.memory_space<hbm>> -> memref<512xi32, #tpu.memory_space<hbm>>
      tpu.wait_dma2 semaphore(%run_scoped3A : memref<!tpu.dma_semaphore, #tpu.memory_space<semaphore_mem>>) src(%dma_wait3A_17 : memref<512xi32, #tpu.memory_space<hbm>>) dst(%arg9 : memref<512xi32, #tpu.memory_space<vmem>>)
      tpu.yield
    }) : () -> ()
    %iota3A = tpu.iota {dimensions = array<i32: 0>} : vector<16xi32>
    %scan3A = arith.constant 0 : i32
    %scan3A_3 = arith.constant 0 : i32
    %scan3A_4 = arith.constant 32 : i32
    %scan3A_5 = arith.addi %scan3A_3, %scan3A_4 : i32
    %scan3A_6 = arith.constant 1 : i32
    %scan3A_7 = scf.for %scan3A_16 = %scan3A_3 to %scan3A_5 step %scan3A_6 iter_args(%scan3A_17 = %scan3A) -> (i32)  : i32 {
      %mul3A_18 = arith.constant 16 : i32
      %mul3A_19 = arith.muli %scan3A_16, %mul3A_18 : i32
      %multiple_of3A_20 = tpu.assume_multiple %mul3A_19, 16 : i32
      %get3A = arith.index_cast %multiple_of3A_20 : i32 to index
      %get3A_21 = tpu.vector_load %arg8[%get3A] {strides = array<i32>} : memref<512xi32, #tpu.memory_space<vmem>>, vector<16xi32>,
      %eq3A = arith.constant 0 : i32
      %eq3A_22 = vector.broadcast %eq3A : i32 to vector<16xi32>
      %eq3A_23 = arith.cmpi eq, %iota3A, %eq3A_22 : vector<16xi32>
      %jit3A = arith.constant 0 : i32
      %broadcast_in_dim3A = vector.broadcast %jit3A : i32 to vector<16xi32>
      %select_n3A = arith.select %eq3A_23, %get3A_21, %broadcast_in_dim3A : vector<16xi1>, vector<16xi32>
      %reduce_sum3A = arith.constant true
      %reduce_sum3A_24 = vector.broadcast %reduce_sum3A : i1 to vector<16xi1>
      %reduce_sum3A_25 = tpu.scan <sum>, %select_n3A masked %reduce_sum3A_24 : vector<16xi32>, vector<16xi1> -> vector<16xi32>
      %reduce_sum3A_26 = vector.extract %reduce_sum3A_25[15] : i32 from vector<16xi32>
      %jit3A_27 = arith.constant 128 : i32
      %div3A = arith.divsi %reduce_sum3A_26, %jit3A_27 : i32
      %sign3A = arith.constant 0 : i32
      %sign3A_28 = arith.cmpi sgt, %reduce_sum3A_26, %sign3A : i32
      %sign3A_29 = arith.extui %sign3A_28 : i1 to i32
      %sign3A_30 = arith.constant 0 : i32
      %sign3A_31 = arith.cmpi slt, %reduce_sum3A_26, %sign3A_30 : i32
      %sign3A_32 = arith.extui %sign3A_31 : i1 to i32
      %sign3A_33 = arith.subi %sign3A_29, %sign3A_32 : i32
      %sign3A_34 = arith.constant 0 : i32
      %sign3A_35 = arith.cmpi sgt, %jit3A_27, %sign3A_34 : i32
      %sign3A_36 = arith.extui %sign3A_35 : i1 to i32
      %sign3A_37 = arith.constant 0 : i32
      %sign3A_38 = arith.cmpi slt, %jit3A_27, %sign3A_37 : i32
      %sign3A_39 = arith.extui %sign3A_38 : i1 to i32
      %sign3A_40 = arith.subi %sign3A_36, %sign3A_39 : i32
      %ne3A = arith.cmpi ne, %sign3A_33, %sign3A_40 : i32
      %rem3A = arith.remsi %reduce_sum3A_26, %jit3A_27 : i32
      %ne3A_41 = arith.constant 0 : i32
      %ne3A_42 = arith.cmpi ne, %rem3A, %ne3A_41 : i32
      %and3A = arith.andi %ne3A, %ne3A_42 : i1
      %sub3A = arith.constant 1 : i32
      %sub3A_43 = arith.subi %div3A, %sub3A : i32
      %select_n3A_44 = arith.select %and3A, %sub3A_43, %div3A : i32
      %mul3A_45 = arith.constant 128 : i32
      %mul3A_46 = arith.muli %select_n3A_44, %mul3A_45 : i32
      %multiple_of3A_47 = tpu.assume_multiple %mul3A_46, 128 : i32
      %dma_start3A = arith.constant 0 : i32
      %dma_start3A_48 = arith.constant 0 : i32
      %dma_start3A_49 = arith.constant 0 : i32
      %dma_start3A_50 = tpu.memref_slice %arg10[%dma_start3A, %dma_start3A_48, %dma_start3A_49] : memref<16x32x128xf32, #tpu.memory_space<vmem>> -> memref<1x32x128xf32, #tpu.memory_space<vmem>>
      %dma_start3A_51 = tpu.memref_squeeze %dma_start3A_50 : memref<1x32x128xf32, #tpu.memory_space<vmem>> -> memref<32x128xf32, #tpu.memory_space<vmem>>
      %dma_start3A_52 = arith.constant 0 : i32
      %dma_start3A_53 = tpu.memref_slice %arg4[%dma_start3A_52, %multiple_of3A_47] : memref<32x1000000xf32, #tpu.memory_space<hbm>> -> memref<32x128xf32, #tpu.memory_space<hbm>>
      %dma_start3A_54 = arith.constant 0 : i32
      %dma_start3A_55 = arith.constant 0 : i32
      %dma_start3A_56 = tpu.memref_slice %arg10[%dma_start3A, %dma_start3A_54, %dma_start3A_55] : memref<16x32x128xf32, #tpu.memory_space<vmem>> -> memref<1x32x128xf32, #tpu.memory_space<vmem>>
      %dma_start3A_57 = tpu.memref_squeeze %dma_start3A_56 : memref<1x32x128xf32, #tpu.memory_space<vmem>> -> memref<32x128xf32, #tpu.memory_space<vmem>>
      %dma_start3A_58 = arith.constant 0 : i32
      %dma_start3A_59 = tpu.memref_slice %arg4[%dma_start3A_58, %multiple_of3A_47] : memref<32x1000000xf32, #tpu.memory_space<hbm>> -> memref<32x128xf32, #tpu.memory_space<hbm>>
      tpu.enqueue_dma source(%dma_start3A_59 : memref<32x128xf32, #tpu.memory_space<hbm>>) target(%dma_start3A_57 : memref<32x128xf32, #tpu.memory_space<vmem>>) target_semaphore(%arg13 : memref<!tpu.dma_semaphore, #tpu.memory_space<semaphore_mem>>)
      %eq3A_60 = arith.constant 1 : i32
      %eq3A_61 = vector.broadcast %eq3A_60 : i32 to vector<16xi32>
      %eq3A_62 = arith.cmpi eq, %iota3A, %eq3A_61 : vector<16xi32>
      %jit3A_63 = arith.constant 0 : i32
      %broadcast_in_dim3A_64 = vector.broadcast %jit3A_63 : i32 to vector<16xi32>
      %select_n3A_65 = arith.select %eq3A_62, %get3A_21, %broadcast_in_dim3A_64 : vector<16xi1>, vector<16xi32>
      %reduce_sum3A_66 = arith.constant true
      %reduce_sum3A_67 = vector.broadcast %reduce_sum3A_66 : i1 to vector<16xi1>
      %reduce_sum3A_68 = tpu.scan <sum>, %select_n3A_65 masked %reduce_sum3A_67 : vector<16xi32>, vector<16xi1> -> vector<16xi32>
      %reduce_sum3A_69 = vector.extract %reduce_sum3A_68[15] : i32 from vector<16xi32>
      %jit3A_70 = arith.constant 128 : i32
      %div3A_71 = arith.divsi %reduce_sum3A_69, %jit3A_70 : i32
      %sign3A_72 = arith.constant 0 : i32
      %sign3A_73 = arith.cmpi sgt, %reduce_sum3A_69, %sign3A_72 : i32
      %sign3A_74 = arith.extui %sign3A_73 : i1 to i32
      %sign3A_75 = arith.constant 0 : i32
      %sign3A_76 = arith.cmpi slt, %reduce_sum3A_69, %sign3A_75 : i32
      %sign3A_77 = arith.extui %sign3A_76 : i1 to i32
      %sign3A_78 = arith.subi %sign3A_74, %sign3A_77 : i32
      %sign3A_79 = arith.constant 0 : i32
      %sign3A_80 = arith.cmpi sgt, %jit3A_70, %sign3A_79 : i32
      %sign3A_81 = arith.extui %sign3A_80 : i1 to i32
      %sign3A_82 = arith.constant 0 : i32
      %sign3A_83 = arith.cmpi slt, %jit3A_70, %sign3A_82 : i32
      %sign3A_84 = arith.extui %sign3A_83 : i1 to i32
      %sign3A_85 = arith.subi %sign3A_81, %sign3A_84 : i32
      %ne3A_86 = arith.cmpi ne, %sign3A_78, %sign3A_85 : i32
      %rem3A_87 = arith.remsi %reduce_sum3A_69, %jit3A_70 : i32
      %ne3A_88 = arith.constant 0 : i32
      %ne3A_89 = arith.cmpi ne, %rem3A_87, %ne3A_88 : i32
      %and3A_90 = arith.andi %ne3A_86, %ne3A_89 : i1
      %sub3A_91 = arith.constant 1 : i32
      %sub3A_92 = arith.subi %div3A_71, %sub3A_91 : i32
      %select_n3A_93 = arith.select %and3A_90, %sub3A_92, %div3A_71 : i32
      %mul3A_94 = arith.constant 128 : i32
      %mul3A_95 = arith.muli %select_n3A_93, %mul3A_94 : i32
      %multiple_of3A_96 = tpu.assume_multiple %mul3A_95, 128 : i32
      %dma_start3A_97 = arith.constant 1 : i32
      %dma_start3A_98 = arith.constant 0 : i32
      %dma_start3A_99 = arith.constant 0 : i32
      %dma_start3A_100 = tpu.memref_slice %arg10[%dma_start3A_97, %dma_start3A_98, %dma_start3A_99] : memref<16x32x128xf32, #tpu.memory_space<vmem>> -> memref<1x32x128xf32, #tpu.memory_space<vmem>>
      %dma_start3A_101 = tpu.memref_squeeze %dma_start3A_100 : memref<1x32x128xf32, #tpu.memory_space<vmem>> -> memref<32x128xf32, #tpu.memory_space<vmem>>
      %dma_start3A_102 = arith.constant 0 : i32
      %dma_start3A_103 = tpu.memref_slice %arg4[%dma_start3A_102, %multiple_of3A_96] : memref<32x1000000xf32, #tpu.memory_space<hbm>> -> memref<32x128xf32, #tpu.memory_space<hbm>>
      %dma_start3A_104 = arith.constant 0 : i32
      %dma_start3A_105 = arith.constant 0 : i32
      %dma_start3A_106 = tpu.memref_slice %arg10[%dma_start3A_97, %dma_start3A_104, %dma_start3A_105] : memref<16x32x128xf32, #tpu.memory_space<vmem>> -> memref<1x32x128xf32, #tpu.memory_space<vmem>>
      %dma_start3A_107 = tpu.memref_squeeze %dma_start3A_106 : memref<1x32x128xf32, #tpu.memory_space<vmem>> -> memref<32x128xf32, #tpu.memory_space<vmem>>
      %dma_start3A_108 = arith.constant 0 : i32
      %dma_start3A_109 = tpu.memref_slice %arg4[%dma_start3A_108, %multiple_of3A_96] : memref<32x1000000xf32, #tpu.memory_space<hbm>> -> memref<32x128xf32, #tpu.memory_space<hbm>>
      tpu.enqueue_dma source(%dma_start3A_109 : memref<32x128xf32, #tpu.memory_space<hbm>>) target(%dma_start3A_107 : memref<32x128xf32, #tpu.memory_space<vmem>>) target_semaphore(%arg13 : memref<!tpu.dma_semaphore, #tpu.memory_space<semaphore_mem>>)
      %eq3A_110 = arith.constant 2 : i32
      %eq3A_111 = vector.broadcast %eq3A_110 : i32 to vector<16xi32>
      %eq3A_112 = arith.cmpi eq, %iota3A, %eq3A_111 : vector<16xi32>
      %jit3A_113 = arith.constant 0 : i32
      %broadcast_in_dim3A_114 = vector.broadcast %jit3A_113 : i32 to vector<16xi32>
      %select_n3A_115 = arith.select %eq3A_112, %get3A_21, %broadcast_in_dim3A_114 : vector<16xi1>, vector<16xi32>
      %reduce_sum3A_116 = arith.constant true
      %reduce_sum3A_117 = vector.broadcast %reduce_sum3A_116 : i1 to vector<16xi1>
      %reduce_sum3A_118 = tpu.scan <sum>, %select_n3A_115 masked %reduce_sum3A_117 : vector<16xi32>, vector<16xi1> -> vector<16xi32>
      %reduce_sum3A_119 = vector.extract %reduce_sum3A_118[15] : i32 from vector<16xi32>
      %jit3A_120 = arith.constant 128 : i32
      %div3A_121 = arith.divsi %reduce_sum3A_119, %jit3A_120 : i32
      %sign3A_122 = arith.constant 0 : i32
      %sign3A_123 = arith.cmpi sgt, %reduce_sum3A_119, %sign3A_122 : i32
      %sign3A_124 = arith.extui %sign3A_123 : i1 to i32
      %sign3A_125 = arith.constant 0 : i32
      %sign3A_126 = arith.cmpi slt, %reduce_sum3A_119, %sign3A_125 : i32
      %sign3A_127 = arith.extui %sign3A_126 : i1 to i32
      %sign3A_128 = arith.subi %sign3A_124, %sign3A_127 : i32
      %sign3A_129 = arith.constant 0 : i32
      %sign3A_130 = arith.cmpi sgt, %jit3A_120, %sign3A_129 : i32
      %sign3A_131 = arith.extui %sign3A_130 : i1 to i32
      %sign3A_132 = arith.constant 0 : i32
      %sign3A_133 = arith.cmpi slt, %jit3A_120, %sign3A_132 : i32
      %sign3A_134 = arith.extui %sign3A_133 : i1 to i32
      %sign3A_135 = arith.subi %sign3A_131, %sign3A_134 : i32
      %ne3A_136 = arith.cmpi ne, %sign3A_128, %sign3A_135 : i32
      %rem3A_137 = arith.remsi %reduce_sum3A_119, %jit3A_120 : i32
      %ne3A_138 = arith.constant 0 : i32
      %ne3A_139 = arith.cmpi ne, %rem3A_137, %ne3A_138 : i32
      %and3A_140 = arith.andi %ne3A_136, %ne3A_139 : i1
      %sub3A_141 = arith.constant 1 : i32
      %sub3A_142 = arith.subi %div3A_121, %sub3A_141 : i32
      %select_n3A_143 = arith.select %and3A_140, %sub3A_142, %div3A_121 : i32
      %mul3A_144 = arith.constant 128 : i32
      %mul3A_145 = arith.muli %select_n3A_143, %mul3A_144 : i32
      %multiple_of3A_146 = tpu.assume_multiple %mul3A_145, 128 : i32
      %dma_start3A_147 = arith.constant 2 : i32
      %dma_start3A_148 = arith.constant 0 : i32
      %dma_start3A_149 = arith.constant 0 : i32
      %dma_start3A_150 = tpu.memref_slice %arg10[%dma_start3A_147, %dma_start3A_148, %dma_start3A_149] : memref<16x32x128xf32, #tpu.memory_space<vmem>> -> memref<1x32x128xf32, #tpu.memory_space<vmem>>
      %dma_start3A_151 = tpu.memref_squeeze %dma_start3A_150 : memref<1x32x128xf32, #tpu.memory_space<vmem>> -> memref<32x128xf32, #tpu.memory_space<vmem>>
      %dma_start3A_152 = arith.constant 0 : i32
      %dma_start3A_153 = tpu.memref_slice %arg4[%dma_start3A_152, %multiple_of3A_146] : memref<32x1000000xf32, #tpu.memory_space<hbm>> -> memref<32x128xf32, #tpu.memory_space<hbm>>
      %dma_start3A_154 = arith.constant 0 : i32
      %dma_start3A_155 = arith.constant 0 : i32
      %dma_start3A_156 = tpu.memref_slice %arg10[%dma_start3A_147, %dma_start3A_154, %dma_start3A_155] : memref<16x32x128xf32, #tpu.memory_space<vmem>> -> memref<1x32x128xf32, #tpu.memory_space<vmem>>
      %dma_start3A_157 = tpu.memref_squeeze %dma_start3A_156 : memref<1x32x128xf32, #tpu.memory_space<vmem>> -> memref<32x128xf32, #tpu.memory_space<vmem>>
      %dma_start3A_158 = arith.constant 0 : i32
      %dma_start3A_159 = tpu.memref_slice %arg4[%dma_start3A_158, %multiple_of3A_146] : memref<32x1000000xf32, #tpu.memory_space<hbm>> -> memref<32x128xf32, #tpu.memory_space<hbm>>
      tpu.enqueue_dma source(%dma_start3A_159 : memref<32x128xf32, #tpu.memory_space<hbm>>) target(%dma_start3A_157 : memref<32x128xf32, #tpu.memory_space<vmem>>) target_semaphore(%arg13 : memref<!tpu.dma_semaphore, #tpu.memory_space<semaphore_mem>>)
      %eq3A_160 = arith.constant 3 : i32
      %eq3A_161 = vector.broadcast %eq3A_160 : i32 to vector<16xi32>
      %eq3A_162 = arith.cmpi eq, %iota3A, %eq3A_161 : vector<16xi32>
      %jit3A_163 = arith.constant 0 : i32
      %broadcast_in_dim3A_164 = vector.broadcast %jit3A_163 : i32 to vector<16xi32>
      %select_n3A_165 = arith.select %eq3A_162, %get3A_21, %broadcast_in_dim3A_164 : vector<16xi1>, vector<16xi32>
      %reduce_sum3A_166 = arith.constant true
      %reduce_sum3A_167 = vector.broadcast %reduce_sum3A_166 : i1 to vector<16xi1>
      %reduce_sum3A_168 = tpu.scan <sum>, %select_n3A_165 masked %reduce_sum3A_167 : vector<16xi32>, vector<16xi1> -> vector<16xi32>
      %reduce_sum3A_169 = vector.extract %reduce_sum3A_168[15] : i32 from vector<16xi32>
      %jit3A_170 = arith.constant 128 : i32
      %div3A_171 = arith.divsi %reduce_sum3A_169, %jit3A_170 : i32
      %sign3A_172 = arith.constant 0 : i32
      %sign3A_173 = arith.cmpi sgt, %reduce_sum3A_169, %sign3A_172 : i32
      %sign3A_174 = arith.extui %sign3A_173 : i1 to i32
      %sign3A_175 = arith.constant 0 : i32
      %sign3A_176 = arith.cmpi slt, %reduce_sum3A_169, %sign3A_175 : i32
      %sign3A_177 = arith.extui %sign3A_176 : i1 to i32
      %sign3A_178 = arith.subi %sign3A_174, %sign3A_177 : i32
      %sign3A_179 = arith.constant 0 : i32
      %sign3A_180 = arith.cmpi sgt, %jit3A_170, %sign3A_179 : i32
      %sign3A_181 = arith.extui %sign3A_180 : i1 to i32
      %sign3A_182 = arith.constant 0 : i32
      %sign3A_183 = arith.cmpi slt, %jit3A_170, %sign3A_182 : i32
      %sign3A_184 = arith.extui %sign3A_183 : i1 to i32
      %sign3A_185 = arith.subi %sign3A_181, %sign3A_184 : i32
      %ne3A_186 = arith.cmpi ne, %sign3A_178, %sign3A_185 : i32
      %rem3A_187 = arith.remsi %reduce_sum3A_169, %jit3A_170 : i32
      %ne3A_188 = arith.constant 0 : i32
      %ne3A_189 = arith.cmpi ne, %rem3A_187, %ne3A_188 : i32
      %and3A_190 = arith.andi %ne3A_186, %ne3A_189 : i1
      %sub3A_191 = arith.constant 1 : i32
      %sub3A_192 = arith.subi %div3A_171, %sub3A_191 : i32
      %select_n3A_193 = arith.select %and3A_190, %sub3A_192, %div3A_171 : i32
      %mul3A_194 = arith.constant 128 : i32
      %mul3A_195 = arith.muli %select_n3A_193, %mul3A_194 : i32
      %multiple_of3A_196 = tpu.assume_multiple %mul3A_195, 128 : i32
      %dma_start3A_197 = arith.constant 3 : i32
      %dma_start3A_198 = arith.constant 0 : i32
      %dma_start3A_199 = arith.constant 0 : i32
      %dma_start3A_200 = tpu.memref_slice %arg10[%dma_start3A_197, %dma_start3A_198, %dma_start3A_199] : memref<16x32x128xf32, #tpu.memory_space<vmem>> -> memref<1x32x128xf32, #tpu.memory_space<vmem>>
      %dma_start3A_201 = tpu.memref_squeeze %dma_start3A_200 : memref<1x32x128xf32, #tpu.memory_space<vmem>> -> memref<32x128xf32, #tpu.memory_space<vmem>>
      %dma_start3A_202 = arith.constant 0 : i32
      %dma_start3A_203 = tpu.memref_slice %arg4[%dma_start3A_202, %multiple_of3A_196] : memref<32x1000000xf32, #tpu.memory_space<hbm>> -> memref<32x128xf32, #tpu.memory_space<hbm>>
      %dma_start3A_204 = arith.constant 0 : i32
      %dma_start3A_205 = arith.constant 0 : i32
      %dma_start3A_206 = tpu.memref_slice %arg10[%dma_start3A_197, %dma_start3A_204, %dma_start3A_205] : memref<16x32x128xf32, #tpu.memory_space<vmem>> -> memref<1x32x128xf32, #tpu.memory_space<vmem>>
      %dma_start3A_207 = tpu.memref_squeeze %dma_start3A_206 : memref<1x32x128xf32, #tpu.memory_space<vmem>> -> memref<32x128xf32, #tpu.memory_space<vmem>>
      %dma_start3A_208 = arith.constant 0 : i32
      %dma_start3A_209 = tpu.memref_slice %arg4[%dma_start3A_208, %multiple_of3A_196] : memref<32x1000000xf32, #tpu.memory_space<hbm>> -> memref<32x128xf32, #tpu.memory_space<hbm>>
      tpu.enqueue_dma source(%dma_start3A_209 : memref<32x128xf32, #tpu.memory_space<hbm>>) target(%dma_start3A_207 : memref<32x128xf32, #tpu.memory_space<vmem>>) target_semaphore(%arg13 : memref<!tpu.dma_semaphore, #tpu.memory_space<semaphore_mem>>)
      %eq3A_210 = arith.constant 4 : i32
      %eq3A_211 = vector.broadcast %eq3A_210 : i32 to vector<16xi32>
      %eq3A_212 = arith.cmpi eq, %iota3A, %eq3A_211 : vector<16xi32>
      %jit3A_213 = arith.constant 0 : i32
      %broadcast_in_dim3A_214 = vector.broadcast %jit3A_213 : i32 to vector<16xi32>
      %select_n3A_215 = arith.select %eq3A_212, %get3A_21, %broadcast_in_dim3A_214 : vector<16xi1>, vector<16xi32>
      %reduce_sum3A_216 = arith.constant true
      %reduce_sum3A_217 = vector.broadcast %reduce_sum3A_216 : i1 to vector<16xi1>
      %reduce_sum3A_218 = tpu.scan <sum>, %select_n3A_215 masked %reduce_sum3A_217 : vector<16xi32>, vector<16xi1> -> vector<16xi32>
      %reduce_sum3A_219 = vector.extract %reduce_sum3A_218[15] : i32 from vector<16xi32>
      %jit3A_220 = arith.constant 128 : i32
      %div3A_221 = arith.divsi %reduce_sum3A_219, %jit3A_220 : i32
      %sign3A_222 = arith.constant 0 : i32
      %sign3A_223 = arith.cmpi sgt, %reduce_sum3A_219, %sign3A_222 : i32
      %sign3A_224 = arith.extui %sign3A_223 : i1 to i32
      %sign3A_225 = arith.constant 0 : i32
      %sign3A_226 = arith.cmpi slt, %reduce_sum3A_219, %sign3A_225 : i32
      %sign3A_227 = arith.extui %sign3A_226 : i1 to i32
      %sign3A_228 = arith.subi %sign3A_224, %sign3A_227 : i32
      %sign3A_229 = arith.constant 0 : i32
      %sign3A_230 = arith.cmpi sgt, %jit3A_220, %sign3A_229 : i32
      %sign3A_231 = arith.extui %sign3A_230 : i1 to i32
      %sign3A_232 = arith.constant 0 : i32
      %sign3A_233 = arith.cmpi slt, %jit3A_220, %sign3A_232 : i32
      %sign3A_234 = arith.extui %sign3A_233 : i1 to i32
      %sign3A_235 = arith.subi %sign3A_231, %sign3A_234 : i32
      %ne3A_236 = arith.cmpi ne, %sign3A_228, %sign3A_235 : i32
      %rem3A_237 = arith.remsi %reduce_sum3A_219, %jit3A_220 : i32
      %ne3A_238 = arith.constant 0 : i32
      %ne3A_239 = arith.cmpi ne, %rem3A_237, %ne3A_238 : i32
      %and3A_240 = arith.andi %ne3A_236, %ne3A_239 : i1
      %sub3A_241 = arith.constant 1 : i32
      %sub3A_242 = arith.subi %div3A_221, %sub3A_241 : i32
      %select_n3A_243 = arith.select %and3A_240, %sub3A_242, %div3A_221 : i32
      %mul3A_244 = arith.constant 128 : i32
      %mul3A_245 = arith.muli %select_n3A_243, %mul3A_244 : i32
      %multiple_of3A_246 = tpu.assume_multiple %mul3A_245, 128 : i32
      %dma_start3A_247 = arith.constant 4 : i32
      %dma_start3A_248 = arith.constant 0 : i32
      %dma_start3A_249 = arith.constant 0 : i32
      %dma_start3A_250 = tpu.memref_slice %arg10[%dma_start3A_247, %dma_start3A_248, %dma_start3A_249] : memref<16x32x128xf32, #tpu.memory_space<vmem>> -> memref<1x32x128xf32, #tpu.memory_space<vmem>>
      %dma_start3A_251 = tpu.memref_squeeze %dma_start3A_250 : memref<1x32x128xf32, #tpu.memory_space<vmem>> -> memref<32x128xf32, #tpu.memory_space<vmem>>
      %dma_start3A_252 = arith.constant 0 : i32
      %dma_start3A_253 = tpu.memref_slice %arg4[%dma_start3A_252, %multiple_of3A_246] : memref<32x1000000xf32, #tpu.memory_space<hbm>> -> memref<32x128xf32, #tpu.memory_space<hbm>>
      %dma_start3A_254 = arith.constant 0 : i32
      %dma_start3A_255 = arith.constant 0 : i32
      %dma_start3A_256 = tpu.memref_slice %arg10[%dma_start3A_247, %dma_start3A_254, %dma_start3A_255] : memref<16x32x128xf32, #tpu.memory_space<vmem>> -> memref<1x32x128xf32, #tpu.memory_space<vmem>>
      %dma_start3A_257 = tpu.memref_squeeze %dma_start3A_256 : memref<1x32x128xf32, #tpu.memory_space<vmem>> -> memref<32x128xf32, #tpu.memory_space<vmem>>
      %dma_start3A_258 = arith.constant 0 : i32
      %dma_start3A_259 = tpu.memref_slice %arg4[%dma_start3A_258, %multiple_of3A_246] : memref<32x1000000xf32, #tpu.memory_space<hbm>> -> memref<32x128xf32, #tpu.memory_space<hbm>>
      tpu.enqueue_dma source(%dma_start3A_259 : memref<32x128xf32, #tpu.memory_space<hbm>>) target(%dma_start3A_257 : memref<32x128xf32, #tpu.memory_space<vmem>>) target_semaphore(%arg13 : memref<!tpu.dma_semaphore, #tpu.memory_space<semaphore_mem>>)
      %eq3A_260 = arith.constant 5 : i32
      %eq3A_261 = vector.broadcast %eq3A_260 : i32 to vector<16xi32>
      %eq3A_262 = arith.cmpi eq, %iota3A, %eq3A_261 : vector<16xi32>
      %jit3A_263 = arith.constant 0 : i32
      %broadcast_in_dim3A_264 = vector.broadcast %jit3A_263 : i32 to vector<16xi32>
      %select_n3A_265 = arith.select %eq3A_262, %get3A_21, %broadcast_in_dim3A_264 : vector<16xi1>, vector<16xi32>
      %reduce_sum3A_266 = arith.constant true
      %reduce_sum3A_267 = vector.broadcast %reduce_sum3A_266 : i1 to vector<16xi1>
      %reduce_sum3A_268 = tpu.scan <sum>, %select_n3A_265 masked %reduce_sum3A_267 : vector<16xi32>, vector<16xi1> -> vector<16xi32>
      %reduce_sum3A_269 = vector.extract %reduce_sum3A_268[15] : i32 from vector<16xi32>
      %jit3A_270 = arith.constant 128 : i32
      %div3A_271 = arith.divsi %reduce_sum3A_269, %jit3A_270 : i32
      %sign3A_272 = arith.constant 0 : i32
      %sign3A_273 = arith.cmpi sgt, %reduce_sum3A_269, %sign3A_272 : i32
      %sign3A_274 = arith.extui %sign3A_273 : i1 to i32
      %sign3A_275 = arith.constant 0 : i32
      %sign3A_276 = arith.cmpi slt, %reduce_sum3A_269, %sign3A_275 : i32
      %sign3A_277 = arith.extui %sign3A_276 : i1 to i32
      %sign3A_278 = arith.subi %sign3A_274, %sign3A_277 : i32
      %sign3A_279 = arith.constant 0 : i32
      %sign3A_280 = arith.cmpi sgt, %jit3A_270, %sign3A_279 : i32
      %sign3A_281 = arith.extui %sign3A_280 : i1 to i32
      %sign3A_282 = arith.constant 0 : i32
      %sign3A_283 = arith.cmpi slt, %jit3A_270, %sign3A_282 : i32
      %sign3A_284 = arith.extui %sign3A_283 : i1 to i32
      %sign3A_285 = arith.subi %sign3A_281, %sign3A_284 : i32
      %ne3A_286 = arith.cmpi ne, %sign3A_278, %sign3A_285 : i32
      %rem3A_287 = arith.remsi %reduce_sum3A_269, %jit3A_270 : i32
      %ne3A_288 = arith.constant 0 : i32
      %ne3A_289 = arith.cmpi ne, %rem3A_287, %ne3A_288 : i32
      %and3A_290 = arith.andi %ne3A_286, %ne3A_289 : i1
      %sub3A_291 = arith.constant 1 : i32
      %sub3A_292 = arith.subi %div3A_271, %sub3A_291 : i32
      %select_n3A_293 = arith.select %and3A_290, %sub3A_292, %div3A_271 : i32
      %mul3A_294 = arith.constant 128 : i32
      %mul3A_295 = arith.muli %select_n3A_293, %mul3A_294 : i32
      %multiple_of3A_296 = tpu.assume_multiple %mul3A_295, 128 : i32
      %dma_start3A_297 = arith.constant 5 : i32
      %dma_start3A_298 = arith.constant 0 : i32
      %dma_start3A_299 = arith.constant 0 : i32
      %dma_start3A_300 = tpu.memref_slice %arg10[%dma_start3A_297, %dma_start3A_298, %dma_start3A_299] : memref<16x32x128xf32, #tpu.memory_space<vmem>> -> memref<1x32x128xf32, #tpu.memory_space<vmem>>
      %dma_start3A_301 = tpu.memref_squeeze %dma_start3A_300 : memref<1x32x128xf32, #tpu.memory_space<vmem>> -> memref<32x128xf32, #tpu.memory_space<vmem>>
      %dma_start3A_302 = arith.constant 0 : i32
      %dma_start3A_303 = tpu.memref_slice %arg4[%dma_start3A_302, %multiple_of3A_296] : memref<32x1000000xf32, #tpu.memory_space<hbm>> -> memref<32x128xf32, #tpu.memory_space<hbm>>
      %dma_start3A_304 = arith.constant 0 : i32
      %dma_start3A_305 = arith.constant 0 : i32
      %dma_start3A_306 = tpu.memref_slice %arg10[%dma_start3A_297, %dma_start3A_304, %dma_start3A_305] : memref<16x32x128xf32, #tpu.memory_space<vmem>> -> memref<1x32x128xf32, #tpu.memory_space<vmem>>
      %dma_start3A_307 = tpu.memref_squeeze %dma_start3A_306 : memref<1x32x128xf32, #tpu.memory_space<vmem>> -> memref<32x128xf32, #tpu.memory_space<vmem>>
      %dma_start3A_308 = arith.constant 0 : i32
      %dma_start3A_309 = tpu.memref_slice %arg4[%dma_start3A_308, %multiple_of3A_296] : memref<32x1000000xf32, #tpu.memory_space<hbm>> -> memref<32x128xf32, #tpu.memory_space<hbm>>
      tpu.enqueue_dma source(%dma_start3A_309 : memref<32x128xf32, #tpu.memory_space<hbm>>) target(%dma_start3A_307 : memref<32x128xf32, #tpu.memory_space<vmem>>) target_semaphore(%arg13 : memref<!tpu.dma_semaphore, #tpu.memory_space<semaphore_mem>>)
      %eq3A_310 = arith.constant 6 : i32
      %eq3A_311 = vector.broadcast %eq3A_310 : i32 to vector<16xi32>
      %eq3A_312 = arith.cmpi eq, %iota3A, %eq3A_311 : vector<16xi32>
      %jit3A_313 = arith.constant 0 : i32
      %broadcast_in_dim3A_314 = vector.broadcast %jit3A_313 : i32 to vector<16xi32>
      %select_n3A_315 = arith.select %eq3A_312, %get3A_21, %broadcast_in_dim3A_314 : vector<16xi1>, vector<16xi32>
      %reduce_sum3A_316 = arith.constant true
      %reduce_sum3A_317 = vector.broadcast %reduce_sum3A_316 : i1 to vector<16xi1>
      %reduce_sum3A_318 = tpu.scan <sum>, %select_n3A_315 masked %reduce_sum3A_317 : vector<16xi32>, vector<16xi1> -> vector<16xi32>
      %reduce_sum3A_319 = vector.extract %reduce_sum3A_318[15] : i32 from vector<16xi32>
      %jit3A_320 = arith.constant 128 : i32
      %div3A_321 = arith.divsi %reduce_sum3A_319, %jit3A_320 : i32
      %sign3A_322 = arith.constant 0 : i32
      %sign3A_323 = arith.cmpi sgt, %reduce_sum3A_319, %sign3A_322 : i32
      %sign3A_324 = arith.extui %sign3A_323 : i1 to i32
      %sign3A_325 = arith.constant 0 : i32
      %sign3A_326 = arith.cmpi slt, %reduce_sum3A_319, %sign3A_325 : i32
      %sign3A_327 = arith.extui %sign3A_326 : i1 to i32
      %sign3A_328 = arith.subi %sign3A_324, %sign3A_327 : i32
      %sign3A_329 = arith.constant 0 : i32
      %sign3A_330 = arith.cmpi sgt, %jit3A_320, %sign3A_329 : i32
      %sign3A_331 = arith.extui %sign3A_330 : i1 to i32
      %sign3A_332 = arith.constant 0 : i32
      %sign3A_333 = arith.cmpi slt, %jit3A_320, %sign3A_332 : i32
      %sign3A_334 = arith.extui %sign3A_333 : i1 to i32
      %sign3A_335 = arith.subi %sign3A_331, %sign3A_334 : i32
      %ne3A_336 = arith.cmpi ne, %sign3A_328, %sign3A_335 : i32
      %rem3A_337 = arith.remsi %reduce_sum3A_319, %jit3A_320 : i32
      %ne3A_338 = arith.constant 0 : i32
      %ne3A_339 = arith.cmpi ne, %rem3A_337, %ne3A_338 : i32
      %and3A_340 = arith.andi %ne3A_336, %ne3A_339 : i1
      %sub3A_341 = arith.constant 1 : i32
      %sub3A_342 = arith.subi %div3A_321, %sub3A_341 : i32
      %select_n3A_343 = arith.select %and3A_340, %sub3A_342, %div3A_321 : i32
      %mul3A_344 = arith.constant 128 : i32
      %mul3A_345 = arith.muli %select_n3A_343, %mul3A_344 : i32
      %multiple_of3A_346 = tpu.assume_multiple %mul3A_345, 128 : i32
      %dma_start3A_347 = arith.constant 6 : i32
      %dma_start3A_348 = arith.constant 0 : i32
      %dma_start3A_349 = arith.constant 0 : i32
      %dma_start3A_350 = tpu.memref_slice %arg10[%dma_start3A_347, %dma_start3A_348, %dma_start3A_349] : memref<16x32x128xf32, #tpu.memory_space<vmem>> -> memref<1x32x128xf32, #tpu.memory_space<vmem>>
      %dma_start3A_351 = tpu.memref_squeeze %dma_start3A_350 : memref<1x32x128xf32, #tpu.memory_space<vmem>> -> memref<32x128xf32, #tpu.memory_space<vmem>>
      %dma_start3A_352 = arith.constant 0 : i32
      %dma_start3A_353 = tpu.memref_slice %arg4[%dma_start3A_352, %multiple_of3A_346] : memref<32x1000000xf32, #tpu.memory_space<hbm>> -> memref<32x128xf32, #tpu.memory_space<hbm>>
      %dma_start3A_354 = arith.constant 0 : i32
      %dma_start3A_355 = arith.constant 0 : i32
      %dma_start3A_356 = tpu.memref_slice %arg10[%dma_start3A_347, %dma_start3A_354, %dma_start3A_355] : memref<16x32x128xf32, #tpu.memory_space<vmem>> -> memref<1x32x128xf32, #tpu.memory_space<vmem>>
      %dma_start3A_357 = tpu.memref_squeeze %dma_start3A_356 : memref<1x32x128xf32, #tpu.memory_space<vmem>> -> memref<32x128xf32, #tpu.memory_space<vmem>>
      %dma_start3A_358 = arith.constant 0 : i32
      %dma_start3A_359 = tpu.memref_slice %arg4[%dma_start3A_358, %multiple_of3A_346] : memref<32x1000000xf32, #tpu.memory_space<hbm>> -> memref<32x128xf32, #tpu.memory_space<hbm>>
      tpu.enqueue_dma source(%dma_start3A_359 : memref<32x128xf32, #tpu.memory_space<hbm>>) target(%dma_start3A_357 : memref<32x128xf32, #tpu.memory_space<vmem>>) target_semaphore(%arg13 : memref<!tpu.dma_semaphore, #tpu.memory_space<semaphore_mem>>)
      %eq3A_360 = arith.constant 7 : i32
      %eq3A_361 = vector.broadcast %eq3A_360 : i32 to vector<16xi32>
      %eq3A_362 = arith.cmpi eq, %iota3A, %eq3A_361 : vector<16xi32>
      %jit3A_363 = arith.constant 0 : i32
      %broadcast_in_dim3A_364 = vector.broadcast %jit3A_363 : i32 to vector<16xi32>
      %select_n3A_365 = arith.select %eq3A_362, %get3A_21, %broadcast_in_dim3A_364 : vector<16xi1>, vector<16xi32>
      %reduce_sum3A_366 = arith.constant true
      %reduce_sum3A_367 = vector.broadcast %reduce_sum3A_366 : i1 to vector<16xi1>
      %reduce_sum3A_368 = tpu.scan <sum>, %select_n3A_365 masked %reduce_sum3A_367 : vector<16xi32>, vector<16xi1> -> vector<16xi32>
      %reduce_sum3A_369 = vector.extract %reduce_sum3A_368[15] : i32 from vector<16xi32>
      %jit3A_370 = arith.constant 128 : i32
      %div3A_371 = arith.divsi %reduce_sum3A_369, %jit3A_370 : i32
      %sign3A_372 = arith.constant 0 : i32
      %sign3A_373 = arith.cmpi sgt, %reduce_sum3A_369, %sign3A_372 : i32
      %sign3A_374 = arith.extui %sign3A_373 : i1 to i32
      %sign3A_375 = arith.constant 0 : i32
      %sign3A_376 = arith.cmpi slt, %reduce_sum3A_369, %sign3A_375 : i32
      %sign3A_377 = arith.extui %sign3A_376 : i1 to i32
      %sign3A_378 = arith.subi %sign3A_374, %sign3A_377 : i32
      %sign3A_379 = arith.constant 0 : i32
      %sign3A_380 = arith.cmpi sgt, %jit3A_370, %sign3A_379 : i32
      %sign3A_381 = arith.extui %sign3A_380 : i1 to i32
      %sign3A_382 = arith.constant 0 : i32
      %sign3A_383 = arith.cmpi slt, %jit3A_370, %sign3A_382 : i32
      %sign3A_384 = arith.extui %sign3A_383 : i1 to i32
      %sign3A_385 = arith.subi %sign3A_381, %sign3A_384 : i32
      %ne3A_386 = arith.cmpi ne, %sign3A_378, %sign3A_385 : i32
      %rem3A_387 = arith.remsi %reduce_sum3A_369, %jit3A_370 : i32
      %ne3A_388 = arith.constant 0 : i32
      %ne3A_389 = arith.cmpi ne, %rem3A_387, %ne3A_388 : i32
      %and3A_390 = arith.andi %ne3A_386, %ne3A_389 : i1
      %sub3A_391 = arith.constant 1 : i32
      %sub3A_392 = arith.subi %div3A_371, %sub3A_391 : i32
      %select_n3A_393 = arith.select %and3A_390, %sub3A_392, %div3A_371 : i32
      %mul3A_394 = arith.constant 128 : i32
      %mul3A_395 = arith.muli %select_n3A_393, %mul3A_394 : i32
      %multiple_of3A_396 = tpu.assume_multiple %mul3A_395, 128 : i32
      %dma_start3A_397 = arith.constant 7 : i32
      %dma_start3A_398 = arith.constant 0 : i32
      %dma_start3A_399 = arith.constant 0 : i32
      %dma_start3A_400 = tpu.memref_slice %arg10[%dma_start3A_397, %dma_start3A_398, %dma_start3A_399] : memref<16x32x128xf32, #tpu.memory_space<vmem>> -> memref<1x32x128xf32, #tpu.memory_space<vmem>>
      %dma_start3A_401 = tpu.memref_squeeze %dma_start3A_400 : memref<1x32x128xf32, #tpu.memory_space<vmem>> -> memref<32x128xf32, #tpu.memory_space<vmem>>
      %dma_start3A_402 = arith.constant 0 : i32
      %dma_start3A_403 = tpu.memref_slice %arg4[%dma_start3A_402, %multiple_of3A_396] : memref<32x1000000xf32, #tpu.memory_space<hbm>> -> memref<32x128xf32, #tpu.memory_space<hbm>>
      %dma_start3A_404 = arith.constant 0 : i32
      %dma_start3A_405 = arith.constant 0 : i32
      %dma_start3A_406 = tpu.memref_slice %arg10[%dma_start3A_397, %dma_start3A_404, %dma_start3A_405] : memref<16x32x128xf32, #tpu.memory_space<vmem>> -> memref<1x32x128xf32, #tpu.memory_space<vmem>>
      %dma_start3A_407 = tpu.memref_squeeze %dma_start3A_406 : memref<1x32x128xf32, #tpu.memory_space<vmem>> -> memref<32x128xf32, #tpu.memory_space<vmem>>
      %dma_start3A_408 = arith.constant 0 : i32
      %dma_start3A_409 = tpu.memref_slice %arg4[%dma_start3A_408, %multiple_of3A_396] : memref<32x1000000xf32, #tpu.memory_space<hbm>> -> memref<32x128xf32, #tpu.memory_space<hbm>>
      tpu.enqueue_dma source(%dma_start3A_409 : memref<32x128xf32, #tpu.memory_space<hbm>>) target(%dma_start3A_407 : memref<32x128xf32, #tpu.memory_space<vmem>>) target_semaphore(%arg13 : memref<!tpu.dma_semaphore, #tpu.memory_space<semaphore_mem>>)
      %eq3A_410 = arith.constant 8 : i32
      %eq3A_411 = vector.broadcast %eq3A_410 : i32 to vector<16xi32>
      %eq3A_412 = arith.cmpi eq, %iota3A, %eq3A_411 : vector<16xi32>
      %jit3A_413 = arith.constant 0 : i32
      %broadcast_in_dim3A_414 = vector.broadcast %jit3A_413 : i32 to vector<16xi32>
      %select_n3A_415 = arith.select %eq3A_412, %get3A_21, %broadcast_in_dim3A_414 : vector<16xi1>, vector<16xi32>
      %reduce_sum3A_416 = arith.constant true
      %reduce_sum3A_417 = vector.broadcast %reduce_sum3A_416 : i1 to vector<16xi1>
      %reduce_sum3A_418 = tpu.scan <sum>, %select_n3A_415 masked %reduce_sum3A_417 : vector<16xi32>, vector<16xi1> -> vector<16xi32>
      %reduce_sum3A_419 = vector.extract %reduce_sum3A_418[15] : i32 from vector<16xi32>
      %jit3A_420 = arith.constant 128 : i32
      %div3A_421 = arith.divsi %reduce_sum3A_419, %jit3A_420 : i32
      %sign3A_422 = arith.constant 0 : i32
      %sign3A_423 = arith.cmpi sgt, %reduce_sum3A_419, %sign3A_422 : i32
      %sign3A_424 = arith.extui %sign3A_423 : i1 to i32
      %sign3A_425 = arith.constant 0 : i32
      %sign3A_426 = arith.cmpi slt, %reduce_sum3A_419, %sign3A_425 : i32
      %sign3A_427 = arith.extui %sign3A_426 : i1 to i32
      %sign3A_428 = arith.subi %sign3A_424, %sign3A_427 : i32
      %sign3A_429 = arith.constant 0 : i32
      %sign3A_430 = arith.cmpi sgt, %jit3A_420, %sign3A_429 : i32
      %sign3A_431 = arith.extui %sign3A_430 : i1 to i32
      %sign3A_432 = arith.constant 0 : i32
      %sign3A_433 = arith.cmpi slt, %jit3A_420, %sign3A_432 : i32
      %sign3A_434 = arith.extui %sign3A_433 : i1 to i32
      %sign3A_435 = arith.subi %sign3A_431, %sign3A_434 : i32
      %ne3A_436 = arith.cmpi ne, %sign3A_428, %sign3A_435 : i32
      %rem3A_437 = arith.remsi %reduce_sum3A_419, %jit3A_420 : i32
      %ne3A_438 = arith.constant 0 : i32
      %ne3A_439 = arith.cmpi ne, %rem3A_437, %ne3A_438 : i32
      %and3A_440 = arith.andi %ne3A_436, %ne3A_439 : i1
      %sub3A_441 = arith.constant 1 : i32
      %sub3A_442 = arith.subi %div3A_421, %sub3A_441 : i32
      %select_n3A_443 = arith.select %and3A_440, %sub3A_442, %div3A_421 : i32
      %mul3A_444 = arith.constant 128 : i32
      %mul3A_445 = arith.muli %select_n3A_443, %mul3A_444 : i32
      %multiple_of3A_446 = tpu.assume_multiple %mul3A_445, 128 : i32
      %dma_start3A_447 = arith.constant 8 : i32
      %dma_start3A_448 = arith.constant 0 : i32
      %dma_start3A_449 = arith.constant 0 : i32
      %dma_start3A_450 = tpu.memref_slice %arg10[%dma_start3A_447, %dma_start3A_448, %dma_start3A_449] : memref<16x32x128xf32, #tpu.memory_space<vmem>> -> memref<1x32x128xf32, #tpu.memory_space<vmem>>
      %dma_start3A_451 = tpu.memref_squeeze %dma_start3A_450 : memref<1x32x128xf32, #tpu.memory_space<vmem>> -> memref<32x128xf32, #tpu.memory_space<vmem>>
      %dma_start3A_452 = arith.constant 0 : i32
      %dma_start3A_453 = tpu.memref_slice %arg4[%dma_start3A_452, %multiple_of3A_446] : memref<32x1000000xf32, #tpu.memory_space<hbm>> -> memref<32x128xf32, #tpu.memory_space<hbm>>
      %dma_start3A_454 = arith.constant 0 : i32
      %dma_start3A_455 = arith.constant 0 : i32
      %dma_start3A_456 = tpu.memref_slice %arg10[%dma_start3A_447, %dma_start3A_454, %dma_start3A_455] : memref<16x32x128xf32, #tpu.memory_space<vmem>> -> memref<1x32x128xf32, #tpu.memory_space<vmem>>
      %dma_start3A_457 = tpu.memref_squeeze %dma_start3A_456 : memref<1x32x128xf32, #tpu.memory_space<vmem>> -> memref<32x128xf32, #tpu.memory_space<vmem>>
      %dma_start3A_458 = arith.constant 0 : i32
      %dma_start3A_459 = tpu.memref_slice %arg4[%dma_start3A_458, %multiple_of3A_446] : memref<32x1000000xf32, #tpu.memory_space<hbm>> -> memref<32x128xf32, #tpu.memory_space<hbm>>
      tpu.enqueue_dma source(%dma_start3A_459 : memref<32x128xf32, #tpu.memory_space<hbm>>) target(%dma_start3A_457 : memref<32x128xf32, #tpu.memory_space<vmem>>) target_semaphore(%arg13 : memref<!tpu.dma_semaphore, #tpu.memory_space<semaphore_mem>>)
      %eq3A_460 = arith.constant 9 : i32
      %eq3A_461 = vector.broadcast %eq3A_460 : i32 to vector<16xi32>
      %eq3A_462 = arith.cmpi eq, %iota3A, %eq3A_461 : vector<16xi32>
      %jit3A_463 = arith.constant 0 : i32
      %broadcast_in_dim3A_464 = vector.broadcast %jit3A_463 : i32 to vector<16xi32>
      %select_n3A_465 = arith.select %eq3A_462, %get3A_21, %broadcast_in_dim3A_464 : vector<16xi1>, vector<16xi32>
      %reduce_sum3A_466 = arith.constant true
      %reduce_sum3A_467 = vector.broadcast %reduce_sum3A_466 : i1 to vector<16xi1>
      %reduce_sum3A_468 = tpu.scan <sum>, %select_n3A_465 masked %reduce_sum3A_467 : vector<16xi32>, vector<16xi1> -> vector<16xi32>
      %reduce_sum3A_469 = vector.extract %reduce_sum3A_468[15] : i32 from vector<16xi32>
      %jit3A_470 = arith.constant 128 : i32
      %div3A_471 = arith.divsi %reduce_sum3A_469, %jit3A_470 : i32
      %sign3A_472 = arith.constant 0 : i32
      %sign3A_473 = arith.cmpi sgt, %reduce_sum3A_469, %sign3A_472 : i32
      %sign3A_474 = arith.extui %sign3A_473 : i1 to i32
      %sign3A_475 = arith.constant 0 : i32
      %sign3A_476 = arith.cmpi slt, %reduce_sum3A_469, %sign3A_475 : i32
      %sign3A_477 = arith.extui %sign3A_476 : i1 to i32
      %sign3A_478 = arith.subi %sign3A_474, %sign3A_477 : i32
      %sign3A_479 = arith.constant 0 : i32
      %sign3A_480 = arith.cmpi sgt, %jit3A_470, %sign3A_479 : i32
      %sign3A_481 = arith.extui %sign3A_480 : i1 to i32
      %sign3A_482 = arith.constant 0 : i32
      %sign3A_483 = arith.cmpi slt, %jit3A_470, %sign3A_482 : i32
      %sign3A_484 = arith.extui %sign3A_483 : i1 to i32
      %sign3A_485 = arith.subi %sign3A_481, %sign3A_484 : i32
      %ne3A_486 = arith.cmpi ne, %sign3A_478, %sign3A_485 : i32
      %rem3A_487 = arith.remsi %reduce_sum3A_469, %jit3A_470 : i32
      %ne3A_488 = arith.constant 0 : i32
      %ne3A_489 = arith.cmpi ne, %rem3A_487, %ne3A_488 : i32
      %and3A_490 = arith.andi %ne3A_486, %ne3A_489 : i1
      %sub3A_491 = arith.constant 1 : i32
      %sub3A_492 = arith.subi %div3A_471, %sub3A_491 : i32
      %select_n3A_493 = arith.select %and3A_490, %sub3A_492, %div3A_471 : i32
      %mul3A_494 = arith.constant 128 : i32
      %mul3A_495 = arith.muli %select_n3A_493, %mul3A_494 : i32
      %multiple_of3A_496 = tpu.assume_multiple %mul3A_495, 128 : i32
      %dma_start3A_497 = arith.constant 9 : i32
      %dma_start3A_498 = arith.constant 0 : i32
      %dma_start3A_499 = arith.constant 0 : i32
      %dma_start3A_500 = tpu.memref_slice %arg10[%dma_start3A_497, %dma_start3A_498, %dma_start3A_499] : memref<16x32x128xf32, #tpu.memory_space<vmem>> -> memref<1x32x128xf32, #tpu.memory_space<vmem>>
      %dma_start3A_501 = tpu.memref_squeeze %dma_start3A_500 : memref<1x32x128xf32, #tpu.memory_space<vmem>> -> memref<32x128xf32, #tpu.memory_space<vmem>>
      %dma_start3A_502 = arith.constant 0 : i32
      %dma_start3A_503 = tpu.memref_slice %arg4[%dma_start3A_502, %multiple_of3A_496] : memref<32x1000000xf32, #tpu.memory_space<hbm>> -> memref<32x128xf32, #tpu.memory_space<hbm>>
      %dma_start3A_504 = arith.constant 0 : i32
      %dma_start3A_505 = arith.constant 0 : i32
      %dma_start3A_506 = tpu.memref_slice %arg10[%dma_start3A_497, %dma_start3A_504, %dma_start3A_505] : memref<16x32x128xf32, #tpu.memory_space<vmem>> -> memref<1x32x128xf32, #tpu.memory_space<vmem>>
      %dma_start3A_507 = tpu.memref_squeeze %dma_start3A_506 : memref<1x32x128xf32, #tpu.memory_space<vmem>> -> memref<32x128xf32, #tpu.memory_space<vmem>>
      %dma_start3A_508 = arith.constant 0 : i32
      %dma_start3A_509 = tpu.memref_slice %arg4[%dma_start3A_508, %multiple_of3A_496] : memref<32x1000000xf32, #tpu.memory_space<hbm>> -> memref<32x128xf32, #tpu.memory_space<hbm>>
      tpu.enqueue_dma source(%dma_start3A_509 : memref<32x128xf32, #tpu.memory_space<hbm>>) target(%dma_start3A_507 : memref<32x128xf32, #tpu.memory_space<vmem>>) target_semaphore(%arg13 : memref<!tpu.dma_semaphore, #tpu.memory_space<semaphore_mem>>)
      %eq3A_510 = arith.constant 10 : i32
      %eq3A_511 = vector.broadcast %eq3A_510 : i32 to vector<16xi32>
      %eq3A_512 = arith.cmpi eq, %iota3A, %eq3A_511 : vector<16xi32>
      %jit3A_513 = arith.constant 0 : i32
      %broadcast_in_dim3A_514 = vector.broadcast %jit3A_513 : i32 to vector<16xi32>
      %select_n3A_515 = arith.select %eq3A_512, %get3A_21, %broadcast_in_dim3A_514 : vector<16xi1>, vector<16xi32>
      %reduce_sum3A_516 = arith.constant true
      %reduce_sum3A_517 = vector.broadcast %reduce_sum3A_516 : i1 to vector<16xi1>
      %reduce_sum3A_518 = tpu.scan <sum>, %select_n3A_515 masked %reduce_sum3A_517 : vector<16xi32>, vector<16xi1> -> vector<16xi32>
      %reduce_sum3A_519 = vector.extract %reduce_sum3A_518[15] : i32 from vector<16xi32>
      %jit3A_520 = arith.constant 128 : i32
      %div3A_521 = arith.divsi %reduce_sum3A_519, %jit3A_520 : i32
      %sign3A_522 = arith.constant 0 : i32
      %sign3A_523 = arith.cmpi sgt, %reduce_sum3A_519, %sign3A_522 : i32
      %sign3A_524 = arith.extui %sign3A_523 : i1 to i32
      %sign3A_525 = arith.constant 0 : i32
      %sign3A_526 = arith.cmpi slt, %reduce_sum3A_519, %sign3A_525 : i32
      %sign3A_527 = arith.extui %sign3A_526 : i1 to i32
      %sign3A_528 = arith.subi %sign3A_524, %sign3A_527 : i32
      %sign3A_529 = arith.constant 0 : i32
      %sign3A_530 = arith.cmpi sgt, %jit3A_520, %sign3A_529 : i32
      %sign3A_531 = arith.extui %sign3A_530 : i1 to i32
      %sign3A_532 = arith.constant 0 : i32
      %sign3A_533 = arith.cmpi slt, %jit3A_520, %sign3A_532 : i32
      %sign3A_534 = arith.extui %sign3A_533 : i1 to i32
      %sign3A_535 = arith.subi %sign3A_531, %sign3A_534 : i32
      %ne3A_536 = arith.cmpi ne, %sign3A_528, %sign3A_535 : i32
      %rem3A_537 = arith.remsi %reduce_sum3A_519, %jit3A_520 : i32
      %ne3A_538 = arith.constant 0 : i32
      %ne3A_539 = arith.cmpi ne, %rem3A_537, %ne3A_538 : i32
      %and3A_540 = arith.andi %ne3A_536, %ne3A_539 : i1
      %sub3A_541 = arith.constant 1 : i32
      %sub3A_542 = arith.subi %div3A_521, %sub3A_541 : i32
      %select_n3A_543 = arith.select %and3A_540, %sub3A_542, %div3A_521 : i32
      %mul3A_544 = arith.constant 128 : i32
      %mul3A_545 = arith.muli %select_n3A_543, %mul3A_544 : i32
      %multiple_of3A_546 = tpu.assume_multiple %mul3A_545, 128 : i32
      %dma_start3A_547 = arith.constant 10 : i32
      %dma_start3A_548 = arith.constant 0 : i32
      %dma_start3A_549 = arith.constant 0 : i32
      %dma_start3A_550 = tpu.memref_slice %arg10[%dma_start3A_547, %dma_start3A_548, %dma_start3A_549] : memref<16x32x128xf32, #tpu.memory_space<vmem>> -> memref<1x32x128xf32, #tpu.memory_space<vmem>>
      %dma_start3A_551 = tpu.memref_squeeze %dma_start3A_550 : memref<1x32x128xf32, #tpu.memory_space<vmem>> -> memref<32x128xf32, #tpu.memory_space<vmem>>
      %dma_start3A_552 = arith.constant 0 : i32
      %dma_start3A_553 = tpu.memref_slice %arg4[%dma_start3A_552, %multiple_of3A_546] : memref<32x1000000xf32, #tpu.memory_space<hbm>> -> memref<32x128xf32, #tpu.memory_space<hbm>>
      %dma_start3A_554 = arith.constant 0 : i32
      %dma_start3A_555 = arith.constant 0 : i32
      %dma_start3A_556 = tpu.memref_slice %arg10[%dma_start3A_547, %dma_start3A_554, %dma_start3A_555] : memref<16x32x128xf32, #tpu.memory_space<vmem>> -> memref<1x32x128xf32, #tpu.memory_space<vmem>>
      %dma_start3A_557 = tpu.memref_squeeze %dma_start3A_556 : memref<1x32x128xf32, #tpu.memory_space<vmem>> -> memref<32x128xf32, #tpu.memory_space<vmem>>
      %dma_start3A_558 = arith.constant 0 : i32
      %dma_start3A_559 = tpu.memref_slice %arg4[%dma_start3A_558, %multiple_of3A_546] : memref<32x1000000xf32, #tpu.memory_space<hbm>> -> memref<32x128xf32, #tpu.memory_space<hbm>>
      tpu.enqueue_dma source(%dma_start3A_559 : memref<32x128xf32, #tpu.memory_space<hbm>>) target(%dma_start3A_557 : memref<32x128xf32, #tpu.memory_space<vmem>>) target_semaphore(%arg13 : memref<!tpu.dma_semaphore, #tpu.memory_space<semaphore_mem>>)
      %eq3A_560 = arith.constant 11 : i32
      %eq3A_561 = vector.broadcast %eq3A_560 : i32 to vector<16xi32>
      %eq3A_562 = arith.cmpi eq, %iota3A, %eq3A_561 : vector<16xi32>
      %jit3A_563 = arith.constant 0 : i32
      %broadcast_in_dim3A_564 = vector.broadcast %jit3A_563 : i32 to vector<16xi32>
      %select_n3A_565 = arith.select %eq3A_562, %get3A_21, %broadcast_in_dim3A_564 : vector<16xi1>, vector<16xi32>
      %reduce_sum3A_566 = arith.constant true
      %reduce_sum3A_567 = vector.broadcast %reduce_sum3A_566 : i1 to vector<16xi1>
      %reduce_sum3A_568 = tpu.scan <sum>, %select_n3A_565 masked %reduce_sum3A_567 : vector<16xi32>, vector<16xi1> -> vector<16xi32>
      %reduce_sum3A_569 = vector.extract %reduce_sum3A_568[15] : i32 from vector<16xi32>
      %jit3A_570 = arith.constant 128 : i32
      %div3A_571 = arith.divsi %reduce_sum3A_569, %jit3A_570 : i32
      %sign3A_572 = arith.constant 0 : i32
      %sign3A_573 = arith.cmpi sgt, %reduce_sum3A_569, %sign3A_572 : i32
      %sign3A_574 = arith.extui %sign3A_573 : i1 to i32
      %sign3A_575 = arith.constant 0 : i32
      %sign3A_576 = arith.cmpi slt, %reduce_sum3A_569, %sign3A_575 : i32
      %sign3A_577 = arith.extui %sign3A_576 : i1 to i32
      %sign3A_578 = arith.subi %sign3A_574, %sign3A_577 : i32
      %sign3A_579 = arith.constant 0 : i32
      %sign3A_580 = arith.cmpi sgt, %jit3A_570, %sign3A_579 : i32
      %sign3A_581 = arith.extui %sign3A_580 : i1 to i32
      %sign3A_582 = arith.constant 0 : i32
      %sign3A_583 = arith.cmpi slt, %jit3A_570, %sign3A_582 : i32
      %sign3A_584 = arith.extui %sign3A_583 : i1 to i32
      %sign3A_585 = arith.subi %sign3A_581, %sign3A_584 : i32
      %ne3A_586 = arith.cmpi ne, %sign3A_578, %sign3A_585 : i32
      %rem3A_587 = arith.remsi %reduce_sum3A_569, %jit3A_570 : i32
      %ne3A_588 = arith.constant 0 : i32
      %ne3A_589 = arith.cmpi ne, %rem3A_587, %ne3A_588 : i32
      %and3A_590 = arith.andi %ne3A_586, %ne3A_589 : i1
      %sub3A_591 = arith.constant 1 : i32
      %sub3A_592 = arith.subi %div3A_571, %sub3A_591 : i32
      %select_n3A_593 = arith.select %and3A_590, %sub3A_592, %div3A_571 : i32
      %mul3A_594 = arith.constant 128 : i32
      %mul3A_595 = arith.muli %select_n3A_593, %mul3A_594 : i32
      %multiple_of3A_596 = tpu.assume_multiple %mul3A_595, 128 : i32
      %dma_start3A_597 = arith.constant 11 : i32
      %dma_start3A_598 = arith.constant 0 : i32
      %dma_start3A_599 = arith.constant 0 : i32
      %dma_start3A_600 = tpu.memref_slice %arg10[%dma_start3A_597, %dma_start3A_598, %dma_start3A_599] : memref<16x32x128xf32, #tpu.memory_space<vmem>> -> memref<1x32x128xf32, #tpu.memory_space<vmem>>
      %dma_start3A_601 = tpu.memref_squeeze %dma_start3A_600 : memref<1x32x128xf32, #tpu.memory_space<vmem>> -> memref<32x128xf32, #tpu.memory_space<vmem>>
      %dma_start3A_602 = arith.constant 0 : i32
      %dma_start3A_603 = tpu.memref_slice %arg4[%dma_start3A_602, %multiple_of3A_596] : memref<32x1000000xf32, #tpu.memory_space<hbm>> -> memref<32x128xf32, #tpu.memory_space<hbm>>
      %dma_start3A_604 = arith.constant 0 : i32
      %dma_start3A_605 = arith.constant 0 : i32
      %dma_start3A_606 = tpu.memref_slice %arg10[%dma_start3A_597, %dma_start3A_604, %dma_start3A_605] : memref<16x32x128xf32, #tpu.memory_space<vmem>> -> memref<1x32x128xf32, #tpu.memory_space<vmem>>
      %dma_start3A_607 = tpu.memref_squeeze %dma_start3A_606 : memref<1x32x128xf32, #tpu.memory_space<vmem>> -> memref<32x128xf32, #tpu.memory_space<vmem>>
      %dma_start3A_608 = arith.constant 0 : i32
      %dma_start3A_609 = tpu.memref_slice %arg4[%dma_start3A_608, %multiple_of3A_596] : memref<32x1000000xf32, #tpu.memory_space<hbm>> -> memref<32x128xf32, #tpu.memory_space<hbm>>
      tpu.enqueue_dma source(%dma_start3A_609 : memref<32x128xf32, #tpu.memory_space<hbm>>) target(%dma_start3A_607 : memref<32x128xf32, #tpu.memory_space<vmem>>) target_semaphore(%arg13 : memref<!tpu.dma_semaphore, #tpu.memory_space<semaphore_mem>>)
      %eq3A_610 = arith.constant 12 : i32
      %eq3A_611 = vector.broadcast %eq3A_610 : i32 to vector<16xi32>
      %eq3A_612 = arith.cmpi eq, %iota3A, %eq3A_611 : vector<16xi32>
      %jit3A_613 = arith.constant 0 : i32
      %broadcast_in_dim3A_614 = vector.broadcast %jit3A_613 : i32 to vector<16xi32>
      %select_n3A_615 = arith.select %eq3A_612, %get3A_21, %broadcast_in_dim3A_614 : vector<16xi1>, vector<16xi32>
      %reduce_sum3A_616 = arith.constant true
      %reduce_sum3A_617 = vector.broadcast %reduce_sum3A_616 : i1 to vector<16xi1>
      %reduce_sum3A_618 = tpu.scan <sum>, %select_n3A_615 masked %reduce_sum3A_617 : vector<16xi32>, vector<16xi1> -> vector<16xi32>
      %reduce_sum3A_619 = vector.extract %reduce_sum3A_618[15] : i32 from vector<16xi32>
      %jit3A_620 = arith.constant 128 : i32
      %div3A_621 = arith.divsi %reduce_sum3A_619, %jit3A_620 : i32
      %sign3A_622 = arith.constant 0 : i32
      %sign3A_623 = arith.cmpi sgt, %reduce_sum3A_619, %sign3A_622 : i32
      %sign3A_624 = arith.extui %sign3A_623 : i1 to i32
      %sign3A_625 = arith.constant 0 : i32
      %sign3A_626 = arith.cmpi slt, %reduce_sum3A_619, %sign3A_625 : i32
      %sign3A_627 = arith.extui %sign3A_626 : i1 to i32
      %sign3A_628 = arith.subi %sign3A_624, %sign3A_627 : i32
      %sign3A_629 = arith.constant 0 : i32
      %sign3A_630 = arith.cmpi sgt, %jit3A_620, %sign3A_629 : i32
      %sign3A_631 = arith.extui %sign3A_630 : i1 to i32
      %sign3A_632 = arith.constant 0 : i32
      %sign3A_633 = arith.cmpi slt, %jit3A_620, %sign3A_632 : i32
      %sign3A_634 = arith.extui %sign3A_633 : i1 to i32
      %sign3A_635 = arith.subi %sign3A_631, %sign3A_634 : i32
      %ne3A_636 = arith.cmpi ne, %sign3A_628, %sign3A_635 : i32
      %rem3A_637 = arith.remsi %reduce_sum3A_619, %jit3A_620 : i32
      %ne3A_638 = arith.constant 0 : i32
      %ne3A_639 = arith.cmpi ne, %rem3A_637, %ne3A_638 : i32
      %and3A_640 = arith.andi %ne3A_636, %ne3A_639 : i1
      %sub3A_641 = arith.constant 1 : i32
      %sub3A_642 = arith.subi %div3A_621, %sub3A_641 : i32
      %select_n3A_643 = arith.select %and3A_640, %sub3A_642, %div3A_621 : i32
      %mul3A_644 = arith.constant 128 : i32
      %mul3A_645 = arith.muli %select_n3A_643, %mul3A_644 : i32
      %multiple_of3A_646 = tpu.assume_multiple %mul3A_645, 128 : i32
      %dma_start3A_647 = arith.constant 12 : i32
      %dma_start3A_648 = arith.constant 0 : i32
      %dma_start3A_649 = arith.constant 0 : i32
      %dma_start3A_650 = tpu.memref_slice %arg10[%dma_start3A_647, %dma_start3A_648, %dma_start3A_649] : memref<16x32x128xf32, #tpu.memory_space<vmem>> -> memref<1x32x128xf32, #tpu.memory_space<vmem>>
      %dma_start3A_651 = tpu.memref_squeeze %dma_start3A_650 : memref<1x32x128xf32, #tpu.memory_space<vmem>> -> memref<32x128xf32, #tpu.memory_space<vmem>>
      %dma_start3A_652 = arith.constant 0 : i32
      %dma_start3A_653 = tpu.memref_slice %arg4[%dma_start3A_652, %multiple_of3A_646] : memref<32x1000000xf32, #tpu.memory_space<hbm>> -> memref<32x128xf32, #tpu.memory_space<hbm>>
      %dma_start3A_654 = arith.constant 0 : i32
      %dma_start3A_655 = arith.constant 0 : i32
      %dma_start3A_656 = tpu.memref_slice %arg10[%dma_start3A_647, %dma_start3A_654, %dma_start3A_655] : memref<16x32x128xf32, #tpu.memory_space<vmem>> -> memref<1x32x128xf32, #tpu.memory_space<vmem>>
      %dma_start3A_657 = tpu.memref_squeeze %dma_start3A_656 : memref<1x32x128xf32, #tpu.memory_space<vmem>> -> memref<32x128xf32, #tpu.memory_space<vmem>>
      %dma_start3A_658 = arith.constant 0 : i32
      %dma_start3A_659 = tpu.memref_slice %arg4[%dma_start3A_658, %multiple_of3A_646] : memref<32x1000000xf32, #tpu.memory_space<hbm>> -> memref<32x128xf32, #tpu.memory_space<hbm>>
      tpu.enqueue_dma source(%dma_start3A_659 : memref<32x128xf32, #tpu.memory_space<hbm>>) target(%dma_start3A_657 : memref<32x128xf32, #tpu.memory_space<vmem>>) target_semaphore(%arg13 : memref<!tpu.dma_semaphore, #tpu.memory_space<semaphore_mem>>)
      %eq3A_660 = arith.constant 13 : i32
      %eq3A_661 = vector.broadcast %eq3A_660 : i32 to vector<16xi32>
      %eq3A_662 = arith.cmpi eq, %iota3A, %eq3A_661 : vector<16xi32>
      %jit3A_663 = arith.constant 0 : i32
      %broadcast_in_dim3A_664 = vector.broadcast %jit3A_663 : i32 to vector<16xi32>
      %select_n3A_665 = arith.select %eq3A_662, %get3A_21, %broadcast_in_dim3A_664 : vector<16xi1>, vector<16xi32>
      %reduce_sum3A_666 = arith.constant true
      %reduce_sum3A_667 = vector.broadcast %reduce_sum3A_666 : i1 to vector<16xi1>
      %reduce_sum3A_668 = tpu.scan <sum>, %select_n3A_665 masked %reduce_sum3A_667 : vector<16xi32>, vector<16xi1> -> vector<16xi32>
      %reduce_sum3A_669 = vector.extract %reduce_sum3A_668[15] : i32 from vector<16xi32>
      %jit3A_670 = arith.constant 128 : i32
      %div3A_671 = arith.divsi %reduce_sum3A_669, %jit3A_670 : i32
      %sign3A_672 = arith.constant 0 : i32
      %sign3A_673 = arith.cmpi sgt, %reduce_sum3A_669, %sign3A_672 : i32
      %sign3A_674 = arith.extui %sign3A_673 : i1 to i32
      %sign3A_675 = arith.constant 0 : i32
      %sign3A_676 = arith.cmpi slt, %reduce_sum3A_669, %sign3A_675 : i32
      %sign3A_677 = arith.extui %sign3A_676 : i1 to i32
      %sign3A_678 = arith.subi %sign3A_674, %sign3A_677 : i32
      %sign3A_679 = arith.constant 0 : i32
      %sign3A_680 = arith.cmpi sgt, %jit3A_670, %sign3A_679 : i32
      %sign3A_681 = arith.extui %sign3A_680 : i1 to i32
      %sign3A_682 = arith.constant 0 : i32
      %sign3A_683 = arith.cmpi slt, %jit3A_670, %sign3A_682 : i32
      %sign3A_684 = arith.extui %sign3A_683 : i1 to i32
      %sign3A_685 = arith.subi %sign3A_681, %sign3A_684 : i32
      %ne3A_686 = arith.cmpi ne, %sign3A_678, %sign3A_685 : i32
      %rem3A_687 = arith.remsi %reduce_sum3A_669, %jit3A_670 : i32
      %ne3A_688 = arith.constant 0 : i32
      %ne3A_689 = arith.cmpi ne, %rem3A_687, %ne3A_688 : i32
      %and3A_690 = arith.andi %ne3A_686, %ne3A_689 : i1
      %sub3A_691 = arith.constant 1 : i32
      %sub3A_692 = arith.subi %div3A_671, %sub3A_691 : i32
      %select_n3A_693 = arith.select %and3A_690, %sub3A_692, %div3A_671 : i32
      %mul3A_694 = arith.constant 128 : i32
      %mul3A_695 = arith.muli %select_n3A_693, %mul3A_694 : i32
      %multiple_of3A_696 = tpu.assume_multiple %mul3A_695, 128 : i32
      %dma_start3A_697 = arith.constant 13 : i32
      %dma_start3A_698 = arith.constant 0 : i32
      %dma_start3A_699 = arith.constant 0 : i32
      %dma_start3A_700 = tpu.memref_slice %arg10[%dma_start3A_697, %dma_start3A_698, %dma_start3A_699] : memref<16x32x128xf32, #tpu.memory_space<vmem>> -> memref<1x32x128xf32, #tpu.memory_space<vmem>>
      %dma_start3A_701 = tpu.memref_squeeze %dma_start3A_700 : memref<1x32x128xf32, #tpu.memory_space<vmem>> -> memref<32x128xf32, #tpu.memory_space<vmem>>
      %dma_start3A_702 = arith.constant 0 : i32
      %dma_start3A_703 = tpu.memref_slice %arg4[%dma_start3A_702, %multiple_of3A_696] : memref<32x1000000xf32, #tpu.memory_space<hbm>> -> memref<32x128xf32, #tpu.memory_space<hbm>>
      %dma_start3A_704 = arith.constant 0 : i32
      %dma_start3A_705 = arith.constant 0 : i32
      %dma_start3A_706 = tpu.memref_slice %arg10[%dma_start3A_697, %dma_start3A_704, %dma_start3A_705] : memref<16x32x128xf32, #tpu.memory_space<vmem>> -> memref<1x32x128xf32, #tpu.memory_space<vmem>>
      %dma_start3A_707 = tpu.memref_squeeze %dma_start3A_706 : memref<1x32x128xf32, #tpu.memory_space<vmem>> -> memref<32x128xf32, #tpu.memory_space<vmem>>
      %dma_start3A_708 = arith.constant 0 : i32
      %dma_start3A_709 = tpu.memref_slice %arg4[%dma_start3A_708, %multiple_of3A_696] : memref<32x1000000xf32, #tpu.memory_space<hbm>> -> memref<32x128xf32, #tpu.memory_space<hbm>>
      tpu.enqueue_dma source(%dma_start3A_709 : memref<32x128xf32, #tpu.memory_space<hbm>>) target(%dma_start3A_707 : memref<32x128xf32, #tpu.memory_space<vmem>>) target_semaphore(%arg13 : memref<!tpu.dma_semaphore, #tpu.memory_space<semaphore_mem>>)
      %eq3A_710 = arith.constant 14 : i32
      %eq3A_711 = vector.broadcast %eq3A_710 : i32 to vector<16xi32>
      %eq3A_712 = arith.cmpi eq, %iota3A, %eq3A_711 : vector<16xi32>
      %jit3A_713 = arith.constant 0 : i32
      %broadcast_in_dim3A_714 = vector.broadcast %jit3A_713 : i32 to vector<16xi32>
      %select_n3A_715 = arith.select %eq3A_712, %get3A_21, %broadcast_in_dim3A_714 : vector<16xi1>, vector<16xi32>
      %reduce_sum3A_716 = arith.constant true
      %reduce_sum3A_717 = vector.broadcast %reduce_sum3A_716 : i1 to vector<16xi1>
      %reduce_sum3A_718 = tpu.scan <sum>, %select_n3A_715 masked %reduce_sum3A_717 : vector<16xi32>, vector<16xi1> -> vector<16xi32>
      %reduce_sum3A_719 = vector.extract %reduce_sum3A_718[15] : i32 from vector<16xi32>
      %jit3A_720 = arith.constant 128 : i32
      %div3A_721 = arith.divsi %reduce_sum3A_719, %jit3A_720 : i32
      %sign3A_722 = arith.constant 0 : i32
      %sign3A_723 = arith.cmpi sgt, %reduce_sum3A_719, %sign3A_722 : i32
      %sign3A_724 = arith.extui %sign3A_723 : i1 to i32
      %sign3A_725 = arith.constant 0 : i32
      %sign3A_726 = arith.cmpi slt, %reduce_sum3A_719, %sign3A_725 : i32
      %sign3A_727 = arith.extui %sign3A_726 : i1 to i32
      %sign3A_728 = arith.subi %sign3A_724, %sign3A_727 : i32
      %sign3A_729 = arith.constant 0 : i32
      %sign3A_730 = arith.cmpi sgt, %jit3A_720, %sign3A_729 : i32
      %sign3A_731 = arith.extui %sign3A_730 : i1 to i32
      %sign3A_732 = arith.constant 0 : i32
      %sign3A_733 = arith.cmpi slt, %jit3A_720, %sign3A_732 : i32
      %sign3A_734 = arith.extui %sign3A_733 : i1 to i32
      %sign3A_735 = arith.subi %sign3A_731, %sign3A_734 : i32
      %ne3A_736 = arith.cmpi ne, %sign3A_728, %sign3A_735 : i32
      %rem3A_737 = arith.remsi %reduce_sum3A_719, %jit3A_720 : i32
      %ne3A_738 = arith.constant 0 : i32
      %ne3A_739 = arith.cmpi ne, %rem3A_737, %ne3A_738 : i32
      %and3A_740 = arith.andi %ne3A_736, %ne3A_739 : i1
      %sub3A_741 = arith.constant 1 : i32
      %sub3A_742 = arith.subi %div3A_721, %sub3A_741 : i32
      %select_n3A_743 = arith.select %and3A_740, %sub3A_742, %div3A_721 : i32
      %mul3A_744 = arith.constant 128 : i32
      %mul3A_745 = arith.muli %select_n3A_743, %mul3A_744 : i32
      %multiple_of3A_746 = tpu.assume_multiple %mul3A_745, 128 : i32
      %dma_start3A_747 = arith.constant 14 : i32
      %dma_start3A_748 = arith.constant 0 : i32
      %dma_start3A_749 = arith.constant 0 : i32
      %dma_start3A_750 = tpu.memref_slice %arg10[%dma_start3A_747, %dma_start3A_748, %dma_start3A_749] : memref<16x32x128xf32, #tpu.memory_space<vmem>> -> memref<1x32x128xf32, #tpu.memory_space<vmem>>
      %dma_start3A_751 = tpu.memref_squeeze %dma_start3A_750 : memref<1x32x128xf32, #tpu.memory_space<vmem>> -> memref<32x128xf32, #tpu.memory_space<vmem>>
      %dma_start3A_752 = arith.constant 0 : i32
      %dma_start3A_753 = tpu.memref_slice %arg4[%dma_start3A_752, %multiple_of3A_746] : memref<32x1000000xf32, #tpu.memory_space<hbm>> -> memref<32x128xf32, #tpu.memory_space<hbm>>
      %dma_start3A_754 = arith.constant 0 : i32
      %dma_start3A_755 = arith.constant 0 : i32
      %dma_start3A_756 = tpu.memref_slice %arg10[%dma_start3A_747, %dma_start3A_754, %dma_start3A_755] : memref<16x32x128xf32, #tpu.memory_space<vmem>> -> memref<1x32x128xf32, #tpu.memory_space<vmem>>
      %dma_start3A_757 = tpu.memref_squeeze %dma_start3A_756 : memref<1x32x128xf32, #tpu.memory_space<vmem>> -> memref<32x128xf32, #tpu.memory_space<vmem>>
      %dma_start3A_758 = arith.constant 0 : i32
      %dma_start3A_759 = tpu.memref_slice %arg4[%dma_start3A_758, %multiple_of3A_746] : memref<32x1000000xf32, #tpu.memory_space<hbm>> -> memref<32x128xf32, #tpu.memory_space<hbm>>
      tpu.enqueue_dma source(%dma_start3A_759 : memref<32x128xf32, #tpu.memory_space<hbm>>) target(%dma_start3A_757 : memref<32x128xf32, #tpu.memory_space<vmem>>) target_semaphore(%arg13 : memref<!tpu.dma_semaphore, #tpu.memory_space<semaphore_mem>>)
      %eq3A_760 = arith.constant 15 : i32
      %eq3A_761 = vector.broadcast %eq3A_760 : i32 to vector<16xi32>
      %eq3A_762 = arith.cmpi eq, %iota3A, %eq3A_761 : vector<16xi32>
      %jit3A_763 = arith.constant 0 : i32
      %broadcast_in_dim3A_764 = vector.broadcast %jit3A_763 : i32 to vector<16xi32>
      %select_n3A_765 = arith.select %eq3A_762, %get3A_21, %broadcast_in_dim3A_764 : vector<16xi1>, vector<16xi32>
      %reduce_sum3A_766 = arith.constant true
      %reduce_sum3A_767 = vector.broadcast %reduce_sum3A_766 : i1 to vector<16xi1>
      %reduce_sum3A_768 = tpu.scan <sum>, %select_n3A_765 masked %reduce_sum3A_767 : vector<16xi32>, vector<16xi1> -> vector<16xi32>
      %reduce_sum3A_769 = vector.extract %reduce_sum3A_768[15] : i32 from vector<16xi32>
      %jit3A_770 = arith.constant 128 : i32
      %div3A_771 = arith.divsi %reduce_sum3A_769, %jit3A_770 : i32
      %sign3A_772 = arith.constant 0 : i32
      %sign3A_773 = arith.cmpi sgt, %reduce_sum3A_769, %sign3A_772 : i32
      %sign3A_774 = arith.extui %sign3A_773 : i1 to i32
      %sign3A_775 = arith.constant 0 : i32
      %sign3A_776 = arith.cmpi slt, %reduce_sum3A_769, %sign3A_775 : i32
      %sign3A_777 = arith.extui %sign3A_776 : i1 to i32
      %sign3A_778 = arith.subi %sign3A_774, %sign3A_777 : i32
      %sign3A_779 = arith.constant 0 : i32
      %sign3A_780 = arith.cmpi sgt, %jit3A_770, %sign3A_779 : i32
      %sign3A_781 = arith.extui %sign3A_780 : i1 to i32
      %sign3A_782 = arith.constant 0 : i32
      %sign3A_783 = arith.cmpi slt, %jit3A_770, %sign3A_782 : i32
      %sign3A_784 = arith.extui %sign3A_783 : i1 to i32
      %sign3A_785 = arith.subi %sign3A_781, %sign3A_784 : i32
      %ne3A_786 = arith.cmpi ne, %sign3A_778, %sign3A_785 : i32
      %rem3A_787 = arith.remsi %reduce_sum3A_769, %jit3A_770 : i32
      %ne3A_788 = arith.constant 0 : i32
      %ne3A_789 = arith.cmpi ne, %rem3A_787, %ne3A_788 : i32
      %and3A_790 = arith.andi %ne3A_786, %ne3A_789 : i1
      %sub3A_791 = arith.constant 1 : i32
      %sub3A_792 = arith.subi %div3A_771, %sub3A_791 : i32
      %select_n3A_793 = arith.select %and3A_790, %sub3A_792, %div3A_771 : i32
      %mul3A_794 = arith.constant 128 : i32
      %mul3A_795 = arith.muli %select_n3A_793, %mul3A_794 : i32
      %multiple_of3A_796 = tpu.assume_multiple %mul3A_795, 128 : i32
      %dma_start3A_797 = arith.constant 15 : i32
      %dma_start3A_798 = arith.constant 0 : i32
      %dma_start3A_799 = arith.constant 0 : i32
      %dma_start3A_800 = tpu.memref_slice %arg10[%dma_start3A_797, %dma_start3A_798, %dma_start3A_799] : memref<16x32x128xf32, #tpu.memory_space<vmem>> -> memref<1x32x128xf32, #tpu.memory_space<vmem>>
      %dma_start3A_801 = tpu.memref_squeeze %dma_start3A_800 : memref<1x32x128xf32, #tpu.memory_space<vmem>> -> memref<32x128xf32, #tpu.memory_space<vmem>>
      %dma_start3A_802 = arith.constant 0 : i32
      %dma_start3A_803 = tpu.memref_slice %arg4[%dma_start3A_802, %multiple_of3A_796] : memref<32x1000000xf32, #tpu.memory_space<hbm>> -> memref<32x128xf32, #tpu.memory_space<hbm>>
      %dma_start3A_804 = arith.constant 0 : i32
      %dma_start3A_805 = arith.constant 0 : i32
      %dma_start3A_806 = tpu.memref_slice %arg10[%dma_start3A_797, %dma_start3A_804, %dma_start3A_805] : memref<16x32x128xf32, #tpu.memory_space<vmem>> -> memref<1x32x128xf32, #tpu.memory_space<vmem>>
      %dma_start3A_807 = tpu.memref_squeeze %dma_start3A_806 : memref<1x32x128xf32, #tpu.memory_space<vmem>> -> memref<32x128xf32, #tpu.memory_space<vmem>>
      %dma_start3A_808 = arith.constant 0 : i32
      %dma_start3A_809 = tpu.memref_slice %arg4[%dma_start3A_808, %multiple_of3A_796] : memref<32x1000000xf32, #tpu.memory_space<hbm>> -> memref<32x128xf32, #tpu.memory_space<hbm>>
      tpu.enqueue_dma source(%dma_start3A_809 : memref<32x128xf32, #tpu.memory_space<hbm>>) target(%dma_start3A_807 : memref<32x128xf32, #tpu.memory_space<vmem>>) target_semaphore(%arg13 : memref<!tpu.dma_semaphore, #tpu.memory_space<semaphore_mem>>)
      %dma_wait3A = arith.constant 0 : i32
      %dma_wait3A_810 = arith.constant 0 : i32
      %dma_wait3A_811 = arith.constant 0 : i32
      %dma_wait3A_812 = tpu.memref_slice %arg10[%dma_wait3A, %dma_wait3A_810, %dma_wait3A_811] : memref<16x32x128xf32, #tpu.memory_space<vmem>> -> memref<1x32x128xf32, #tpu.memory_space<vmem>>
      %dma_wait3A_813 = tpu.memref_squeeze %dma_wait3A_812 : memref<1x32x128xf32, #tpu.memory_space<vmem>> -> memref<32x128xf32, #tpu.memory_space<vmem>>
      %dma_wait3A_814 = arith.constant 0 : i32
      %dma_wait3A_815 = arith.constant 0 : i32
      %dma_wait3A_816 = tpu.memref_slice %arg4[%dma_wait3A_814, %dma_wait3A_815] : memref<32x1000000xf32, #tpu.memory_space<hbm>> -> memref<32x128xf32, #tpu.memory_space<hbm>>
      %dma_wait3A_817 = arith.constant 0 : i32
      %dma_wait3A_818 = arith.constant 0 : i32
      %dma_wait3A_819 = tpu.memref_slice %arg10[%dma_wait3A, %dma_wait3A_817, %dma_wait3A_818] : memref<16x32x128xf32, #tpu.memory_space<vmem>> -> memref<1x32x128xf32, #tpu.memory_space<vmem>>
      %dma_wait3A_820 = tpu.memref_squeeze %dma_wait3A_819 : memref<1x32x128xf32, #tpu.memory_space<vmem>> -> memref<32x128xf32, #tpu.memory_space<vmem>>
      %dma_wait3A_821 = arith.constant 0 : i32
      %dma_wait3A_822 = arith.constant 0 : i32
      %dma_wait3A_823 = tpu.memref_slice %arg4[%dma_wait3A_821, %dma_wait3A_822] : memref<32x1000000xf32, #tpu.memory_space<hbm>> -> memref<32x128xf32, #tpu.memory_space<hbm>>
      tpu.wait_dma2 semaphore(%arg13 : memref<!tpu.dma_semaphore, #tpu.memory_space<semaphore_mem>>) src(%dma_wait3A_823 : memref<32x128xf32, #tpu.memory_space<hbm>>) dst(%dma_wait3A_820 : memref<32x128xf32, #tpu.memory_space<vmem>>)
      %dma_wait3A_824 = arith.constant 1 : i32
      %dma_wait3A_825 = arith.constant 0 : i32
      %dma_wait3A_826 = arith.constant 0 : i32
      %dma_wait3A_827 = tpu.memref_slice %arg10[%dma_wait3A_824, %dma_wait3A_825, %dma_wait3A_826] : memref<16x32x128xf32, #tpu.memory_space<vmem>> -> memref<1x32x128xf32, #tpu.memory_space<vmem>>
      %dma_wait3A_828 = tpu.memref_squeeze %dma_wait3A_827 : memref<1x32x128xf32, #tpu.memory_space<vmem>> -> memref<32x128xf32, #tpu.memory_space<vmem>>
      %dma_wait3A_829 = arith.constant 0 : i32
      %dma_wait3A_830 = arith.constant 0 : i32
      %dma_wait3A_831 = tpu.memref_slice %arg4[%dma_wait3A_829, %dma_wait3A_830] : memref<32x1000000xf32, #tpu.memory_space<hbm>> -> memref<32x128xf32, #tpu.memory_space<hbm>>
      %dma_wait3A_832 = arith.constant 0 : i32
      %dma_wait3A_833 = arith.constant 0 : i32
      %dma_wait3A_834 = tpu.memref_slice %arg10[%dma_wait3A_824, %dma_wait3A_832, %dma_wait3A_833] : memref<16x32x128xf32, #tpu.memory_space<vmem>> -> memref<1x32x128xf32, #tpu.memory_space<vmem>>
      %dma_wait3A_835 = tpu.memref_squeeze %dma_wait3A_834 : memref<1x32x128xf32, #tpu.memory_space<vmem>> -> memref<32x128xf32, #tpu.memory_space<vmem>>
      %dma_wait3A_836 = arith.constant 0 : i32
      %dma_wait3A_837 = arith.constant 0 : i32
      %dma_wait3A_838 = tpu.memref_slice %arg4[%dma_wait3A_836, %dma_wait3A_837] : memref<32x1000000xf32, #tpu.memory_space<hbm>> -> memref<32x128xf32, #tpu.memory_space<hbm>>
      tpu.wait_dma2 semaphore(%arg13 : memref<!tpu.dma_semaphore, #tpu.memory_space<semaphore_mem>>) src(%dma_wait3A_838 : memref<32x128xf32, #tpu.memory_space<hbm>>) dst(%dma_wait3A_835 : memref<32x128xf32, #tpu.memory_space<vmem>>)
      %dma_wait3A_839 = arith.constant 2 : i32
      %dma_wait3A_840 = arith.constant 0 : i32
      %dma_wait3A_841 = arith.constant 0 : i32
      %dma_wait3A_842 = tpu.memref_slice %arg10[%dma_wait3A_839, %dma_wait3A_840, %dma_wait3A_841] : memref<16x32x128xf32, #tpu.memory_space<vmem>> -> memref<1x32x128xf32, #tpu.memory_space<vmem>>
      %dma_wait3A_843 = tpu.memref_squeeze %dma_wait3A_842 : memref<1x32x128xf32, #tpu.memory_space<vmem>> -> memref<32x128xf32, #tpu.memory_space<vmem>>
      %dma_wait3A_844 = arith.constant 0 : i32
      %dma_wait3A_845 = arith.constant 0 : i32
      %dma_wait3A_846 = tpu.memref_slice %arg4[%dma_wait3A_844, %dma_wait3A_845] : memref<32x1000000xf32, #tpu.memory_space<hbm>> -> memref<32x128xf32, #tpu.memory_space<hbm>>
      %dma_wait3A_847 = arith.constant 0 : i32
      %dma_wait3A_848 = arith.constant 0 : i32
      %dma_wait3A_849 = tpu.memref_slice %arg10[%dma_wait3A_839, %dma_wait3A_847, %dma_wait3A_848] : memref<16x32x128xf32, #tpu.memory_space<vmem>> -> memref<1x32x128xf32, #tpu.memory_space<vmem>>
      %dma_wait3A_850 = tpu.memref_squeeze %dma_wait3A_849 : memref<1x32x128xf32, #tpu.memory_space<vmem>> -> memref<32x128xf32, #tpu.memory_space<vmem>>
      %dma_wait3A_851 = arith.constant 0 : i32
      %dma_wait3A_852 = arith.constant 0 : i32
      %dma_wait3A_853 = tpu.memref_slice %arg4[%dma_wait3A_851, %dma_wait3A_852] : memref<32x1000000xf32, #tpu.memory_space<hbm>> -> memref<32x128xf32, #tpu.memory_space<hbm>>
      tpu.wait_dma2 semaphore(%arg13 : memref<!tpu.dma_semaphore, #tpu.memory_space<semaphore_mem>>) src(%dma_wait3A_853 : memref<32x128xf32, #tpu.memory_space<hbm>>) dst(%dma_wait3A_850 : memref<32x128xf32, #tpu.memory_space<vmem>>)
      %dma_wait3A_854 = arith.constant 3 : i32
      %dma_wait3A_855 = arith.constant 0 : i32
      %dma_wait3A_856 = arith.constant 0 : i32
      %dma_wait3A_857 = tpu.memref_slice %arg10[%dma_wait3A_854, %dma_wait3A_855, %dma_wait3A_856] : memref<16x32x128xf32, #tpu.memory_space<vmem>> -> memref<1x32x128xf32, #tpu.memory_space<vmem>>
      %dma_wait3A_858 = tpu.memref_squeeze %dma_wait3A_857 : memref<1x32x128xf32, #tpu.memory_space<vmem>> -> memref<32x128xf32, #tpu.memory_space<vmem>>
      %dma_wait3A_859 = arith.constant 0 : i32
      %dma_wait3A_860 = arith.constant 0 : i32
      %dma_wait3A_861 = tpu.memref_slice %arg4[%dma_wait3A_859, %dma_wait3A_860] : memref<32x1000000xf32, #tpu.memory_space<hbm>> -> memref<32x128xf32, #tpu.memory_space<hbm>>
      %dma_wait3A_862 = arith.constant 0 : i32
      %dma_wait3A_863 = arith.constant 0 : i32
      %dma_wait3A_864 = tpu.memref_slice %arg10[%dma_wait3A_854, %dma_wait3A_862, %dma_wait3A_863] : memref<16x32x128xf32, #tpu.memory_space<vmem>> -> memref<1x32x128xf32, #tpu.memory_space<vmem>>
      %dma_wait3A_865 = tpu.memref_squeeze %dma_wait3A_864 : memref<1x32x128xf32, #tpu.memory_space<vmem>> -> memref<32x128xf32, #tpu.memory_space<vmem>>
      %dma_wait3A_866 = arith.constant 0 : i32
      %dma_wait3A_867 = arith.constant 0 : i32
      %dma_wait3A_868 = tpu.memref_slice %arg4[%dma_wait3A_866, %dma_wait3A_867] : memref<32x1000000xf32, #tpu.memory_space<hbm>> -> memref<32x128xf32, #tpu.memory_space<hbm>>
      tpu.wait_dma2 semaphore(%arg13 : memref<!tpu.dma_semaphore, #tpu.memory_space<semaphore_mem>>) src(%dma_wait3A_868 : memref<32x128xf32, #tpu.memory_space<hbm>>) dst(%dma_wait3A_865 : memref<32x128xf32, #tpu.memory_space<vmem>>)
      %dma_wait3A_869 = arith.constant 4 : i32
      %dma_wait3A_870 = arith.constant 0 : i32
      %dma_wait3A_871 = arith.constant 0 : i32
      %dma_wait3A_872 = tpu.memref_slice %arg10[%dma_wait3A_869, %dma_wait3A_870, %dma_wait3A_871] : memref<16x32x128xf32, #tpu.memory_space<vmem>> -> memref<1x32x128xf32, #tpu.memory_space<vmem>>
      %dma_wait3A_873 = tpu.memref_squeeze %dma_wait3A_872 : memref<1x32x128xf32, #tpu.memory_space<vmem>> -> memref<32x128xf32, #tpu.memory_space<vmem>>
      %dma_wait3A_874 = arith.constant 0 : i32
      %dma_wait3A_875 = arith.constant 0 : i32
      %dma_wait3A_876 = tpu.memref_slice %arg4[%dma_wait3A_874, %dma_wait3A_875] : memref<32x1000000xf32, #tpu.memory_space<hbm>> -> memref<32x128xf32, #tpu.memory_space<hbm>>
      %dma_wait3A_877 = arith.constant 0 : i32
      %dma_wait3A_878 = arith.constant 0 : i32
      %dma_wait3A_879 = tpu.memref_slice %arg10[%dma_wait3A_869, %dma_wait3A_877, %dma_wait3A_878] : memref<16x32x128xf32, #tpu.memory_space<vmem>> -> memref<1x32x128xf32, #tpu.memory_space<vmem>>
      %dma_wait3A_880 = tpu.memref_squeeze %dma_wait3A_879 : memref<1x32x128xf32, #tpu.memory_space<vmem>> -> memref<32x128xf32, #tpu.memory_space<vmem>>
      %dma_wait3A_881 = arith.constant 0 : i32
      %dma_wait3A_882 = arith.constant 0 : i32
      %dma_wait3A_883 = tpu.memref_slice %arg4[%dma_wait3A_881, %dma_wait3A_882] : memref<32x1000000xf32, #tpu.memory_space<hbm>> -> memref<32x128xf32, #tpu.memory_space<hbm>>
      tpu.wait_dma2 semaphore(%arg13 : memref<!tpu.dma_semaphore, #tpu.memory_space<semaphore_mem>>) src(%dma_wait3A_883 : memref<32x128xf32, #tpu.memory_space<hbm>>) dst(%dma_wait3A_880 : memref<32x128xf32, #tpu.memory_space<vmem>>)
      %dma_wait3A_884 = arith.constant 5 : i32
      %dma_wait3A_885 = arith.constant 0 : i32
      %dma_wait3A_886 = arith.constant 0 : i32
      %dma_wait3A_887 = tpu.memref_slice %arg10[%dma_wait3A_884, %dma_wait3A_885, %dma_wait3A_886] : memref<16x32x128xf32, #tpu.memory_space<vmem>> -> memref<1x32x128xf32, #tpu.memory_space<vmem>>
      %dma_wait3A_888 = tpu.memref_squeeze %dma_wait3A_887 : memref<1x32x128xf32, #tpu.memory_space<vmem>> -> memref<32x128xf32, #tpu.memory_space<vmem>>
      %dma_wait3A_889 = arith.constant 0 : i32
      %dma_wait3A_890 = arith.constant 0 : i32
      %dma_wait3A_891 = tpu.memref_slice %arg4[%dma_wait3A_889, %dma_wait3A_890] : memref<32x1000000xf32, #tpu.memory_space<hbm>> -> memref<32x128xf32, #tpu.memory_space<hbm>>
      %dma_wait3A_892 = arith.constant 0 : i32
      %dma_wait3A_893 = arith.constant 0 : i32
      %dma_wait3A_894 = tpu.memref_slice %arg10[%dma_wait3A_884, %dma_wait3A_892, %dma_wait3A_893] : memref<16x32x128xf32, #tpu.memory_space<vmem>> -> memref<1x32x128xf32, #tpu.memory_space<vmem>>
      %dma_wait3A_895 = tpu.memref_squeeze %dma_wait3A_894 : memref<1x32x128xf32, #tpu.memory_space<vmem>> -> memref<32x128xf32, #tpu.memory_space<vmem>>
      %dma_wait3A_896 = arith.constant 0 : i32
      %dma_wait3A_897 = arith.constant 0 : i32
      %dma_wait3A_898 = tpu.memref_slice %arg4[%dma_wait3A_896, %dma_wait3A_897] : memref<32x1000000xf32, #tpu.memory_space<hbm>> -> memref<32x128xf32, #tpu.memory_space<hbm>>
      tpu.wait_dma2 semaphore(%arg13 : memref<!tpu.dma_semaphore, #tpu.memory_space<semaphore_mem>>) src(%dma_wait3A_898 : memref<32x128xf32, #tpu.memory_space<hbm>>) dst(%dma_wait3A_895 : memref<32x128xf32, #tpu.memory_space<vmem>>)
      %dma_wait3A_899 = arith.constant 6 : i32
      %dma_wait3A_900 = arith.constant 0 : i32
      %dma_wait3A_901 = arith.constant 0 : i32
      %dma_wait3A_902 = tpu.memref_slice %arg10[%dma_wait3A_899, %dma_wait3A_900, %dma_wait3A_901] : memref<16x32x128xf32, #tpu.memory_space<vmem>> -> memref<1x32x128xf32, #tpu.memory_space<vmem>>
      %dma_wait3A_903 = tpu.memref_squeeze %dma_wait3A_902 : memref<1x32x128xf32, #tpu.memory_space<vmem>> -> memref<32x128xf32, #tpu.memory_space<vmem>>
      %dma_wait3A_904 = arith.constant 0 : i32
      %dma_wait3A_905 = arith.constant 0 : i32
      %dma_wait3A_906 = tpu.memref_slice %arg4[%dma_wait3A_904, %dma_wait3A_905] : memref<32x1000000xf32, #tpu.memory_space<hbm>> -> memref<32x128xf32, #tpu.memory_space<hbm>>
      %dma_wait3A_907 = arith.constant 0 : i32
      %dma_wait3A_908 = arith.constant 0 : i32
      %dma_wait3A_909 = tpu.memref_slice %arg10[%dma_wait3A_899, %dma_wait3A_907, %dma_wait3A_908] : memref<16x32x128xf32, #tpu.memory_space<vmem>> -> memref<1x32x128xf32, #tpu.memory_space<vmem>>
      %dma_wait3A_910 = tpu.memref_squeeze %dma_wait3A_909 : memref<1x32x128xf32, #tpu.memory_space<vmem>> -> memref<32x128xf32, #tpu.memory_space<vmem>>
      %dma_wait3A_911 = arith.constant 0 : i32
      %dma_wait3A_912 = arith.constant 0 : i32
      %dma_wait3A_913 = tpu.memref_slice %arg4[%dma_wait3A_911, %dma_wait3A_912] : memref<32x1000000xf32, #tpu.memory_space<hbm>> -> memref<32x128xf32, #tpu.memory_space<hbm>>
      tpu.wait_dma2 semaphore(%arg13 : memref<!tpu.dma_semaphore, #tpu.memory_space<semaphore_mem>>) src(%dma_wait3A_913 : memref<32x128xf32, #tpu.memory_space<hbm>>) dst(%dma_wait3A_910 : memref<32x128xf32, #tpu.memory_space<vmem>>)
      %dma_wait3A_914 = arith.constant 7 : i32
      %dma_wait3A_915 = arith.constant 0 : i32
      %dma_wait3A_916 = arith.constant 0 : i32
      %dma_wait3A_917 = tpu.memref_slice %arg10[%dma_wait3A_914, %dma_wait3A_915, %dma_wait3A_916] : memref<16x32x128xf32, #tpu.memory_space<vmem>> -> memref<1x32x128xf32, #tpu.memory_space<vmem>>
      %dma_wait3A_918 = tpu.memref_squeeze %dma_wait3A_917 : memref<1x32x128xf32, #tpu.memory_space<vmem>> -> memref<32x128xf32, #tpu.memory_space<vmem>>
      %dma_wait3A_919 = arith.constant 0 : i32
      %dma_wait3A_920 = arith.constant 0 : i32
      %dma_wait3A_921 = tpu.memref_slice %arg4[%dma_wait3A_919, %dma_wait3A_920] : memref<32x1000000xf32, #tpu.memory_space<hbm>> -> memref<32x128xf32, #tpu.memory_space<hbm>>
      %dma_wait3A_922 = arith.constant 0 : i32
      %dma_wait3A_923 = arith.constant 0 : i32
      %dma_wait3A_924 = tpu.memref_slice %arg10[%dma_wait3A_914, %dma_wait3A_922, %dma_wait3A_923] : memref<16x32x128xf32, #tpu.memory_space<vmem>> -> memref<1x32x128xf32, #tpu.memory_space<vmem>>
      %dma_wait3A_925 = tpu.memref_squeeze %dma_wait3A_924 : memref<1x32x128xf32, #tpu.memory_space<vmem>> -> memref<32x128xf32, #tpu.memory_space<vmem>>
      %dma_wait3A_926 = arith.constant 0 : i32
      %dma_wait3A_927 = arith.constant 0 : i32
      %dma_wait3A_928 = tpu.memref_slice %arg4[%dma_wait3A_926, %dma_wait3A_927] : memref<32x1000000xf32, #tpu.memory_space<hbm>> -> memref<32x128xf32, #tpu.memory_space<hbm>>
      tpu.wait_dma2 semaphore(%arg13 : memref<!tpu.dma_semaphore, #tpu.memory_space<semaphore_mem>>) src(%dma_wait3A_928 : memref<32x128xf32, #tpu.memory_space<hbm>>) dst(%dma_wait3A_925 : memref<32x128xf32, #tpu.memory_space<vmem>>)
      %dma_wait3A_929 = arith.constant 8 : i32
      %dma_wait3A_930 = arith.constant 0 : i32
      %dma_wait3A_931 = arith.constant 0 : i32
      %dma_wait3A_932 = tpu.memref_slice %arg10[%dma_wait3A_929, %dma_wait3A_930, %dma_wait3A_931] : memref<16x32x128xf32, #tpu.memory_space<vmem>> -> memref<1x32x128xf32, #tpu.memory_space<vmem>>
      %dma_wait3A_933 = tpu.memref_squeeze %dma_wait3A_932 : memref<1x32x128xf32, #tpu.memory_space<vmem>> -> memref<32x128xf32, #tpu.memory_space<vmem>>
      %dma_wait3A_934 = arith.constant 0 : i32
      %dma_wait3A_935 = arith.constant 0 : i32
      %dma_wait3A_936 = tpu.memref_slice %arg4[%dma_wait3A_934, %dma_wait3A_935] : memref<32x1000000xf32, #tpu.memory_space<hbm>> -> memref<32x128xf32, #tpu.memory_space<hbm>>
      %dma_wait3A_937 = arith.constant 0 : i32
      %dma_wait3A_938 = arith.constant 0 : i32
      %dma_wait3A_939 = tpu.memref_slice %arg10[%dma_wait3A_929, %dma_wait3A_937, %dma_wait3A_938] : memref<16x32x128xf32, #tpu.memory_space<vmem>> -> memref<1x32x128xf32, #tpu.memory_space<vmem>>
      %dma_wait3A_940 = tpu.memref_squeeze %dma_wait3A_939 : memref<1x32x128xf32, #tpu.memory_space<vmem>> -> memref<32x128xf32, #tpu.memory_space<vmem>>
      %dma_wait3A_941 = arith.constant 0 : i32
      %dma_wait3A_942 = arith.constant 0 : i32
      %dma_wait3A_943 = tpu.memref_slice %arg4[%dma_wait3A_941, %dma_wait3A_942] : memref<32x1000000xf32, #tpu.memory_space<hbm>> -> memref<32x128xf32, #tpu.memory_space<hbm>>
      tpu.wait_dma2 semaphore(%arg13 : memref<!tpu.dma_semaphore, #tpu.memory_space<semaphore_mem>>) src(%dma_wait3A_943 : memref<32x128xf32, #tpu.memory_space<hbm>>) dst(%dma_wait3A_940 : memref<32x128xf32, #tpu.memory_space<vmem>>)
      %dma_wait3A_944 = arith.constant 9 : i32
      %dma_wait3A_945 = arith.constant 0 : i32
      %dma_wait3A_946 = arith.constant 0 : i32
      %dma_wait3A_947 = tpu.memref_slice %arg10[%dma_wait3A_944, %dma_wait3A_945, %dma_wait3A_946] : memref<16x32x128xf32, #tpu.memory_space<vmem>> -> memref<1x32x128xf32, #tpu.memory_space<vmem>>
      %dma_wait3A_948 = tpu.memref_squeeze %dma_wait3A_947 : memref<1x32x128xf32, #tpu.memory_space<vmem>> -> memref<32x128xf32, #tpu.memory_space<vmem>>
      %dma_wait3A_949 = arith.constant 0 : i32
      %dma_wait3A_950 = arith.constant 0 : i32
      %dma_wait3A_951 = tpu.memref_slice %arg4[%dma_wait3A_949, %dma_wait3A_950] : memref<32x1000000xf32, #tpu.memory_space<hbm>> -> memref<32x128xf32, #tpu.memory_space<hbm>>
      %dma_wait3A_952 = arith.constant 0 : i32
      %dma_wait3A_953 = arith.constant 0 : i32
      %dma_wait3A_954 = tpu.memref_slice %arg10[%dma_wait3A_944, %dma_wait3A_952, %dma_wait3A_953] : memref<16x32x128xf32, #tpu.memory_space<vmem>> -> memref<1x32x128xf32, #tpu.memory_space<vmem>>
      %dma_wait3A_955 = tpu.memref_squeeze %dma_wait3A_954 : memref<1x32x128xf32, #tpu.memory_space<vmem>> -> memref<32x128xf32, #tpu.memory_space<vmem>>
      %dma_wait3A_956 = arith.constant 0 : i32
      %dma_wait3A_957 = arith.constant 0 : i32
      %dma_wait3A_958 = tpu.memref_slice %arg4[%dma_wait3A_956, %dma_wait3A_957] : memref<32x1000000xf32, #tpu.memory_space<hbm>> -> memref<32x128xf32, #tpu.memory_space<hbm>>
      tpu.wait_dma2 semaphore(%arg13 : memref<!tpu.dma_semaphore, #tpu.memory_space<semaphore_mem>>) src(%dma_wait3A_958 : memref<32x128xf32, #tpu.memory_space<hbm>>) dst(%dma_wait3A_955 : memref<32x128xf32, #tpu.memory_space<vmem>>)
      %dma_wait3A_959 = arith.constant 10 : i32
      %dma_wait3A_960 = arith.constant 0 : i32
      %dma_wait3A_961 = arith.constant 0 : i32
      %dma_wait3A_962 = tpu.memref_slice %arg10[%dma_wait3A_959, %dma_wait3A_960, %dma_wait3A_961] : memref<16x32x128xf32, #tpu.memory_space<vmem>> -> memref<1x32x128xf32, #tpu.memory_space<vmem>>
      %dma_wait3A_963 = tpu.memref_squeeze %dma_wait3A_962 : memref<1x32x128xf32, #tpu.memory_space<vmem>> -> memref<32x128xf32, #tpu.memory_space<vmem>>
      %dma_wait3A_964 = arith.constant 0 : i32
      %dma_wait3A_965 = arith.constant 0 : i32
      %dma_wait3A_966 = tpu.memref_slice %arg4[%dma_wait3A_964, %dma_wait3A_965] : memref<32x1000000xf32, #tpu.memory_space<hbm>> -> memref<32x128xf32, #tpu.memory_space<hbm>>
      %dma_wait3A_967 = arith.constant 0 : i32
      %dma_wait3A_968 = arith.constant 0 : i32
      %dma_wait3A_969 = tpu.memref_slice %arg10[%dma_wait3A_959, %dma_wait3A_967, %dma_wait3A_968] : memref<16x32x128xf32, #tpu.memory_space<vmem>> -> memref<1x32x128xf32, #tpu.memory_space<vmem>>
      %dma_wait3A_970 = tpu.memref_squeeze %dma_wait3A_969 : memref<1x32x128xf32, #tpu.memory_space<vmem>> -> memref<32x128xf32, #tpu.memory_space<vmem>>
      %dma_wait3A_971 = arith.constant 0 : i32
      %dma_wait3A_972 = arith.constant 0 : i32
      %dma_wait3A_973 = tpu.memref_slice %arg4[%dma_wait3A_971, %dma_wait3A_972] : memref<32x1000000xf32, #tpu.memory_space<hbm>> -> memref<32x128xf32, #tpu.memory_space<hbm>>
      tpu.wait_dma2 semaphore(%arg13 : memref<!tpu.dma_semaphore, #tpu.memory_space<semaphore_mem>>) src(%dma_wait3A_973 : memref<32x128xf32, #tpu.memory_space<hbm>>) dst(%dma_wait3A_970 : memref<32x128xf32, #tpu.memory_space<vmem>>)
      %dma_wait3A_974 = arith.constant 11 : i32
      %dma_wait3A_975 = arith.constant 0 : i32
      %dma_wait3A_976 = arith.constant 0 : i32
      %dma_wait3A_977 = tpu.memref_slice %arg10[%dma_wait3A_974, %dma_wait3A_975, %dma_wait3A_976] : memref<16x32x128xf32, #tpu.memory_space<vmem>> -> memref<1x32x128xf32, #tpu.memory_space<vmem>>
      %dma_wait3A_978 = tpu.memref_squeeze %dma_wait3A_977 : memref<1x32x128xf32, #tpu.memory_space<vmem>> -> memref<32x128xf32, #tpu.memory_space<vmem>>
      %dma_wait3A_979 = arith.constant 0 : i32
      %dma_wait3A_980 = arith.constant 0 : i32
      %dma_wait3A_981 = tpu.memref_slice %arg4[%dma_wait3A_979, %dma_wait3A_980] : memref<32x1000000xf32, #tpu.memory_space<hbm>> -> memref<32x128xf32, #tpu.memory_space<hbm>>
      %dma_wait3A_982 = arith.constant 0 : i32
      %dma_wait3A_983 = arith.constant 0 : i32
      %dma_wait3A_984 = tpu.memref_slice %arg10[%dma_wait3A_974, %dma_wait3A_982, %dma_wait3A_983] : memref<16x32x128xf32, #tpu.memory_space<vmem>> -> memref<1x32x128xf32, #tpu.memory_space<vmem>>
      %dma_wait3A_985 = tpu.memref_squeeze %dma_wait3A_984 : memref<1x32x128xf32, #tpu.memory_space<vmem>> -> memref<32x128xf32, #tpu.memory_space<vmem>>
      %dma_wait3A_986 = arith.constant 0 : i32
      %dma_wait3A_987 = arith.constant 0 : i32
      %dma_wait3A_988 = tpu.memref_slice %arg4[%dma_wait3A_986, %dma_wait3A_987] : memref<32x1000000xf32, #tpu.memory_space<hbm>> -> memref<32x128xf32, #tpu.memory_space<hbm>>
      tpu.wait_dma2 semaphore(%arg13 : memref<!tpu.dma_semaphore, #tpu.memory_space<semaphore_mem>>) src(%dma_wait3A_988 : memref<32x128xf32, #tpu.memory_space<hbm>>) dst(%dma_wait3A_985 : memref<32x128xf32, #tpu.memory_space<vmem>>)
      %dma_wait3A_989 = arith.constant 12 : i32
      %dma_wait3A_990 = arith.constant 0 : i32
      %dma_wait3A_991 = arith.constant 0 : i32
      %dma_wait3A_992 = tpu.memref_slice %arg10[%dma_wait3A_989, %dma_wait3A_990, %dma_wait3A_991] : memref<16x32x128xf32, #tpu.memory_space<vmem>> -> memref<1x32x128xf32, #tpu.memory_space<vmem>>
      %dma_wait3A_993 = tpu.memref_squeeze %dma_wait3A_992 : memref<1x32x128xf32, #tpu.memory_space<vmem>> -> memref<32x128xf32, #tpu.memory_space<vmem>>
      %dma_wait3A_994 = arith.constant 0 : i32
      %dma_wait3A_995 = arith.constant 0 : i32
      %dma_wait3A_996 = tpu.memref_slice %arg4[%dma_wait3A_994, %dma_wait3A_995] : memref<32x1000000xf32, #tpu.memory_space<hbm>> -> memref<32x128xf32, #tpu.memory_space<hbm>>
      %dma_wait3A_997 = arith.constant 0 : i32
      %dma_wait3A_998 = arith.constant 0 : i32
      %dma_wait3A_999 = tpu.memref_slice %arg10[%dma_wait3A_989, %dma_wait3A_997, %dma_wait3A_998] : memref<16x32x128xf32, #tpu.memory_space<vmem>> -> memref<1x32x128xf32, #tpu.memory_space<vmem>>
      %dma_wait3A_1000 = tpu.memref_squeeze %dma_wait3A_999 : memref<1x32x128xf32, #tpu.memory_space<vmem>> -> memref<32x128xf32, #tpu.memory_space<vmem>>
      %dma_wait3A_1001 = arith.constant 0 : i32
      %dma_wait3A_1002 = arith.constant 0 : i32
      %dma_wait3A_1003 = tpu.memref_slice %arg4[%dma_wait3A_1001, %dma_wait3A_1002] : memref<32x1000000xf32, #tpu.memory_space<hbm>> -> memref<32x128xf32, #tpu.memory_space<hbm>>
      tpu.wait_dma2 semaphore(%arg13 : memref<!tpu.dma_semaphore, #tpu.memory_space<semaphore_mem>>) src(%dma_wait3A_1003 : memref<32x128xf32, #tpu.memory_space<hbm>>) dst(%dma_wait3A_1000 : memref<32x128xf32, #tpu.memory_space<vmem>>)
      %dma_wait3A_1004 = arith.constant 13 : i32
      %dma_wait3A_1005 = arith.constant 0 : i32
      %dma_wait3A_1006 = arith.constant 0 : i32
      %dma_wait3A_1007 = tpu.memref_slice %arg10[%dma_wait3A_1004, %dma_wait3A_1005, %dma_wait3A_1006] : memref<16x32x128xf32, #tpu.memory_space<vmem>> -> memref<1x32x128xf32, #tpu.memory_space<vmem>>
      %dma_wait3A_1008 = tpu.memref_squeeze %dma_wait3A_1007 : memref<1x32x128xf32, #tpu.memory_space<vmem>> -> memref<32x128xf32, #tpu.memory_space<vmem>>
      %dma_wait3A_1009 = arith.constant 0 : i32
      %dma_wait3A_1010 = arith.constant 0 : i32
      %dma_wait3A_1011 = tpu.memref_slice %arg4[%dma_wait3A_1009, %dma_wait3A_1010] : memref<32x1000000xf32, #tpu.memory_space<hbm>> -> memref<32x128xf32, #tpu.memory_space<hbm>>
      %dma_wait3A_1012 = arith.constant 0 : i32
      %dma_wait3A_1013 = arith.constant 0 : i32
      %dma_wait3A_1014 = tpu.memref_slice %arg10[%dma_wait3A_1004, %dma_wait3A_1012, %dma_wait3A_1013] : memref<16x32x128xf32, #tpu.memory_space<vmem>> -> memref<1x32x128xf32, #tpu.memory_space<vmem>>
      %dma_wait3A_1015 = tpu.memref_squeeze %dma_wait3A_1014 : memref<1x32x128xf32, #tpu.memory_space<vmem>> -> memref<32x128xf32, #tpu.memory_space<vmem>>
      %dma_wait3A_1016 = arith.constant 0 : i32
      %dma_wait3A_1017 = arith.constant 0 : i32
      %dma_wait3A_1018 = tpu.memref_slice %arg4[%dma_wait3A_1016, %dma_wait3A_1017] : memref<32x1000000xf32, #tpu.memory_space<hbm>> -> memref<32x128xf32, #tpu.memory_space<hbm>>
      tpu.wait_dma2 semaphore(%arg13 : memref<!tpu.dma_semaphore, #tpu.memory_space<semaphore_mem>>) src(%dma_wait3A_1018 : memref<32x128xf32, #tpu.memory_space<hbm>>) dst(%dma_wait3A_1015 : memref<32x128xf32, #tpu.memory_space<vmem>>)
      %dma_wait3A_1019 = arith.constant 14 : i32
      %dma_wait3A_1020 = arith.constant 0 : i32
      %dma_wait3A_1021 = arith.constant 0 : i32
      %dma_wait3A_1022 = tpu.memref_slice %arg10[%dma_wait3A_1019, %dma_wait3A_1020, %dma_wait3A_1021] : memref<16x32x128xf32, #tpu.memory_space<vmem>> -> memref<1x32x128xf32, #tpu.memory_space<vmem>>
      %dma_wait3A_1023 = tpu.memref_squeeze %dma_wait3A_1022 : memref<1x32x128xf32, #tpu.memory_space<vmem>> -> memref<32x128xf32, #tpu.memory_space<vmem>>
      %dma_wait3A_1024 = arith.constant 0 : i32
      %dma_wait3A_1025 = arith.constant 0 : i32
      %dma_wait3A_1026 = tpu.memref_slice %arg4[%dma_wait3A_1024, %dma_wait3A_1025] : memref<32x1000000xf32, #tpu.memory_space<hbm>> -> memref<32x128xf32, #tpu.memory_space<hbm>>
      %dma_wait3A_1027 = arith.constant 0 : i32
      %dma_wait3A_1028 = arith.constant 0 : i32
      %dma_wait3A_1029 = tpu.memref_slice %arg10[%dma_wait3A_1019, %dma_wait3A_1027, %dma_wait3A_1028] : memref<16x32x128xf32, #tpu.memory_space<vmem>> -> memref<1x32x128xf32, #tpu.memory_space<vmem>>
      %dma_wait3A_1030 = tpu.memref_squeeze %dma_wait3A_1029 : memref<1x32x128xf32, #tpu.memory_space<vmem>> -> memref<32x128xf32, #tpu.memory_space<vmem>>
      %dma_wait3A_1031 = arith.constant 0 : i32
      %dma_wait3A_1032 = arith.constant 0 : i32
      %dma_wait3A_1033 = tpu.memref_slice %arg4[%dma_wait3A_1031, %dma_wait3A_1032] : memref<32x1000000xf32, #tpu.memory_space<hbm>> -> memref<32x128xf32, #tpu.memory_space<hbm>>
      tpu.wait_dma2 semaphore(%arg13 : memref<!tpu.dma_semaphore, #tpu.memory_space<semaphore_mem>>) src(%dma_wait3A_1033 : memref<32x128xf32, #tpu.memory_space<hbm>>) dst(%dma_wait3A_1030 : memref<32x128xf32, #tpu.memory_space<vmem>>)
      %dma_wait3A_1034 = arith.constant 15 : i32
      %dma_wait3A_1035 = arith.constant 0 : i32
      %dma_wait3A_1036 = arith.constant 0 : i32
      %dma_wait3A_1037 = tpu.memref_slice %arg10[%dma_wait3A_1034, %dma_wait3A_1035, %dma_wait3A_1036] : memref<16x32x128xf32, #tpu.memory_space<vmem>> -> memref<1x32x128xf32, #tpu.memory_space<vmem>>
      %dma_wait3A_1038 = tpu.memref_squeeze %dma_wait3A_1037 : memref<1x32x128xf32, #tpu.memory_space<vmem>> -> memref<32x128xf32, #tpu.memory_space<vmem>>
      %dma_wait3A_1039 = arith.constant 0 : i32
      %dma_wait3A_1040 = arith.constant 0 : i32
      %dma_wait3A_1041 = tpu.memref_slice %arg4[%dma_wait3A_1039, %dma_wait3A_1040] : memref<32x1000000xf32, #tpu.memory_space<hbm>> -> memref<32x128xf32, #tpu.memory_space<hbm>>
      %dma_wait3A_1042 = arith.constant 0 : i32
      %dma_wait3A_1043 = arith.constant 0 : i32
      %dma_wait3A_1044 = tpu.memref_slice %arg10[%dma_wait3A_1034, %dma_wait3A_1042, %dma_wait3A_1043] : memref<16x32x128xf32, #tpu.memory_space<vmem>> -> memref<1x32x128xf32, #tpu.memory_space<vmem>>
      %dma_wait3A_1045 = tpu.memref_squeeze %dma_wait3A_1044 : memref<1x32x128xf32, #tpu.memory_space<vmem>> -> memref<32x128xf32, #tpu.memory_space<vmem>>
      %dma_wait3A_1046 = arith.constant 0 : i32
      %dma_wait3A_1047 = arith.constant 0 : i32
      %dma_wait3A_1048 = tpu.memref_slice %arg4[%dma_wait3A_1046, %dma_wait3A_1047] : memref<32x1000000xf32, #tpu.memory_space<hbm>> -> memref<32x128xf32, #tpu.memory_space<hbm>>
      tpu.wait_dma2 semaphore(%arg13 : memref<!tpu.dma_semaphore, #tpu.memory_space<semaphore_mem>>) src(%dma_wait3A_1048 : memref<32x128xf32, #tpu.memory_space<hbm>>) dst(%dma_wait3A_1045 : memref<32x128xf32, #tpu.memory_space<vmem>>)
      %jit3A_1049 = arith.constant 128 : i32
      %eq3A_1050 = arith.constant 0 : i32
      %eq3A_1051 = arith.cmpi eq, %jit3A_1049, %eq3A_1050 : i32
      %jit3A_1052 = arith.constant 1 : i32
      %select_n3A_1053 = arith.select %eq3A_1051, %jit3A_1052, %jit3A_1049 : i32
      %rem3A_1054 = arith.remsi %reduce_sum3A_26, %select_n3A_1053 : i32
      %ne3A_1055 = arith.constant 0 : i32
      %ne3A_1056 = arith.cmpi ne, %rem3A_1054, %ne3A_1055 : i32
      %lt3A = arith.constant 0 : i32
      %lt3A_1057 = arith.cmpi slt, %rem3A_1054, %lt3A : i32
      %lt3A_1058 = arith.constant 0 : i32
      %lt3A_1059 = arith.cmpi slt, %select_n3A_1053, %lt3A_1058 : i32
      %ne3A_1060 = arith.xori %lt3A_1057, %lt3A_1059 : i1
      %and3A_1061 = arith.andi %ne3A_1060, %ne3A_1056 : i1
      %add3A_1062 = arith.addi %rem3A_1054, %select_n3A_1053 : i32
      %select_n3A_1063 = arith.select %and3A_1061, %add3A_1062, %rem3A_1054 : i32
      %broadcast_in_dim3A_1064 = vector.broadcast %select_n3A_1063 : i32 to vector<16xi32>
      %gather3A = arith.constant 0 : i32
      %gather3A_1065 = arith.constant 0 : i32
      %gather3A_1066 = arith.constant 0 : i32
      %gather3A_1067 = tpu.memref_slice %arg10[%gather3A, %gather3A_1065, %gather3A_1066] : memref<16x32x128xf32, #tpu.memory_space<vmem>> -> memref<1x32x128xf32, #tpu.memory_space<vmem>>
      %gather3A_1068 = tpu.memref_squeeze %gather3A_1067 : memref<1x32x128xf32, #tpu.memory_space<vmem>> -> memref<32x128xf32, #tpu.memory_space<vmem>>
      %gather3A_1069 = tpu.vector_load_idx %gather3A_1068[%iota3A, %broadcast_in_dim3A_1064] : memref<32x128xf32, #tpu.memory_space<vmem>>[vector<16xi32>, vector<16xi32>], vector<16xf32>,
      %add3A_1070 = arith.constant 16 : i32
      %add3A_1071 = vector.broadcast %add3A_1070 : i32 to vector<16xi32>
      %add3A_1072 = arith.addi %iota3A, %add3A_1071 : vector<16xi32>
      %gather3A_1073 = arith.constant 0 : i32
      %gather3A_1074 = arith.constant 0 : i32
      %gather3A_1075 = arith.constant 0 : i32
      %gather3A_1076 = tpu.memref_slice %arg10[%gather3A_1073, %gather3A_1074, %gather3A_1075] : memref<16x32x128xf32, #tpu.memory_space<vmem>> -> memref<1x32x128xf32, #tpu.memory_space<vmem>>
      %gather3A_1077 = tpu.memref_squeeze %gather3A_1076 : memref<1x32x128xf32, #tpu.memory_space<vmem>> -> memref<32x128xf32, #tpu.memory_space<vmem>>
      %gather3A_1078 = tpu.vector_load_idx %gather3A_1077[%add3A_1072, %broadcast_in_dim3A_1064] : memref<32x128xf32, #tpu.memory_space<vmem>>[vector<16xi32>, vector<16xi32>], vector<16xf32>,
      %add3A_1079 = arith.constant 0 : i32
      %add3A_1080 = arith.addi %multiple_of3A_20, %add3A_1079 : i32
      %broadcast_in_dim3A_1081 = vector.broadcast %add3A_1080 : i32 to vector<16xi32>
      tpu.vector_store_idx %arg11[%iota3A, %broadcast_in_dim3A_1081], %gather3A_1069 : memref<32x512xf32, #tpu.memory_space<vmem>>[vector<16xi32>, vector<16xi32>], vector<16xf32>,
      %add3A_1082 = arith.constant 16 : i32
      %add3A_1083 = vector.broadcast %add3A_1082 : i32 to vector<16xi32>
      %add3A_1084 = arith.addi %iota3A, %add3A_1083 : vector<16xi32>
      tpu.vector_store_idx %arg11[%add3A_1084, %broadcast_in_dim3A_1081], %gather3A_1078 : memref<32x512xf32, #tpu.memory_space<vmem>>[vector<16xi32>, vector<16xi32>], vector<16xf32>,
      %jit3A_1085 = arith.constant 128 : i32
      %eq3A_1086 = arith.constant 0 : i32
      %eq3A_1087 = arith.cmpi eq, %jit3A_1085, %eq3A_1086 : i32
      %jit3A_1088 = arith.constant 1 : i32
      %select_n3A_1089 = arith.select %eq3A_1087, %jit3A_1088, %jit3A_1085 : i32
      %rem3A_1090 = arith.remsi %reduce_sum3A_69, %select_n3A_1089 : i32
      %ne3A_1091 = arith.constant 0 : i32
      %ne3A_1092 = arith.cmpi ne, %rem3A_1090, %ne3A_1091 : i32
      %lt3A_1093 = arith.constant 0 : i32
      %lt3A_1094 = arith.cmpi slt, %rem3A_1090, %lt3A_1093 : i32
      %lt3A_1095 = arith.constant 0 : i32
      %lt3A_1096 = arith.cmpi slt, %select_n3A_1089, %lt3A_1095 : i32
      %ne3A_1097 = arith.xori %lt3A_1094, %lt3A_1096 : i1
      %and3A_1098 = arith.andi %ne3A_1097, %ne3A_1092 : i1
      %add3A_1099 = arith.addi %rem3A_1090, %select_n3A_1089 : i32
      %select_n3A_1100 = arith.select %and3A_1098, %add3A_1099, %rem3A_1090 : i32
      %broadcast_in_dim3A_1101 = vector.broadcast %select_n3A_1100 : i32 to vector<16xi32>
      %gather3A_1102 = arith.constant 1 : i32
      %gather3A_1103 = arith.constant 0 : i32
      %gather3A_1104 = arith.constant 0 : i32
      %gather3A_1105 = tpu.memref_slice %arg10[%gather3A_1102, %gather3A_1103, %gather3A_1104] : memref<16x32x128xf32, #tpu.memory_space<vmem>> -> memref<1x32x128xf32, #tpu.memory_space<vmem>>
      %gather3A_1106 = tpu.memref_squeeze %gather3A_1105 : memref<1x32x128xf32, #tpu.memory_space<vmem>> -> memref<32x128xf32, #tpu.memory_space<vmem>>
      %gather3A_1107 = tpu.vector_load_idx %gather3A_1106[%iota3A, %broadcast_in_dim3A_1101] : memref<32x128xf32, #tpu.memory_space<vmem>>[vector<16xi32>, vector<16xi32>], vector<16xf32>,
      %add3A_1108 = arith.constant 16 : i32
      %add3A_1109 = vector.broadcast %add3A_1108 : i32 to vector<16xi32>
      %add3A_1110 = arith.addi %iota3A, %add3A_1109 : vector<16xi32>
      %gather3A_1111 = arith.constant 1 : i32
      %gather3A_1112 = arith.constant 0 : i32
      %gather3A_1113 = arith.constant 0 : i32
      %gather3A_1114 = tpu.memref_slice %arg10[%gather3A_1111, %gather3A_1112, %gather3A_1113] : memref<16x32x128xf32, #tpu.memory_space<vmem>> -> memref<1x32x128xf32, #tpu.memory_space<vmem>>
      %gather3A_1115 = tpu.memref_squeeze %gather3A_1114 : memref<1x32x128xf32, #tpu.memory_space<vmem>> -> memref<32x128xf32, #tpu.memory_space<vmem>>
      %gather3A_1116 = tpu.vector_load_idx %gather3A_1115[%add3A_1110, %broadcast_in_dim3A_1101] : memref<32x128xf32, #tpu.memory_space<vmem>>[vector<16xi32>, vector<16xi32>], vector<16xf32>,
      %add3A_1117 = arith.constant 1 : i32
      %add3A_1118 = arith.addi %multiple_of3A_20, %add3A_1117 : i32
      %broadcast_in_dim3A_1119 = vector.broadcast %add3A_1118 : i32 to vector<16xi32>
      tpu.vector_store_idx %arg11[%iota3A, %broadcast_in_dim3A_1119], %gather3A_1107 : memref<32x512xf32, #tpu.memory_space<vmem>>[vector<16xi32>, vector<16xi32>], vector<16xf32>,
      %add3A_1120 = arith.constant 16 : i32
      %add3A_1121 = vector.broadcast %add3A_1120 : i32 to vector<16xi32>
      %add3A_1122 = arith.addi %iota3A, %add3A_1121 : vector<16xi32>
      tpu.vector_store_idx %arg11[%add3A_1122, %broadcast_in_dim3A_1119], %gather3A_1116 : memref<32x512xf32, #tpu.memory_space<vmem>>[vector<16xi32>, vector<16xi32>], vector<16xf32>,
      %jit3A_1123 = arith.constant 128 : i32
      %eq3A_1124 = arith.constant 0 : i32
      %eq3A_1125 = arith.cmpi eq, %jit3A_1123, %eq3A_1124 : i32
      %jit3A_1126 = arith.constant 1 : i32
      %select_n3A_1127 = arith.select %eq3A_1125, %jit3A_1126, %jit3A_1123 : i32
      %rem3A_1128 = arith.remsi %reduce_sum3A_119, %select_n3A_1127 : i32
      %ne3A_1129 = arith.constant 0 : i32
      %ne3A_1130 = arith.cmpi ne, %rem3A_1128, %ne3A_1129 : i32
      %lt3A_1131 = arith.constant 0 : i32
      %lt3A_1132 = arith.cmpi slt, %rem3A_1128, %lt3A_1131 : i32
      %lt3A_1133 = arith.constant 0 : i32
      %lt3A_1134 = arith.cmpi slt, %select_n3A_1127, %lt3A_1133 : i32
      %ne3A_1135 = arith.xori %lt3A_1132, %lt3A_1134 : i1
      %and3A_1136 = arith.andi %ne3A_1135, %ne3A_1130 : i1
      %add3A_1137 = arith.addi %rem3A_1128, %select_n3A_1127 : i32
      %select_n3A_1138 = arith.select %and3A_1136, %add3A_1137, %rem3A_1128 : i32
      %broadcast_in_dim3A_1139 = vector.broadcast %select_n3A_1138 : i32 to vector<16xi32>
      %gather3A_1140 = arith.constant 2 : i32
      %gather3A_1141 = arith.constant 0 : i32
      %gather3A_1142 = arith.constant 0 : i32
      %gather3A_1143 = tpu.memref_slice %arg10[%gather3A_1140, %gather3A_1141, %gather3A_1142] : memref<16x32x128xf32, #tpu.memory_space<vmem>> -> memref<1x32x128xf32, #tpu.memory_space<vmem>>
      %gather3A_1144 = tpu.memref_squeeze %gather3A_1143 : memref<1x32x128xf32, #tpu.memory_space<vmem>> -> memref<32x128xf32, #tpu.memory_space<vmem>>
      %gather3A_1145 = tpu.vector_load_idx %gather3A_1144[%iota3A, %broadcast_in_dim3A_1139] : memref<32x128xf32, #tpu.memory_space<vmem>>[vector<16xi32>, vector<16xi32>], vector<16xf32>,
      %add3A_1146 = arith.constant 16 : i32
      %add3A_1147 = vector.broadcast %add3A_1146 : i32 to vector<16xi32>
      %add3A_1148 = arith.addi %iota3A, %add3A_1147 : vector<16xi32>
      %gather3A_1149 = arith.constant 2 : i32
      %gather3A_1150 = arith.constant 0 : i32
      %gather3A_1151 = arith.constant 0 : i32
      %gather3A_1152 = tpu.memref_slice %arg10[%gather3A_1149, %gather3A_1150, %gather3A_1151] : memref<16x32x128xf32, #tpu.memory_space<vmem>> -> memref<1x32x128xf32, #tpu.memory_space<vmem>>
      %gather3A_1153 = tpu.memref_squeeze %gather3A_1152 : memref<1x32x128xf32, #tpu.memory_space<vmem>> -> memref<32x128xf32, #tpu.memory_space<vmem>>
      %gather3A_1154 = tpu.vector_load_idx %gather3A_1153[%add3A_1148, %broadcast_in_dim3A_1139] : memref<32x128xf32, #tpu.memory_space<vmem>>[vector<16xi32>, vector<16xi32>], vector<16xf32>,
      %add3A_1155 = arith.constant 2 : i32
      %add3A_1156 = arith.addi %multiple_of3A_20, %add3A_1155 : i32
      %broadcast_in_dim3A_1157 = vector.broadcast %add3A_1156 : i32 to vector<16xi32>
      tpu.vector_store_idx %arg11[%iota3A, %broadcast_in_dim3A_1157], %gather3A_1145 : memref<32x512xf32, #tpu.memory_space<vmem>>[vector<16xi32>, vector<16xi32>], vector<16xf32>,
      %add3A_1158 = arith.constant 16 : i32
      %add3A_1159 = vector.broadcast %add3A_1158 : i32 to vector<16xi32>
      %add3A_1160 = arith.addi %iota3A, %add3A_1159 : vector<16xi32>
      tpu.vector_store_idx %arg11[%add3A_1160, %broadcast_in_dim3A_1157], %gather3A_1154 : memref<32x512xf32, #tpu.memory_space<vmem>>[vector<16xi32>, vector<16xi32>], vector<16xf32>,
      %jit3A_1161 = arith.constant 128 : i32
      %eq3A_1162 = arith.constant 0 : i32
      %eq3A_1163 = arith.cmpi eq, %jit3A_1161, %eq3A_1162 : i32
      %jit3A_1164 = arith.constant 1 : i32
      %select_n3A_1165 = arith.select %eq3A_1163, %jit3A_1164, %jit3A_1161 : i32
      %rem3A_1166 = arith.remsi %reduce_sum3A_169, %select_n3A_1165 : i32
      %ne3A_1167 = arith.constant 0 : i32
      %ne3A_1168 = arith.cmpi ne, %rem3A_1166, %ne3A_1167 : i32
      %lt3A_1169 = arith.constant 0 : i32
      %lt3A_1170 = arith.cmpi slt, %rem3A_1166, %lt3A_1169 : i32
      %lt3A_1171 = arith.constant 0 : i32
      %lt3A_1172 = arith.cmpi slt, %select_n3A_1165, %lt3A_1171 : i32
      %ne3A_1173 = arith.xori %lt3A_1170, %lt3A_1172 : i1
      %and3A_1174 = arith.andi %ne3A_1173, %ne3A_1168 : i1
      %add3A_1175 = arith.addi %rem3A_1166, %select_n3A_1165 : i32
      %select_n3A_1176 = arith.select %and3A_1174, %add3A_1175, %rem3A_1166 : i32
      %broadcast_in_dim3A_1177 = vector.broadcast %select_n3A_1176 : i32 to vector<16xi32>
      %gather3A_1178 = arith.constant 3 : i32
      %gather3A_1179 = arith.constant 0 : i32
      %gather3A_1180 = arith.constant 0 : i32
      %gather3A_1181 = tpu.memref_slice %arg10[%gather3A_1178, %gather3A_1179, %gather3A_1180] : memref<16x32x128xf32, #tpu.memory_space<vmem>> -> memref<1x32x128xf32, #tpu.memory_space<vmem>>
      %gather3A_1182 = tpu.memref_squeeze %gather3A_1181 : memref<1x32x128xf32, #tpu.memory_space<vmem>> -> memref<32x128xf32, #tpu.memory_space<vmem>>
      %gather3A_1183 = tpu.vector_load_idx %gather3A_1182[%iota3A, %broadcast_in_dim3A_1177] : memref<32x128xf32, #tpu.memory_space<vmem>>[vector<16xi32>, vector<16xi32>], vector<16xf32>,
      %add3A_1184 = arith.constant 16 : i32
      %add3A_1185 = vector.broadcast %add3A_1184 : i32 to vector<16xi32>
      %add3A_1186 = arith.addi %iota3A, %add3A_1185 : vector<16xi32>
      %gather3A_1187 = arith.constant 3 : i32
      %gather3A_1188 = arith.constant 0 : i32
      %gather3A_1189 = arith.constant 0 : i32
      %gather3A_1190 = tpu.memref_slice %arg10[%gather3A_1187, %gather3A_1188, %gather3A_1189] : memref<16x32x128xf32, #tpu.memory_space<vmem>> -> memref<1x32x128xf32, #tpu.memory_space<vmem>>
      %gather3A_1191 = tpu.memref_squeeze %gather3A_1190 : memref<1x32x128xf32, #tpu.memory_space<vmem>> -> memref<32x128xf32, #tpu.memory_space<vmem>>
      %gather3A_1192 = tpu.vector_load_idx %gather3A_1191[%add3A_1186, %broadcast_in_dim3A_1177] : memref<32x128xf32, #tpu.memory_space<vmem>>[vector<16xi32>, vector<16xi32>], vector<16xf32>,
      %add3A_1193 = arith.constant 3 : i32
      %add3A_1194 = arith.addi %multiple_of3A_20, %add3A_1193 : i32
      %broadcast_in_dim3A_1195 = vector.broadcast %add3A_1194 : i32 to vector<16xi32>
      tpu.vector_store_idx %arg11[%iota3A, %broadcast_in_dim3A_1195], %gather3A_1183 : memref<32x512xf32, #tpu.memory_space<vmem>>[vector<16xi32>, vector<16xi32>], vector<16xf32>,
      %add3A_1196 = arith.constant 16 : i32
      %add3A_1197 = vector.broadcast %add3A_1196 : i32 to vector<16xi32>
      %add3A_1198 = arith.addi %iota3A, %add3A_1197 : vector<16xi32>
      tpu.vector_store_idx %arg11[%add3A_1198, %broadcast_in_dim3A_1195], %gather3A_1192 : memref<32x512xf32, #tpu.memory_space<vmem>>[vector<16xi32>, vector<16xi32>], vector<16xf32>,
      %jit3A_1199 = arith.constant 128 : i32
      %eq3A_1200 = arith.constant 0 : i32
      %eq3A_1201 = arith.cmpi eq, %jit3A_1199, %eq3A_1200 : i32
      %jit3A_1202 = arith.constant 1 : i32
      %select_n3A_1203 = arith.select %eq3A_1201, %jit3A_1202, %jit3A_1199 : i32
      %rem3A_1204 = arith.remsi %reduce_sum3A_219, %select_n3A_1203 : i32
      %ne3A_1205 = arith.constant 0 : i32
      %ne3A_1206 = arith.cmpi ne, %rem3A_1204, %ne3A_1205 : i32
      %lt3A_1207 = arith.constant 0 : i32
      %lt3A_1208 = arith.cmpi slt, %rem3A_1204, %lt3A_1207 : i32
      %lt3A_1209 = arith.constant 0 : i32
      %lt3A_1210 = arith.cmpi slt, %select_n3A_1203, %lt3A_1209 : i32
      %ne3A_1211 = arith.xori %lt3A_1208, %lt3A_1210 : i1
      %and3A_1212 = arith.andi %ne3A_1211, %ne3A_1206 : i1
      %add3A_1213 = arith.addi %rem3A_1204, %select_n3A_1203 : i32
      %select_n3A_1214 = arith.select %and3A_1212, %add3A_1213, %rem3A_1204 : i32
      %broadcast_in_dim3A_1215 = vector.broadcast %select_n3A_1214 : i32 to vector<16xi32>
      %gather3A_1216 = arith.constant 4 : i32
      %gather3A_1217 = arith.constant 0 : i32
      %gather3A_1218 = arith.constant 0 : i32
      %gather3A_1219 = tpu.memref_slice %arg10[%gather3A_1216, %gather3A_1217, %gather3A_1218] : memref<16x32x128xf32, #tpu.memory_space<vmem>> -> memref<1x32x128xf32, #tpu.memory_space<vmem>>
      %gather3A_1220 = tpu.memref_squeeze %gather3A_1219 : memref<1x32x128xf32, #tpu.memory_space<vmem>> -> memref<32x128xf32, #tpu.memory_space<vmem>>
      %gather3A_1221 = tpu.vector_load_idx %gather3A_1220[%iota3A, %broadcast_in_dim3A_1215] : memref<32x128xf32, #tpu.memory_space<vmem>>[vector<16xi32>, vector<16xi32>], vector<16xf32>,
      %add3A_1222 = arith.constant 16 : i32
      %add3A_1223 = vector.broadcast %add3A_1222 : i32 to vector<16xi32>
      %add3A_1224 = arith.addi %iota3A, %add3A_1223 : vector<16xi32>
      %gather3A_1225 = arith.constant 4 : i32
      %gather3A_1226 = arith.constant 0 : i32
      %gather3A_1227 = arith.constant 0 : i32
      %gather3A_1228 = tpu.memref_slice %arg10[%gather3A_1225, %gather3A_1226, %gather3A_1227] : memref<16x32x128xf32, #tpu.memory_space<vmem>> -> memref<1x32x128xf32, #tpu.memory_space<vmem>>
      %gather3A_1229 = tpu.memref_squeeze %gather3A_1228 : memref<1x32x128xf32, #tpu.memory_space<vmem>> -> memref<32x128xf32, #tpu.memory_space<vmem>>
      %gather3A_1230 = tpu.vector_load_idx %gather3A_1229[%add3A_1224, %broadcast_in_dim3A_1215] : memref<32x128xf32, #tpu.memory_space<vmem>>[vector<16xi32>, vector<16xi32>], vector<16xf32>,
      %add3A_1231 = arith.constant 4 : i32
      %add3A_1232 = arith.addi %multiple_of3A_20, %add3A_1231 : i32
      %broadcast_in_dim3A_1233 = vector.broadcast %add3A_1232 : i32 to vector<16xi32>
      tpu.vector_store_idx %arg11[%iota3A, %broadcast_in_dim3A_1233], %gather3A_1221 : memref<32x512xf32, #tpu.memory_space<vmem>>[vector<16xi32>, vector<16xi32>], vector<16xf32>,
      %add3A_1234 = arith.constant 16 : i32
      %add3A_1235 = vector.broadcast %add3A_1234 : i32 to vector<16xi32>
      %add3A_1236 = arith.addi %iota3A, %add3A_1235 : vector<16xi32>
      tpu.vector_store_idx %arg11[%add3A_1236, %broadcast_in_dim3A_1233], %gather3A_1230 : memref<32x512xf32, #tpu.memory_space<vmem>>[vector<16xi32>, vector<16xi32>], vector<16xf32>,
      %jit3A_1237 = arith.constant 128 : i32
      %eq3A_1238 = arith.constant 0 : i32
      %eq3A_1239 = arith.cmpi eq, %jit3A_1237, %eq3A_1238 : i32
      %jit3A_1240 = arith.constant 1 : i32
      %select_n3A_1241 = arith.select %eq3A_1239, %jit3A_1240, %jit3A_1237 : i32
      %rem3A_1242 = arith.remsi %reduce_sum3A_269, %select_n3A_1241 : i32
      %ne3A_1243 = arith.constant 0 : i32
      %ne3A_1244 = arith.cmpi ne, %rem3A_1242, %ne3A_1243 : i32
      %lt3A_1245 = arith.constant 0 : i32
      %lt3A_1246 = arith.cmpi slt, %rem3A_1242, %lt3A_1245 : i32
      %lt3A_1247 = arith.constant 0 : i32
      %lt3A_1248 = arith.cmpi slt, %select_n3A_1241, %lt3A_1247 : i32
      %ne3A_1249 = arith.xori %lt3A_1246, %lt3A_1248 : i1
      %and3A_1250 = arith.andi %ne3A_1249, %ne3A_1244 : i1
      %add3A_1251 = arith.addi %rem3A_1242, %select_n3A_1241 : i32
      %select_n3A_1252 = arith.select %and3A_1250, %add3A_1251, %rem3A_1242 : i32
      %broadcast_in_dim3A_1253 = vector.broadcast %select_n3A_1252 : i32 to vector<16xi32>
      %gather3A_1254 = arith.constant 5 : i32
      %gather3A_1255 = arith.constant 0 : i32
      %gather3A_1256 = arith.constant 0 : i32
      %gather3A_1257 = tpu.memref_slice %arg10[%gather3A_1254, %gather3A_1255, %gather3A_1256] : memref<16x32x128xf32, #tpu.memory_space<vmem>> -> memref<1x32x128xf32, #tpu.memory_space<vmem>>
      %gather3A_1258 = tpu.memref_squeeze %gather3A_1257 : memref<1x32x128xf32, #tpu.memory_space<vmem>> -> memref<32x128xf32, #tpu.memory_space<vmem>>
      %gather3A_1259 = tpu.vector_load_idx %gather3A_1258[%iota3A, %broadcast_in_dim3A_1253] : memref<32x128xf32, #tpu.memory_space<vmem>>[vector<16xi32>, vector<16xi32>], vector<16xf32>,
      %add3A_1260 = arith.constant 16 : i32
      %add3A_1261 = vector.broadcast %add3A_1260 : i32 to vector<16xi32>
      %add3A_1262 = arith.addi %iota3A, %add3A_1261 : vector<16xi32>
      %gather3A_1263 = arith.constant 5 : i32
      %gather3A_1264 = arith.constant 0 : i32
      %gather3A_1265 = arith.constant 0 : i32
      %gather3A_1266 = tpu.memref_slice %arg10[%gather3A_1263, %gather3A_1264, %gather3A_1265] : memref<16x32x128xf32, #tpu.memory_space<vmem>> -> memref<1x32x128xf32, #tpu.memory_space<vmem>>
      %gather3A_1267 = tpu.memref_squeeze %gather3A_1266 : memref<1x32x128xf32, #tpu.memory_space<vmem>> -> memref<32x128xf32, #tpu.memory_space<vmem>>
      %gather3A_1268 = tpu.vector_load_idx %gather3A_1267[%add3A_1262, %broadcast_in_dim3A_1253] : memref<32x128xf32, #tpu.memory_space<vmem>>[vector<16xi32>, vector<16xi32>], vector<16xf32>,
      %add3A_1269 = arith.constant 5 : i32
      %add3A_1270 = arith.addi %multiple_of3A_20, %add3A_1269 : i32
      %broadcast_in_dim3A_1271 = vector.broadcast %add3A_1270 : i32 to vector<16xi32>
      tpu.vector_store_idx %arg11[%iota3A, %broadcast_in_dim3A_1271], %gather3A_1259 : memref<32x512xf32, #tpu.memory_space<vmem>>[vector<16xi32>, vector<16xi32>], vector<16xf32>,
      %add3A_1272 = arith.constant 16 : i32
      %add3A_1273 = vector.broadcast %add3A_1272 : i32 to vector<16xi32>
      %add3A_1274 = arith.addi %iota3A, %add3A_1273 : vector<16xi32>
      tpu.vector_store_idx %arg11[%add3A_1274, %broadcast_in_dim3A_1271], %gather3A_1268 : memref<32x512xf32, #tpu.memory_space<vmem>>[vector<16xi32>, vector<16xi32>], vector<16xf32>,
      %jit3A_1275 = arith.constant 128 : i32
      %eq3A_1276 = arith.constant 0 : i32
      %eq3A_1277 = arith.cmpi eq, %jit3A_1275, %eq3A_1276 : i32
      %jit3A_1278 = arith.constant 1 : i32
      %select_n3A_1279 = arith.select %eq3A_1277, %jit3A_1278, %jit3A_1275 : i32
      %rem3A_1280 = arith.remsi %reduce_sum3A_319, %select_n3A_1279 : i32
      %ne3A_1281 = arith.constant 0 : i32
      %ne3A_1282 = arith.cmpi ne, %rem3A_1280, %ne3A_1281 : i32
      %lt3A_1283 = arith.constant 0 : i32
      %lt3A_1284 = arith.cmpi slt, %rem3A_1280, %lt3A_1283 : i32
      %lt3A_1285 = arith.constant 0 : i32
      %lt3A_1286 = arith.cmpi slt, %select_n3A_1279, %lt3A_1285 : i32
      %ne3A_1287 = arith.xori %lt3A_1284, %lt3A_1286 : i1
      %and3A_1288 = arith.andi %ne3A_1287, %ne3A_1282 : i1
      %add3A_1289 = arith.addi %rem3A_1280, %select_n3A_1279 : i32
      %select_n3A_1290 = arith.select %and3A_1288, %add3A_1289, %rem3A_1280 : i32
      %broadcast_in_dim3A_1291 = vector.broadcast %select_n3A_1290 : i32 to vector<16xi32>
      %gather3A_1292 = arith.constant 6 : i32
      %gather3A_1293 = arith.constant 0 : i32
      %gather3A_1294 = arith.constant 0 : i32
      %gather3A_1295 = tpu.memref_slice %arg10[%gather3A_1292, %gather3A_1293, %gather3A_1294] : memref<16x32x128xf32, #tpu.memory_space<vmem>> -> memref<1x32x128xf32, #tpu.memory_space<vmem>>
      %gather3A_1296 = tpu.memref_squeeze %gather3A_1295 : memref<1x32x128xf32, #tpu.memory_space<vmem>> -> memref<32x128xf32, #tpu.memory_space<vmem>>
      %gather3A_1297 = tpu.vector_load_idx %gather3A_1296[%iota3A, %broadcast_in_dim3A_1291] : memref<32x128xf32, #tpu.memory_space<vmem>>[vector<16xi32>, vector<16xi32>], vector<16xf32>,
      %add3A_1298 = arith.constant 16 : i32
      %add3A_1299 = vector.broadcast %add3A_1298 : i32 to vector<16xi32>
      %add3A_1300 = arith.addi %iota3A, %add3A_1299 : vector<16xi32>
      %gather3A_1301 = arith.constant 6 : i32
      %gather3A_1302 = arith.constant 0 : i32
      %gather3A_1303 = arith.constant 0 : i32
      %gather3A_1304 = tpu.memref_slice %arg10[%gather3A_1301, %gather3A_1302, %gather3A_1303] : memref<16x32x128xf32, #tpu.memory_space<vmem>> -> memref<1x32x128xf32, #tpu.memory_space<vmem>>
      %gather3A_1305 = tpu.memref_squeeze %gather3A_1304 : memref<1x32x128xf32, #tpu.memory_space<vmem>> -> memref<32x128xf32, #tpu.memory_space<vmem>>
      %gather3A_1306 = tpu.vector_load_idx %gather3A_1305[%add3A_1300, %broadcast_in_dim3A_1291] : memref<32x128xf32, #tpu.memory_space<vmem>>[vector<16xi32>, vector<16xi32>], vector<16xf32>,
      %add3A_1307 = arith.constant 6 : i32
      %add3A_1308 = arith.addi %multiple_of3A_20, %add3A_1307 : i32
      %broadcast_in_dim3A_1309 = vector.broadcast %add3A_1308 : i32 to vector<16xi32>
      tpu.vector_store_idx %arg11[%iota3A, %broadcast_in_dim3A_1309], %gather3A_1297 : memref<32x512xf32, #tpu.memory_space<vmem>>[vector<16xi32>, vector<16xi32>], vector<16xf32>,
      %add3A_1310 = arith.constant 16 : i32
      %add3A_1311 = vector.broadcast %add3A_1310 : i32 to vector<16xi32>
      %add3A_1312 = arith.addi %iota3A, %add3A_1311 : vector<16xi32>
      tpu.vector_store_idx %arg11[%add3A_1312, %broadcast_in_dim3A_1309], %gather3A_1306 : memref<32x512xf32, #tpu.memory_space<vmem>>[vector<16xi32>, vector<16xi32>], vector<16xf32>,
      %jit3A_1313 = arith.constant 128 : i32
      %eq3A_1314 = arith.constant 0 : i32
      %eq3A_1315 = arith.cmpi eq, %jit3A_1313, %eq3A_1314 : i32
      %jit3A_1316 = arith.constant 1 : i32
      %select_n3A_1317 = arith.select %eq3A_1315, %jit3A_1316, %jit3A_1313 : i32
      %rem3A_1318 = arith.remsi %reduce_sum3A_369, %select_n3A_1317 : i32
      %ne3A_1319 = arith.constant 0 : i32
      %ne3A_1320 = arith.cmpi ne, %rem3A_1318, %ne3A_1319 : i32
      %lt3A_1321 = arith.constant 0 : i32
      %lt3A_1322 = arith.cmpi slt, %rem3A_1318, %lt3A_1321 : i32
      %lt3A_1323 = arith.constant 0 : i32
      %lt3A_1324 = arith.cmpi slt, %select_n3A_1317, %lt3A_1323 : i32
      %ne3A_1325 = arith.xori %lt3A_1322, %lt3A_1324 : i1
      %and3A_1326 = arith.andi %ne3A_1325, %ne3A_1320 : i1
      %add3A_1327 = arith.addi %rem3A_1318, %select_n3A_1317 : i32
      %select_n3A_1328 = arith.select %and3A_1326, %add3A_1327, %rem3A_1318 : i32
      %broadcast_in_dim3A_1329 = vector.broadcast %select_n3A_1328 : i32 to vector<16xi32>
      %gather3A_1330 = arith.constant 7 : i32
      %gather3A_1331 = arith.constant 0 : i32
      %gather3A_1332 = arith.constant 0 : i32
      %gather3A_1333 = tpu.memref_slice %arg10[%gather3A_1330, %gather3A_1331, %gather3A_1332] : memref<16x32x128xf32, #tpu.memory_space<vmem>> -> memref<1x32x128xf32, #tpu.memory_space<vmem>>
      %gather3A_1334 = tpu.memref_squeeze %gather3A_1333 : memref<1x32x128xf32, #tpu.memory_space<vmem>> -> memref<32x128xf32, #tpu.memory_space<vmem>>
      %gather3A_1335 = tpu.vector_load_idx %gather3A_1334[%iota3A, %broadcast_in_dim3A_1329] : memref<32x128xf32, #tpu.memory_space<vmem>>[vector<16xi32>, vector<16xi32>], vector<16xf32>,
      %add3A_1336 = arith.constant 16 : i32
      %add3A_1337 = vector.broadcast %add3A_1336 : i32 to vector<16xi32>
      %add3A_1338 = arith.addi %iota3A, %add3A_1337 : vector<16xi32>
      %gather3A_1339 = arith.constant 7 : i32
      %gather3A_1340 = arith.constant 0 : i32
      %gather3A_1341 = arith.constant 0 : i32
      %gather3A_1342 = tpu.memref_slice %arg10[%gather3A_1339, %gather3A_1340, %gather3A_1341] : memref<16x32x128xf32, #tpu.memory_space<vmem>> -> memref<1x32x128xf32, #tpu.memory_space<vmem>>
      %gather3A_1343 = tpu.memref_squeeze %gather3A_1342 : memref<1x32x128xf32, #tpu.memory_space<vmem>> -> memref<32x128xf32, #tpu.memory_space<vmem>>
      %gather3A_1344 = tpu.vector_load_idx %gather3A_1343[%add3A_1338, %broadcast_in_dim3A_1329] : memref<32x128xf32, #tpu.memory_space<vmem>>[vector<16xi32>, vector<16xi32>], vector<16xf32>,
      %add3A_1345 = arith.constant 7 : i32
      %add3A_1346 = arith.addi %multiple_of3A_20, %add3A_1345 : i32
      %broadcast_in_dim3A_1347 = vector.broadcast %add3A_1346 : i32 to vector<16xi32>
      tpu.vector_store_idx %arg11[%iota3A, %broadcast_in_dim3A_1347], %gather3A_1335 : memref<32x512xf32, #tpu.memory_space<vmem>>[vector<16xi32>, vector<16xi32>], vector<16xf32>,
      %add3A_1348 = arith.constant 16 : i32
      %add3A_1349 = vector.broadcast %add3A_1348 : i32 to vector<16xi32>
      %add3A_1350 = arith.addi %iota3A, %add3A_1349 : vector<16xi32>
      tpu.vector_store_idx %arg11[%add3A_1350, %broadcast_in_dim3A_1347], %gather3A_1344 : memref<32x512xf32, #tpu.memory_space<vmem>>[vector<16xi32>, vector<16xi32>], vector<16xf32>,
      %jit3A_1351 = arith.constant 128 : i32
      %eq3A_1352 = arith.constant 0 : i32
      %eq3A_1353 = arith.cmpi eq, %jit3A_1351, %eq3A_1352 : i32
      %jit3A_1354 = arith.constant 1 : i32
      %select_n3A_1355 = arith.select %eq3A_1353, %jit3A_1354, %jit3A_1351 : i32
      %rem3A_1356 = arith.remsi %reduce_sum3A_419, %select_n3A_1355 : i32
      %ne3A_1357 = arith.constant 0 : i32
      %ne3A_1358 = arith.cmpi ne, %rem3A_1356, %ne3A_1357 : i32
      %lt3A_1359 = arith.constant 0 : i32
      %lt3A_1360 = arith.cmpi slt, %rem3A_1356, %lt3A_1359 : i32
      %lt3A_1361 = arith.constant 0 : i32
      %lt3A_1362 = arith.cmpi slt, %select_n3A_1355, %lt3A_1361 : i32
      %ne3A_1363 = arith.xori %lt3A_1360, %lt3A_1362 : i1
      %and3A_1364 = arith.andi %ne3A_1363, %ne3A_1358 : i1
      %add3A_1365 = arith.addi %rem3A_1356, %select_n3A_1355 : i32
      %select_n3A_1366 = arith.select %and3A_1364, %add3A_1365, %rem3A_1356 : i32
      %broadcast_in_dim3A_1367 = vector.broadcast %select_n3A_1366 : i32 to vector<16xi32>
      %gather3A_1368 = arith.constant 8 : i32
      %gather3A_1369 = arith.constant 0 : i32
      %gather3A_1370 = arith.constant 0 : i32
      %gather3A_1371 = tpu.memref_slice %arg10[%gather3A_1368, %gather3A_1369, %gather3A_1370] : memref<16x32x128xf32, #tpu.memory_space<vmem>> -> memref<1x32x128xf32, #tpu.memory_space<vmem>>
      %gather3A_1372 = tpu.memref_squeeze %gather3A_1371 : memref<1x32x128xf32, #tpu.memory_space<vmem>> -> memref<32x128xf32, #tpu.memory_space<vmem>>
      %gather3A_1373 = tpu.vector_load_idx %gather3A_1372[%iota3A, %broadcast_in_dim3A_1367] : memref<32x128xf32, #tpu.memory_space<vmem>>[vector<16xi32>, vector<16xi32>], vector<16xf32>,
      %add3A_1374 = arith.constant 16 : i32
      %add3A_1375 = vector.broadcast %add3A_1374 : i32 to vector<16xi32>
      %add3A_1376 = arith.addi %iota3A, %add3A_1375 : vector<16xi32>
      %gather3A_1377 = arith.constant 8 : i32
      %gather3A_1378 = arith.constant 0 : i32
      %gather3A_1379 = arith.constant 0 : i32
      %gather3A_1380 = tpu.memref_slice %arg10[%gather3A_1377, %gather3A_1378, %gather3A_1379] : memref<16x32x128xf32, #tpu.memory_space<vmem>> -> memref<1x32x128xf32, #tpu.memory_space<vmem>>
      %gather3A_1381 = tpu.memref_squeeze %gather3A_1380 : memref<1x32x128xf32, #tpu.memory_space<vmem>> -> memref<32x128xf32, #tpu.memory_space<vmem>>
      %gather3A_1382 = tpu.vector_load_idx %gather3A_1381[%add3A_1376, %broadcast_in_dim3A_1367] : memref<32x128xf32, #tpu.memory_space<vmem>>[vector<16xi32>, vector<16xi32>], vector<16xf32>,
      %add3A_1383 = arith.constant 8 : i32
      %add3A_1384 = arith.addi %multiple_of3A_20, %add3A_1383 : i32
      %broadcast_in_dim3A_1385 = vector.broadcast %add3A_1384 : i32 to vector<16xi32>
      tpu.vector_store_idx %arg11[%iota3A, %broadcast_in_dim3A_1385], %gather3A_1373 : memref<32x512xf32, #tpu.memory_space<vmem>>[vector<16xi32>, vector<16xi32>], vector<16xf32>,
      %add3A_1386 = arith.constant 16 : i32
      %add3A_1387 = vector.broadcast %add3A_1386 : i32 to vector<16xi32>
      %add3A_1388 = arith.addi %iota3A, %add3A_1387 : vector<16xi32>
      tpu.vector_store_idx %arg11[%add3A_1388, %broadcast_in_dim3A_1385], %gather3A_1382 : memref<32x512xf32, #tpu.memory_space<vmem>>[vector<16xi32>, vector<16xi32>], vector<16xf32>,
      %jit3A_1389 = arith.constant 128 : i32
      %eq3A_1390 = arith.constant 0 : i32
      %eq3A_1391 = arith.cmpi eq, %jit3A_1389, %eq3A_1390 : i32
      %jit3A_1392 = arith.constant 1 : i32
      %select_n3A_1393 = arith.select %eq3A_1391, %jit3A_1392, %jit3A_1389 : i32
      %rem3A_1394 = arith.remsi %reduce_sum3A_469, %select_n3A_1393 : i32
      %ne3A_1395 = arith.constant 0 : i32
      %ne3A_1396 = arith.cmpi ne, %rem3A_1394, %ne3A_1395 : i32
      %lt3A_1397 = arith.constant 0 : i32
      %lt3A_1398 = arith.cmpi slt, %rem3A_1394, %lt3A_1397 : i32
      %lt3A_1399 = arith.constant 0 : i32
      %lt3A_1400 = arith.cmpi slt, %select_n3A_1393, %lt3A_1399 : i32
      %ne3A_1401 = arith.xori %lt3A_1398, %lt3A_1400 : i1
      %and3A_1402 = arith.andi %ne3A_1401, %ne3A_1396 : i1
      %add3A_1403 = arith.addi %rem3A_1394, %select_n3A_1393 : i32
      %select_n3A_1404 = arith.select %and3A_1402, %add3A_1403, %rem3A_1394 : i32
      %broadcast_in_dim3A_1405 = vector.broadcast %select_n3A_1404 : i32 to vector<16xi32>
      %gather3A_1406 = arith.constant 9 : i32
      %gather3A_1407 = arith.constant 0 : i32
      %gather3A_1408 = arith.constant 0 : i32
      %gather3A_1409 = tpu.memref_slice %arg10[%gather3A_1406, %gather3A_1407, %gather3A_1408] : memref<16x32x128xf32, #tpu.memory_space<vmem>> -> memref<1x32x128xf32, #tpu.memory_space<vmem>>
      %gather3A_1410 = tpu.memref_squeeze %gather3A_1409 : memref<1x32x128xf32, #tpu.memory_space<vmem>> -> memref<32x128xf32, #tpu.memory_space<vmem>>
      %gather3A_1411 = tpu.vector_load_idx %gather3A_1410[%iota3A, %broadcast_in_dim3A_1405] : memref<32x128xf32, #tpu.memory_space<vmem>>[vector<16xi32>, vector<16xi32>], vector<16xf32>,
      %add3A_1412 = arith.constant 16 : i32
      %add3A_1413 = vector.broadcast %add3A_1412 : i32 to vector<16xi32>
      %add3A_1414 = arith.addi %iota3A, %add3A_1413 : vector<16xi32>
      %gather3A_1415 = arith.constant 9 : i32
      %gather3A_1416 = arith.constant 0 : i32
      %gather3A_1417 = arith.constant 0 : i32
      %gather3A_1418 = tpu.memref_slice %arg10[%gather3A_1415, %gather3A_1416, %gather3A_1417] : memref<16x32x128xf32, #tpu.memory_space<vmem>> -> memref<1x32x128xf32, #tpu.memory_space<vmem>>
      %gather3A_1419 = tpu.memref_squeeze %gather3A_1418 : memref<1x32x128xf32, #tpu.memory_space<vmem>> -> memref<32x128xf32, #tpu.memory_space<vmem>>
      %gather3A_1420 = tpu.vector_load_idx %gather3A_1419[%add3A_1414, %broadcast_in_dim3A_1405] : memref<32x128xf32, #tpu.memory_space<vmem>>[vector<16xi32>, vector<16xi32>], vector<16xf32>,
      %add3A_1421 = arith.constant 9 : i32
      %add3A_1422 = arith.addi %multiple_of3A_20, %add3A_1421 : i32
      %broadcast_in_dim3A_1423 = vector.broadcast %add3A_1422 : i32 to vector<16xi32>
      tpu.vector_store_idx %arg11[%iota3A, %broadcast_in_dim3A_1423], %gather3A_1411 : memref<32x512xf32, #tpu.memory_space<vmem>>[vector<16xi32>, vector<16xi32>], vector<16xf32>,
      %add3A_1424 = arith.constant 16 : i32
      %add3A_1425 = vector.broadcast %add3A_1424 : i32 to vector<16xi32>
      %add3A_1426 = arith.addi %iota3A, %add3A_1425 : vector<16xi32>
      tpu.vector_store_idx %arg11[%add3A_1426, %broadcast_in_dim3A_1423], %gather3A_1420 : memref<32x512xf32, #tpu.memory_space<vmem>>[vector<16xi32>, vector<16xi32>], vector<16xf32>,
      %jit3A_1427 = arith.constant 128 : i32
      %eq3A_1428 = arith.constant 0 : i32
      %eq3A_1429 = arith.cmpi eq, %jit3A_1427, %eq3A_1428 : i32
      %jit3A_1430 = arith.constant 1 : i32
      %select_n3A_1431 = arith.select %eq3A_1429, %jit3A_1430, %jit3A_1427 : i32
      %rem3A_1432 = arith.remsi %reduce_sum3A_519, %select_n3A_1431 : i32
      %ne3A_1433 = arith.constant 0 : i32
      %ne3A_1434 = arith.cmpi ne, %rem3A_1432, %ne3A_1433 : i32
      %lt3A_1435 = arith.constant 0 : i32
      %lt3A_1436 = arith.cmpi slt, %rem3A_1432, %lt3A_1435 : i32
      %lt3A_1437 = arith.constant 0 : i32
      %lt3A_1438 = arith.cmpi slt, %select_n3A_1431, %lt3A_1437 : i32
      %ne3A_1439 = arith.xori %lt3A_1436, %lt3A_1438 : i1
      %and3A_1440 = arith.andi %ne3A_1439, %ne3A_1434 : i1
      %add3A_1441 = arith.addi %rem3A_1432, %select_n3A_1431 : i32
      %select_n3A_1442 = arith.select %and3A_1440, %add3A_1441, %rem3A_1432 : i32
      %broadcast_in_dim3A_1443 = vector.broadcast %select_n3A_1442 : i32 to vector<16xi32>
      %gather3A_1444 = arith.constant 10 : i32
      %gather3A_1445 = arith.constant 0 : i32
      %gather3A_1446 = arith.constant 0 : i32
      %gather3A_1447 = tpu.memref_slice %arg10[%gather3A_1444, %gather3A_1445, %gather3A_1446] : memref<16x32x128xf32, #tpu.memory_space<vmem>> -> memref<1x32x128xf32, #tpu.memory_space<vmem>>
      %gather3A_1448 = tpu.memref_squeeze %gather3A_1447 : memref<1x32x128xf32, #tpu.memory_space<vmem>> -> memref<32x128xf32, #tpu.memory_space<vmem>>
      %gather3A_1449 = tpu.vector_load_idx %gather3A_1448[%iota3A, %broadcast_in_dim3A_1443] : memref<32x128xf32, #tpu.memory_space<vmem>>[vector<16xi32>, vector<16xi32>], vector<16xf32>,
      %add3A_1450 = arith.constant 16 : i32
      %add3A_1451 = vector.broadcast %add3A_1450 : i32 to vector<16xi32>
      %add3A_1452 = arith.addi %iota3A, %add3A_1451 : vector<16xi32>
      %gather3A_1453 = arith.constant 10 : i32
      %gather3A_1454 = arith.constant 0 : i32
      %gather3A_1455 = arith.constant 0 : i32
      %gather3A_1456 = tpu.memref_slice %arg10[%gather3A_1453, %gather3A_1454, %gather3A_1455] : memref<16x32x128xf32, #tpu.memory_space<vmem>> -> memref<1x32x128xf32, #tpu.memory_space<vmem>>
      %gather3A_1457 = tpu.memref_squeeze %gather3A_1456 : memref<1x32x128xf32, #tpu.memory_space<vmem>> -> memref<32x128xf32, #tpu.memory_space<vmem>>
      %gather3A_1458 = tpu.vector_load_idx %gather3A_1457[%add3A_1452, %broadcast_in_dim3A_1443] : memref<32x128xf32, #tpu.memory_space<vmem>>[vector<16xi32>, vector<16xi32>], vector<16xf32>,
      %add3A_1459 = arith.constant 10 : i32
      %add3A_1460 = arith.addi %multiple_of3A_20, %add3A_1459 : i32
      %broadcast_in_dim3A_1461 = vector.broadcast %add3A_1460 : i32 to vector<16xi32>
      tpu.vector_store_idx %arg11[%iota3A, %broadcast_in_dim3A_1461], %gather3A_1449 : memref<32x512xf32, #tpu.memory_space<vmem>>[vector<16xi32>, vector<16xi32>], vector<16xf32>,
      %add3A_1462 = arith.constant 16 : i32
      %add3A_1463 = vector.broadcast %add3A_1462 : i32 to vector<16xi32>
      %add3A_1464 = arith.addi %iota3A, %add3A_1463 : vector<16xi32>
      tpu.vector_store_idx %arg11[%add3A_1464, %broadcast_in_dim3A_1461], %gather3A_1458 : memref<32x512xf32, #tpu.memory_space<vmem>>[vector<16xi32>, vector<16xi32>], vector<16xf32>,
      %jit3A_1465 = arith.constant 128 : i32
      %eq3A_1466 = arith.constant 0 : i32
      %eq3A_1467 = arith.cmpi eq, %jit3A_1465, %eq3A_1466 : i32
      %jit3A_1468 = arith.constant 1 : i32
      %select_n3A_1469 = arith.select %eq3A_1467, %jit3A_1468, %jit3A_1465 : i32
      %rem3A_1470 = arith.remsi %reduce_sum3A_569, %select_n3A_1469 : i32
      %ne3A_1471 = arith.constant 0 : i32
      %ne3A_1472 = arith.cmpi ne, %rem3A_1470, %ne3A_1471 : i32
      %lt3A_1473 = arith.constant 0 : i32
      %lt3A_1474 = arith.cmpi slt, %rem3A_1470, %lt3A_1473 : i32
      %lt3A_1475 = arith.constant 0 : i32
      %lt3A_1476 = arith.cmpi slt, %select_n3A_1469, %lt3A_1475 : i32
      %ne3A_1477 = arith.xori %lt3A_1474, %lt3A_1476 : i1
      %and3A_1478 = arith.andi %ne3A_1477, %ne3A_1472 : i1
      %add3A_1479 = arith.addi %rem3A_1470, %select_n3A_1469 : i32
      %select_n3A_1480 = arith.select %and3A_1478, %add3A_1479, %rem3A_1470 : i32
      %broadcast_in_dim3A_1481 = vector.broadcast %select_n3A_1480 : i32 to vector<16xi32>
      %gather3A_1482 = arith.constant 11 : i32
      %gather3A_1483 = arith.constant 0 : i32
      %gather3A_1484 = arith.constant 0 : i32
      %gather3A_1485 = tpu.memref_slice %arg10[%gather3A_1482, %gather3A_1483, %gather3A_1484] : memref<16x32x128xf32, #tpu.memory_space<vmem>> -> memref<1x32x128xf32, #tpu.memory_space<vmem>>
      %gather3A_1486 = tpu.memref_squeeze %gather3A_1485 : memref<1x32x128xf32, #tpu.memory_space<vmem>> -> memref<32x128xf32, #tpu.memory_space<vmem>>
      %gather3A_1487 = tpu.vector_load_idx %gather3A_1486[%iota3A, %broadcast_in_dim3A_1481] : memref<32x128xf32, #tpu.memory_space<vmem>>[vector<16xi32>, vector<16xi32>], vector<16xf32>,
      %add3A_1488 = arith.constant 16 : i32
      %add3A_1489 = vector.broadcast %add3A_1488 : i32 to vector<16xi32>
      %add3A_1490 = arith.addi %iota3A, %add3A_1489 : vector<16xi32>
      %gather3A_1491 = arith.constant 11 : i32
      %gather3A_1492 = arith.constant 0 : i32
      %gather3A_1493 = arith.constant 0 : i32
      %gather3A_1494 = tpu.memref_slice %arg10[%gather3A_1491, %gather3A_1492, %gather3A_1493] : memref<16x32x128xf32, #tpu.memory_space<vmem>> -> memref<1x32x128xf32, #tpu.memory_space<vmem>>
      %gather3A_1495 = tpu.memref_squeeze %gather3A_1494 : memref<1x32x128xf32, #tpu.memory_space<vmem>> -> memref<32x128xf32, #tpu.memory_space<vmem>>
      %gather3A_1496 = tpu.vector_load_idx %gather3A_1495[%add3A_1490, %broadcast_in_dim3A_1481] : memref<32x128xf32, #tpu.memory_space<vmem>>[vector<16xi32>, vector<16xi32>], vector<16xf32>,
      %add3A_1497 = arith.constant 11 : i32
      %add3A_1498 = arith.addi %multiple_of3A_20, %add3A_1497 : i32
      %broadcast_in_dim3A_1499 = vector.broadcast %add3A_1498 : i32 to vector<16xi32>
      tpu.vector_store_idx %arg11[%iota3A, %broadcast_in_dim3A_1499], %gather3A_1487 : memref<32x512xf32, #tpu.memory_space<vmem>>[vector<16xi32>, vector<16xi32>], vector<16xf32>,
      %add3A_1500 = arith.constant 16 : i32
      %add3A_1501 = vector.broadcast %add3A_1500 : i32 to vector<16xi32>
      %add3A_1502 = arith.addi %iota3A, %add3A_1501 : vector<16xi32>
      tpu.vector_store_idx %arg11[%add3A_1502, %broadcast_in_dim3A_1499], %gather3A_1496 : memref<32x512xf32, #tpu.memory_space<vmem>>[vector<16xi32>, vector<16xi32>], vector<16xf32>,
      %jit3A_1503 = arith.constant 128 : i32
      %eq3A_1504 = arith.constant 0 : i32
      %eq3A_1505 = arith.cmpi eq, %jit3A_1503, %eq3A_1504 : i32
      %jit3A_1506 = arith.constant 1 : i32
      %select_n3A_1507 = arith.select %eq3A_1505, %jit3A_1506, %jit3A_1503 : i32
      %rem3A_1508 = arith.remsi %reduce_sum3A_619, %select_n3A_1507 : i32
      %ne3A_1509 = arith.constant 0 : i32
      %ne3A_1510 = arith.cmpi ne, %rem3A_1508, %ne3A_1509 : i32
      %lt3A_1511 = arith.constant 0 : i32
      %lt3A_1512 = arith.cmpi slt, %rem3A_1508, %lt3A_1511 : i32
      %lt3A_1513 = arith.constant 0 : i32
      %lt3A_1514 = arith.cmpi slt, %select_n3A_1507, %lt3A_1513 : i32
      %ne3A_1515 = arith.xori %lt3A_1512, %lt3A_1514 : i1
      %and3A_1516 = arith.andi %ne3A_1515, %ne3A_1510 : i1
      %add3A_1517 = arith.addi %rem3A_1508, %select_n3A_1507 : i32
      %select_n3A_1518 = arith.select %and3A_1516, %add3A_1517, %rem3A_1508 : i32
      %broadcast_in_dim3A_1519 = vector.broadcast %select_n3A_1518 : i32 to vector<16xi32>
      %gather3A_1520 = arith.constant 12 : i32
      %gather3A_1521 = arith.constant 0 : i32
      %gather3A_1522 = arith.constant 0 : i32
      %gather3A_1523 = tpu.memref_slice %arg10[%gather3A_1520, %gather3A_1521, %gather3A_1522] : memref<16x32x128xf32, #tpu.memory_space<vmem>> -> memref<1x32x128xf32, #tpu.memory_space<vmem>>
      %gather3A_1524 = tpu.memref_squeeze %gather3A_1523 : memref<1x32x128xf32, #tpu.memory_space<vmem>> -> memref<32x128xf32, #tpu.memory_space<vmem>>
      %gather3A_1525 = tpu.vector_load_idx %gather3A_1524[%iota3A, %broadcast_in_dim3A_1519] : memref<32x128xf32, #tpu.memory_space<vmem>>[vector<16xi32>, vector<16xi32>], vector<16xf32>,
      %add3A_1526 = arith.constant 16 : i32
      %add3A_1527 = vector.broadcast %add3A_1526 : i32 to vector<16xi32>
      %add3A_1528 = arith.addi %iota3A, %add3A_1527 : vector<16xi32>
      %gather3A_1529 = arith.constant 12 : i32
      %gather3A_1530 = arith.constant 0 : i32
      %gather3A_1531 = arith.constant 0 : i32
      %gather3A_1532 = tpu.memref_slice %arg10[%gather3A_1529, %gather3A_1530, %gather3A_1531] : memref<16x32x128xf32, #tpu.memory_space<vmem>> -> memref<1x32x128xf32, #tpu.memory_space<vmem>>
      %gather3A_1533 = tpu.memref_squeeze %gather3A_1532 : memref<1x32x128xf32, #tpu.memory_space<vmem>> -> memref<32x128xf32, #tpu.memory_space<vmem>>
      %gather3A_1534 = tpu.vector_load_idx %gather3A_1533[%add3A_1528, %broadcast_in_dim3A_1519] : memref<32x128xf32, #tpu.memory_space<vmem>>[vector<16xi32>, vector<16xi32>], vector<16xf32>,
      %add3A_1535 = arith.constant 12 : i32
      %add3A_1536 = arith.addi %multiple_of3A_20, %add3A_1535 : i32
      %broadcast_in_dim3A_1537 = vector.broadcast %add3A_1536 : i32 to vector<16xi32>
      tpu.vector_store_idx %arg11[%iota3A, %broadcast_in_dim3A_1537], %gather3A_1525 : memref<32x512xf32, #tpu.memory_space<vmem>>[vector<16xi32>, vector<16xi32>], vector<16xf32>,
      %add3A_1538 = arith.constant 16 : i32
      %add3A_1539 = vector.broadcast %add3A_1538 : i32 to vector<16xi32>
      %add3A_1540 = arith.addi %iota3A, %add3A_1539 : vector<16xi32>
      tpu.vector_store_idx %arg11[%add3A_1540, %broadcast_in_dim3A_1537], %gather3A_1534 : memref<32x512xf32, #tpu.memory_space<vmem>>[vector<16xi32>, vector<16xi32>], vector<16xf32>,
      %jit3A_1541 = arith.constant 128 : i32
      %eq3A_1542 = arith.constant 0 : i32
      %eq3A_1543 = arith.cmpi eq, %jit3A_1541, %eq3A_1542 : i32
      %jit3A_1544 = arith.constant 1 : i32
      %select_n3A_1545 = arith.select %eq3A_1543, %jit3A_1544, %jit3A_1541 : i32
      %rem3A_1546 = arith.remsi %reduce_sum3A_669, %select_n3A_1545 : i32
      %ne3A_1547 = arith.constant 0 : i32
      %ne3A_1548 = arith.cmpi ne, %rem3A_1546, %ne3A_1547 : i32
      %lt3A_1549 = arith.constant 0 : i32
      %lt3A_1550 = arith.cmpi slt, %rem3A_1546, %lt3A_1549 : i32
      %lt3A_1551 = arith.constant 0 : i32
      %lt3A_1552 = arith.cmpi slt, %select_n3A_1545, %lt3A_1551 : i32
      %ne3A_1553 = arith.xori %lt3A_1550, %lt3A_1552 : i1
      %and3A_1554 = arith.andi %ne3A_1553, %ne3A_1548 : i1
      %add3A_1555 = arith.addi %rem3A_1546, %select_n3A_1545 : i32
      %select_n3A_1556 = arith.select %and3A_1554, %add3A_1555, %rem3A_1546 : i32
      %broadcast_in_dim3A_1557 = vector.broadcast %select_n3A_1556 : i32 to vector<16xi32>
      %gather3A_1558 = arith.constant 13 : i32
      %gather3A_1559 = arith.constant 0 : i32
      %gather3A_1560 = arith.constant 0 : i32
      %gather3A_1561 = tpu.memref_slice %arg10[%gather3A_1558, %gather3A_1559, %gather3A_1560] : memref<16x32x128xf32, #tpu.memory_space<vmem>> -> memref<1x32x128xf32, #tpu.memory_space<vmem>>
      %gather3A_1562 = tpu.memref_squeeze %gather3A_1561 : memref<1x32x128xf32, #tpu.memory_space<vmem>> -> memref<32x128xf32, #tpu.memory_space<vmem>>
      %gather3A_1563 = tpu.vector_load_idx %gather3A_1562[%iota3A, %broadcast_in_dim3A_1557] : memref<32x128xf32, #tpu.memory_space<vmem>>[vector<16xi32>, vector<16xi32>], vector<16xf32>,
      %add3A_1564 = arith.constant 16 : i32
      %add3A_1565 = vector.broadcast %add3A_1564 : i32 to vector<16xi32>
      %add3A_1566 = arith.addi %iota3A, %add3A_1565 : vector<16xi32>
      %gather3A_1567 = arith.constant 13 : i32
      %gather3A_1568 = arith.constant 0 : i32
      %gather3A_1569 = arith.constant 0 : i32
      %gather3A_1570 = tpu.memref_slice %arg10[%gather3A_1567, %gather3A_1568, %gather3A_1569] : memref<16x32x128xf32, #tpu.memory_space<vmem>> -> memref<1x32x128xf32, #tpu.memory_space<vmem>>
      %gather3A_1571 = tpu.memref_squeeze %gather3A_1570 : memref<1x32x128xf32, #tpu.memory_space<vmem>> -> memref<32x128xf32, #tpu.memory_space<vmem>>
      %gather3A_1572 = tpu.vector_load_idx %gather3A_1571[%add3A_1566, %broadcast_in_dim3A_1557] : memref<32x128xf32, #tpu.memory_space<vmem>>[vector<16xi32>, vector<16xi32>], vector<16xf32>,
      %add3A_1573 = arith.constant 13 : i32
      %add3A_1574 = arith.addi %multiple_of3A_20, %add3A_1573 : i32
      %broadcast_in_dim3A_1575 = vector.broadcast %add3A_1574 : i32 to vector<16xi32>
      tpu.vector_store_idx %arg11[%iota3A, %broadcast_in_dim3A_1575], %gather3A_1563 : memref<32x512xf32, #tpu.memory_space<vmem>>[vector<16xi32>, vector<16xi32>], vector<16xf32>,
      %add3A_1576 = arith.constant 16 : i32
      %add3A_1577 = vector.broadcast %add3A_1576 : i32 to vector<16xi32>
      %add3A_1578 = arith.addi %iota3A, %add3A_1577 : vector<16xi32>
      tpu.vector_store_idx %arg11[%add3A_1578, %broadcast_in_dim3A_1575], %gather3A_1572 : memref<32x512xf32, #tpu.memory_space<vmem>>[vector<16xi32>, vector<16xi32>], vector<16xf32>,
      %jit3A_1579 = arith.constant 128 : i32
      %eq3A_1580 = arith.constant 0 : i32
      %eq3A_1581 = arith.cmpi eq, %jit3A_1579, %eq3A_1580 : i32
      %jit3A_1582 = arith.constant 1 : i32
      %select_n3A_1583 = arith.select %eq3A_1581, %jit3A_1582, %jit3A_1579 : i32
      %rem3A_1584 = arith.remsi %reduce_sum3A_719, %select_n3A_1583 : i32
      %ne3A_1585 = arith.constant 0 : i32
      %ne3A_1586 = arith.cmpi ne, %rem3A_1584, %ne3A_1585 : i32
      %lt3A_1587 = arith.constant 0 : i32
      %lt3A_1588 = arith.cmpi slt, %rem3A_1584, %lt3A_1587 : i32
      %lt3A_1589 = arith.constant 0 : i32
      %lt3A_1590 = arith.cmpi slt, %select_n3A_1583, %lt3A_1589 : i32
      %ne3A_1591 = arith.xori %lt3A_1588, %lt3A_1590 : i1
      %and3A_1592 = arith.andi %ne3A_1591, %ne3A_1586 : i1
      %add3A_1593 = arith.addi %rem3A_1584, %select_n3A_1583 : i32
      %select_n3A_1594 = arith.select %and3A_1592, %add3A_1593, %rem3A_1584 : i32
      %broadcast_in_dim3A_1595 = vector.broadcast %select_n3A_1594 : i32 to vector<16xi32>
      %gather3A_1596 = arith.constant 14 : i32
      %gather3A_1597 = arith.constant 0 : i32
      %gather3A_1598 = arith.constant 0 : i32
      %gather3A_1599 = tpu.memref_slice %arg10[%gather3A_1596, %gather3A_1597, %gather3A_1598] : memref<16x32x128xf32, #tpu.memory_space<vmem>> -> memref<1x32x128xf32, #tpu.memory_space<vmem>>
      %gather3A_1600 = tpu.memref_squeeze %gather3A_1599 : memref<1x32x128xf32, #tpu.memory_space<vmem>> -> memref<32x128xf32, #tpu.memory_space<vmem>>
      %gather3A_1601 = tpu.vector_load_idx %gather3A_1600[%iota3A, %broadcast_in_dim3A_1595] : memref<32x128xf32, #tpu.memory_space<vmem>>[vector<16xi32>, vector<16xi32>], vector<16xf32>,
      %add3A_1602 = arith.constant 16 : i32
      %add3A_1603 = vector.broadcast %add3A_1602 : i32 to vector<16xi32>
      %add3A_1604 = arith.addi %iota3A, %add3A_1603 : vector<16xi32>
      %gather3A_1605 = arith.constant 14 : i32
      %gather3A_1606 = arith.constant 0 : i32
      %gather3A_1607 = arith.constant 0 : i32
      %gather3A_1608 = tpu.memref_slice %arg10[%gather3A_1605, %gather3A_1606, %gather3A_1607] : memref<16x32x128xf32, #tpu.memory_space<vmem>> -> memref<1x32x128xf32, #tpu.memory_space<vmem>>
      %gather3A_1609 = tpu.memref_squeeze %gather3A_1608 : memref<1x32x128xf32, #tpu.memory_space<vmem>> -> memref<32x128xf32, #tpu.memory_space<vmem>>
      %gather3A_1610 = tpu.vector_load_idx %gather3A_1609[%add3A_1604, %broadcast_in_dim3A_1595] : memref<32x128xf32, #tpu.memory_space<vmem>>[vector<16xi32>, vector<16xi32>], vector<16xf32>,
      %add3A_1611 = arith.constant 14 : i32
      %add3A_1612 = arith.addi %multiple_of3A_20, %add3A_1611 : i32
      %broadcast_in_dim3A_1613 = vector.broadcast %add3A_1612 : i32 to vector<16xi32>
      tpu.vector_store_idx %arg11[%iota3A, %broadcast_in_dim3A_1613], %gather3A_1601 : memref<32x512xf32, #tpu.memory_space<vmem>>[vector<16xi32>, vector<16xi32>], vector<16xf32>,
      %add3A_1614 = arith.constant 16 : i32
      %add3A_1615 = vector.broadcast %add3A_1614 : i32 to vector<16xi32>
      %add3A_1616 = arith.addi %iota3A, %add3A_1615 : vector<16xi32>
      tpu.vector_store_idx %arg11[%add3A_1616, %broadcast_in_dim3A_1613], %gather3A_1610 : memref<32x512xf32, #tpu.memory_space<vmem>>[vector<16xi32>, vector<16xi32>], vector<16xf32>,
      %jit3A_1617 = arith.constant 128 : i32
      %eq3A_1618 = arith.constant 0 : i32
      %eq3A_1619 = arith.cmpi eq, %jit3A_1617, %eq3A_1618 : i32
      %jit3A_1620 = arith.constant 1 : i32
      %select_n3A_1621 = arith.select %eq3A_1619, %jit3A_1620, %jit3A_1617 : i32
      %rem3A_1622 = arith.remsi %reduce_sum3A_769, %select_n3A_1621 : i32
      %ne3A_1623 = arith.constant 0 : i32
      %ne3A_1624 = arith.cmpi ne, %rem3A_1622, %ne3A_1623 : i32
      %lt3A_1625 = arith.constant 0 : i32
      %lt3A_1626 = arith.cmpi slt, %rem3A_1622, %lt3A_1625 : i32
      %lt3A_1627 = arith.constant 0 : i32
      %lt3A_1628 = arith.cmpi slt, %select_n3A_1621, %lt3A_1627 : i32
      %ne3A_1629 = arith.xori %lt3A_1626, %lt3A_1628 : i1
      %and3A_1630 = arith.andi %ne3A_1629, %ne3A_1624 : i1
      %add3A_1631 = arith.addi %rem3A_1622, %select_n3A_1621 : i32
      %select_n3A_1632 = arith.select %and3A_1630, %add3A_1631, %rem3A_1622 : i32
      %broadcast_in_dim3A_1633 = vector.broadcast %select_n3A_1632 : i32 to vector<16xi32>
      %gather3A_1634 = arith.constant 15 : i32
      %gather3A_1635 = arith.constant 0 : i32
      %gather3A_1636 = arith.constant 0 : i32
      %gather3A_1637 = tpu.memref_slice %arg10[%gather3A_1634, %gather3A_1635, %gather3A_1636] : memref<16x32x128xf32, #tpu.memory_space<vmem>> -> memref<1x32x128xf32, #tpu.memory_space<vmem>>
      %gather3A_1638 = tpu.memref_squeeze %gather3A_1637 : memref<1x32x128xf32, #tpu.memory_space<vmem>> -> memref<32x128xf32, #tpu.memory_space<vmem>>
      %gather3A_1639 = tpu.vector_load_idx %gather3A_1638[%iota3A, %broadcast_in_dim3A_1633] : memref<32x128xf32, #tpu.memory_space<vmem>>[vector<16xi32>, vector<16xi32>], vector<16xf32>,
      %add3A_1640 = arith.constant 16 : i32
      %add3A_1641 = vector.broadcast %add3A_1640 : i32 to vector<16xi32>
      %add3A_1642 = arith.addi %iota3A, %add3A_1641 : vector<16xi32>
      %gather3A_1643 = arith.constant 15 : i32
      %gather3A_1644 = arith.constant 0 : i32
      %gather3A_1645 = arith.constant 0 : i32
      %gather3A_1646 = tpu.memref_slice %arg10[%gather3A_1643, %gather3A_1644, %gather3A_1645] : memref<16x32x128xf32, #tpu.memory_space<vmem>> -> memref<1x32x128xf32, #tpu.memory_space<vmem>>
      %gather3A_1647 = tpu.memref_squeeze %gather3A_1646 : memref<1x32x128xf32, #tpu.memory_space<vmem>> -> memref<32x128xf32, #tpu.memory_space<vmem>>
      %gather3A_1648 = tpu.vector_load_idx %gather3A_1647[%add3A_1642, %broadcast_in_dim3A_1633] : memref<32x128xf32, #tpu.memory_space<vmem>>[vector<16xi32>, vector<16xi32>], vector<16xf32>,
      %add3A_1649 = arith.constant 15 : i32
      %add3A_1650 = arith.addi %multiple_of3A_20, %add3A_1649 : i32
      %broadcast_in_dim3A_1651 = vector.broadcast %add3A_1650 : i32 to vector<16xi32>
      tpu.vector_store_idx %arg11[%iota3A, %broadcast_in_dim3A_1651], %gather3A_1639 : memref<32x512xf32, #tpu.memory_space<vmem>>[vector<16xi32>, vector<16xi32>], vector<16xf32>,
      %add3A_1652 = arith.constant 16 : i32
      %add3A_1653 = vector.broadcast %add3A_1652 : i32 to vector<16xi32>
      %add3A_1654 = arith.addi %iota3A, %add3A_1653 : vector<16xi32>
      tpu.vector_store_idx %arg11[%add3A_1654, %broadcast_in_dim3A_1651], %gather3A_1648 : memref<32x512xf32, #tpu.memory_space<vmem>>[vector<16xi32>, vector<16xi32>], vector<16xf32>,
      %scan3A_1655 = arith.constant 0 : i32
      scf.yield %scan3A_1655 : i32
    }
    %scan3A_8 = arith.constant 32 : i32
    %scan3A_9 = arith.constant 0 : i32
    %scan3A_10 = arith.constant 0 : i32
    %scan3A_11 = arith.constant 32 : i32
    %scan3A_12 = arith.addi %scan3A_10, %scan3A_11 : i32
    %scan3A_13 = arith.constant 1 : i32
    %scan3A_14 = scf.for %scan3A_16 = %scan3A_10 to %scan3A_12 step %scan3A_13 iter_args(%scan3A_17 = %scan3A_9) -> (i32)  : i32 {
      %mul3A_18 = arith.constant 16 : i32
      %mul3A_19 = arith.muli %scan3A_16, %mul3A_18 : i32
      %multiple_of3A_20 = tpu.assume_multiple %mul3A_19, 16 : i32
      %get3A = arith.index_cast %multiple_of3A_20 : i32 to index
      %get3A_21 = tpu.vector_load %arg9[%get3A] {strides = array<i32>} : memref<512xi32, #tpu.memory_space<vmem>>, vector<16xi32>,
      %eq3A = arith.constant 0 : i32
      %eq3A_22 = vector.broadcast %eq3A : i32 to vector<16xi32>
      %eq3A_23 = arith.cmpi eq, %iota3A, %eq3A_22 : vector<16xi32>
      %jit3A = arith.constant 0 : i32
      %broadcast_in_dim3A = vector.broadcast %jit3A : i32 to vector<16xi32>
      %select_n3A = arith.select %eq3A_23, %get3A_21, %broadcast_in_dim3A : vector<16xi1>, vector<16xi32>
      %reduce_sum3A = arith.constant true
      %reduce_sum3A_24 = vector.broadcast %reduce_sum3A : i1 to vector<16xi1>
      %reduce_sum3A_25 = tpu.scan <sum>, %select_n3A masked %reduce_sum3A_24 : vector<16xi32>, vector<16xi1> -> vector<16xi32>
      %reduce_sum3A_26 = vector.extract %reduce_sum3A_25[15] : i32 from vector<16xi32>
      %jit3A_27 = arith.constant 128 : i32
      %div3A = arith.divsi %reduce_sum3A_26, %jit3A_27 : i32
      %sign3A = arith.constant 0 : i32
      %sign3A_28 = arith.cmpi sgt, %reduce_sum3A_26, %sign3A : i32
      %sign3A_29 = arith.extui %sign3A_28 : i1 to i32
      %sign3A_30 = arith.constant 0 : i32
      %sign3A_31 = arith.cmpi slt, %reduce_sum3A_26, %sign3A_30 : i32
      %sign3A_32 = arith.extui %sign3A_31 : i1 to i32
      %sign3A_33 = arith.subi %sign3A_29, %sign3A_32 : i32
      %sign3A_34 = arith.constant 0 : i32
      %sign3A_35 = arith.cmpi sgt, %jit3A_27, %sign3A_34 : i32
      %sign3A_36 = arith.extui %sign3A_35 : i1 to i32
      %sign3A_37 = arith.constant 0 : i32
      %sign3A_38 = arith.cmpi slt, %jit3A_27, %sign3A_37 : i32
      %sign3A_39 = arith.extui %sign3A_38 : i1 to i32
      %sign3A_40 = arith.subi %sign3A_36, %sign3A_39 : i32
      %ne3A = arith.cmpi ne, %sign3A_33, %sign3A_40 : i32
      %rem3A = arith.remsi %reduce_sum3A_26, %jit3A_27 : i32
      %ne3A_41 = arith.constant 0 : i32
      %ne3A_42 = arith.cmpi ne, %rem3A, %ne3A_41 : i32
      %and3A = arith.andi %ne3A, %ne3A_42 : i1
      %sub3A = arith.constant 1 : i32
      %sub3A_43 = arith.subi %div3A, %sub3A : i32
      %select_n3A_44 = arith.select %and3A, %sub3A_43, %div3A : i32
      %mul3A_45 = arith.constant 128 : i32
      %mul3A_46 = arith.muli %select_n3A_44, %mul3A_45 : i32
      %multiple_of3A_47 = tpu.assume_multiple %mul3A_46, 128 : i32
      %dma_start3A = arith.constant 0 : i32
      %dma_start3A_48 = arith.constant 0 : i32
      %dma_start3A_49 = arith.constant 0 : i32
      %dma_start3A_50 = tpu.memref_slice %arg10[%dma_start3A, %dma_start3A_48, %dma_start3A_49] : memref<16x32x128xf32, #tpu.memory_space<vmem>> -> memref<1x32x128xf32, #tpu.memory_space<vmem>>
      %dma_start3A_51 = tpu.memref_squeeze %dma_start3A_50 : memref<1x32x128xf32, #tpu.memory_space<vmem>> -> memref<32x128xf32, #tpu.memory_space<vmem>>
      %dma_start3A_52 = arith.constant 0 : i32
      %dma_start3A_53 = tpu.memref_slice %arg5[%dma_start3A_52, %multiple_of3A_47] : memref<32x1000000xf32, #tpu.memory_space<hbm>> -> memref<32x128xf32, #tpu.memory_space<hbm>>
      %dma_start3A_54 = arith.constant 0 : i32
      %dma_start3A_55 = arith.constant 0 : i32
      %dma_start3A_56 = tpu.memref_slice %arg10[%dma_start3A, %dma_start3A_54, %dma_start3A_55] : memref<16x32x128xf32, #tpu.memory_space<vmem>> -> memref<1x32x128xf32, #tpu.memory_space<vmem>>
      %dma_start3A_57 = tpu.memref_squeeze %dma_start3A_56 : memref<1x32x128xf32, #tpu.memory_space<vmem>> -> memref<32x128xf32, #tpu.memory_space<vmem>>
      %dma_start3A_58 = arith.constant 0 : i32
      %dma_start3A_59 = tpu.memref_slice %arg5[%dma_start3A_58, %multiple_of3A_47] : memref<32x1000000xf32, #tpu.memory_space<hbm>> -> memref<32x128xf32, #tpu.memory_space<hbm>>
      tpu.enqueue_dma source(%dma_start3A_59 : memref<32x128xf32, #tpu.memory_space<hbm>>) target(%dma_start3A_57 : memref<32x128xf32, #tpu.memory_space<vmem>>) target_semaphore(%arg13 : memref<!tpu.dma_semaphore, #tpu.memory_space<semaphore_mem>>)
      %eq3A_60 = arith.constant 1 : i32
      %eq3A_61 = vector.broadcast %eq3A_60 : i32 to vector<16xi32>
      %eq3A_62 = arith.cmpi eq, %iota3A, %eq3A_61 : vector<16xi32>
      %jit3A_63 = arith.constant 0 : i32
      %broadcast_in_dim3A_64 = vector.broadcast %jit3A_63 : i32 to vector<16xi32>
      %select_n3A_65 = arith.select %eq3A_62, %get3A_21, %broadcast_in_dim3A_64 : vector<16xi1>, vector<16xi32>
      %reduce_sum3A_66 = arith.constant true
      %reduce_sum3A_67 = vector.broadcast %reduce_sum3A_66 : i1 to vector<16xi1>
      %reduce_sum3A_68 = tpu.scan <sum>, %select_n3A_65 masked %reduce_sum3A_67 : vector<16xi32>, vector<16xi1> -> vector<16xi32>
      %reduce_sum3A_69 = vector.extract %reduce_sum3A_68[15] : i32 from vector<16xi32>
      %jit3A_70 = arith.constant 128 : i32
      %div3A_71 = arith.divsi %reduce_sum3A_69, %jit3A_70 : i32
      %sign3A_72 = arith.constant 0 : i32
      %sign3A_73 = arith.cmpi sgt, %reduce_sum3A_69, %sign3A_72 : i32
      %sign3A_74 = arith.extui %sign3A_73 : i1 to i32
      %sign3A_75 = arith.constant 0 : i32
      %sign3A_76 = arith.cmpi slt, %reduce_sum3A_69, %sign3A_75 : i32
      %sign3A_77 = arith.extui %sign3A_76 : i1 to i32
      %sign3A_78 = arith.subi %sign3A_74, %sign3A_77 : i32
      %sign3A_79 = arith.constant 0 : i32
      %sign3A_80 = arith.cmpi sgt, %jit3A_70, %sign3A_79 : i32
      %sign3A_81 = arith.extui %sign3A_80 : i1 to i32
      %sign3A_82 = arith.constant 0 : i32
      %sign3A_83 = arith.cmpi slt, %jit3A_70, %sign3A_82 : i32
      %sign3A_84 = arith.extui %sign3A_83 : i1 to i32
      %sign3A_85 = arith.subi %sign3A_81, %sign3A_84 : i32
      %ne3A_86 = arith.cmpi ne, %sign3A_78, %sign3A_85 : i32
      %rem3A_87 = arith.remsi %reduce_sum3A_69, %jit3A_70 : i32
      %ne3A_88 = arith.constant 0 : i32
      %ne3A_89 = arith.cmpi ne, %rem3A_87, %ne3A_88 : i32
      %and3A_90 = arith.andi %ne3A_86, %ne3A_89 : i1
      %sub3A_91 = arith.constant 1 : i32
      %sub3A_92 = arith.subi %div3A_71, %sub3A_91 : i32
      %select_n3A_93 = arith.select %and3A_90, %sub3A_92, %div3A_71 : i32
      %mul3A_94 = arith.constant 128 : i32
      %mul3A_95 = arith.muli %select_n3A_93, %mul3A_94 : i32
      %multiple_of3A_96 = tpu.assume_multiple %mul3A_95, 128 : i32
      %dma_start3A_97 = arith.constant 1 : i32
      %dma_start3A_98 = arith.constant 0 : i32
      %dma_start3A_99 = arith.constant 0 : i32
      %dma_start3A_100 = tpu.memref_slice %arg10[%dma_start3A_97, %dma_start3A_98, %dma_start3A_99] : memref<16x32x128xf32, #tpu.memory_space<vmem>> -> memref<1x32x128xf32, #tpu.memory_space<vmem>>
      %dma_start3A_101 = tpu.memref_squeeze %dma_start3A_100 : memref<1x32x128xf32, #tpu.memory_space<vmem>> -> memref<32x128xf32, #tpu.memory_space<vmem>>
      %dma_start3A_102 = arith.constant 0 : i32
      %dma_start3A_103 = tpu.memref_slice %arg5[%dma_start3A_102, %multiple_of3A_96] : memref<32x1000000xf32, #tpu.memory_space<hbm>> -> memref<32x128xf32, #tpu.memory_space<hbm>>
      %dma_start3A_104 = arith.constant 0 : i32
      %dma_start3A_105 = arith.constant 0 : i32
      %dma_start3A_106 = tpu.memref_slice %arg10[%dma_start3A_97, %dma_start3A_104, %dma_start3A_105] : memref<16x32x128xf32, #tpu.memory_space<vmem>> -> memref<1x32x128xf32, #tpu.memory_space<vmem>>
      %dma_start3A_107 = tpu.memref_squeeze %dma_start3A_106 : memref<1x32x128xf32, #tpu.memory_space<vmem>> -> memref<32x128xf32, #tpu.memory_space<vmem>>
      %dma_start3A_108 = arith.constant 0 : i32
      %dma_start3A_109 = tpu.memref_slice %arg5[%dma_start3A_108, %multiple_of3A_96] : memref<32x1000000xf32, #tpu.memory_space<hbm>> -> memref<32x128xf32, #tpu.memory_space<hbm>>
      tpu.enqueue_dma source(%dma_start3A_109 : memref<32x128xf32, #tpu.memory_space<hbm>>) target(%dma_start3A_107 : memref<32x128xf32, #tpu.memory_space<vmem>>) target_semaphore(%arg13 : memref<!tpu.dma_semaphore, #tpu.memory_space<semaphore_mem>>)
      %eq3A_110 = arith.constant 2 : i32
      %eq3A_111 = vector.broadcast %eq3A_110 : i32 to vector<16xi32>
      %eq3A_112 = arith.cmpi eq, %iota3A, %eq3A_111 : vector<16xi32>
      %jit3A_113 = arith.constant 0 : i32
      %broadcast_in_dim3A_114 = vector.broadcast %jit3A_113 : i32 to vector<16xi32>
      %select_n3A_115 = arith.select %eq3A_112, %get3A_21, %broadcast_in_dim3A_114 : vector<16xi1>, vector<16xi32>
      %reduce_sum3A_116 = arith.constant true
      %reduce_sum3A_117 = vector.broadcast %reduce_sum3A_116 : i1 to vector<16xi1>
      %reduce_sum3A_118 = tpu.scan <sum>, %select_n3A_115 masked %reduce_sum3A_117 : vector<16xi32>, vector<16xi1> -> vector<16xi32>
      %reduce_sum3A_119 = vector.extract %reduce_sum3A_118[15] : i32 from vector<16xi32>
      %jit3A_120 = arith.constant 128 : i32
      %div3A_121 = arith.divsi %reduce_sum3A_119, %jit3A_120 : i32
      %sign3A_122 = arith.constant 0 : i32
      %sign3A_123 = arith.cmpi sgt, %reduce_sum3A_119, %sign3A_122 : i32
      %sign3A_124 = arith.extui %sign3A_123 : i1 to i32
      %sign3A_125 = arith.constant 0 : i32
      %sign3A_126 = arith.cmpi slt, %reduce_sum3A_119, %sign3A_125 : i32
      %sign3A_127 = arith.extui %sign3A_126 : i1 to i32
      %sign3A_128 = arith.subi %sign3A_124, %sign3A_127 : i32
      %sign3A_129 = arith.constant 0 : i32
      %sign3A_130 = arith.cmpi sgt, %jit3A_120, %sign3A_129 : i32
      %sign3A_131 = arith.extui %sign3A_130 : i1 to i32
      %sign3A_132 = arith.constant 0 : i32
      %sign3A_133 = arith.cmpi slt, %jit3A_120, %sign3A_132 : i32
      %sign3A_134 = arith.extui %sign3A_133 : i1 to i32
      %sign3A_135 = arith.subi %sign3A_131, %sign3A_134 : i32
      %ne3A_136 = arith.cmpi ne, %sign3A_128, %sign3A_135 : i32
      %rem3A_137 = arith.remsi %reduce_sum3A_119, %jit3A_120 : i32
      %ne3A_138 = arith.constant 0 : i32
      %ne3A_139 = arith.cmpi ne, %rem3A_137, %ne3A_138 : i32
      %and3A_140 = arith.andi %ne3A_136, %ne3A_139 : i1
      %sub3A_141 = arith.constant 1 : i32
      %sub3A_142 = arith.subi %div3A_121, %sub3A_141 : i32
      %select_n3A_143 = arith.select %and3A_140, %sub3A_142, %div3A_121 : i32
      %mul3A_144 = arith.constant 128 : i32
      %mul3A_145 = arith.muli %select_n3A_143, %mul3A_144 : i32
      %multiple_of3A_146 = tpu.assume_multiple %mul3A_145, 128 : i32
      %dma_start3A_147 = arith.constant 2 : i32
      %dma_start3A_148 = arith.constant 0 : i32
      %dma_start3A_149 = arith.constant 0 : i32
      %dma_start3A_150 = tpu.memref_slice %arg10[%dma_start3A_147, %dma_start3A_148, %dma_start3A_149] : memref<16x32x128xf32, #tpu.memory_space<vmem>> -> memref<1x32x128xf32, #tpu.memory_space<vmem>>
      %dma_start3A_151 = tpu.memref_squeeze %dma_start3A_150 : memref<1x32x128xf32, #tpu.memory_space<vmem>> -> memref<32x128xf32, #tpu.memory_space<vmem>>
      %dma_start3A_152 = arith.constant 0 : i32
      %dma_start3A_153 = tpu.memref_slice %arg5[%dma_start3A_152, %multiple_of3A_146] : memref<32x1000000xf32, #tpu.memory_space<hbm>> -> memref<32x128xf32, #tpu.memory_space<hbm>>
      %dma_start3A_154 = arith.constant 0 : i32
      %dma_start3A_155 = arith.constant 0 : i32
      %dma_start3A_156 = tpu.memref_slice %arg10[%dma_start3A_147, %dma_start3A_154, %dma_start3A_155] : memref<16x32x128xf32, #tpu.memory_space<vmem>> -> memref<1x32x128xf32, #tpu.memory_space<vmem>>
      %dma_start3A_157 = tpu.memref_squeeze %dma_start3A_156 : memref<1x32x128xf32, #tpu.memory_space<vmem>> -> memref<32x128xf32, #tpu.memory_space<vmem>>
      %dma_start3A_158 = arith.constant 0 : i32
      %dma_start3A_159 = tpu.memref_slice %arg5[%dma_start3A_158, %multiple_of3A_146] : memref<32x1000000xf32, #tpu.memory_space<hbm>> -> memref<32x128xf32, #tpu.memory_space<hbm>>
      tpu.enqueue_dma source(%dma_start3A_159 : memref<32x128xf32, #tpu.memory_space<hbm>>) target(%dma_start3A_157 : memref<32x128xf32, #tpu.memory_space<vmem>>) target_semaphore(%arg13 : memref<!tpu.dma_semaphore, #tpu.memory_space<semaphore_mem>>)
      %eq3A_160 = arith.constant 3 : i32
      %eq3A_161 = vector.broadcast %eq3A_160 : i32 to vector<16xi32>
      %eq3A_162 = arith.cmpi eq, %iota3A, %eq3A_161 : vector<16xi32>
      %jit3A_163 = arith.constant 0 : i32
      %broadcast_in_dim3A_164 = vector.broadcast %jit3A_163 : i32 to vector<16xi32>
      %select_n3A_165 = arith.select %eq3A_162, %get3A_21, %broadcast_in_dim3A_164 : vector<16xi1>, vector<16xi32>
      %reduce_sum3A_166 = arith.constant true
      %reduce_sum3A_167 = vector.broadcast %reduce_sum3A_166 : i1 to vector<16xi1>
      %reduce_sum3A_168 = tpu.scan <sum>, %select_n3A_165 masked %reduce_sum3A_167 : vector<16xi32>, vector<16xi1> -> vector<16xi32>
      %reduce_sum3A_169 = vector.extract %reduce_sum3A_168[15] : i32 from vector<16xi32>
      %jit3A_170 = arith.constant 128 : i32
      %div3A_171 = arith.divsi %reduce_sum3A_169, %jit3A_170 : i32
      %sign3A_172 = arith.constant 0 : i32
      %sign3A_173 = arith.cmpi sgt, %reduce_sum3A_169, %sign3A_172 : i32
      %sign3A_174 = arith.extui %sign3A_173 : i1 to i32
      %sign3A_175 = arith.constant 0 : i32
      %sign3A_176 = arith.cmpi slt, %reduce_sum3A_169, %sign3A_175 : i32
      %sign3A_177 = arith.extui %sign3A_176 : i1 to i32
      %sign3A_178 = arith.subi %sign3A_174, %sign3A_177 : i32
      %sign3A_179 = arith.constant 0 : i32
      %sign3A_180 = arith.cmpi sgt, %jit3A_170, %sign3A_179 : i32
      %sign3A_181 = arith.extui %sign3A_180 : i1 to i32
      %sign3A_182 = arith.constant 0 : i32
      %sign3A_183 = arith.cmpi slt, %jit3A_170, %sign3A_182 : i32
      %sign3A_184 = arith.extui %sign3A_183 : i1 to i32
      %sign3A_185 = arith.subi %sign3A_181, %sign3A_184 : i32
      %ne3A_186 = arith.cmpi ne, %sign3A_178, %sign3A_185 : i32
      %rem3A_187 = arith.remsi %reduce_sum3A_169, %jit3A_170 : i32
      %ne3A_188 = arith.constant 0 : i32
      %ne3A_189 = arith.cmpi ne, %rem3A_187, %ne3A_188 : i32
      %and3A_190 = arith.andi %ne3A_186, %ne3A_189 : i1
      %sub3A_191 = arith.constant 1 : i32
      %sub3A_192 = arith.subi %div3A_171, %sub3A_191 : i32
      %select_n3A_193 = arith.select %and3A_190, %sub3A_192, %div3A_171 : i32
      %mul3A_194 = arith.constant 128 : i32
      %mul3A_195 = arith.muli %select_n3A_193, %mul3A_194 : i32
      %multiple_of3A_196 = tpu.assume_multiple %mul3A_195, 128 : i32
      %dma_start3A_197 = arith.constant 3 : i32
      %dma_start3A_198 = arith.constant 0 : i32
      %dma_start3A_199 = arith.constant 0 : i32
      %dma_start3A_200 = tpu.memref_slice %arg10[%dma_start3A_197, %dma_start3A_198, %dma_start3A_199] : memref<16x32x128xf32, #tpu.memory_space<vmem>> -> memref<1x32x128xf32, #tpu.memory_space<vmem>>
      %dma_start3A_201 = tpu.memref_squeeze %dma_start3A_200 : memref<1x32x128xf32, #tpu.memory_space<vmem>> -> memref<32x128xf32, #tpu.memory_space<vmem>>
      %dma_start3A_202 = arith.constant 0 : i32
      %dma_start3A_203 = tpu.memref_slice %arg5[%dma_start3A_202, %multiple_of3A_196] : memref<32x1000000xf32, #tpu.memory_space<hbm>> -> memref<32x128xf32, #tpu.memory_space<hbm>>
      %dma_start3A_204 = arith.constant 0 : i32
      %dma_start3A_205 = arith.constant 0 : i32
      %dma_start3A_206 = tpu.memref_slice %arg10[%dma_start3A_197, %dma_start3A_204, %dma_start3A_205] : memref<16x32x128xf32, #tpu.memory_space<vmem>> -> memref<1x32x128xf32, #tpu.memory_space<vmem>>
      %dma_start3A_207 = tpu.memref_squeeze %dma_start3A_206 : memref<1x32x128xf32, #tpu.memory_space<vmem>> -> memref<32x128xf32, #tpu.memory_space<vmem>>
      %dma_start3A_208 = arith.constant 0 : i32
      %dma_start3A_209 = tpu.memref_slice %arg5[%dma_start3A_208, %multiple_of3A_196] : memref<32x1000000xf32, #tpu.memory_space<hbm>> -> memref<32x128xf32, #tpu.memory_space<hbm>>
      tpu.enqueue_dma source(%dma_start3A_209 : memref<32x128xf32, #tpu.memory_space<hbm>>) target(%dma_start3A_207 : memref<32x128xf32, #tpu.memory_space<vmem>>) target_semaphore(%arg13 : memref<!tpu.dma_semaphore, #tpu.memory_space<semaphore_mem>>)
      %eq3A_210 = arith.constant 4 : i32
      %eq3A_211 = vector.broadcast %eq3A_210 : i32 to vector<16xi32>
      %eq3A_212 = arith.cmpi eq, %iota3A, %eq3A_211 : vector<16xi32>
      %jit3A_213 = arith.constant 0 : i32
      %broadcast_in_dim3A_214 = vector.broadcast %jit3A_213 : i32 to vector<16xi32>
      %select_n3A_215 = arith.select %eq3A_212, %get3A_21, %broadcast_in_dim3A_214 : vector<16xi1>, vector<16xi32>
      %reduce_sum3A_216 = arith.constant true
      %reduce_sum3A_217 = vector.broadcast %reduce_sum3A_216 : i1 to vector<16xi1>
      %reduce_sum3A_218 = tpu.scan <sum>, %select_n3A_215 masked %reduce_sum3A_217 : vector<16xi32>, vector<16xi1> -> vector<16xi32>
      %reduce_sum3A_219 = vector.extract %reduce_sum3A_218[15] : i32 from vector<16xi32>
      %jit3A_220 = arith.constant 128 : i32
      %div3A_221 = arith.divsi %reduce_sum3A_219, %jit3A_220 : i32
      %sign3A_222 = arith.constant 0 : i32
      %sign3A_223 = arith.cmpi sgt, %reduce_sum3A_219, %sign3A_222 : i32
      %sign3A_224 = arith.extui %sign3A_223 : i1 to i32
      %sign3A_225 = arith.constant 0 : i32
      %sign3A_226 = arith.cmpi slt, %reduce_sum3A_219, %sign3A_225 : i32
      %sign3A_227 = arith.extui %sign3A_226 : i1 to i32
      %sign3A_228 = arith.subi %sign3A_224, %sign3A_227 : i32
      %sign3A_229 = arith.constant 0 : i32
      %sign3A_230 = arith.cmpi sgt, %jit3A_220, %sign3A_229 : i32
      %sign3A_231 = arith.extui %sign3A_230 : i1 to i32
      %sign3A_232 = arith.constant 0 : i32
      %sign3A_233 = arith.cmpi slt, %jit3A_220, %sign3A_232 : i32
      %sign3A_234 = arith.extui %sign3A_233 : i1 to i32
      %sign3A_235 = arith.subi %sign3A_231, %sign3A_234 : i32
      %ne3A_236 = arith.cmpi ne, %sign3A_228, %sign3A_235 : i32
      %rem3A_237 = arith.remsi %reduce_sum3A_219, %jit3A_220 : i32
      %ne3A_238 = arith.constant 0 : i32
      %ne3A_239 = arith.cmpi ne, %rem3A_237, %ne3A_238 : i32
      %and3A_240 = arith.andi %ne3A_236, %ne3A_239 : i1
      %sub3A_241 = arith.constant 1 : i32
      %sub3A_242 = arith.subi %div3A_221, %sub3A_241 : i32
      %select_n3A_243 = arith.select %and3A_240, %sub3A_242, %div3A_221 : i32
      %mul3A_244 = arith.constant 128 : i32
      %mul3A_245 = arith.muli %select_n3A_243, %mul3A_244 : i32
      %multiple_of3A_246 = tpu.assume_multiple %mul3A_245, 128 : i32
      %dma_start3A_247 = arith.constant 4 : i32
      %dma_start3A_248 = arith.constant 0 : i32
      %dma_start3A_249 = arith.constant 0 : i32
      %dma_start3A_250 = tpu.memref_slice %arg10[%dma_start3A_247, %dma_start3A_248, %dma_start3A_249] : memref<16x32x128xf32, #tpu.memory_space<vmem>> -> memref<1x32x128xf32, #tpu.memory_space<vmem>>
      %dma_start3A_251 = tpu.memref_squeeze %dma_start3A_250 : memref<1x32x128xf32, #tpu.memory_space<vmem>> -> memref<32x128xf32, #tpu.memory_space<vmem>>
      %dma_start3A_252 = arith.constant 0 : i32
      %dma_start3A_253 = tpu.memref_slice %arg5[%dma_start3A_252, %multiple_of3A_246] : memref<32x1000000xf32, #tpu.memory_space<hbm>> -> memref<32x128xf32, #tpu.memory_space<hbm>>
      %dma_start3A_254 = arith.constant 0 : i32
      %dma_start3A_255 = arith.constant 0 : i32
      %dma_start3A_256 = tpu.memref_slice %arg10[%dma_start3A_247, %dma_start3A_254, %dma_start3A_255] : memref<16x32x128xf32, #tpu.memory_space<vmem>> -> memref<1x32x128xf32, #tpu.memory_space<vmem>>
      %dma_start3A_257 = tpu.memref_squeeze %dma_start3A_256 : memref<1x32x128xf32, #tpu.memory_space<vmem>> -> memref<32x128xf32, #tpu.memory_space<vmem>>
      %dma_start3A_258 = arith.constant 0 : i32
      %dma_start3A_259 = tpu.memref_slice %arg5[%dma_start3A_258, %multiple_of3A_246] : memref<32x1000000xf32, #tpu.memory_space<hbm>> -> memref<32x128xf32, #tpu.memory_space<hbm>>
      tpu.enqueue_dma source(%dma_start3A_259 : memref<32x128xf32, #tpu.memory_space<hbm>>) target(%dma_start3A_257 : memref<32x128xf32, #tpu.memory_space<vmem>>) target_semaphore(%arg13 : memref<!tpu.dma_semaphore, #tpu.memory_space<semaphore_mem>>)
      %eq3A_260 = arith.constant 5 : i32
      %eq3A_261 = vector.broadcast %eq3A_260 : i32 to vector<16xi32>
      %eq3A_262 = arith.cmpi eq, %iota3A, %eq3A_261 : vector<16xi32>
      %jit3A_263 = arith.constant 0 : i32
      %broadcast_in_dim3A_264 = vector.broadcast %jit3A_263 : i32 to vector<16xi32>
      %select_n3A_265 = arith.select %eq3A_262, %get3A_21, %broadcast_in_dim3A_264 : vector<16xi1>, vector<16xi32>
      %reduce_sum3A_266 = arith.constant true
      %reduce_sum3A_267 = vector.broadcast %reduce_sum3A_266 : i1 to vector<16xi1>
      %reduce_sum3A_268 = tpu.scan <sum>, %select_n3A_265 masked %reduce_sum3A_267 : vector<16xi32>, vector<16xi1> -> vector<16xi32>
      %reduce_sum3A_269 = vector.extract %reduce_sum3A_268[15] : i32 from vector<16xi32>
      %jit3A_270 = arith.constant 128 : i32
      %div3A_271 = arith.divsi %reduce_sum3A_269, %jit3A_270 : i32
      %sign3A_272 = arith.constant 0 : i32
      %sign3A_273 = arith.cmpi sgt, %reduce_sum3A_269, %sign3A_272 : i32
      %sign3A_274 = arith.extui %sign3A_273 : i1 to i32
      %sign3A_275 = arith.constant 0 : i32
      %sign3A_276 = arith.cmpi slt, %reduce_sum3A_269, %sign3A_275 : i32
      %sign3A_277 = arith.extui %sign3A_276 : i1 to i32
      %sign3A_278 = arith.subi %sign3A_274, %sign3A_277 : i32
      %sign3A_279 = arith.constant 0 : i32
      %sign3A_280 = arith.cmpi sgt, %jit3A_270, %sign3A_279 : i32
      %sign3A_281 = arith.extui %sign3A_280 : i1 to i32
      %sign3A_282 = arith.constant 0 : i32
      %sign3A_283 = arith.cmpi slt, %jit3A_270, %sign3A_282 : i32
      %sign3A_284 = arith.extui %sign3A_283 : i1 to i32
      %sign3A_285 = arith.subi %sign3A_281, %sign3A_284 : i32
      %ne3A_286 = arith.cmpi ne, %sign3A_278, %sign3A_285 : i32
      %rem3A_287 = arith.remsi %reduce_sum3A_269, %jit3A_270 : i32
      %ne3A_288 = arith.constant 0 : i32
      %ne3A_289 = arith.cmpi ne, %rem3A_287, %ne3A_288 : i32
      %and3A_290 = arith.andi %ne3A_286, %ne3A_289 : i1
      %sub3A_291 = arith.constant 1 : i32
      %sub3A_292 = arith.subi %div3A_271, %sub3A_291 : i32
      %select_n3A_293 = arith.select %and3A_290, %sub3A_292, %div3A_271 : i32
      %mul3A_294 = arith.constant 128 : i32
      %mul3A_295 = arith.muli %select_n3A_293, %mul3A_294 : i32
      %multiple_of3A_296 = tpu.assume_multiple %mul3A_295, 128 : i32
      %dma_start3A_297 = arith.constant 5 : i32
      %dma_start3A_298 = arith.constant 0 : i32
      %dma_start3A_299 = arith.constant 0 : i32
      %dma_start3A_300 = tpu.memref_slice %arg10[%dma_start3A_297, %dma_start3A_298, %dma_start3A_299] : memref<16x32x128xf32, #tpu.memory_space<vmem>> -> memref<1x32x128xf32, #tpu.memory_space<vmem>>
      %dma_start3A_301 = tpu.memref_squeeze %dma_start3A_300 : memref<1x32x128xf32, #tpu.memory_space<vmem>> -> memref<32x128xf32, #tpu.memory_space<vmem>>
      %dma_start3A_302 = arith.constant 0 : i32
      %dma_start3A_303 = tpu.memref_slice %arg5[%dma_start3A_302, %multiple_of3A_296] : memref<32x1000000xf32, #tpu.memory_space<hbm>> -> memref<32x128xf32, #tpu.memory_space<hbm>>
      %dma_start3A_304 = arith.constant 0 : i32
      %dma_start3A_305 = arith.constant 0 : i32
      %dma_start3A_306 = tpu.memref_slice %arg10[%dma_start3A_297, %dma_start3A_304, %dma_start3A_305] : memref<16x32x128xf32, #tpu.memory_space<vmem>> -> memref<1x32x128xf32, #tpu.memory_space<vmem>>
      %dma_start3A_307 = tpu.memref_squeeze %dma_start3A_306 : memref<1x32x128xf32, #tpu.memory_space<vmem>> -> memref<32x128xf32, #tpu.memory_space<vmem>>
      %dma_start3A_308 = arith.constant 0 : i32
      %dma_start3A_309 = tpu.memref_slice %arg5[%dma_start3A_308, %multiple_of3A_296] : memref<32x1000000xf32, #tpu.memory_space<hbm>> -> memref<32x128xf32, #tpu.memory_space<hbm>>
      tpu.enqueue_dma source(%dma_start3A_309 : memref<32x128xf32, #tpu.memory_space<hbm>>) target(%dma_start3A_307 : memref<32x128xf32, #tpu.memory_space<vmem>>) target_semaphore(%arg13 : memref<!tpu.dma_semaphore, #tpu.memory_space<semaphore_mem>>)
      %eq3A_310 = arith.constant 6 : i32
      %eq3A_311 = vector.broadcast %eq3A_310 : i32 to vector<16xi32>
      %eq3A_312 = arith.cmpi eq, %iota3A, %eq3A_311 : vector<16xi32>
      %jit3A_313 = arith.constant 0 : i32
      %broadcast_in_dim3A_314 = vector.broadcast %jit3A_313 : i32 to vector<16xi32>
      %select_n3A_315 = arith.select %eq3A_312, %get3A_21, %broadcast_in_dim3A_314 : vector<16xi1>, vector<16xi32>
      %reduce_sum3A_316 = arith.constant true
      %reduce_sum3A_317 = vector.broadcast %reduce_sum3A_316 : i1 to vector<16xi1>
      %reduce_sum3A_318 = tpu.scan <sum>, %select_n3A_315 masked %reduce_sum3A_317 : vector<16xi32>, vector<16xi1> -> vector<16xi32>
      %reduce_sum3A_319 = vector.extract %reduce_sum3A_318[15] : i32 from vector<16xi32>
      %jit3A_320 = arith.constant 128 : i32
      %div3A_321 = arith.divsi %reduce_sum3A_319, %jit3A_320 : i32
      %sign3A_322 = arith.constant 0 : i32
      %sign3A_323 = arith.cmpi sgt, %reduce_sum3A_319, %sign3A_322 : i32
      %sign3A_324 = arith.extui %sign3A_323 : i1 to i32
      %sign3A_325 = arith.constant 0 : i32
      %sign3A_326 = arith.cmpi slt, %reduce_sum3A_319, %sign3A_325 : i32
      %sign3A_327 = arith.extui %sign3A_326 : i1 to i32
      %sign3A_328 = arith.subi %sign3A_324, %sign3A_327 : i32
      %sign3A_329 = arith.constant 0 : i32
      %sign3A_330 = arith.cmpi sgt, %jit3A_320, %sign3A_329 : i32
      %sign3A_331 = arith.extui %sign3A_330 : i1 to i32
      %sign3A_332 = arith.constant 0 : i32
      %sign3A_333 = arith.cmpi slt, %jit3A_320, %sign3A_332 : i32
      %sign3A_334 = arith.extui %sign3A_333 : i1 to i32
      %sign3A_335 = arith.subi %sign3A_331, %sign3A_334 : i32
      %ne3A_336 = arith.cmpi ne, %sign3A_328, %sign3A_335 : i32
      %rem3A_337 = arith.remsi %reduce_sum3A_319, %jit3A_320 : i32
      %ne3A_338 = arith.constant 0 : i32
      %ne3A_339 = arith.cmpi ne, %rem3A_337, %ne3A_338 : i32
      %and3A_340 = arith.andi %ne3A_336, %ne3A_339 : i1
      %sub3A_341 = arith.constant 1 : i32
      %sub3A_342 = arith.subi %div3A_321, %sub3A_341 : i32
      %select_n3A_343 = arith.select %and3A_340, %sub3A_342, %div3A_321 : i32
      %mul3A_344 = arith.constant 128 : i32
      %mul3A_345 = arith.muli %select_n3A_343, %mul3A_344 : i32
      %multiple_of3A_346 = tpu.assume_multiple %mul3A_345, 128 : i32
      %dma_start3A_347 = arith.constant 6 : i32
      %dma_start3A_348 = arith.constant 0 : i32
      %dma_start3A_349 = arith.constant 0 : i32
      %dma_start3A_350 = tpu.memref_slice %arg10[%dma_start3A_347, %dma_start3A_348, %dma_start3A_349] : memref<16x32x128xf32, #tpu.memory_space<vmem>> -> memref<1x32x128xf32, #tpu.memory_space<vmem>>
      %dma_start3A_351 = tpu.memref_squeeze %dma_start3A_350 : memref<1x32x128xf32, #tpu.memory_space<vmem>> -> memref<32x128xf32, #tpu.memory_space<vmem>>
      %dma_start3A_352 = arith.constant 0 : i32
      %dma_start3A_353 = tpu.memref_slice %arg5[%dma_start3A_352, %multiple_of3A_346] : memref<32x1000000xf32, #tpu.memory_space<hbm>> -> memref<32x128xf32, #tpu.memory_space<hbm>>
      %dma_start3A_354 = arith.constant 0 : i32
      %dma_start3A_355 = arith.constant 0 : i32
      %dma_start3A_356 = tpu.memref_slice %arg10[%dma_start3A_347, %dma_start3A_354, %dma_start3A_355] : memref<16x32x128xf32, #tpu.memory_space<vmem>> -> memref<1x32x128xf32, #tpu.memory_space<vmem>>
      %dma_start3A_357 = tpu.memref_squeeze %dma_start3A_356 : memref<1x32x128xf32, #tpu.memory_space<vmem>> -> memref<32x128xf32, #tpu.memory_space<vmem>>
      %dma_start3A_358 = arith.constant 0 : i32
      %dma_start3A_359 = tpu.memref_slice %arg5[%dma_start3A_358, %multiple_of3A_346] : memref<32x1000000xf32, #tpu.memory_space<hbm>> -> memref<32x128xf32, #tpu.memory_space<hbm>>
      tpu.enqueue_dma source(%dma_start3A_359 : memref<32x128xf32, #tpu.memory_space<hbm>>) target(%dma_start3A_357 : memref<32x128xf32, #tpu.memory_space<vmem>>) target_semaphore(%arg13 : memref<!tpu.dma_semaphore, #tpu.memory_space<semaphore_mem>>)
      %eq3A_360 = arith.constant 7 : i32
      %eq3A_361 = vector.broadcast %eq3A_360 : i32 to vector<16xi32>
      %eq3A_362 = arith.cmpi eq, %iota3A, %eq3A_361 : vector<16xi32>
      %jit3A_363 = arith.constant 0 : i32
      %broadcast_in_dim3A_364 = vector.broadcast %jit3A_363 : i32 to vector<16xi32>
      %select_n3A_365 = arith.select %eq3A_362, %get3A_21, %broadcast_in_dim3A_364 : vector<16xi1>, vector<16xi32>
      %reduce_sum3A_366 = arith.constant true
      %reduce_sum3A_367 = vector.broadcast %reduce_sum3A_366 : i1 to vector<16xi1>
      %reduce_sum3A_368 = tpu.scan <sum>, %select_n3A_365 masked %reduce_sum3A_367 : vector<16xi32>, vector<16xi1> -> vector<16xi32>
      %reduce_sum3A_369 = vector.extract %reduce_sum3A_368[15] : i32 from vector<16xi32>
      %jit3A_370 = arith.constant 128 : i32
      %div3A_371 = arith.divsi %reduce_sum3A_369, %jit3A_370 : i32
      %sign3A_372 = arith.constant 0 : i32
      %sign3A_373 = arith.cmpi sgt, %reduce_sum3A_369, %sign3A_372 : i32
      %sign3A_374 = arith.extui %sign3A_373 : i1 to i32
      %sign3A_375 = arith.constant 0 : i32
      %sign3A_376 = arith.cmpi slt, %reduce_sum3A_369, %sign3A_375 : i32
      %sign3A_377 = arith.extui %sign3A_376 : i1 to i32
      %sign3A_378 = arith.subi %sign3A_374, %sign3A_377 : i32
      %sign3A_379 = arith.constant 0 : i32
      %sign3A_380 = arith.cmpi sgt, %jit3A_370, %sign3A_379 : i32
      %sign3A_381 = arith.extui %sign3A_380 : i1 to i32
      %sign3A_382 = arith.constant 0 : i32
      %sign3A_383 = arith.cmpi slt, %jit3A_370, %sign3A_382 : i32
      %sign3A_384 = arith.extui %sign3A_383 : i1 to i32
      %sign3A_385 = arith.subi %sign3A_381, %sign3A_384 : i32
      %ne3A_386 = arith.cmpi ne, %sign3A_378, %sign3A_385 : i32
      %rem3A_387 = arith.remsi %reduce_sum3A_369, %jit3A_370 : i32
      %ne3A_388 = arith.constant 0 : i32
      %ne3A_389 = arith.cmpi ne, %rem3A_387, %ne3A_388 : i32
      %and3A_390 = arith.andi %ne3A_386, %ne3A_389 : i1
      %sub3A_391 = arith.constant 1 : i32
      %sub3A_392 = arith.subi %div3A_371, %sub3A_391 : i32
      %select_n3A_393 = arith.select %and3A_390, %sub3A_392, %div3A_371 : i32
      %mul3A_394 = arith.constant 128 : i32
      %mul3A_395 = arith.muli %select_n3A_393, %mul3A_394 : i32
      %multiple_of3A_396 = tpu.assume_multiple %mul3A_395, 128 : i32
      %dma_start3A_397 = arith.constant 7 : i32
      %dma_start3A_398 = arith.constant 0 : i32
      %dma_start3A_399 = arith.constant 0 : i32
      %dma_start3A_400 = tpu.memref_slice %arg10[%dma_start3A_397, %dma_start3A_398, %dma_start3A_399] : memref<16x32x128xf32, #tpu.memory_space<vmem>> -> memref<1x32x128xf32, #tpu.memory_space<vmem>>
      %dma_start3A_401 = tpu.memref_squeeze %dma_start3A_400 : memref<1x32x128xf32, #tpu.memory_space<vmem>> -> memref<32x128xf32, #tpu.memory_space<vmem>>
      %dma_start3A_402 = arith.constant 0 : i32
      %dma_start3A_403 = tpu.memref_slice %arg5[%dma_start3A_402, %multiple_of3A_396] : memref<32x1000000xf32, #tpu.memory_space<hbm>> -> memref<32x128xf32, #tpu.memory_space<hbm>>
      %dma_start3A_404 = arith.constant 0 : i32
      %dma_start3A_405 = arith.constant 0 : i32
      %dma_start3A_406 = tpu.memref_slice %arg10[%dma_start3A_397, %dma_start3A_404, %dma_start3A_405] : memref<16x32x128xf32, #tpu.memory_space<vmem>> -> memref<1x32x128xf32, #tpu.memory_space<vmem>>
      %dma_start3A_407 = tpu.memref_squeeze %dma_start3A_406 : memref<1x32x128xf32, #tpu.memory_space<vmem>> -> memref<32x128xf32, #tpu.memory_space<vmem>>
      %dma_start3A_408 = arith.constant 0 : i32
      %dma_start3A_409 = tpu.memref_slice %arg5[%dma_start3A_408, %multiple_of3A_396] : memref<32x1000000xf32, #tpu.memory_space<hbm>> -> memref<32x128xf32, #tpu.memory_space<hbm>>
      tpu.enqueue_dma source(%dma_start3A_409 : memref<32x128xf32, #tpu.memory_space<hbm>>) target(%dma_start3A_407 : memref<32x128xf32, #tpu.memory_space<vmem>>) target_semaphore(%arg13 : memref<!tpu.dma_semaphore, #tpu.memory_space<semaphore_mem>>)
      %eq3A_410 = arith.constant 8 : i32
      %eq3A_411 = vector.broadcast %eq3A_410 : i32 to vector<16xi32>
      %eq3A_412 = arith.cmpi eq, %iota3A, %eq3A_411 : vector<16xi32>
      %jit3A_413 = arith.constant 0 : i32
      %broadcast_in_dim3A_414 = vector.broadcast %jit3A_413 : i32 to vector<16xi32>
      %select_n3A_415 = arith.select %eq3A_412, %get3A_21, %broadcast_in_dim3A_414 : vector<16xi1>, vector<16xi32>
      %reduce_sum3A_416 = arith.constant true
      %reduce_sum3A_417 = vector.broadcast %reduce_sum3A_416 : i1 to vector<16xi1>
      %reduce_sum3A_418 = tpu.scan <sum>, %select_n3A_415 masked %reduce_sum3A_417 : vector<16xi32>, vector<16xi1> -> vector<16xi32>
      %reduce_sum3A_419 = vector.extract %reduce_sum3A_418[15] : i32 from vector<16xi32>
      %jit3A_420 = arith.constant 128 : i32
      %div3A_421 = arith.divsi %reduce_sum3A_419, %jit3A_420 : i32
      %sign3A_422 = arith.constant 0 : i32
      %sign3A_423 = arith.cmpi sgt, %reduce_sum3A_419, %sign3A_422 : i32
      %sign3A_424 = arith.extui %sign3A_423 : i1 to i32
      %sign3A_425 = arith.constant 0 : i32
      %sign3A_426 = arith.cmpi slt, %reduce_sum3A_419, %sign3A_425 : i32
      %sign3A_427 = arith.extui %sign3A_426 : i1 to i32
      %sign3A_428 = arith.subi %sign3A_424, %sign3A_427 : i32
      %sign3A_429 = arith.constant 0 : i32
      %sign3A_430 = arith.cmpi sgt, %jit3A_420, %sign3A_429 : i32
      %sign3A_431 = arith.extui %sign3A_430 : i1 to i32
      %sign3A_432 = arith.constant 0 : i32
      %sign3A_433 = arith.cmpi slt, %jit3A_420, %sign3A_432 : i32
      %sign3A_434 = arith.extui %sign3A_433 : i1 to i32
      %sign3A_435 = arith.subi %sign3A_431, %sign3A_434 : i32
      %ne3A_436 = arith.cmpi ne, %sign3A_428, %sign3A_435 : i32
      %rem3A_437 = arith.remsi %reduce_sum3A_419, %jit3A_420 : i32
      %ne3A_438 = arith.constant 0 : i32
      %ne3A_439 = arith.cmpi ne, %rem3A_437, %ne3A_438 : i32
      %and3A_440 = arith.andi %ne3A_436, %ne3A_439 : i1
      %sub3A_441 = arith.constant 1 : i32
      %sub3A_442 = arith.subi %div3A_421, %sub3A_441 : i32
      %select_n3A_443 = arith.select %and3A_440, %sub3A_442, %div3A_421 : i32
      %mul3A_444 = arith.constant 128 : i32
      %mul3A_445 = arith.muli %select_n3A_443, %mul3A_444 : i32
      %multiple_of3A_446 = tpu.assume_multiple %mul3A_445, 128 : i32
      %dma_start3A_447 = arith.constant 8 : i32
      %dma_start3A_448 = arith.constant 0 : i32
      %dma_start3A_449 = arith.constant 0 : i32
      %dma_start3A_450 = tpu.memref_slice %arg10[%dma_start3A_447, %dma_start3A_448, %dma_start3A_449] : memref<16x32x128xf32, #tpu.memory_space<vmem>> -> memref<1x32x128xf32, #tpu.memory_space<vmem>>
      %dma_start3A_451 = tpu.memref_squeeze %dma_start3A_450 : memref<1x32x128xf32, #tpu.memory_space<vmem>> -> memref<32x128xf32, #tpu.memory_space<vmem>>
      %dma_start3A_452 = arith.constant 0 : i32
      %dma_start3A_453 = tpu.memref_slice %arg5[%dma_start3A_452, %multiple_of3A_446] : memref<32x1000000xf32, #tpu.memory_space<hbm>> -> memref<32x128xf32, #tpu.memory_space<hbm>>
      %dma_start3A_454 = arith.constant 0 : i32
      %dma_start3A_455 = arith.constant 0 : i32
      %dma_start3A_456 = tpu.memref_slice %arg10[%dma_start3A_447, %dma_start3A_454, %dma_start3A_455] : memref<16x32x128xf32, #tpu.memory_space<vmem>> -> memref<1x32x128xf32, #tpu.memory_space<vmem>>
      %dma_start3A_457 = tpu.memref_squeeze %dma_start3A_456 : memref<1x32x128xf32, #tpu.memory_space<vmem>> -> memref<32x128xf32, #tpu.memory_space<vmem>>
      %dma_start3A_458 = arith.constant 0 : i32
      %dma_start3A_459 = tpu.memref_slice %arg5[%dma_start3A_458, %multiple_of3A_446] : memref<32x1000000xf32, #tpu.memory_space<hbm>> -> memref<32x128xf32, #tpu.memory_space<hbm>>
      tpu.enqueue_dma source(%dma_start3A_459 : memref<32x128xf32, #tpu.memory_space<hbm>>) target(%dma_start3A_457 : memref<32x128xf32, #tpu.memory_space<vmem>>) target_semaphore(%arg13 : memref<!tpu.dma_semaphore, #tpu.memory_space<semaphore_mem>>)
      %eq3A_460 = arith.constant 9 : i32
      %eq3A_461 = vector.broadcast %eq3A_460 : i32 to vector<16xi32>
      %eq3A_462 = arith.cmpi eq, %iota3A, %eq3A_461 : vector<16xi32>
      %jit3A_463 = arith.constant 0 : i32
      %broadcast_in_dim3A_464 = vector.broadcast %jit3A_463 : i32 to vector<16xi32>
      %select_n3A_465 = arith.select %eq3A_462, %get3A_21, %broadcast_in_dim3A_464 : vector<16xi1>, vector<16xi32>
      %reduce_sum3A_466 = arith.constant true
      %reduce_sum3A_467 = vector.broadcast %reduce_sum3A_466 : i1 to vector<16xi1>
      %reduce_sum3A_468 = tpu.scan <sum>, %select_n3A_465 masked %reduce_sum3A_467 : vector<16xi32>, vector<16xi1> -> vector<16xi32>
      %reduce_sum3A_469 = vector.extract %reduce_sum3A_468[15] : i32 from vector<16xi32>
      %jit3A_470 = arith.constant 128 : i32
      %div3A_471 = arith.divsi %reduce_sum3A_469, %jit3A_470 : i32
      %sign3A_472 = arith.constant 0 : i32
      %sign3A_473 = arith.cmpi sgt, %reduce_sum3A_469, %sign3A_472 : i32
      %sign3A_474 = arith.extui %sign3A_473 : i1 to i32
      %sign3A_475 = arith.constant 0 : i32
      %sign3A_476 = arith.cmpi slt, %reduce_sum3A_469, %sign3A_475 : i32
      %sign3A_477 = arith.extui %sign3A_476 : i1 to i32
      %sign3A_478 = arith.subi %sign3A_474, %sign3A_477 : i32
      %sign3A_479 = arith.constant 0 : i32
      %sign3A_480 = arith.cmpi sgt, %jit3A_470, %sign3A_479 : i32
      %sign3A_481 = arith.extui %sign3A_480 : i1 to i32
      %sign3A_482 = arith.constant 0 : i32
      %sign3A_483 = arith.cmpi slt, %jit3A_470, %sign3A_482 : i32
      %sign3A_484 = arith.extui %sign3A_483 : i1 to i32
      %sign3A_485 = arith.subi %sign3A_481, %sign3A_484 : i32
      %ne3A_486 = arith.cmpi ne, %sign3A_478, %sign3A_485 : i32
      %rem3A_487 = arith.remsi %reduce_sum3A_469, %jit3A_470 : i32
      %ne3A_488 = arith.constant 0 : i32
      %ne3A_489 = arith.cmpi ne, %rem3A_487, %ne3A_488 : i32
      %and3A_490 = arith.andi %ne3A_486, %ne3A_489 : i1
      %sub3A_491 = arith.constant 1 : i32
      %sub3A_492 = arith.subi %div3A_471, %sub3A_491 : i32
      %select_n3A_493 = arith.select %and3A_490, %sub3A_492, %div3A_471 : i32
      %mul3A_494 = arith.constant 128 : i32
      %mul3A_495 = arith.muli %select_n3A_493, %mul3A_494 : i32
      %multiple_of3A_496 = tpu.assume_multiple %mul3A_495, 128 : i32
      %dma_start3A_497 = arith.constant 9 : i32
      %dma_start3A_498 = arith.constant 0 : i32
      %dma_start3A_499 = arith.constant 0 : i32
      %dma_start3A_500 = tpu.memref_slice %arg10[%dma_start3A_497, %dma_start3A_498, %dma_start3A_499] : memref<16x32x128xf32, #tpu.memory_space<vmem>> -> memref<1x32x128xf32, #tpu.memory_space<vmem>>
      %dma_start3A_501 = tpu.memref_squeeze %dma_start3A_500 : memref<1x32x128xf32, #tpu.memory_space<vmem>> -> memref<32x128xf32, #tpu.memory_space<vmem>>
      %dma_start3A_502 = arith.constant 0 : i32
      %dma_start3A_503 = tpu.memref_slice %arg5[%dma_start3A_502, %multiple_of3A_496] : memref<32x1000000xf32, #tpu.memory_space<hbm>> -> memref<32x128xf32, #tpu.memory_space<hbm>>
      %dma_start3A_504 = arith.constant 0 : i32
      %dma_start3A_505 = arith.constant 0 : i32
      %dma_start3A_506 = tpu.memref_slice %arg10[%dma_start3A_497, %dma_start3A_504, %dma_start3A_505] : memref<16x32x128xf32, #tpu.memory_space<vmem>> -> memref<1x32x128xf32, #tpu.memory_space<vmem>>
      %dma_start3A_507 = tpu.memref_squeeze %dma_start3A_506 : memref<1x32x128xf32, #tpu.memory_space<vmem>> -> memref<32x128xf32, #tpu.memory_space<vmem>>
      %dma_start3A_508 = arith.constant 0 : i32
      %dma_start3A_509 = tpu.memref_slice %arg5[%dma_start3A_508, %multiple_of3A_496] : memref<32x1000000xf32, #tpu.memory_space<hbm>> -> memref<32x128xf32, #tpu.memory_space<hbm>>
      tpu.enqueue_dma source(%dma_start3A_509 : memref<32x128xf32, #tpu.memory_space<hbm>>) target(%dma_start3A_507 : memref<32x128xf32, #tpu.memory_space<vmem>>) target_semaphore(%arg13 : memref<!tpu.dma_semaphore, #tpu.memory_space<semaphore_mem>>)
      %eq3A_510 = arith.constant 10 : i32
      %eq3A_511 = vector.broadcast %eq3A_510 : i32 to vector<16xi32>
      %eq3A_512 = arith.cmpi eq, %iota3A, %eq3A_511 : vector<16xi32>
      %jit3A_513 = arith.constant 0 : i32
      %broadcast_in_dim3A_514 = vector.broadcast %jit3A_513 : i32 to vector<16xi32>
      %select_n3A_515 = arith.select %eq3A_512, %get3A_21, %broadcast_in_dim3A_514 : vector<16xi1>, vector<16xi32>
      %reduce_sum3A_516 = arith.constant true
      %reduce_sum3A_517 = vector.broadcast %reduce_sum3A_516 : i1 to vector<16xi1>
      %reduce_sum3A_518 = tpu.scan <sum>, %select_n3A_515 masked %reduce_sum3A_517 : vector<16xi32>, vector<16xi1> -> vector<16xi32>
      %reduce_sum3A_519 = vector.extract %reduce_sum3A_518[15] : i32 from vector<16xi32>
      %jit3A_520 = arith.constant 128 : i32
      %div3A_521 = arith.divsi %reduce_sum3A_519, %jit3A_520 : i32
      %sign3A_522 = arith.constant 0 : i32
      %sign3A_523 = arith.cmpi sgt, %reduce_sum3A_519, %sign3A_522 : i32
      %sign3A_524 = arith.extui %sign3A_523 : i1 to i32
      %sign3A_525 = arith.constant 0 : i32
      %sign3A_526 = arith.cmpi slt, %reduce_sum3A_519, %sign3A_525 : i32
      %sign3A_527 = arith.extui %sign3A_526 : i1 to i32
      %sign3A_528 = arith.subi %sign3A_524, %sign3A_527 : i32
      %sign3A_529 = arith.constant 0 : i32
      %sign3A_530 = arith.cmpi sgt, %jit3A_520, %sign3A_529 : i32
      %sign3A_531 = arith.extui %sign3A_530 : i1 to i32
      %sign3A_532 = arith.constant 0 : i32
      %sign3A_533 = arith.cmpi slt, %jit3A_520, %sign3A_532 : i32
      %sign3A_534 = arith.extui %sign3A_533 : i1 to i32
      %sign3A_535 = arith.subi %sign3A_531, %sign3A_534 : i32
      %ne3A_536 = arith.cmpi ne, %sign3A_528, %sign3A_535 : i32
      %rem3A_537 = arith.remsi %reduce_sum3A_519, %jit3A_520 : i32
      %ne3A_538 = arith.constant 0 : i32
      %ne3A_539 = arith.cmpi ne, %rem3A_537, %ne3A_538 : i32
      %and3A_540 = arith.andi %ne3A_536, %ne3A_539 : i1
      %sub3A_541 = arith.constant 1 : i32
      %sub3A_542 = arith.subi %div3A_521, %sub3A_541 : i32
      %select_n3A_543 = arith.select %and3A_540, %sub3A_542, %div3A_521 : i32
      %mul3A_544 = arith.constant 128 : i32
      %mul3A_545 = arith.muli %select_n3A_543, %mul3A_544 : i32
      %multiple_of3A_546 = tpu.assume_multiple %mul3A_545, 128 : i32
      %dma_start3A_547 = arith.constant 10 : i32
      %dma_start3A_548 = arith.constant 0 : i32
      %dma_start3A_549 = arith.constant 0 : i32
      %dma_start3A_550 = tpu.memref_slice %arg10[%dma_start3A_547, %dma_start3A_548, %dma_start3A_549] : memref<16x32x128xf32, #tpu.memory_space<vmem>> -> memref<1x32x128xf32, #tpu.memory_space<vmem>>
      %dma_start3A_551 = tpu.memref_squeeze %dma_start3A_550 : memref<1x32x128xf32, #tpu.memory_space<vmem>> -> memref<32x128xf32, #tpu.memory_space<vmem>>
      %dma_start3A_552 = arith.constant 0 : i32
      %dma_start3A_553 = tpu.memref_slice %arg5[%dma_start3A_552, %multiple_of3A_546] : memref<32x1000000xf32, #tpu.memory_space<hbm>> -> memref<32x128xf32, #tpu.memory_space<hbm>>
      %dma_start3A_554 = arith.constant 0 : i32
      %dma_start3A_555 = arith.constant 0 : i32
      %dma_start3A_556 = tpu.memref_slice %arg10[%dma_start3A_547, %dma_start3A_554, %dma_start3A_555] : memref<16x32x128xf32, #tpu.memory_space<vmem>> -> memref<1x32x128xf32, #tpu.memory_space<vmem>>
      %dma_start3A_557 = tpu.memref_squeeze %dma_start3A_556 : memref<1x32x128xf32, #tpu.memory_space<vmem>> -> memref<32x128xf32, #tpu.memory_space<vmem>>
      %dma_start3A_558 = arith.constant 0 : i32
      %dma_start3A_559 = tpu.memref_slice %arg5[%dma_start3A_558, %multiple_of3A_546] : memref<32x1000000xf32, #tpu.memory_space<hbm>> -> memref<32x128xf32, #tpu.memory_space<hbm>>
      tpu.enqueue_dma source(%dma_start3A_559 : memref<32x128xf32, #tpu.memory_space<hbm>>) target(%dma_start3A_557 : memref<32x128xf32, #tpu.memory_space<vmem>>) target_semaphore(%arg13 : memref<!tpu.dma_semaphore, #tpu.memory_space<semaphore_mem>>)
      %eq3A_560 = arith.constant 11 : i32
      %eq3A_561 = vector.broadcast %eq3A_560 : i32 to vector<16xi32>
      %eq3A_562 = arith.cmpi eq, %iota3A, %eq3A_561 : vector<16xi32>
      %jit3A_563 = arith.constant 0 : i32
      %broadcast_in_dim3A_564 = vector.broadcast %jit3A_563 : i32 to vector<16xi32>
      %select_n3A_565 = arith.select %eq3A_562, %get3A_21, %broadcast_in_dim3A_564 : vector<16xi1>, vector<16xi32>
      %reduce_sum3A_566 = arith.constant true
      %reduce_sum3A_567 = vector.broadcast %reduce_sum3A_566 : i1 to vector<16xi1>
      %reduce_sum3A_568 = tpu.scan <sum>, %select_n3A_565 masked %reduce_sum3A_567 : vector<16xi32>, vector<16xi1> -> vector<16xi32>
      %reduce_sum3A_569 = vector.extract %reduce_sum3A_568[15] : i32 from vector<16xi32>
      %jit3A_570 = arith.constant 128 : i32
      %div3A_571 = arith.divsi %reduce_sum3A_569, %jit3A_570 : i32
      %sign3A_572 = arith.constant 0 : i32
      %sign3A_573 = arith.cmpi sgt, %reduce_sum3A_569, %sign3A_572 : i32
      %sign3A_574 = arith.extui %sign3A_573 : i1 to i32
      %sign3A_575 = arith.constant 0 : i32
      %sign3A_576 = arith.cmpi slt, %reduce_sum3A_569, %sign3A_575 : i32
      %sign3A_577 = arith.extui %sign3A_576 : i1 to i32
      %sign3A_578 = arith.subi %sign3A_574, %sign3A_577 : i32
      %sign3A_579 = arith.constant 0 : i32
      %sign3A_580 = arith.cmpi sgt, %jit3A_570, %sign3A_579 : i32
      %sign3A_581 = arith.extui %sign3A_580 : i1 to i32
      %sign3A_582 = arith.constant 0 : i32
      %sign3A_583 = arith.cmpi slt, %jit3A_570, %sign3A_582 : i32
      %sign3A_584 = arith.extui %sign3A_583 : i1 to i32
      %sign3A_585 = arith.subi %sign3A_581, %sign3A_584 : i32
      %ne3A_586 = arith.cmpi ne, %sign3A_578, %sign3A_585 : i32
      %rem3A_587 = arith.remsi %reduce_sum3A_569, %jit3A_570 : i32
      %ne3A_588 = arith.constant 0 : i32
      %ne3A_589 = arith.cmpi ne, %rem3A_587, %ne3A_588 : i32
      %and3A_590 = arith.andi %ne3A_586, %ne3A_589 : i1
      %sub3A_591 = arith.constant 1 : i32
      %sub3A_592 = arith.subi %div3A_571, %sub3A_591 : i32
      %select_n3A_593 = arith.select %and3A_590, %sub3A_592, %div3A_571 : i32
      %mul3A_594 = arith.constant 128 : i32
      %mul3A_595 = arith.muli %select_n3A_593, %mul3A_594 : i32
      %multiple_of3A_596 = tpu.assume_multiple %mul3A_595, 128 : i32
      %dma_start3A_597 = arith.constant 11 : i32
      %dma_start3A_598 = arith.constant 0 : i32
      %dma_start3A_599 = arith.constant 0 : i32
      %dma_start3A_600 = tpu.memref_slice %arg10[%dma_start3A_597, %dma_start3A_598, %dma_start3A_599] : memref<16x32x128xf32, #tpu.memory_space<vmem>> -> memref<1x32x128xf32, #tpu.memory_space<vmem>>
      %dma_start3A_601 = tpu.memref_squeeze %dma_start3A_600 : memref<1x32x128xf32, #tpu.memory_space<vmem>> -> memref<32x128xf32, #tpu.memory_space<vmem>>
      %dma_start3A_602 = arith.constant 0 : i32
      %dma_start3A_603 = tpu.memref_slice %arg5[%dma_start3A_602, %multiple_of3A_596] : memref<32x1000000xf32, #tpu.memory_space<hbm>> -> memref<32x128xf32, #tpu.memory_space<hbm>>
      %dma_start3A_604 = arith.constant 0 : i32
      %dma_start3A_605 = arith.constant 0 : i32
      %dma_start3A_606 = tpu.memref_slice %arg10[%dma_start3A_597, %dma_start3A_604, %dma_start3A_605] : memref<16x32x128xf32, #tpu.memory_space<vmem>> -> memref<1x32x128xf32, #tpu.memory_space<vmem>>
      %dma_start3A_607 = tpu.memref_squeeze %dma_start3A_606 : memref<1x32x128xf32, #tpu.memory_space<vmem>> -> memref<32x128xf32, #tpu.memory_space<vmem>>
      %dma_start3A_608 = arith.constant 0 : i32
      %dma_start3A_609 = tpu.memref_slice %arg5[%dma_start3A_608, %multiple_of3A_596] : memref<32x1000000xf32, #tpu.memory_space<hbm>> -> memref<32x128xf32, #tpu.memory_space<hbm>>
      tpu.enqueue_dma source(%dma_start3A_609 : memref<32x128xf32, #tpu.memory_space<hbm>>) target(%dma_start3A_607 : memref<32x128xf32, #tpu.memory_space<vmem>>) target_semaphore(%arg13 : memref<!tpu.dma_semaphore, #tpu.memory_space<semaphore_mem>>)
      %eq3A_610 = arith.constant 12 : i32
      %eq3A_611 = vector.broadcast %eq3A_610 : i32 to vector<16xi32>
      %eq3A_612 = arith.cmpi eq, %iota3A, %eq3A_611 : vector<16xi32>
      %jit3A_613 = arith.constant 0 : i32
      %broadcast_in_dim3A_614 = vector.broadcast %jit3A_613 : i32 to vector<16xi32>
      %select_n3A_615 = arith.select %eq3A_612, %get3A_21, %broadcast_in_dim3A_614 : vector<16xi1>, vector<16xi32>
      %reduce_sum3A_616 = arith.constant true
      %reduce_sum3A_617 = vector.broadcast %reduce_sum3A_616 : i1 to vector<16xi1>
      %reduce_sum3A_618 = tpu.scan <sum>, %select_n3A_615 masked %reduce_sum3A_617 : vector<16xi32>, vector<16xi1> -> vector<16xi32>
      %reduce_sum3A_619 = vector.extract %reduce_sum3A_618[15] : i32 from vector<16xi32>
      %jit3A_620 = arith.constant 128 : i32
      %div3A_621 = arith.divsi %reduce_sum3A_619, %jit3A_620 : i32
      %sign3A_622 = arith.constant 0 : i32
      %sign3A_623 = arith.cmpi sgt, %reduce_sum3A_619, %sign3A_622 : i32
      %sign3A_624 = arith.extui %sign3A_623 : i1 to i32
      %sign3A_625 = arith.constant 0 : i32
      %sign3A_626 = arith.cmpi slt, %reduce_sum3A_619, %sign3A_625 : i32
      %sign3A_627 = arith.extui %sign3A_626 : i1 to i32
      %sign3A_628 = arith.subi %sign3A_624, %sign3A_627 : i32
      %sign3A_629 = arith.constant 0 : i32
      %sign3A_630 = arith.cmpi sgt, %jit3A_620, %sign3A_629 : i32
      %sign3A_631 = arith.extui %sign3A_630 : i1 to i32
      %sign3A_632 = arith.constant 0 : i32
      %sign3A_633 = arith.cmpi slt, %jit3A_620, %sign3A_632 : i32
      %sign3A_634 = arith.extui %sign3A_633 : i1 to i32
      %sign3A_635 = arith.subi %sign3A_631, %sign3A_634 : i32
      %ne3A_636 = arith.cmpi ne, %sign3A_628, %sign3A_635 : i32
      %rem3A_637 = arith.remsi %reduce_sum3A_619, %jit3A_620 : i32
      %ne3A_638 = arith.constant 0 : i32
      %ne3A_639 = arith.cmpi ne, %rem3A_637, %ne3A_638 : i32
      %and3A_640 = arith.andi %ne3A_636, %ne3A_639 : i1
      %sub3A_641 = arith.constant 1 : i32
      %sub3A_642 = arith.subi %div3A_621, %sub3A_641 : i32
      %select_n3A_643 = arith.select %and3A_640, %sub3A_642, %div3A_621 : i32
      %mul3A_644 = arith.constant 128 : i32
      %mul3A_645 = arith.muli %select_n3A_643, %mul3A_644 : i32
      %multiple_of3A_646 = tpu.assume_multiple %mul3A_645, 128 : i32
      %dma_start3A_647 = arith.constant 12 : i32
      %dma_start3A_648 = arith.constant 0 : i32
      %dma_start3A_649 = arith.constant 0 : i32
      %dma_start3A_650 = tpu.memref_slice %arg10[%dma_start3A_647, %dma_start3A_648, %dma_start3A_649] : memref<16x32x128xf32, #tpu.memory_space<vmem>> -> memref<1x32x128xf32, #tpu.memory_space<vmem>>
      %dma_start3A_651 = tpu.memref_squeeze %dma_start3A_650 : memref<1x32x128xf32, #tpu.memory_space<vmem>> -> memref<32x128xf32, #tpu.memory_space<vmem>>
      %dma_start3A_652 = arith.constant 0 : i32
      %dma_start3A_653 = tpu.memref_slice %arg5[%dma_start3A_652, %multiple_of3A_646] : memref<32x1000000xf32, #tpu.memory_space<hbm>> -> memref<32x128xf32, #tpu.memory_space<hbm>>
      %dma_start3A_654 = arith.constant 0 : i32
      %dma_start3A_655 = arith.constant 0 : i32
      %dma_start3A_656 = tpu.memref_slice %arg10[%dma_start3A_647, %dma_start3A_654, %dma_start3A_655] : memref<16x32x128xf32, #tpu.memory_space<vmem>> -> memref<1x32x128xf32, #tpu.memory_space<vmem>>
      %dma_start3A_657 = tpu.memref_squeeze %dma_start3A_656 : memref<1x32x128xf32, #tpu.memory_space<vmem>> -> memref<32x128xf32, #tpu.memory_space<vmem>>
      %dma_start3A_658 = arith.constant 0 : i32
      %dma_start3A_659 = tpu.memref_slice %arg5[%dma_start3A_658, %multiple_of3A_646] : memref<32x1000000xf32, #tpu.memory_space<hbm>> -> memref<32x128xf32, #tpu.memory_space<hbm>>
      tpu.enqueue_dma source(%dma_start3A_659 : memref<32x128xf32, #tpu.memory_space<hbm>>) target(%dma_start3A_657 : memref<32x128xf32, #tpu.memory_space<vmem>>) target_semaphore(%arg13 : memref<!tpu.dma_semaphore, #tpu.memory_space<semaphore_mem>>)
      %eq3A_660 = arith.constant 13 : i32
      %eq3A_661 = vector.broadcast %eq3A_660 : i32 to vector<16xi32>
      %eq3A_662 = arith.cmpi eq, %iota3A, %eq3A_661 : vector<16xi32>
      %jit3A_663 = arith.constant 0 : i32
      %broadcast_in_dim3A_664 = vector.broadcast %jit3A_663 : i32 to vector<16xi32>
      %select_n3A_665 = arith.select %eq3A_662, %get3A_21, %broadcast_in_dim3A_664 : vector<16xi1>, vector<16xi32>
      %reduce_sum3A_666 = arith.constant true
      %reduce_sum3A_667 = vector.broadcast %reduce_sum3A_666 : i1 to vector<16xi1>
      %reduce_sum3A_668 = tpu.scan <sum>, %select_n3A_665 masked %reduce_sum3A_667 : vector<16xi32>, vector<16xi1> -> vector<16xi32>
      %reduce_sum3A_669 = vector.extract %reduce_sum3A_668[15] : i32 from vector<16xi32>
      %jit3A_670 = arith.constant 128 : i32
      %div3A_671 = arith.divsi %reduce_sum3A_669, %jit3A_670 : i32
      %sign3A_672 = arith.constant 0 : i32
      %sign3A_673 = arith.cmpi sgt, %reduce_sum3A_669, %sign3A_672 : i32
      %sign3A_674 = arith.extui %sign3A_673 : i1 to i32
      %sign3A_675 = arith.constant 0 : i32
      %sign3A_676 = arith.cmpi slt, %reduce_sum3A_669, %sign3A_675 : i32
      %sign3A_677 = arith.extui %sign3A_676 : i1 to i32
      %sign3A_678 = arith.subi %sign3A_674, %sign3A_677 : i32
      %sign3A_679 = arith.constant 0 : i32
      %sign3A_680 = arith.cmpi sgt, %jit3A_670, %sign3A_679 : i32
      %sign3A_681 = arith.extui %sign3A_680 : i1 to i32
      %sign3A_682 = arith.constant 0 : i32
      %sign3A_683 = arith.cmpi slt, %jit3A_670, %sign3A_682 : i32
      %sign3A_684 = arith.extui %sign3A_683 : i1 to i32
      %sign3A_685 = arith.subi %sign3A_681, %sign3A_684 : i32
      %ne3A_686 = arith.cmpi ne, %sign3A_678, %sign3A_685 : i32
      %rem3A_687 = arith.remsi %reduce_sum3A_669, %jit3A_670 : i32
      %ne3A_688 = arith.constant 0 : i32
      %ne3A_689 = arith.cmpi ne, %rem3A_687, %ne3A_688 : i32
      %and3A_690 = arith.andi %ne3A_686, %ne3A_689 : i1
      %sub3A_691 = arith.constant 1 : i32
      %sub3A_692 = arith.subi %div3A_671, %sub3A_691 : i32
      %select_n3A_693 = arith.select %and3A_690, %sub3A_692, %div3A_671 : i32
      %mul3A_694 = arith.constant 128 : i32
      %mul3A_695 = arith.muli %select_n3A_693, %mul3A_694 : i32
      %multiple_of3A_696 = tpu.assume_multiple %mul3A_695, 128 : i32
      %dma_start3A_697 = arith.constant 13 : i32
      %dma_start3A_698 = arith.constant 0 : i32
      %dma_start3A_699 = arith.constant 0 : i32
      %dma_start3A_700 = tpu.memref_slice %arg10[%dma_start3A_697, %dma_start3A_698, %dma_start3A_699] : memref<16x32x128xf32, #tpu.memory_space<vmem>> -> memref<1x32x128xf32, #tpu.memory_space<vmem>>
      %dma_start3A_701 = tpu.memref_squeeze %dma_start3A_700 : memref<1x32x128xf32, #tpu.memory_space<vmem>> -> memref<32x128xf32, #tpu.memory_space<vmem>>
      %dma_start3A_702 = arith.constant 0 : i32
      %dma_start3A_703 = tpu.memref_slice %arg5[%dma_start3A_702, %multiple_of3A_696] : memref<32x1000000xf32, #tpu.memory_space<hbm>> -> memref<32x128xf32, #tpu.memory_space<hbm>>
      %dma_start3A_704 = arith.constant 0 : i32
      %dma_start3A_705 = arith.constant 0 : i32
      %dma_start3A_706 = tpu.memref_slice %arg10[%dma_start3A_697, %dma_start3A_704, %dma_start3A_705] : memref<16x32x128xf32, #tpu.memory_space<vmem>> -> memref<1x32x128xf32, #tpu.memory_space<vmem>>
      %dma_start3A_707 = tpu.memref_squeeze %dma_start3A_706 : memref<1x32x128xf32, #tpu.memory_space<vmem>> -> memref<32x128xf32, #tpu.memory_space<vmem>>
      %dma_start3A_708 = arith.constant 0 : i32
      %dma_start3A_709 = tpu.memref_slice %arg5[%dma_start3A_708, %multiple_of3A_696] : memref<32x1000000xf32, #tpu.memory_space<hbm>> -> memref<32x128xf32, #tpu.memory_space<hbm>>
      tpu.enqueue_dma source(%dma_start3A_709 : memref<32x128xf32, #tpu.memory_space<hbm>>) target(%dma_start3A_707 : memref<32x128xf32, #tpu.memory_space<vmem>>) target_semaphore(%arg13 : memref<!tpu.dma_semaphore, #tpu.memory_space<semaphore_mem>>)
      %eq3A_710 = arith.constant 14 : i32
      %eq3A_711 = vector.broadcast %eq3A_710 : i32 to vector<16xi32>
      %eq3A_712 = arith.cmpi eq, %iota3A, %eq3A_711 : vector<16xi32>
      %jit3A_713 = arith.constant 0 : i32
      %broadcast_in_dim3A_714 = vector.broadcast %jit3A_713 : i32 to vector<16xi32>
      %select_n3A_715 = arith.select %eq3A_712, %get3A_21, %broadcast_in_dim3A_714 : vector<16xi1>, vector<16xi32>
      %reduce_sum3A_716 = arith.constant true
      %reduce_sum3A_717 = vector.broadcast %reduce_sum3A_716 : i1 to vector<16xi1>
      %reduce_sum3A_718 = tpu.scan <sum>, %select_n3A_715 masked %reduce_sum3A_717 : vector<16xi32>, vector<16xi1> -> vector<16xi32>
      %reduce_sum3A_719 = vector.extract %reduce_sum3A_718[15] : i32 from vector<16xi32>
      %jit3A_720 = arith.constant 128 : i32
      %div3A_721 = arith.divsi %reduce_sum3A_719, %jit3A_720 : i32
      %sign3A_722 = arith.constant 0 : i32
      %sign3A_723 = arith.cmpi sgt, %reduce_sum3A_719, %sign3A_722 : i32
      %sign3A_724 = arith.extui %sign3A_723 : i1 to i32
      %sign3A_725 = arith.constant 0 : i32
      %sign3A_726 = arith.cmpi slt, %reduce_sum3A_719, %sign3A_725 : i32
      %sign3A_727 = arith.extui %sign3A_726 : i1 to i32
      %sign3A_728 = arith.subi %sign3A_724, %sign3A_727 : i32
      %sign3A_729 = arith.constant 0 : i32
      %sign3A_730 = arith.cmpi sgt, %jit3A_720, %sign3A_729 : i32
      %sign3A_731 = arith.extui %sign3A_730 : i1 to i32
      %sign3A_732 = arith.constant 0 : i32
      %sign3A_733 = arith.cmpi slt, %jit3A_720, %sign3A_732 : i32
      %sign3A_734 = arith.extui %sign3A_733 : i1 to i32
      %sign3A_735 = arith.subi %sign3A_731, %sign3A_734 : i32
      %ne3A_736 = arith.cmpi ne, %sign3A_728, %sign3A_735 : i32
      %rem3A_737 = arith.remsi %reduce_sum3A_719, %jit3A_720 : i32
      %ne3A_738 = arith.constant 0 : i32
      %ne3A_739 = arith.cmpi ne, %rem3A_737, %ne3A_738 : i32
      %and3A_740 = arith.andi %ne3A_736, %ne3A_739 : i1
      %sub3A_741 = arith.constant 1 : i32
      %sub3A_742 = arith.subi %div3A_721, %sub3A_741 : i32
      %select_n3A_743 = arith.select %and3A_740, %sub3A_742, %div3A_721 : i32
      %mul3A_744 = arith.constant 128 : i32
      %mul3A_745 = arith.muli %select_n3A_743, %mul3A_744 : i32
      %multiple_of3A_746 = tpu.assume_multiple %mul3A_745, 128 : i32
      %dma_start3A_747 = arith.constant 14 : i32
      %dma_start3A_748 = arith.constant 0 : i32
      %dma_start3A_749 = arith.constant 0 : i32
      %dma_start3A_750 = tpu.memref_slice %arg10[%dma_start3A_747, %dma_start3A_748, %dma_start3A_749] : memref<16x32x128xf32, #tpu.memory_space<vmem>> -> memref<1x32x128xf32, #tpu.memory_space<vmem>>
      %dma_start3A_751 = tpu.memref_squeeze %dma_start3A_750 : memref<1x32x128xf32, #tpu.memory_space<vmem>> -> memref<32x128xf32, #tpu.memory_space<vmem>>
      %dma_start3A_752 = arith.constant 0 : i32
      %dma_start3A_753 = tpu.memref_slice %arg5[%dma_start3A_752, %multiple_of3A_746] : memref<32x1000000xf32, #tpu.memory_space<hbm>> -> memref<32x128xf32, #tpu.memory_space<hbm>>
      %dma_start3A_754 = arith.constant 0 : i32
      %dma_start3A_755 = arith.constant 0 : i32
      %dma_start3A_756 = tpu.memref_slice %arg10[%dma_start3A_747, %dma_start3A_754, %dma_start3A_755] : memref<16x32x128xf32, #tpu.memory_space<vmem>> -> memref<1x32x128xf32, #tpu.memory_space<vmem>>
      %dma_start3A_757 = tpu.memref_squeeze %dma_start3A_756 : memref<1x32x128xf32, #tpu.memory_space<vmem>> -> memref<32x128xf32, #tpu.memory_space<vmem>>
      %dma_start3A_758 = arith.constant 0 : i32
      %dma_start3A_759 = tpu.memref_slice %arg5[%dma_start3A_758, %multiple_of3A_746] : memref<32x1000000xf32, #tpu.memory_space<hbm>> -> memref<32x128xf32, #tpu.memory_space<hbm>>
      tpu.enqueue_dma source(%dma_start3A_759 : memref<32x128xf32, #tpu.memory_space<hbm>>) target(%dma_start3A_757 : memref<32x128xf32, #tpu.memory_space<vmem>>) target_semaphore(%arg13 : memref<!tpu.dma_semaphore, #tpu.memory_space<semaphore_mem>>)
      %eq3A_760 = arith.constant 15 : i32
      %eq3A_761 = vector.broadcast %eq3A_760 : i32 to vector<16xi32>
      %eq3A_762 = arith.cmpi eq, %iota3A, %eq3A_761 : vector<16xi32>
      %jit3A_763 = arith.constant 0 : i32
      %broadcast_in_dim3A_764 = vector.broadcast %jit3A_763 : i32 to vector<16xi32>
      %select_n3A_765 = arith.select %eq3A_762, %get3A_21, %broadcast_in_dim3A_764 : vector<16xi1>, vector<16xi32>
      %reduce_sum3A_766 = arith.constant true
      %reduce_sum3A_767 = vector.broadcast %reduce_sum3A_766 : i1 to vector<16xi1>
      %reduce_sum3A_768 = tpu.scan <sum>, %select_n3A_765 masked %reduce_sum3A_767 : vector<16xi32>, vector<16xi1> -> vector<16xi32>
      %reduce_sum3A_769 = vector.extract %reduce_sum3A_768[15] : i32 from vector<16xi32>
      %jit3A_770 = arith.constant 128 : i32
      %div3A_771 = arith.divsi %reduce_sum3A_769, %jit3A_770 : i32
      %sign3A_772 = arith.constant 0 : i32
      %sign3A_773 = arith.cmpi sgt, %reduce_sum3A_769, %sign3A_772 : i32
      %sign3A_774 = arith.extui %sign3A_773 : i1 to i32
      %sign3A_775 = arith.constant 0 : i32
      %sign3A_776 = arith.cmpi slt, %reduce_sum3A_769, %sign3A_775 : i32
      %sign3A_777 = arith.extui %sign3A_776 : i1 to i32
      %sign3A_778 = arith.subi %sign3A_774, %sign3A_777 : i32
      %sign3A_779 = arith.constant 0 : i32
      %sign3A_780 = arith.cmpi sgt, %jit3A_770, %sign3A_779 : i32
      %sign3A_781 = arith.extui %sign3A_780 : i1 to i32
      %sign3A_782 = arith.constant 0 : i32
      %sign3A_783 = arith.cmpi slt, %jit3A_770, %sign3A_782 : i32
      %sign3A_784 = arith.extui %sign3A_783 : i1 to i32
      %sign3A_785 = arith.subi %sign3A_781, %sign3A_784 : i32
      %ne3A_786 = arith.cmpi ne, %sign3A_778, %sign3A_785 : i32
      %rem3A_787 = arith.remsi %reduce_sum3A_769, %jit3A_770 : i32
      %ne3A_788 = arith.constant 0 : i32
      %ne3A_789 = arith.cmpi ne, %rem3A_787, %ne3A_788 : i32
      %and3A_790 = arith.andi %ne3A_786, %ne3A_789 : i1
      %sub3A_791 = arith.constant 1 : i32
      %sub3A_792 = arith.subi %div3A_771, %sub3A_791 : i32
      %select_n3A_793 = arith.select %and3A_790, %sub3A_792, %div3A_771 : i32
      %mul3A_794 = arith.constant 128 : i32
      %mul3A_795 = arith.muli %select_n3A_793, %mul3A_794 : i32
      %multiple_of3A_796 = tpu.assume_multiple %mul3A_795, 128 : i32
      %dma_start3A_797 = arith.constant 15 : i32
      %dma_start3A_798 = arith.constant 0 : i32
      %dma_start3A_799 = arith.constant 0 : i32
      %dma_start3A_800 = tpu.memref_slice %arg10[%dma_start3A_797, %dma_start3A_798, %dma_start3A_799] : memref<16x32x128xf32, #tpu.memory_space<vmem>> -> memref<1x32x128xf32, #tpu.memory_space<vmem>>
      %dma_start3A_801 = tpu.memref_squeeze %dma_start3A_800 : memref<1x32x128xf32, #tpu.memory_space<vmem>> -> memref<32x128xf32, #tpu.memory_space<vmem>>
      %dma_start3A_802 = arith.constant 0 : i32
      %dma_start3A_803 = tpu.memref_slice %arg5[%dma_start3A_802, %multiple_of3A_796] : memref<32x1000000xf32, #tpu.memory_space<hbm>> -> memref<32x128xf32, #tpu.memory_space<hbm>>
      %dma_start3A_804 = arith.constant 0 : i32
      %dma_start3A_805 = arith.constant 0 : i32
      %dma_start3A_806 = tpu.memref_slice %arg10[%dma_start3A_797, %dma_start3A_804, %dma_start3A_805] : memref<16x32x128xf32, #tpu.memory_space<vmem>> -> memref<1x32x128xf32, #tpu.memory_space<vmem>>
      %dma_start3A_807 = tpu.memref_squeeze %dma_start3A_806 : memref<1x32x128xf32, #tpu.memory_space<vmem>> -> memref<32x128xf32, #tpu.memory_space<vmem>>
      %dma_start3A_808 = arith.constant 0 : i32
      %dma_start3A_809 = tpu.memref_slice %arg5[%dma_start3A_808, %multiple_of3A_796] : memref<32x1000000xf32, #tpu.memory_space<hbm>> -> memref<32x128xf32, #tpu.memory_space<hbm>>
      tpu.enqueue_dma source(%dma_start3A_809 : memref<32x128xf32, #tpu.memory_space<hbm>>) target(%dma_start3A_807 : memref<32x128xf32, #tpu.memory_space<vmem>>) target_semaphore(%arg13 : memref<!tpu.dma_semaphore, #tpu.memory_space<semaphore_mem>>)
      %dma_wait3A = arith.constant 0 : i32
      %dma_wait3A_810 = arith.constant 0 : i32
      %dma_wait3A_811 = arith.constant 0 : i32
      %dma_wait3A_812 = tpu.memref_slice %arg10[%dma_wait3A, %dma_wait3A_810, %dma_wait3A_811] : memref<16x32x128xf32, #tpu.memory_space<vmem>> -> memref<1x32x128xf32, #tpu.memory_space<vmem>>
      %dma_wait3A_813 = tpu.memref_squeeze %dma_wait3A_812 : memref<1x32x128xf32, #tpu.memory_space<vmem>> -> memref<32x128xf32, #tpu.memory_space<vmem>>
      %dma_wait3A_814 = arith.constant 0 : i32
      %dma_wait3A_815 = arith.constant 0 : i32
      %dma_wait3A_816 = tpu.memref_slice %arg5[%dma_wait3A_814, %dma_wait3A_815] : memref<32x1000000xf32, #tpu.memory_space<hbm>> -> memref<32x128xf32, #tpu.memory_space<hbm>>
      %dma_wait3A_817 = arith.constant 0 : i32
      %dma_wait3A_818 = arith.constant 0 : i32
      %dma_wait3A_819 = tpu.memref_slice %arg10[%dma_wait3A, %dma_wait3A_817, %dma_wait3A_818] : memref<16x32x128xf32, #tpu.memory_space<vmem>> -> memref<1x32x128xf32, #tpu.memory_space<vmem>>
      %dma_wait3A_820 = tpu.memref_squeeze %dma_wait3A_819 : memref<1x32x128xf32, #tpu.memory_space<vmem>> -> memref<32x128xf32, #tpu.memory_space<vmem>>
      %dma_wait3A_821 = arith.constant 0 : i32
      %dma_wait3A_822 = arith.constant 0 : i32
      %dma_wait3A_823 = tpu.memref_slice %arg5[%dma_wait3A_821, %dma_wait3A_822] : memref<32x1000000xf32, #tpu.memory_space<hbm>> -> memref<32x128xf32, #tpu.memory_space<hbm>>
      tpu.wait_dma2 semaphore(%arg13 : memref<!tpu.dma_semaphore, #tpu.memory_space<semaphore_mem>>) src(%dma_wait3A_823 : memref<32x128xf32, #tpu.memory_space<hbm>>) dst(%dma_wait3A_820 : memref<32x128xf32, #tpu.memory_space<vmem>>)
      %dma_wait3A_824 = arith.constant 1 : i32
      %dma_wait3A_825 = arith.constant 0 : i32
      %dma_wait3A_826 = arith.constant 0 : i32
      %dma_wait3A_827 = tpu.memref_slice %arg10[%dma_wait3A_824, %dma_wait3A_825, %dma_wait3A_826] : memref<16x32x128xf32, #tpu.memory_space<vmem>> -> memref<1x32x128xf32, #tpu.memory_space<vmem>>
      %dma_wait3A_828 = tpu.memref_squeeze %dma_wait3A_827 : memref<1x32x128xf32, #tpu.memory_space<vmem>> -> memref<32x128xf32, #tpu.memory_space<vmem>>
      %dma_wait3A_829 = arith.constant 0 : i32
      %dma_wait3A_830 = arith.constant 0 : i32
      %dma_wait3A_831 = tpu.memref_slice %arg5[%dma_wait3A_829, %dma_wait3A_830] : memref<32x1000000xf32, #tpu.memory_space<hbm>> -> memref<32x128xf32, #tpu.memory_space<hbm>>
      %dma_wait3A_832 = arith.constant 0 : i32
      %dma_wait3A_833 = arith.constant 0 : i32
      %dma_wait3A_834 = tpu.memref_slice %arg10[%dma_wait3A_824, %dma_wait3A_832, %dma_wait3A_833] : memref<16x32x128xf32, #tpu.memory_space<vmem>> -> memref<1x32x128xf32, #tpu.memory_space<vmem>>
      %dma_wait3A_835 = tpu.memref_squeeze %dma_wait3A_834 : memref<1x32x128xf32, #tpu.memory_space<vmem>> -> memref<32x128xf32, #tpu.memory_space<vmem>>
      %dma_wait3A_836 = arith.constant 0 : i32
      %dma_wait3A_837 = arith.constant 0 : i32
      %dma_wait3A_838 = tpu.memref_slice %arg5[%dma_wait3A_836, %dma_wait3A_837] : memref<32x1000000xf32, #tpu.memory_space<hbm>> -> memref<32x128xf32, #tpu.memory_space<hbm>>
      tpu.wait_dma2 semaphore(%arg13 : memref<!tpu.dma_semaphore, #tpu.memory_space<semaphore_mem>>) src(%dma_wait3A_838 : memref<32x128xf32, #tpu.memory_space<hbm>>) dst(%dma_wait3A_835 : memref<32x128xf32, #tpu.memory_space<vmem>>)
      %dma_wait3A_839 = arith.constant 2 : i32
      %dma_wait3A_840 = arith.constant 0 : i32
      %dma_wait3A_841 = arith.constant 0 : i32
      %dma_wait3A_842 = tpu.memref_slice %arg10[%dma_wait3A_839, %dma_wait3A_840, %dma_wait3A_841] : memref<16x32x128xf32, #tpu.memory_space<vmem>> -> memref<1x32x128xf32, #tpu.memory_space<vmem>>
      %dma_wait3A_843 = tpu.memref_squeeze %dma_wait3A_842 : memref<1x32x128xf32, #tpu.memory_space<vmem>> -> memref<32x128xf32, #tpu.memory_space<vmem>>
      %dma_wait3A_844 = arith.constant 0 : i32
      %dma_wait3A_845 = arith.constant 0 : i32
      %dma_wait3A_846 = tpu.memref_slice %arg5[%dma_wait3A_844, %dma_wait3A_845] : memref<32x1000000xf32, #tpu.memory_space<hbm>> -> memref<32x128xf32, #tpu.memory_space<hbm>>
      %dma_wait3A_847 = arith.constant 0 : i32
      %dma_wait3A_848 = arith.constant 0 : i32
      %dma_wait3A_849 = tpu.memref_slice %arg10[%dma_wait3A_839, %dma_wait3A_847, %dma_wait3A_848] : memref<16x32x128xf32, #tpu.memory_space<vmem>> -> memref<1x32x128xf32, #tpu.memory_space<vmem>>
      %dma_wait3A_850 = tpu.memref_squeeze %dma_wait3A_849 : memref<1x32x128xf32, #tpu.memory_space<vmem>> -> memref<32x128xf32, #tpu.memory_space<vmem>>
      %dma_wait3A_851 = arith.constant 0 : i32
      %dma_wait3A_852 = arith.constant 0 : i32
      %dma_wait3A_853 = tpu.memref_slice %arg5[%dma_wait3A_851, %dma_wait3A_852] : memref<32x1000000xf32, #tpu.memory_space<hbm>> -> memref<32x128xf32, #tpu.memory_space<hbm>>
      tpu.wait_dma2 semaphore(%arg13 : memref<!tpu.dma_semaphore, #tpu.memory_space<semaphore_mem>>) src(%dma_wait3A_853 : memref<32x128xf32, #tpu.memory_space<hbm>>) dst(%dma_wait3A_850 : memref<32x128xf32, #tpu.memory_space<vmem>>)
      %dma_wait3A_854 = arith.constant 3 : i32
      %dma_wait3A_855 = arith.constant 0 : i32
      %dma_wait3A_856 = arith.constant 0 : i32
      %dma_wait3A_857 = tpu.memref_slice %arg10[%dma_wait3A_854, %dma_wait3A_855, %dma_wait3A_856] : memref<16x32x128xf32, #tpu.memory_space<vmem>> -> memref<1x32x128xf32, #tpu.memory_space<vmem>>
      %dma_wait3A_858 = tpu.memref_squeeze %dma_wait3A_857 : memref<1x32x128xf32, #tpu.memory_space<vmem>> -> memref<32x128xf32, #tpu.memory_space<vmem>>
      %dma_wait3A_859 = arith.constant 0 : i32
      %dma_wait3A_860 = arith.constant 0 : i32
      %dma_wait3A_861 = tpu.memref_slice %arg5[%dma_wait3A_859, %dma_wait3A_860] : memref<32x1000000xf32, #tpu.memory_space<hbm>> -> memref<32x128xf32, #tpu.memory_space<hbm>>
      %dma_wait3A_862 = arith.constant 0 : i32
      %dma_wait3A_863 = arith.constant 0 : i32
      %dma_wait3A_864 = tpu.memref_slice %arg10[%dma_wait3A_854, %dma_wait3A_862, %dma_wait3A_863] : memref<16x32x128xf32, #tpu.memory_space<vmem>> -> memref<1x32x128xf32, #tpu.memory_space<vmem>>
      %dma_wait3A_865 = tpu.memref_squeeze %dma_wait3A_864 : memref<1x32x128xf32, #tpu.memory_space<vmem>> -> memref<32x128xf32, #tpu.memory_space<vmem>>
      %dma_wait3A_866 = arith.constant 0 : i32
      %dma_wait3A_867 = arith.constant 0 : i32
      %dma_wait3A_868 = tpu.memref_slice %arg5[%dma_wait3A_866, %dma_wait3A_867] : memref<32x1000000xf32, #tpu.memory_space<hbm>> -> memref<32x128xf32, #tpu.memory_space<hbm>>
      tpu.wait_dma2 semaphore(%arg13 : memref<!tpu.dma_semaphore, #tpu.memory_space<semaphore_mem>>) src(%dma_wait3A_868 : memref<32x128xf32, #tpu.memory_space<hbm>>) dst(%dma_wait3A_865 : memref<32x128xf32, #tpu.memory_space<vmem>>)
      %dma_wait3A_869 = arith.constant 4 : i32
      %dma_wait3A_870 = arith.constant 0 : i32
      %dma_wait3A_871 = arith.constant 0 : i32
      %dma_wait3A_872 = tpu.memref_slice %arg10[%dma_wait3A_869, %dma_wait3A_870, %dma_wait3A_871] : memref<16x32x128xf32, #tpu.memory_space<vmem>> -> memref<1x32x128xf32, #tpu.memory_space<vmem>>
      %dma_wait3A_873 = tpu.memref_squeeze %dma_wait3A_872 : memref<1x32x128xf32, #tpu.memory_space<vmem>> -> memref<32x128xf32, #tpu.memory_space<vmem>>
      %dma_wait3A_874 = arith.constant 0 : i32
      %dma_wait3A_875 = arith.constant 0 : i32
      %dma_wait3A_876 = tpu.memref_slice %arg5[%dma_wait3A_874, %dma_wait3A_875] : memref<32x1000000xf32, #tpu.memory_space<hbm>> -> memref<32x128xf32, #tpu.memory_space<hbm>>
      %dma_wait3A_877 = arith.constant 0 : i32
      %dma_wait3A_878 = arith.constant 0 : i32
      %dma_wait3A_879 = tpu.memref_slice %arg10[%dma_wait3A_869, %dma_wait3A_877, %dma_wait3A_878] : memref<16x32x128xf32, #tpu.memory_space<vmem>> -> memref<1x32x128xf32, #tpu.memory_space<vmem>>
      %dma_wait3A_880 = tpu.memref_squeeze %dma_wait3A_879 : memref<1x32x128xf32, #tpu.memory_space<vmem>> -> memref<32x128xf32, #tpu.memory_space<vmem>>
      %dma_wait3A_881 = arith.constant 0 : i32
      %dma_wait3A_882 = arith.constant 0 : i32
      %dma_wait3A_883 = tpu.memref_slice %arg5[%dma_wait3A_881, %dma_wait3A_882] : memref<32x1000000xf32, #tpu.memory_space<hbm>> -> memref<32x128xf32, #tpu.memory_space<hbm>>
      tpu.wait_dma2 semaphore(%arg13 : memref<!tpu.dma_semaphore, #tpu.memory_space<semaphore_mem>>) src(%dma_wait3A_883 : memref<32x128xf32, #tpu.memory_space<hbm>>) dst(%dma_wait3A_880 : memref<32x128xf32, #tpu.memory_space<vmem>>)
      %dma_wait3A_884 = arith.constant 5 : i32
      %dma_wait3A_885 = arith.constant 0 : i32
      %dma_wait3A_886 = arith.constant 0 : i32
      %dma_wait3A_887 = tpu.memref_slice %arg10[%dma_wait3A_884, %dma_wait3A_885, %dma_wait3A_886] : memref<16x32x128xf32, #tpu.memory_space<vmem>> -> memref<1x32x128xf32, #tpu.memory_space<vmem>>
      %dma_wait3A_888 = tpu.memref_squeeze %dma_wait3A_887 : memref<1x32x128xf32, #tpu.memory_space<vmem>> -> memref<32x128xf32, #tpu.memory_space<vmem>>
      %dma_wait3A_889 = arith.constant 0 : i32
      %dma_wait3A_890 = arith.constant 0 : i32
      %dma_wait3A_891 = tpu.memref_slice %arg5[%dma_wait3A_889, %dma_wait3A_890] : memref<32x1000000xf32, #tpu.memory_space<hbm>> -> memref<32x128xf32, #tpu.memory_space<hbm>>
      %dma_wait3A_892 = arith.constant 0 : i32
      %dma_wait3A_893 = arith.constant 0 : i32
      %dma_wait3A_894 = tpu.memref_slice %arg10[%dma_wait3A_884, %dma_wait3A_892, %dma_wait3A_893] : memref<16x32x128xf32, #tpu.memory_space<vmem>> -> memref<1x32x128xf32, #tpu.memory_space<vmem>>
      %dma_wait3A_895 = tpu.memref_squeeze %dma_wait3A_894 : memref<1x32x128xf32, #tpu.memory_space<vmem>> -> memref<32x128xf32, #tpu.memory_space<vmem>>
      %dma_wait3A_896 = arith.constant 0 : i32
      %dma_wait3A_897 = arith.constant 0 : i32
      %dma_wait3A_898 = tpu.memref_slice %arg5[%dma_wait3A_896, %dma_wait3A_897] : memref<32x1000000xf32, #tpu.memory_space<hbm>> -> memref<32x128xf32, #tpu.memory_space<hbm>>
      tpu.wait_dma2 semaphore(%arg13 : memref<!tpu.dma_semaphore, #tpu.memory_space<semaphore_mem>>) src(%dma_wait3A_898 : memref<32x128xf32, #tpu.memory_space<hbm>>) dst(%dma_wait3A_895 : memref<32x128xf32, #tpu.memory_space<vmem>>)
      %dma_wait3A_899 = arith.constant 6 : i32
      %dma_wait3A_900 = arith.constant 0 : i32
      %dma_wait3A_901 = arith.constant 0 : i32
      %dma_wait3A_902 = tpu.memref_slice %arg10[%dma_wait3A_899, %dma_wait3A_900, %dma_wait3A_901] : memref<16x32x128xf32, #tpu.memory_space<vmem>> -> memref<1x32x128xf32, #tpu.memory_space<vmem>>
      %dma_wait3A_903 = tpu.memref_squeeze %dma_wait3A_902 : memref<1x32x128xf32, #tpu.memory_space<vmem>> -> memref<32x128xf32, #tpu.memory_space<vmem>>
      %dma_wait3A_904 = arith.constant 0 : i32
      %dma_wait3A_905 = arith.constant 0 : i32
      %dma_wait3A_906 = tpu.memref_slice %arg5[%dma_wait3A_904, %dma_wait3A_905] : memref<32x1000000xf32, #tpu.memory_space<hbm>> -> memref<32x128xf32, #tpu.memory_space<hbm>>
      %dma_wait3A_907 = arith.constant 0 : i32
      %dma_wait3A_908 = arith.constant 0 : i32
      %dma_wait3A_909 = tpu.memref_slice %arg10[%dma_wait3A_899, %dma_wait3A_907, %dma_wait3A_908] : memref<16x32x128xf32, #tpu.memory_space<vmem>> -> memref<1x32x128xf32, #tpu.memory_space<vmem>>
      %dma_wait3A_910 = tpu.memref_squeeze %dma_wait3A_909 : memref<1x32x128xf32, #tpu.memory_space<vmem>> -> memref<32x128xf32, #tpu.memory_space<vmem>>
      %dma_wait3A_911 = arith.constant 0 : i32
      %dma_wait3A_912 = arith.constant 0 : i32
      %dma_wait3A_913 = tpu.memref_slice %arg5[%dma_wait3A_911, %dma_wait3A_912] : memref<32x1000000xf32, #tpu.memory_space<hbm>> -> memref<32x128xf32, #tpu.memory_space<hbm>>
      tpu.wait_dma2 semaphore(%arg13 : memref<!tpu.dma_semaphore, #tpu.memory_space<semaphore_mem>>) src(%dma_wait3A_913 : memref<32x128xf32, #tpu.memory_space<hbm>>) dst(%dma_wait3A_910 : memref<32x128xf32, #tpu.memory_space<vmem>>)
      %dma_wait3A_914 = arith.constant 7 : i32
      %dma_wait3A_915 = arith.constant 0 : i32
      %dma_wait3A_916 = arith.constant 0 : i32
      %dma_wait3A_917 = tpu.memref_slice %arg10[%dma_wait3A_914, %dma_wait3A_915, %dma_wait3A_916] : memref<16x32x128xf32, #tpu.memory_space<vmem>> -> memref<1x32x128xf32, #tpu.memory_space<vmem>>
      %dma_wait3A_918 = tpu.memref_squeeze %dma_wait3A_917 : memref<1x32x128xf32, #tpu.memory_space<vmem>> -> memref<32x128xf32, #tpu.memory_space<vmem>>
      %dma_wait3A_919 = arith.constant 0 : i32
      %dma_wait3A_920 = arith.constant 0 : i32
      %dma_wait3A_921 = tpu.memref_slice %arg5[%dma_wait3A_919, %dma_wait3A_920] : memref<32x1000000xf32, #tpu.memory_space<hbm>> -> memref<32x128xf32, #tpu.memory_space<hbm>>
      %dma_wait3A_922 = arith.constant 0 : i32
      %dma_wait3A_923 = arith.constant 0 : i32
      %dma_wait3A_924 = tpu.memref_slice %arg10[%dma_wait3A_914, %dma_wait3A_922, %dma_wait3A_923] : memref<16x32x128xf32, #tpu.memory_space<vmem>> -> memref<1x32x128xf32, #tpu.memory_space<vmem>>
      %dma_wait3A_925 = tpu.memref_squeeze %dma_wait3A_924 : memref<1x32x128xf32, #tpu.memory_space<vmem>> -> memref<32x128xf32, #tpu.memory_space<vmem>>
      %dma_wait3A_926 = arith.constant 0 : i32
      %dma_wait3A_927 = arith.constant 0 : i32
      %dma_wait3A_928 = tpu.memref_slice %arg5[%dma_wait3A_926, %dma_wait3A_927] : memref<32x1000000xf32, #tpu.memory_space<hbm>> -> memref<32x128xf32, #tpu.memory_space<hbm>>
      tpu.wait_dma2 semaphore(%arg13 : memref<!tpu.dma_semaphore, #tpu.memory_space<semaphore_mem>>) src(%dma_wait3A_928 : memref<32x128xf32, #tpu.memory_space<hbm>>) dst(%dma_wait3A_925 : memref<32x128xf32, #tpu.memory_space<vmem>>)
      %dma_wait3A_929 = arith.constant 8 : i32
      %dma_wait3A_930 = arith.constant 0 : i32
      %dma_wait3A_931 = arith.constant 0 : i32
      %dma_wait3A_932 = tpu.memref_slice %arg10[%dma_wait3A_929, %dma_wait3A_930, %dma_wait3A_931] : memref<16x32x128xf32, #tpu.memory_space<vmem>> -> memref<1x32x128xf32, #tpu.memory_space<vmem>>
      %dma_wait3A_933 = tpu.memref_squeeze %dma_wait3A_932 : memref<1x32x128xf32, #tpu.memory_space<vmem>> -> memref<32x128xf32, #tpu.memory_space<vmem>>
      %dma_wait3A_934 = arith.constant 0 : i32
      %dma_wait3A_935 = arith.constant 0 : i32
      %dma_wait3A_936 = tpu.memref_slice %arg5[%dma_wait3A_934, %dma_wait3A_935] : memref<32x1000000xf32, #tpu.memory_space<hbm>> -> memref<32x128xf32, #tpu.memory_space<hbm>>
      %dma_wait3A_937 = arith.constant 0 : i32
      %dma_wait3A_938 = arith.constant 0 : i32
      %dma_wait3A_939 = tpu.memref_slice %arg10[%dma_wait3A_929, %dma_wait3A_937, %dma_wait3A_938] : memref<16x32x128xf32, #tpu.memory_space<vmem>> -> memref<1x32x128xf32, #tpu.memory_space<vmem>>
      %dma_wait3A_940 = tpu.memref_squeeze %dma_wait3A_939 : memref<1x32x128xf32, #tpu.memory_space<vmem>> -> memref<32x128xf32, #tpu.memory_space<vmem>>
      %dma_wait3A_941 = arith.constant 0 : i32
      %dma_wait3A_942 = arith.constant 0 : i32
      %dma_wait3A_943 = tpu.memref_slice %arg5[%dma_wait3A_941, %dma_wait3A_942] : memref<32x1000000xf32, #tpu.memory_space<hbm>> -> memref<32x128xf32, #tpu.memory_space<hbm>>
      tpu.wait_dma2 semaphore(%arg13 : memref<!tpu.dma_semaphore, #tpu.memory_space<semaphore_mem>>) src(%dma_wait3A_943 : memref<32x128xf32, #tpu.memory_space<hbm>>) dst(%dma_wait3A_940 : memref<32x128xf32, #tpu.memory_space<vmem>>)
      %dma_wait3A_944 = arith.constant 9 : i32
      %dma_wait3A_945 = arith.constant 0 : i32
      %dma_wait3A_946 = arith.constant 0 : i32
      %dma_wait3A_947 = tpu.memref_slice %arg10[%dma_wait3A_944, %dma_wait3A_945, %dma_wait3A_946] : memref<16x32x128xf32, #tpu.memory_space<vmem>> -> memref<1x32x128xf32, #tpu.memory_space<vmem>>
      %dma_wait3A_948 = tpu.memref_squeeze %dma_wait3A_947 : memref<1x32x128xf32, #tpu.memory_space<vmem>> -> memref<32x128xf32, #tpu.memory_space<vmem>>
      %dma_wait3A_949 = arith.constant 0 : i32
      %dma_wait3A_950 = arith.constant 0 : i32
      %dma_wait3A_951 = tpu.memref_slice %arg5[%dma_wait3A_949, %dma_wait3A_950] : memref<32x1000000xf32, #tpu.memory_space<hbm>> -> memref<32x128xf32, #tpu.memory_space<hbm>>
      %dma_wait3A_952 = arith.constant 0 : i32
      %dma_wait3A_953 = arith.constant 0 : i32
      %dma_wait3A_954 = tpu.memref_slice %arg10[%dma_wait3A_944, %dma_wait3A_952, %dma_wait3A_953] : memref<16x32x128xf32, #tpu.memory_space<vmem>> -> memref<1x32x128xf32, #tpu.memory_space<vmem>>
      %dma_wait3A_955 = tpu.memref_squeeze %dma_wait3A_954 : memref<1x32x128xf32, #tpu.memory_space<vmem>> -> memref<32x128xf32, #tpu.memory_space<vmem>>
      %dma_wait3A_956 = arith.constant 0 : i32
      %dma_wait3A_957 = arith.constant 0 : i32
      %dma_wait3A_958 = tpu.memref_slice %arg5[%dma_wait3A_956, %dma_wait3A_957] : memref<32x1000000xf32, #tpu.memory_space<hbm>> -> memref<32x128xf32, #tpu.memory_space<hbm>>
      tpu.wait_dma2 semaphore(%arg13 : memref<!tpu.dma_semaphore, #tpu.memory_space<semaphore_mem>>) src(%dma_wait3A_958 : memref<32x128xf32, #tpu.memory_space<hbm>>) dst(%dma_wait3A_955 : memref<32x128xf32, #tpu.memory_space<vmem>>)
      %dma_wait3A_959 = arith.constant 10 : i32
      %dma_wait3A_960 = arith.constant 0 : i32
      %dma_wait3A_961 = arith.constant 0 : i32
      %dma_wait3A_962 = tpu.memref_slice %arg10[%dma_wait3A_959, %dma_wait3A_960, %dma_wait3A_961] : memref<16x32x128xf32, #tpu.memory_space<vmem>> -> memref<1x32x128xf32, #tpu.memory_space<vmem>>
      %dma_wait3A_963 = tpu.memref_squeeze %dma_wait3A_962 : memref<1x32x128xf32, #tpu.memory_space<vmem>> -> memref<32x128xf32, #tpu.memory_space<vmem>>
      %dma_wait3A_964 = arith.constant 0 : i32
      %dma_wait3A_965 = arith.constant 0 : i32
      %dma_wait3A_966 = tpu.memref_slice %arg5[%dma_wait3A_964, %dma_wait3A_965] : memref<32x1000000xf32, #tpu.memory_space<hbm>> -> memref<32x128xf32, #tpu.memory_space<hbm>>
      %dma_wait3A_967 = arith.constant 0 : i32
      %dma_wait3A_968 = arith.constant 0 : i32
      %dma_wait3A_969 = tpu.memref_slice %arg10[%dma_wait3A_959, %dma_wait3A_967, %dma_wait3A_968] : memref<16x32x128xf32, #tpu.memory_space<vmem>> -> memref<1x32x128xf32, #tpu.memory_space<vmem>>
      %dma_wait3A_970 = tpu.memref_squeeze %dma_wait3A_969 : memref<1x32x128xf32, #tpu.memory_space<vmem>> -> memref<32x128xf32, #tpu.memory_space<vmem>>
      %dma_wait3A_971 = arith.constant 0 : i32
      %dma_wait3A_972 = arith.constant 0 : i32
      %dma_wait3A_973 = tpu.memref_slice %arg5[%dma_wait3A_971, %dma_wait3A_972] : memref<32x1000000xf32, #tpu.memory_space<hbm>> -> memref<32x128xf32, #tpu.memory_space<hbm>>
      tpu.wait_dma2 semaphore(%arg13 : memref<!tpu.dma_semaphore, #tpu.memory_space<semaphore_mem>>) src(%dma_wait3A_973 : memref<32x128xf32, #tpu.memory_space<hbm>>) dst(%dma_wait3A_970 : memref<32x128xf32, #tpu.memory_space<vmem>>)
      %dma_wait3A_974 = arith.constant 11 : i32
      %dma_wait3A_975 = arith.constant 0 : i32
      %dma_wait3A_976 = arith.constant 0 : i32
      %dma_wait3A_977 = tpu.memref_slice %arg10[%dma_wait3A_974, %dma_wait3A_975, %dma_wait3A_976] : memref<16x32x128xf32, #tpu.memory_space<vmem>> -> memref<1x32x128xf32, #tpu.memory_space<vmem>>
      %dma_wait3A_978 = tpu.memref_squeeze %dma_wait3A_977 : memref<1x32x128xf32, #tpu.memory_space<vmem>> -> memref<32x128xf32, #tpu.memory_space<vmem>>
      %dma_wait3A_979 = arith.constant 0 : i32
      %dma_wait3A_980 = arith.constant 0 : i32
      %dma_wait3A_981 = tpu.memref_slice %arg5[%dma_wait3A_979, %dma_wait3A_980] : memref<32x1000000xf32, #tpu.memory_space<hbm>> -> memref<32x128xf32, #tpu.memory_space<hbm>>
      %dma_wait3A_982 = arith.constant 0 : i32
      %dma_wait3A_983 = arith.constant 0 : i32
      %dma_wait3A_984 = tpu.memref_slice %arg10[%dma_wait3A_974, %dma_wait3A_982, %dma_wait3A_983] : memref<16x32x128xf32, #tpu.memory_space<vmem>> -> memref<1x32x128xf32, #tpu.memory_space<vmem>>
      %dma_wait3A_985 = tpu.memref_squeeze %dma_wait3A_984 : memref<1x32x128xf32, #tpu.memory_space<vmem>> -> memref<32x128xf32, #tpu.memory_space<vmem>>
      %dma_wait3A_986 = arith.constant 0 : i32
      %dma_wait3A_987 = arith.constant 0 : i32
      %dma_wait3A_988 = tpu.memref_slice %arg5[%dma_wait3A_986, %dma_wait3A_987] : memref<32x1000000xf32, #tpu.memory_space<hbm>> -> memref<32x128xf32, #tpu.memory_space<hbm>>
      tpu.wait_dma2 semaphore(%arg13 : memref<!tpu.dma_semaphore, #tpu.memory_space<semaphore_mem>>) src(%dma_wait3A_988 : memref<32x128xf32, #tpu.memory_space<hbm>>) dst(%dma_wait3A_985 : memref<32x128xf32, #tpu.memory_space<vmem>>)
      %dma_wait3A_989 = arith.constant 12 : i32
      %dma_wait3A_990 = arith.constant 0 : i32
      %dma_wait3A_991 = arith.constant 0 : i32
      %dma_wait3A_992 = tpu.memref_slice %arg10[%dma_wait3A_989, %dma_wait3A_990, %dma_wait3A_991] : memref<16x32x128xf32, #tpu.memory_space<vmem>> -> memref<1x32x128xf32, #tpu.memory_space<vmem>>
      %dma_wait3A_993 = tpu.memref_squeeze %dma_wait3A_992 : memref<1x32x128xf32, #tpu.memory_space<vmem>> -> memref<32x128xf32, #tpu.memory_space<vmem>>
      %dma_wait3A_994 = arith.constant 0 : i32
      %dma_wait3A_995 = arith.constant 0 : i32
      %dma_wait3A_996 = tpu.memref_slice %arg5[%dma_wait3A_994, %dma_wait3A_995] : memref<32x1000000xf32, #tpu.memory_space<hbm>> -> memref<32x128xf32, #tpu.memory_space<hbm>>
      %dma_wait3A_997 = arith.constant 0 : i32
      %dma_wait3A_998 = arith.constant 0 : i32
      %dma_wait3A_999 = tpu.memref_slice %arg10[%dma_wait3A_989, %dma_wait3A_997, %dma_wait3A_998] : memref<16x32x128xf32, #tpu.memory_space<vmem>> -> memref<1x32x128xf32, #tpu.memory_space<vmem>>
      %dma_wait3A_1000 = tpu.memref_squeeze %dma_wait3A_999 : memref<1x32x128xf32, #tpu.memory_space<vmem>> -> memref<32x128xf32, #tpu.memory_space<vmem>>
      %dma_wait3A_1001 = arith.constant 0 : i32
      %dma_wait3A_1002 = arith.constant 0 : i32
      %dma_wait3A_1003 = tpu.memref_slice %arg5[%dma_wait3A_1001, %dma_wait3A_1002] : memref<32x1000000xf32, #tpu.memory_space<hbm>> -> memref<32x128xf32, #tpu.memory_space<hbm>>
      tpu.wait_dma2 semaphore(%arg13 : memref<!tpu.dma_semaphore, #tpu.memory_space<semaphore_mem>>) src(%dma_wait3A_1003 : memref<32x128xf32, #tpu.memory_space<hbm>>) dst(%dma_wait3A_1000 : memref<32x128xf32, #tpu.memory_space<vmem>>)
      %dma_wait3A_1004 = arith.constant 13 : i32
      %dma_wait3A_1005 = arith.constant 0 : i32
      %dma_wait3A_1006 = arith.constant 0 : i32
      %dma_wait3A_1007 = tpu.memref_slice %arg10[%dma_wait3A_1004, %dma_wait3A_1005, %dma_wait3A_1006] : memref<16x32x128xf32, #tpu.memory_space<vmem>> -> memref<1x32x128xf32, #tpu.memory_space<vmem>>
      %dma_wait3A_1008 = tpu.memref_squeeze %dma_wait3A_1007 : memref<1x32x128xf32, #tpu.memory_space<vmem>> -> memref<32x128xf32, #tpu.memory_space<vmem>>
      %dma_wait3A_1009 = arith.constant 0 : i32
      %dma_wait3A_1010 = arith.constant 0 : i32
      %dma_wait3A_1011 = tpu.memref_slice %arg5[%dma_wait3A_1009, %dma_wait3A_1010] : memref<32x1000000xf32, #tpu.memory_space<hbm>> -> memref<32x128xf32, #tpu.memory_space<hbm>>
      %dma_wait3A_1012 = arith.constant 0 : i32
      %dma_wait3A_1013 = arith.constant 0 : i32
      %dma_wait3A_1014 = tpu.memref_slice %arg10[%dma_wait3A_1004, %dma_wait3A_1012, %dma_wait3A_1013] : memref<16x32x128xf32, #tpu.memory_space<vmem>> -> memref<1x32x128xf32, #tpu.memory_space<vmem>>
      %dma_wait3A_1015 = tpu.memref_squeeze %dma_wait3A_1014 : memref<1x32x128xf32, #tpu.memory_space<vmem>> -> memref<32x128xf32, #tpu.memory_space<vmem>>
      %dma_wait3A_1016 = arith.constant 0 : i32
      %dma_wait3A_1017 = arith.constant 0 : i32
      %dma_wait3A_1018 = tpu.memref_slice %arg5[%dma_wait3A_1016, %dma_wait3A_1017] : memref<32x1000000xf32, #tpu.memory_space<hbm>> -> memref<32x128xf32, #tpu.memory_space<hbm>>
      tpu.wait_dma2 semaphore(%arg13 : memref<!tpu.dma_semaphore, #tpu.memory_space<semaphore_mem>>) src(%dma_wait3A_1018 : memref<32x128xf32, #tpu.memory_space<hbm>>) dst(%dma_wait3A_1015 : memref<32x128xf32, #tpu.memory_space<vmem>>)
      %dma_wait3A_1019 = arith.constant 14 : i32
      %dma_wait3A_1020 = arith.constant 0 : i32
      %dma_wait3A_1021 = arith.constant 0 : i32
      %dma_wait3A_1022 = tpu.memref_slice %arg10[%dma_wait3A_1019, %dma_wait3A_1020, %dma_wait3A_1021] : memref<16x32x128xf32, #tpu.memory_space<vmem>> -> memref<1x32x128xf32, #tpu.memory_space<vmem>>
      %dma_wait3A_1023 = tpu.memref_squeeze %dma_wait3A_1022 : memref<1x32x128xf32, #tpu.memory_space<vmem>> -> memref<32x128xf32, #tpu.memory_space<vmem>>
      %dma_wait3A_1024 = arith.constant 0 : i32
      %dma_wait3A_1025 = arith.constant 0 : i32
      %dma_wait3A_1026 = tpu.memref_slice %arg5[%dma_wait3A_1024, %dma_wait3A_1025] : memref<32x1000000xf32, #tpu.memory_space<hbm>> -> memref<32x128xf32, #tpu.memory_space<hbm>>
      %dma_wait3A_1027 = arith.constant 0 : i32
      %dma_wait3A_1028 = arith.constant 0 : i32
      %dma_wait3A_1029 = tpu.memref_slice %arg10[%dma_wait3A_1019, %dma_wait3A_1027, %dma_wait3A_1028] : memref<16x32x128xf32, #tpu.memory_space<vmem>> -> memref<1x32x128xf32, #tpu.memory_space<vmem>>
      %dma_wait3A_1030 = tpu.memref_squeeze %dma_wait3A_1029 : memref<1x32x128xf32, #tpu.memory_space<vmem>> -> memref<32x128xf32, #tpu.memory_space<vmem>>
      %dma_wait3A_1031 = arith.constant 0 : i32
      %dma_wait3A_1032 = arith.constant 0 : i32
      %dma_wait3A_1033 = tpu.memref_slice %arg5[%dma_wait3A_1031, %dma_wait3A_1032] : memref<32x1000000xf32, #tpu.memory_space<hbm>> -> memref<32x128xf32, #tpu.memory_space<hbm>>
      tpu.wait_dma2 semaphore(%arg13 : memref<!tpu.dma_semaphore, #tpu.memory_space<semaphore_mem>>) src(%dma_wait3A_1033 : memref<32x128xf32, #tpu.memory_space<hbm>>) dst(%dma_wait3A_1030 : memref<32x128xf32, #tpu.memory_space<vmem>>)
      %dma_wait3A_1034 = arith.constant 15 : i32
      %dma_wait3A_1035 = arith.constant 0 : i32
      %dma_wait3A_1036 = arith.constant 0 : i32
      %dma_wait3A_1037 = tpu.memref_slice %arg10[%dma_wait3A_1034, %dma_wait3A_1035, %dma_wait3A_1036] : memref<16x32x128xf32, #tpu.memory_space<vmem>> -> memref<1x32x128xf32, #tpu.memory_space<vmem>>
      %dma_wait3A_1038 = tpu.memref_squeeze %dma_wait3A_1037 : memref<1x32x128xf32, #tpu.memory_space<vmem>> -> memref<32x128xf32, #tpu.memory_space<vmem>>
      %dma_wait3A_1039 = arith.constant 0 : i32
      %dma_wait3A_1040 = arith.constant 0 : i32
      %dma_wait3A_1041 = tpu.memref_slice %arg5[%dma_wait3A_1039, %dma_wait3A_1040] : memref<32x1000000xf32, #tpu.memory_space<hbm>> -> memref<32x128xf32, #tpu.memory_space<hbm>>
      %dma_wait3A_1042 = arith.constant 0 : i32
      %dma_wait3A_1043 = arith.constant 0 : i32
      %dma_wait3A_1044 = tpu.memref_slice %arg10[%dma_wait3A_1034, %dma_wait3A_1042, %dma_wait3A_1043] : memref<16x32x128xf32, #tpu.memory_space<vmem>> -> memref<1x32x128xf32, #tpu.memory_space<vmem>>
      %dma_wait3A_1045 = tpu.memref_squeeze %dma_wait3A_1044 : memref<1x32x128xf32, #tpu.memory_space<vmem>> -> memref<32x128xf32, #tpu.memory_space<vmem>>
      %dma_wait3A_1046 = arith.constant 0 : i32
      %dma_wait3A_1047 = arith.constant 0 : i32
      %dma_wait3A_1048 = tpu.memref_slice %arg5[%dma_wait3A_1046, %dma_wait3A_1047] : memref<32x1000000xf32, #tpu.memory_space<hbm>> -> memref<32x128xf32, #tpu.memory_space<hbm>>
      tpu.wait_dma2 semaphore(%arg13 : memref<!tpu.dma_semaphore, #tpu.memory_space<semaphore_mem>>) src(%dma_wait3A_1048 : memref<32x128xf32, #tpu.memory_space<hbm>>) dst(%dma_wait3A_1045 : memref<32x128xf32, #tpu.memory_space<vmem>>)
      %jit3A_1049 = arith.constant 128 : i32
      %eq3A_1050 = arith.constant 0 : i32
      %eq3A_1051 = arith.cmpi eq, %jit3A_1049, %eq3A_1050 : i32
      %jit3A_1052 = arith.constant 1 : i32
      %select_n3A_1053 = arith.select %eq3A_1051, %jit3A_1052, %jit3A_1049 : i32
      %rem3A_1054 = arith.remsi %reduce_sum3A_26, %select_n3A_1053 : i32
      %ne3A_1055 = arith.constant 0 : i32
      %ne3A_1056 = arith.cmpi ne, %rem3A_1054, %ne3A_1055 : i32
      %lt3A = arith.constant 0 : i32
      %lt3A_1057 = arith.cmpi slt, %rem3A_1054, %lt3A : i32
      %lt3A_1058 = arith.constant 0 : i32
      %lt3A_1059 = arith.cmpi slt, %select_n3A_1053, %lt3A_1058 : i32
      %ne3A_1060 = arith.xori %lt3A_1057, %lt3A_1059 : i1
      %and3A_1061 = arith.andi %ne3A_1060, %ne3A_1056 : i1
      %add3A_1062 = arith.addi %rem3A_1054, %select_n3A_1053 : i32
      %select_n3A_1063 = arith.select %and3A_1061, %add3A_1062, %rem3A_1054 : i32
      %broadcast_in_dim3A_1064 = vector.broadcast %select_n3A_1063 : i32 to vector<16xi32>
      %gather3A = arith.constant 0 : i32
      %gather3A_1065 = arith.constant 0 : i32
      %gather3A_1066 = arith.constant 0 : i32
      %gather3A_1067 = tpu.memref_slice %arg10[%gather3A, %gather3A_1065, %gather3A_1066] : memref<16x32x128xf32, #tpu.memory_space<vmem>> -> memref<1x32x128xf32, #tpu.memory_space<vmem>>
      %gather3A_1068 = tpu.memref_squeeze %gather3A_1067 : memref<1x32x128xf32, #tpu.memory_space<vmem>> -> memref<32x128xf32, #tpu.memory_space<vmem>>
      %gather3A_1069 = tpu.vector_load_idx %gather3A_1068[%iota3A, %broadcast_in_dim3A_1064] : memref<32x128xf32, #tpu.memory_space<vmem>>[vector<16xi32>, vector<16xi32>], vector<16xf32>,
      %add3A_1070 = arith.constant 16 : i32
      %add3A_1071 = vector.broadcast %add3A_1070 : i32 to vector<16xi32>
      %add3A_1072 = arith.addi %iota3A, %add3A_1071 : vector<16xi32>
      %gather3A_1073 = arith.constant 0 : i32
      %gather3A_1074 = arith.constant 0 : i32
      %gather3A_1075 = arith.constant 0 : i32
      %gather3A_1076 = tpu.memref_slice %arg10[%gather3A_1073, %gather3A_1074, %gather3A_1075] : memref<16x32x128xf32, #tpu.memory_space<vmem>> -> memref<1x32x128xf32, #tpu.memory_space<vmem>>
      %gather3A_1077 = tpu.memref_squeeze %gather3A_1076 : memref<1x32x128xf32, #tpu.memory_space<vmem>> -> memref<32x128xf32, #tpu.memory_space<vmem>>
      %gather3A_1078 = tpu.vector_load_idx %gather3A_1077[%add3A_1072, %broadcast_in_dim3A_1064] : memref<32x128xf32, #tpu.memory_space<vmem>>[vector<16xi32>, vector<16xi32>], vector<16xf32>,
      %add3A_1079 = arith.constant 0 : i32
      %add3A_1080 = arith.addi %multiple_of3A_20, %add3A_1079 : i32
      %broadcast_in_dim3A_1081 = vector.broadcast %add3A_1080 : i32 to vector<16xi32>
      tpu.vector_store_idx %arg12[%iota3A, %broadcast_in_dim3A_1081], %gather3A_1069 : memref<32x512xf32, #tpu.memory_space<vmem>>[vector<16xi32>, vector<16xi32>], vector<16xf32>,
      %add3A_1082 = arith.constant 16 : i32
      %add3A_1083 = vector.broadcast %add3A_1082 : i32 to vector<16xi32>
      %add3A_1084 = arith.addi %iota3A, %add3A_1083 : vector<16xi32>
      tpu.vector_store_idx %arg12[%add3A_1084, %broadcast_in_dim3A_1081], %gather3A_1078 : memref<32x512xf32, #tpu.memory_space<vmem>>[vector<16xi32>, vector<16xi32>], vector<16xf32>,
      %jit3A_1085 = arith.constant 128 : i32
      %eq3A_1086 = arith.constant 0 : i32
      %eq3A_1087 = arith.cmpi eq, %jit3A_1085, %eq3A_1086 : i32
      %jit3A_1088 = arith.constant 1 : i32
      %select_n3A_1089 = arith.select %eq3A_1087, %jit3A_1088, %jit3A_1085 : i32
      %rem3A_1090 = arith.remsi %reduce_sum3A_69, %select_n3A_1089 : i32
      %ne3A_1091 = arith.constant 0 : i32
      %ne3A_1092 = arith.cmpi ne, %rem3A_1090, %ne3A_1091 : i32
      %lt3A_1093 = arith.constant 0 : i32
      %lt3A_1094 = arith.cmpi slt, %rem3A_1090, %lt3A_1093 : i32
      %lt3A_1095 = arith.constant 0 : i32
      %lt3A_1096 = arith.cmpi slt, %select_n3A_1089, %lt3A_1095 : i32
      %ne3A_1097 = arith.xori %lt3A_1094, %lt3A_1096 : i1
      %and3A_1098 = arith.andi %ne3A_1097, %ne3A_1092 : i1
      %add3A_1099 = arith.addi %rem3A_1090, %select_n3A_1089 : i32
      %select_n3A_1100 = arith.select %and3A_1098, %add3A_1099, %rem3A_1090 : i32
      %broadcast_in_dim3A_1101 = vector.broadcast %select_n3A_1100 : i32 to vector<16xi32>
      %gather3A_1102 = arith.constant 1 : i32
      %gather3A_1103 = arith.constant 0 : i32
      %gather3A_1104 = arith.constant 0 : i32
      %gather3A_1105 = tpu.memref_slice %arg10[%gather3A_1102, %gather3A_1103, %gather3A_1104] : memref<16x32x128xf32, #tpu.memory_space<vmem>> -> memref<1x32x128xf32, #tpu.memory_space<vmem>>
      %gather3A_1106 = tpu.memref_squeeze %gather3A_1105 : memref<1x32x128xf32, #tpu.memory_space<vmem>> -> memref<32x128xf32, #tpu.memory_space<vmem>>
      %gather3A_1107 = tpu.vector_load_idx %gather3A_1106[%iota3A, %broadcast_in_dim3A_1101] : memref<32x128xf32, #tpu.memory_space<vmem>>[vector<16xi32>, vector<16xi32>], vector<16xf32>,
      %add3A_1108 = arith.constant 16 : i32
      %add3A_1109 = vector.broadcast %add3A_1108 : i32 to vector<16xi32>
      %add3A_1110 = arith.addi %iota3A, %add3A_1109 : vector<16xi32>
      %gather3A_1111 = arith.constant 1 : i32
      %gather3A_1112 = arith.constant 0 : i32
      %gather3A_1113 = arith.constant 0 : i32
      %gather3A_1114 = tpu.memref_slice %arg10[%gather3A_1111, %gather3A_1112, %gather3A_1113] : memref<16x32x128xf32, #tpu.memory_space<vmem>> -> memref<1x32x128xf32, #tpu.memory_space<vmem>>
      %gather3A_1115 = tpu.memref_squeeze %gather3A_1114 : memref<1x32x128xf32, #tpu.memory_space<vmem>> -> memref<32x128xf32, #tpu.memory_space<vmem>>
      %gather3A_1116 = tpu.vector_load_idx %gather3A_1115[%add3A_1110, %broadcast_in_dim3A_1101] : memref<32x128xf32, #tpu.memory_space<vmem>>[vector<16xi32>, vector<16xi32>], vector<16xf32>,
      %add3A_1117 = arith.constant 1 : i32
      %add3A_1118 = arith.addi %multiple_of3A_20, %add3A_1117 : i32
      %broadcast_in_dim3A_1119 = vector.broadcast %add3A_1118 : i32 to vector<16xi32>
      tpu.vector_store_idx %arg12[%iota3A, %broadcast_in_dim3A_1119], %gather3A_1107 : memref<32x512xf32, #tpu.memory_space<vmem>>[vector<16xi32>, vector<16xi32>], vector<16xf32>,
      %add3A_1120 = arith.constant 16 : i32
      %add3A_1121 = vector.broadcast %add3A_1120 : i32 to vector<16xi32>
      %add3A_1122 = arith.addi %iota3A, %add3A_1121 : vector<16xi32>
      tpu.vector_store_idx %arg12[%add3A_1122, %broadcast_in_dim3A_1119], %gather3A_1116 : memref<32x512xf32, #tpu.memory_space<vmem>>[vector<16xi32>, vector<16xi32>], vector<16xf32>,
      %jit3A_1123 = arith.constant 128 : i32
      %eq3A_1124 = arith.constant 0 : i32
      %eq3A_1125 = arith.cmpi eq, %jit3A_1123, %eq3A_1124 : i32
      %jit3A_1126 = arith.constant 1 : i32
      %select_n3A_1127 = arith.select %eq3A_1125, %jit3A_1126, %jit3A_1123 : i32
      %rem3A_1128 = arith.remsi %reduce_sum3A_119, %select_n3A_1127 : i32
      %ne3A_1129 = arith.constant 0 : i32
      %ne3A_1130 = arith.cmpi ne, %rem3A_1128, %ne3A_1129 : i32
      %lt3A_1131 = arith.constant 0 : i32
      %lt3A_1132 = arith.cmpi slt, %rem3A_1128, %lt3A_1131 : i32
      %lt3A_1133 = arith.constant 0 : i32
      %lt3A_1134 = arith.cmpi slt, %select_n3A_1127, %lt3A_1133 : i32
      %ne3A_1135 = arith.xori %lt3A_1132, %lt3A_1134 : i1
      %and3A_1136 = arith.andi %ne3A_1135, %ne3A_1130 : i1
      %add3A_1137 = arith.addi %rem3A_1128, %select_n3A_1127 : i32
      %select_n3A_1138 = arith.select %and3A_1136, %add3A_1137, %rem3A_1128 : i32
      %broadcast_in_dim3A_1139 = vector.broadcast %select_n3A_1138 : i32 to vector<16xi32>
      %gather3A_1140 = arith.constant 2 : i32
      %gather3A_1141 = arith.constant 0 : i32
      %gather3A_1142 = arith.constant 0 : i32
      %gather3A_1143 = tpu.memref_slice %arg10[%gather3A_1140, %gather3A_1141, %gather3A_1142] : memref<16x32x128xf32, #tpu.memory_space<vmem>> -> memref<1x32x128xf32, #tpu.memory_space<vmem>>
      %gather3A_1144 = tpu.memref_squeeze %gather3A_1143 : memref<1x32x128xf32, #tpu.memory_space<vmem>> -> memref<32x128xf32, #tpu.memory_space<vmem>>
      %gather3A_1145 = tpu.vector_load_idx %gather3A_1144[%iota3A, %broadcast_in_dim3A_1139] : memref<32x128xf32, #tpu.memory_space<vmem>>[vector<16xi32>, vector<16xi32>], vector<16xf32>,
      %add3A_1146 = arith.constant 16 : i32
      %add3A_1147 = vector.broadcast %add3A_1146 : i32 to vector<16xi32>
      %add3A_1148 = arith.addi %iota3A, %add3A_1147 : vector<16xi32>
      %gather3A_1149 = arith.constant 2 : i32
      %gather3A_1150 = arith.constant 0 : i32
      %gather3A_1151 = arith.constant 0 : i32
      %gather3A_1152 = tpu.memref_slice %arg10[%gather3A_1149, %gather3A_1150, %gather3A_1151] : memref<16x32x128xf32, #tpu.memory_space<vmem>> -> memref<1x32x128xf32, #tpu.memory_space<vmem>>
      %gather3A_1153 = tpu.memref_squeeze %gather3A_1152 : memref<1x32x128xf32, #tpu.memory_space<vmem>> -> memref<32x128xf32, #tpu.memory_space<vmem>>
      %gather3A_1154 = tpu.vector_load_idx %gather3A_1153[%add3A_1148, %broadcast_in_dim3A_1139] : memref<32x128xf32, #tpu.memory_space<vmem>>[vector<16xi32>, vector<16xi32>], vector<16xf32>,
      %add3A_1155 = arith.constant 2 : i32
      %add3A_1156 = arith.addi %multiple_of3A_20, %add3A_1155 : i32
      %broadcast_in_dim3A_1157 = vector.broadcast %add3A_1156 : i32 to vector<16xi32>
      tpu.vector_store_idx %arg12[%iota3A, %broadcast_in_dim3A_1157], %gather3A_1145 : memref<32x512xf32, #tpu.memory_space<vmem>>[vector<16xi32>, vector<16xi32>], vector<16xf32>,
      %add3A_1158 = arith.constant 16 : i32
      %add3A_1159 = vector.broadcast %add3A_1158 : i32 to vector<16xi32>
      %add3A_1160 = arith.addi %iota3A, %add3A_1159 : vector<16xi32>
      tpu.vector_store_idx %arg12[%add3A_1160, %broadcast_in_dim3A_1157], %gather3A_1154 : memref<32x512xf32, #tpu.memory_space<vmem>>[vector<16xi32>, vector<16xi32>], vector<16xf32>,
      %jit3A_1161 = arith.constant 128 : i32
      %eq3A_1162 = arith.constant 0 : i32
      %eq3A_1163 = arith.cmpi eq, %jit3A_1161, %eq3A_1162 : i32
      %jit3A_1164 = arith.constant 1 : i32
      %select_n3A_1165 = arith.select %eq3A_1163, %jit3A_1164, %jit3A_1161 : i32
      %rem3A_1166 = arith.remsi %reduce_sum3A_169, %select_n3A_1165 : i32
      %ne3A_1167 = arith.constant 0 : i32
      %ne3A_1168 = arith.cmpi ne, %rem3A_1166, %ne3A_1167 : i32
      %lt3A_1169 = arith.constant 0 : i32
      %lt3A_1170 = arith.cmpi slt, %rem3A_1166, %lt3A_1169 : i32
      %lt3A_1171 = arith.constant 0 : i32
      %lt3A_1172 = arith.cmpi slt, %select_n3A_1165, %lt3A_1171 : i32
      %ne3A_1173 = arith.xori %lt3A_1170, %lt3A_1172 : i1
      %and3A_1174 = arith.andi %ne3A_1173, %ne3A_1168 : i1
      %add3A_1175 = arith.addi %rem3A_1166, %select_n3A_1165 : i32
      %select_n3A_1176 = arith.select %and3A_1174, %add3A_1175, %rem3A_1166 : i32
      %broadcast_in_dim3A_1177 = vector.broadcast %select_n3A_1176 : i32 to vector<16xi32>
      %gather3A_1178 = arith.constant 3 : i32
      %gather3A_1179 = arith.constant 0 : i32
      %gather3A_1180 = arith.constant 0 : i32
      %gather3A_1181 = tpu.memref_slice %arg10[%gather3A_1178, %gather3A_1179, %gather3A_1180] : memref<16x32x128xf32, #tpu.memory_space<vmem>> -> memref<1x32x128xf32, #tpu.memory_space<vmem>>
      %gather3A_1182 = tpu.memref_squeeze %gather3A_1181 : memref<1x32x128xf32, #tpu.memory_space<vmem>> -> memref<32x128xf32, #tpu.memory_space<vmem>>
      %gather3A_1183 = tpu.vector_load_idx %gather3A_1182[%iota3A, %broadcast_in_dim3A_1177] : memref<32x128xf32, #tpu.memory_space<vmem>>[vector<16xi32>, vector<16xi32>], vector<16xf32>,
      %add3A_1184 = arith.constant 16 : i32
      %add3A_1185 = vector.broadcast %add3A_1184 : i32 to vector<16xi32>
      %add3A_1186 = arith.addi %iota3A, %add3A_1185 : vector<16xi32>
      %gather3A_1187 = arith.constant 3 : i32
      %gather3A_1188 = arith.constant 0 : i32
      %gather3A_1189 = arith.constant 0 : i32
      %gather3A_1190 = tpu.memref_slice %arg10[%gather3A_1187, %gather3A_1188, %gather3A_1189] : memref<16x32x128xf32, #tpu.memory_space<vmem>> -> memref<1x32x128xf32, #tpu.memory_space<vmem>>
      %gather3A_1191 = tpu.memref_squeeze %gather3A_1190 : memref<1x32x128xf32, #tpu.memory_space<vmem>> -> memref<32x128xf32, #tpu.memory_space<vmem>>
      %gather3A_1192 = tpu.vector_load_idx %gather3A_1191[%add3A_1186, %broadcast_in_dim3A_1177] : memref<32x128xf32, #tpu.memory_space<vmem>>[vector<16xi32>, vector<16xi32>], vector<16xf32>,
      %add3A_1193 = arith.constant 3 : i32
      %add3A_1194 = arith.addi %multiple_of3A_20, %add3A_1193 : i32
      %broadcast_in_dim3A_1195 = vector.broadcast %add3A_1194 : i32 to vector<16xi32>
      tpu.vector_store_idx %arg12[%iota3A, %broadcast_in_dim3A_1195], %gather3A_1183 : memref<32x512xf32, #tpu.memory_space<vmem>>[vector<16xi32>, vector<16xi32>], vector<16xf32>,
      %add3A_1196 = arith.constant 16 : i32
      %add3A_1197 = vector.broadcast %add3A_1196 : i32 to vector<16xi32>
      %add3A_1198 = arith.addi %iota3A, %add3A_1197 : vector<16xi32>
      tpu.vector_store_idx %arg12[%add3A_1198, %broadcast_in_dim3A_1195], %gather3A_1192 : memref<32x512xf32, #tpu.memory_space<vmem>>[vector<16xi32>, vector<16xi32>], vector<16xf32>,
      %jit3A_1199 = arith.constant 128 : i32
      %eq3A_1200 = arith.constant 0 : i32
      %eq3A_1201 = arith.cmpi eq, %jit3A_1199, %eq3A_1200 : i32
      %jit3A_1202 = arith.constant 1 : i32
      %select_n3A_1203 = arith.select %eq3A_1201, %jit3A_1202, %jit3A_1199 : i32
      %rem3A_1204 = arith.remsi %reduce_sum3A_219, %select_n3A_1203 : i32
      %ne3A_1205 = arith.constant 0 : i32
      %ne3A_1206 = arith.cmpi ne, %rem3A_1204, %ne3A_1205 : i32
      %lt3A_1207 = arith.constant 0 : i32
      %lt3A_1208 = arith.cmpi slt, %rem3A_1204, %lt3A_1207 : i32
      %lt3A_1209 = arith.constant 0 : i32
      %lt3A_1210 = arith.cmpi slt, %select_n3A_1203, %lt3A_1209 : i32
      %ne3A_1211 = arith.xori %lt3A_1208, %lt3A_1210 : i1
      %and3A_1212 = arith.andi %ne3A_1211, %ne3A_1206 : i1
      %add3A_1213 = arith.addi %rem3A_1204, %select_n3A_1203 : i32
      %select_n3A_1214 = arith.select %and3A_1212, %add3A_1213, %rem3A_1204 : i32
      %broadcast_in_dim3A_1215 = vector.broadcast %select_n3A_1214 : i32 to vector<16xi32>
      %gather3A_1216 = arith.constant 4 : i32
      %gather3A_1217 = arith.constant 0 : i32
      %gather3A_1218 = arith.constant 0 : i32
      %gather3A_1219 = tpu.memref_slice %arg10[%gather3A_1216, %gather3A_1217, %gather3A_1218] : memref<16x32x128xf32, #tpu.memory_space<vmem>> -> memref<1x32x128xf32, #tpu.memory_space<vmem>>
      %gather3A_1220 = tpu.memref_squeeze %gather3A_1219 : memref<1x32x128xf32, #tpu.memory_space<vmem>> -> memref<32x128xf32, #tpu.memory_space<vmem>>
      %gather3A_1221 = tpu.vector_load_idx %gather3A_1220[%iota3A, %broadcast_in_dim3A_1215] : memref<32x128xf32, #tpu.memory_space<vmem>>[vector<16xi32>, vector<16xi32>], vector<16xf32>,
      %add3A_1222 = arith.constant 16 : i32
      %add3A_1223 = vector.broadcast %add3A_1222 : i32 to vector<16xi32>
      %add3A_1224 = arith.addi %iota3A, %add3A_1223 : vector<16xi32>
      %gather3A_1225 = arith.constant 4 : i32
      %gather3A_1226 = arith.constant 0 : i32
      %gather3A_1227 = arith.constant 0 : i32
      %gather3A_1228 = tpu.memref_slice %arg10[%gather3A_1225, %gather3A_1226, %gather3A_1227] : memref<16x32x128xf32, #tpu.memory_space<vmem>> -> memref<1x32x128xf32, #tpu.memory_space<vmem>>
      %gather3A_1229 = tpu.memref_squeeze %gather3A_1228 : memref<1x32x128xf32, #tpu.memory_space<vmem>> -> memref<32x128xf32, #tpu.memory_space<vmem>>
      %gather3A_1230 = tpu.vector_load_idx %gather3A_1229[%add3A_1224, %broadcast_in_dim3A_1215] : memref<32x128xf32, #tpu.memory_space<vmem>>[vector<16xi32>, vector<16xi32>], vector<16xf32>,
      %add3A_1231 = arith.constant 4 : i32
      %add3A_1232 = arith.addi %multiple_of3A_20, %add3A_1231 : i32
      %broadcast_in_dim3A_1233 = vector.broadcast %add3A_1232 : i32 to vector<16xi32>
      tpu.vector_store_idx %arg12[%iota3A, %broadcast_in_dim3A_1233], %gather3A_1221 : memref<32x512xf32, #tpu.memory_space<vmem>>[vector<16xi32>, vector<16xi32>], vector<16xf32>,
      %add3A_1234 = arith.constant 16 : i32
      %add3A_1235 = vector.broadcast %add3A_1234 : i32 to vector<16xi32>
      %add3A_1236 = arith.addi %iota3A, %add3A_1235 : vector<16xi32>
      tpu.vector_store_idx %arg12[%add3A_1236, %broadcast_in_dim3A_1233], %gather3A_1230 : memref<32x512xf32, #tpu.memory_space<vmem>>[vector<16xi32>, vector<16xi32>], vector<16xf32>,
      %jit3A_1237 = arith.constant 128 : i32
      %eq3A_1238 = arith.constant 0 : i32
      %eq3A_1239 = arith.cmpi eq, %jit3A_1237, %eq3A_1238 : i32
      %jit3A_1240 = arith.constant 1 : i32
      %select_n3A_1241 = arith.select %eq3A_1239, %jit3A_1240, %jit3A_1237 : i32
      %rem3A_1242 = arith.remsi %reduce_sum3A_269, %select_n3A_1241 : i32
      %ne3A_1243 = arith.constant 0 : i32
      %ne3A_1244 = arith.cmpi ne, %rem3A_1242, %ne3A_1243 : i32
      %lt3A_1245 = arith.constant 0 : i32
      %lt3A_1246 = arith.cmpi slt, %rem3A_1242, %lt3A_1245 : i32
      %lt3A_1247 = arith.constant 0 : i32
      %lt3A_1248 = arith.cmpi slt, %select_n3A_1241, %lt3A_1247 : i32
      %ne3A_1249 = arith.xori %lt3A_1246, %lt3A_1248 : i1
      %and3A_1250 = arith.andi %ne3A_1249, %ne3A_1244 : i1
      %add3A_1251 = arith.addi %rem3A_1242, %select_n3A_1241 : i32
      %select_n3A_1252 = arith.select %and3A_1250, %add3A_1251, %rem3A_1242 : i32
      %broadcast_in_dim3A_1253 = vector.broadcast %select_n3A_1252 : i32 to vector<16xi32>
      %gather3A_1254 = arith.constant 5 : i32
      %gather3A_1255 = arith.constant 0 : i32
      %gather3A_1256 = arith.constant 0 : i32
      %gather3A_1257 = tpu.memref_slice %arg10[%gather3A_1254, %gather3A_1255, %gather3A_1256] : memref<16x32x128xf32, #tpu.memory_space<vmem>> -> memref<1x32x128xf32, #tpu.memory_space<vmem>>
      %gather3A_1258 = tpu.memref_squeeze %gather3A_1257 : memref<1x32x128xf32, #tpu.memory_space<vmem>> -> memref<32x128xf32, #tpu.memory_space<vmem>>
      %gather3A_1259 = tpu.vector_load_idx %gather3A_1258[%iota3A, %broadcast_in_dim3A_1253] : memref<32x128xf32, #tpu.memory_space<vmem>>[vector<16xi32>, vector<16xi32>], vector<16xf32>,
      %add3A_1260 = arith.constant 16 : i32
      %add3A_1261 = vector.broadcast %add3A_1260 : i32 to vector<16xi32>
      %add3A_1262 = arith.addi %iota3A, %add3A_1261 : vector<16xi32>
      %gather3A_1263 = arith.constant 5 : i32
      %gather3A_1264 = arith.constant 0 : i32
      %gather3A_1265 = arith.constant 0 : i32
      %gather3A_1266 = tpu.memref_slice %arg10[%gather3A_1263, %gather3A_1264, %gather3A_1265] : memref<16x32x128xf32, #tpu.memory_space<vmem>> -> memref<1x32x128xf32, #tpu.memory_space<vmem>>
      %gather3A_1267 = tpu.memref_squeeze %gather3A_1266 : memref<1x32x128xf32, #tpu.memory_space<vmem>> -> memref<32x128xf32, #tpu.memory_space<vmem>>
      %gather3A_1268 = tpu.vector_load_idx %gather3A_1267[%add3A_1262, %broadcast_in_dim3A_1253] : memref<32x128xf32, #tpu.memory_space<vmem>>[vector<16xi32>, vector<16xi32>], vector<16xf32>,
      %add3A_1269 = arith.constant 5 : i32
      %add3A_1270 = arith.addi %multiple_of3A_20, %add3A_1269 : i32
      %broadcast_in_dim3A_1271 = vector.broadcast %add3A_1270 : i32 to vector<16xi32>
      tpu.vector_store_idx %arg12[%iota3A, %broadcast_in_dim3A_1271], %gather3A_1259 : memref<32x512xf32, #tpu.memory_space<vmem>>[vector<16xi32>, vector<16xi32>], vector<16xf32>,
      %add3A_1272 = arith.constant 16 : i32
      %add3A_1273 = vector.broadcast %add3A_1272 : i32 to vector<16xi32>
      %add3A_1274 = arith.addi %iota3A, %add3A_1273 : vector<16xi32>
      tpu.vector_store_idx %arg12[%add3A_1274, %broadcast_in_dim3A_1271], %gather3A_1268 : memref<32x512xf32, #tpu.memory_space<vmem>>[vector<16xi32>, vector<16xi32>], vector<16xf32>,
      %jit3A_1275 = arith.constant 128 : i32
      %eq3A_1276 = arith.constant 0 : i32
      %eq3A_1277 = arith.cmpi eq, %jit3A_1275, %eq3A_1276 : i32
      %jit3A_1278 = arith.constant 1 : i32
      %select_n3A_1279 = arith.select %eq3A_1277, %jit3A_1278, %jit3A_1275 : i32
      %rem3A_1280 = arith.remsi %reduce_sum3A_319, %select_n3A_1279 : i32
      %ne3A_1281 = arith.constant 0 : i32
      %ne3A_1282 = arith.cmpi ne, %rem3A_1280, %ne3A_1281 : i32
      %lt3A_1283 = arith.constant 0 : i32
      %lt3A_1284 = arith.cmpi slt, %rem3A_1280, %lt3A_1283 : i32
      %lt3A_1285 = arith.constant 0 : i32
      %lt3A_1286 = arith.cmpi slt, %select_n3A_1279, %lt3A_1285 : i32
      %ne3A_1287 = arith.xori %lt3A_1284, %lt3A_1286 : i1
      %and3A_1288 = arith.andi %ne3A_1287, %ne3A_1282 : i1
      %add3A_1289 = arith.addi %rem3A_1280, %select_n3A_1279 : i32
      %select_n3A_1290 = arith.select %and3A_1288, %add3A_1289, %rem3A_1280 : i32
      %broadcast_in_dim3A_1291 = vector.broadcast %select_n3A_1290 : i32 to vector<16xi32>
      %gather3A_1292 = arith.constant 6 : i32
      %gather3A_1293 = arith.constant 0 : i32
      %gather3A_1294 = arith.constant 0 : i32
      %gather3A_1295 = tpu.memref_slice %arg10[%gather3A_1292, %gather3A_1293, %gather3A_1294] : memref<16x32x128xf32, #tpu.memory_space<vmem>> -> memref<1x32x128xf32, #tpu.memory_space<vmem>>
      %gather3A_1296 = tpu.memref_squeeze %gather3A_1295 : memref<1x32x128xf32, #tpu.memory_space<vmem>> -> memref<32x128xf32, #tpu.memory_space<vmem>>
      %gather3A_1297 = tpu.vector_load_idx %gather3A_1296[%iota3A, %broadcast_in_dim3A_1291] : memref<32x128xf32, #tpu.memory_space<vmem>>[vector<16xi32>, vector<16xi32>], vector<16xf32>,
      %add3A_1298 = arith.constant 16 : i32
      %add3A_1299 = vector.broadcast %add3A_1298 : i32 to vector<16xi32>
      %add3A_1300 = arith.addi %iota3A, %add3A_1299 : vector<16xi32>
      %gather3A_1301 = arith.constant 6 : i32
      %gather3A_1302 = arith.constant 0 : i32
      %gather3A_1303 = arith.constant 0 : i32
      %gather3A_1304 = tpu.memref_slice %arg10[%gather3A_1301, %gather3A_1302, %gather3A_1303] : memref<16x32x128xf32, #tpu.memory_space<vmem>> -> memref<1x32x128xf32, #tpu.memory_space<vmem>>
      %gather3A_1305 = tpu.memref_squeeze %gather3A_1304 : memref<1x32x128xf32, #tpu.memory_space<vmem>> -> memref<32x128xf32, #tpu.memory_space<vmem>>
      %gather3A_1306 = tpu.vector_load_idx %gather3A_1305[%add3A_1300, %broadcast_in_dim3A_1291] : memref<32x128xf32, #tpu.memory_space<vmem>>[vector<16xi32>, vector<16xi32>], vector<16xf32>,
      %add3A_1307 = arith.constant 6 : i32
      %add3A_1308 = arith.addi %multiple_of3A_20, %add3A_1307 : i32
      %broadcast_in_dim3A_1309 = vector.broadcast %add3A_1308 : i32 to vector<16xi32>
      tpu.vector_store_idx %arg12[%iota3A, %broadcast_in_dim3A_1309], %gather3A_1297 : memref<32x512xf32, #tpu.memory_space<vmem>>[vector<16xi32>, vector<16xi32>], vector<16xf32>,
      %add3A_1310 = arith.constant 16 : i32
      %add3A_1311 = vector.broadcast %add3A_1310 : i32 to vector<16xi32>
      %add3A_1312 = arith.addi %iota3A, %add3A_1311 : vector<16xi32>
      tpu.vector_store_idx %arg12[%add3A_1312, %broadcast_in_dim3A_1309], %gather3A_1306 : memref<32x512xf32, #tpu.memory_space<vmem>>[vector<16xi32>, vector<16xi32>], vector<16xf32>,
      %jit3A_1313 = arith.constant 128 : i32
      %eq3A_1314 = arith.constant 0 : i32
      %eq3A_1315 = arith.cmpi eq, %jit3A_1313, %eq3A_1314 : i32
      %jit3A_1316 = arith.constant 1 : i32
      %select_n3A_1317 = arith.select %eq3A_1315, %jit3A_1316, %jit3A_1313 : i32
      %rem3A_1318 = arith.remsi %reduce_sum3A_369, %select_n3A_1317 : i32
      %ne3A_1319 = arith.constant 0 : i32
      %ne3A_1320 = arith.cmpi ne, %rem3A_1318, %ne3A_1319 : i32
      %lt3A_1321 = arith.constant 0 : i32
      %lt3A_1322 = arith.cmpi slt, %rem3A_1318, %lt3A_1321 : i32
      %lt3A_1323 = arith.constant 0 : i32
      %lt3A_1324 = arith.cmpi slt, %select_n3A_1317, %lt3A_1323 : i32
      %ne3A_1325 = arith.xori %lt3A_1322, %lt3A_1324 : i1
      %and3A_1326 = arith.andi %ne3A_1325, %ne3A_1320 : i1
      %add3A_1327 = arith.addi %rem3A_1318, %select_n3A_1317 : i32
      %select_n3A_1328 = arith.select %and3A_1326, %add3A_1327, %rem3A_1318 : i32
      %broadcast_in_dim3A_1329 = vector.broadcast %select_n3A_1328 : i32 to vector<16xi32>
      %gather3A_1330 = arith.constant 7 : i32
      %gather3A_1331 = arith.constant 0 : i32
      %gather3A_1332 = arith.constant 0 : i32
      %gather3A_1333 = tpu.memref_slice %arg10[%gather3A_1330, %gather3A_1331, %gather3A_1332] : memref<16x32x128xf32, #tpu.memory_space<vmem>> -> memref<1x32x128xf32, #tpu.memory_space<vmem>>
      %gather3A_1334 = tpu.memref_squeeze %gather3A_1333 : memref<1x32x128xf32, #tpu.memory_space<vmem>> -> memref<32x128xf32, #tpu.memory_space<vmem>>
      %gather3A_1335 = tpu.vector_load_idx %gather3A_1334[%iota3A, %broadcast_in_dim3A_1329] : memref<32x128xf32, #tpu.memory_space<vmem>>[vector<16xi32>, vector<16xi32>], vector<16xf32>,
      %add3A_1336 = arith.constant 16 : i32
      %add3A_1337 = vector.broadcast %add3A_1336 : i32 to vector<16xi32>
      %add3A_1338 = arith.addi %iota3A, %add3A_1337 : vector<16xi32>
      %gather3A_1339 = arith.constant 7 : i32
      %gather3A_1340 = arith.constant 0 : i32
      %gather3A_1341 = arith.constant 0 : i32
      %gather3A_1342 = tpu.memref_slice %arg10[%gather3A_1339, %gather3A_1340, %gather3A_1341] : memref<16x32x128xf32, #tpu.memory_space<vmem>> -> memref<1x32x128xf32, #tpu.memory_space<vmem>>
      %gather3A_1343 = tpu.memref_squeeze %gather3A_1342 : memref<1x32x128xf32, #tpu.memory_space<vmem>> -> memref<32x128xf32, #tpu.memory_space<vmem>>
      %gather3A_1344 = tpu.vector_load_idx %gather3A_1343[%add3A_1338, %broadcast_in_dim3A_1329] : memref<32x128xf32, #tpu.memory_space<vmem>>[vector<16xi32>, vector<16xi32>], vector<16xf32>,
      %add3A_1345 = arith.constant 7 : i32
      %add3A_1346 = arith.addi %multiple_of3A_20, %add3A_1345 : i32
      %broadcast_in_dim3A_1347 = vector.broadcast %add3A_1346 : i32 to vector<16xi32>
      tpu.vector_store_idx %arg12[%iota3A, %broadcast_in_dim3A_1347], %gather3A_1335 : memref<32x512xf32, #tpu.memory_space<vmem>>[vector<16xi32>, vector<16xi32>], vector<16xf32>,
      %add3A_1348 = arith.constant 16 : i32
      %add3A_1349 = vector.broadcast %add3A_1348 : i32 to vector<16xi32>
      %add3A_1350 = arith.addi %iota3A, %add3A_1349 : vector<16xi32>
      tpu.vector_store_idx %arg12[%add3A_1350, %broadcast_in_dim3A_1347], %gather3A_1344 : memref<32x512xf32, #tpu.memory_space<vmem>>[vector<16xi32>, vector<16xi32>], vector<16xf32>,
      %jit3A_1351 = arith.constant 128 : i32
      %eq3A_1352 = arith.constant 0 : i32
      %eq3A_1353 = arith.cmpi eq, %jit3A_1351, %eq3A_1352 : i32
      %jit3A_1354 = arith.constant 1 : i32
      %select_n3A_1355 = arith.select %eq3A_1353, %jit3A_1354, %jit3A_1351 : i32
      %rem3A_1356 = arith.remsi %reduce_sum3A_419, %select_n3A_1355 : i32
      %ne3A_1357 = arith.constant 0 : i32
      %ne3A_1358 = arith.cmpi ne, %rem3A_1356, %ne3A_1357 : i32
      %lt3A_1359 = arith.constant 0 : i32
      %lt3A_1360 = arith.cmpi slt, %rem3A_1356, %lt3A_1359 : i32
      %lt3A_1361 = arith.constant 0 : i32
      %lt3A_1362 = arith.cmpi slt, %select_n3A_1355, %lt3A_1361 : i32
      %ne3A_1363 = arith.xori %lt3A_1360, %lt3A_1362 : i1
      %and3A_1364 = arith.andi %ne3A_1363, %ne3A_1358 : i1
      %add3A_1365 = arith.addi %rem3A_1356, %select_n3A_1355 : i32
      %select_n3A_1366 = arith.select %and3A_1364, %add3A_1365, %rem3A_1356 : i32
      %broadcast_in_dim3A_1367 = vector.broadcast %select_n3A_1366 : i32 to vector<16xi32>
      %gather3A_1368 = arith.constant 8 : i32
      %gather3A_1369 = arith.constant 0 : i32
      %gather3A_1370 = arith.constant 0 : i32
      %gather3A_1371 = tpu.memref_slice %arg10[%gather3A_1368, %gather3A_1369, %gather3A_1370] : memref<16x32x128xf32, #tpu.memory_space<vmem>> -> memref<1x32x128xf32, #tpu.memory_space<vmem>>
      %gather3A_1372 = tpu.memref_squeeze %gather3A_1371 : memref<1x32x128xf32, #tpu.memory_space<vmem>> -> memref<32x128xf32, #tpu.memory_space<vmem>>
      %gather3A_1373 = tpu.vector_load_idx %gather3A_1372[%iota3A, %broadcast_in_dim3A_1367] : memref<32x128xf32, #tpu.memory_space<vmem>>[vector<16xi32>, vector<16xi32>], vector<16xf32>,
      %add3A_1374 = arith.constant 16 : i32
      %add3A_1375 = vector.broadcast %add3A_1374 : i32 to vector<16xi32>
      %add3A_1376 = arith.addi %iota3A, %add3A_1375 : vector<16xi32>
      %gather3A_1377 = arith.constant 8 : i32
      %gather3A_1378 = arith.constant 0 : i32
      %gather3A_1379 = arith.constant 0 : i32
      %gather3A_1380 = tpu.memref_slice %arg10[%gather3A_1377, %gather3A_1378, %gather3A_1379] : memref<16x32x128xf32, #tpu.memory_space<vmem>> -> memref<1x32x128xf32, #tpu.memory_space<vmem>>
      %gather3A_1381 = tpu.memref_squeeze %gather3A_1380 : memref<1x32x128xf32, #tpu.memory_space<vmem>> -> memref<32x128xf32, #tpu.memory_space<vmem>>
      %gather3A_1382 = tpu.vector_load_idx %gather3A_1381[%add3A_1376, %broadcast_in_dim3A_1367] : memref<32x128xf32, #tpu.memory_space<vmem>>[vector<16xi32>, vector<16xi32>], vector<16xf32>,
      %add3A_1383 = arith.constant 8 : i32
      %add3A_1384 = arith.addi %multiple_of3A_20, %add3A_1383 : i32
      %broadcast_in_dim3A_1385 = vector.broadcast %add3A_1384 : i32 to vector<16xi32>
      tpu.vector_store_idx %arg12[%iota3A, %broadcast_in_dim3A_1385], %gather3A_1373 : memref<32x512xf32, #tpu.memory_space<vmem>>[vector<16xi32>, vector<16xi32>], vector<16xf32>,
      %add3A_1386 = arith.constant 16 : i32
      %add3A_1387 = vector.broadcast %add3A_1386 : i32 to vector<16xi32>
      %add3A_1388 = arith.addi %iota3A, %add3A_1387 : vector<16xi32>
      tpu.vector_store_idx %arg12[%add3A_1388, %broadcast_in_dim3A_1385], %gather3A_1382 : memref<32x512xf32, #tpu.memory_space<vmem>>[vector<16xi32>, vector<16xi32>], vector<16xf32>,
      %jit3A_1389 = arith.constant 128 : i32
      %eq3A_1390 = arith.constant 0 : i32
      %eq3A_1391 = arith.cmpi eq, %jit3A_1389, %eq3A_1390 : i32
      %jit3A_1392 = arith.constant 1 : i32
      %select_n3A_1393 = arith.select %eq3A_1391, %jit3A_1392, %jit3A_1389 : i32
      %rem3A_1394 = arith.remsi %reduce_sum3A_469, %select_n3A_1393 : i32
      %ne3A_1395 = arith.constant 0 : i32
      %ne3A_1396 = arith.cmpi ne, %rem3A_1394, %ne3A_1395 : i32
      %lt3A_1397 = arith.constant 0 : i32
      %lt3A_1398 = arith.cmpi slt, %rem3A_1394, %lt3A_1397 : i32
      %lt3A_1399 = arith.constant 0 : i32
      %lt3A_1400 = arith.cmpi slt, %select_n3A_1393, %lt3A_1399 : i32
      %ne3A_1401 = arith.xori %lt3A_1398, %lt3A_1400 : i1
      %and3A_1402 = arith.andi %ne3A_1401, %ne3A_1396 : i1
      %add3A_1403 = arith.addi %rem3A_1394, %select_n3A_1393 : i32
      %select_n3A_1404 = arith.select %and3A_1402, %add3A_1403, %rem3A_1394 : i32
      %broadcast_in_dim3A_1405 = vector.broadcast %select_n3A_1404 : i32 to vector<16xi32>
      %gather3A_1406 = arith.constant 9 : i32
      %gather3A_1407 = arith.constant 0 : i32
      %gather3A_1408 = arith.constant 0 : i32
      %gather3A_1409 = tpu.memref_slice %arg10[%gather3A_1406, %gather3A_1407, %gather3A_1408] : memref<16x32x128xf32, #tpu.memory_space<vmem>> -> memref<1x32x128xf32, #tpu.memory_space<vmem>>
      %gather3A_1410 = tpu.memref_squeeze %gather3A_1409 : memref<1x32x128xf32, #tpu.memory_space<vmem>> -> memref<32x128xf32, #tpu.memory_space<vmem>>
      %gather3A_1411 = tpu.vector_load_idx %gather3A_1410[%iota3A, %broadcast_in_dim3A_1405] : memref<32x128xf32, #tpu.memory_space<vmem>>[vector<16xi32>, vector<16xi32>], vector<16xf32>,
      %add3A_1412 = arith.constant 16 : i32
      %add3A_1413 = vector.broadcast %add3A_1412 : i32 to vector<16xi32>
      %add3A_1414 = arith.addi %iota3A, %add3A_1413 : vector<16xi32>
      %gather3A_1415 = arith.constant 9 : i32
      %gather3A_1416 = arith.constant 0 : i32
      %gather3A_1417 = arith.constant 0 : i32
      %gather3A_1418 = tpu.memref_slice %arg10[%gather3A_1415, %gather3A_1416, %gather3A_1417] : memref<16x32x128xf32, #tpu.memory_space<vmem>> -> memref<1x32x128xf32, #tpu.memory_space<vmem>>
      %gather3A_1419 = tpu.memref_squeeze %gather3A_1418 : memref<1x32x128xf32, #tpu.memory_space<vmem>> -> memref<32x128xf32, #tpu.memory_space<vmem>>
      %gather3A_1420 = tpu.vector_load_idx %gather3A_1419[%add3A_1414, %broadcast_in_dim3A_1405] : memref<32x128xf32, #tpu.memory_space<vmem>>[vector<16xi32>, vector<16xi32>], vector<16xf32>,
      %add3A_1421 = arith.constant 9 : i32
      %add3A_1422 = arith.addi %multiple_of3A_20, %add3A_1421 : i32
      %broadcast_in_dim3A_1423 = vector.broadcast %add3A_1422 : i32 to vector<16xi32>
      tpu.vector_store_idx %arg12[%iota3A, %broadcast_in_dim3A_1423], %gather3A_1411 : memref<32x512xf32, #tpu.memory_space<vmem>>[vector<16xi32>, vector<16xi32>], vector<16xf32>,
      %add3A_1424 = arith.constant 16 : i32
      %add3A_1425 = vector.broadcast %add3A_1424 : i32 to vector<16xi32>
      %add3A_1426 = arith.addi %iota3A, %add3A_1425 : vector<16xi32>
      tpu.vector_store_idx %arg12[%add3A_1426, %broadcast_in_dim3A_1423], %gather3A_1420 : memref<32x512xf32, #tpu.memory_space<vmem>>[vector<16xi32>, vector<16xi32>], vector<16xf32>,
      %jit3A_1427 = arith.constant 128 : i32
      %eq3A_1428 = arith.constant 0 : i32
      %eq3A_1429 = arith.cmpi eq, %jit3A_1427, %eq3A_1428 : i32
      %jit3A_1430 = arith.constant 1 : i32
      %select_n3A_1431 = arith.select %eq3A_1429, %jit3A_1430, %jit3A_1427 : i32
      %rem3A_1432 = arith.remsi %reduce_sum3A_519, %select_n3A_1431 : i32
      %ne3A_1433 = arith.constant 0 : i32
      %ne3A_1434 = arith.cmpi ne, %rem3A_1432, %ne3A_1433 : i32
      %lt3A_1435 = arith.constant 0 : i32
      %lt3A_1436 = arith.cmpi slt, %rem3A_1432, %lt3A_1435 : i32
      %lt3A_1437 = arith.constant 0 : i32
      %lt3A_1438 = arith.cmpi slt, %select_n3A_1431, %lt3A_1437 : i32
      %ne3A_1439 = arith.xori %lt3A_1436, %lt3A_1438 : i1
      %and3A_1440 = arith.andi %ne3A_1439, %ne3A_1434 : i1
      %add3A_1441 = arith.addi %rem3A_1432, %select_n3A_1431 : i32
      %select_n3A_1442 = arith.select %and3A_1440, %add3A_1441, %rem3A_1432 : i32
      %broadcast_in_dim3A_1443 = vector.broadcast %select_n3A_1442 : i32 to vector<16xi32>
      %gather3A_1444 = arith.constant 10 : i32
      %gather3A_1445 = arith.constant 0 : i32
      %gather3A_1446 = arith.constant 0 : i32
      %gather3A_1447 = tpu.memref_slice %arg10[%gather3A_1444, %gather3A_1445, %gather3A_1446] : memref<16x32x128xf32, #tpu.memory_space<vmem>> -> memref<1x32x128xf32, #tpu.memory_space<vmem>>
      %gather3A_1448 = tpu.memref_squeeze %gather3A_1447 : memref<1x32x128xf32, #tpu.memory_space<vmem>> -> memref<32x128xf32, #tpu.memory_space<vmem>>
      %gather3A_1449 = tpu.vector_load_idx %gather3A_1448[%iota3A, %broadcast_in_dim3A_1443] : memref<32x128xf32, #tpu.memory_space<vmem>>[vector<16xi32>, vector<16xi32>], vector<16xf32>,
      %add3A_1450 = arith.constant 16 : i32
      %add3A_1451 = vector.broadcast %add3A_1450 : i32 to vector<16xi32>
      %add3A_1452 = arith.addi %iota3A, %add3A_1451 : vector<16xi32>
      %gather3A_1453 = arith.constant 10 : i32
      %gather3A_1454 = arith.constant 0 : i32
      %gather3A_1455 = arith.constant 0 : i32
      %gather3A_1456 = tpu.memref_slice %arg10[%gather3A_1453, %gather3A_1454, %gather3A_1455] : memref<16x32x128xf32, #tpu.memory_space<vmem>> -> memref<1x32x128xf32, #tpu.memory_space<vmem>>
      %gather3A_1457 = tpu.memref_squeeze %gather3A_1456 : memref<1x32x128xf32, #tpu.memory_space<vmem>> -> memref<32x128xf32, #tpu.memory_space<vmem>>
      %gather3A_1458 = tpu.vector_load_idx %gather3A_1457[%add3A_1452, %broadcast_in_dim3A_1443] : memref<32x128xf32, #tpu.memory_space<vmem>>[vector<16xi32>, vector<16xi32>], vector<16xf32>,
      %add3A_1459 = arith.constant 10 : i32
      %add3A_1460 = arith.addi %multiple_of3A_20, %add3A_1459 : i32
      %broadcast_in_dim3A_1461 = vector.broadcast %add3A_1460 : i32 to vector<16xi32>
      tpu.vector_store_idx %arg12[%iota3A, %broadcast_in_dim3A_1461], %gather3A_1449 : memref<32x512xf32, #tpu.memory_space<vmem>>[vector<16xi32>, vector<16xi32>], vector<16xf32>,
      %add3A_1462 = arith.constant 16 : i32
      %add3A_1463 = vector.broadcast %add3A_1462 : i32 to vector<16xi32>
      %add3A_1464 = arith.addi %iota3A, %add3A_1463 : vector<16xi32>
      tpu.vector_store_idx %arg12[%add3A_1464, %broadcast_in_dim3A_1461], %gather3A_1458 : memref<32x512xf32, #tpu.memory_space<vmem>>[vector<16xi32>, vector<16xi32>], vector<16xf32>,
      %jit3A_1465 = arith.constant 128 : i32
      %eq3A_1466 = arith.constant 0 : i32
      %eq3A_1467 = arith.cmpi eq, %jit3A_1465, %eq3A_1466 : i32
      %jit3A_1468 = arith.constant 1 : i32
      %select_n3A_1469 = arith.select %eq3A_1467, %jit3A_1468, %jit3A_1465 : i32
      %rem3A_1470 = arith.remsi %reduce_sum3A_569, %select_n3A_1469 : i32
      %ne3A_1471 = arith.constant 0 : i32
      %ne3A_1472 = arith.cmpi ne, %rem3A_1470, %ne3A_1471 : i32
      %lt3A_1473 = arith.constant 0 : i32
      %lt3A_1474 = arith.cmpi slt, %rem3A_1470, %lt3A_1473 : i32
      %lt3A_1475 = arith.constant 0 : i32
      %lt3A_1476 = arith.cmpi slt, %select_n3A_1469, %lt3A_1475 : i32
      %ne3A_1477 = arith.xori %lt3A_1474, %lt3A_1476 : i1
      %and3A_1478 = arith.andi %ne3A_1477, %ne3A_1472 : i1
      %add3A_1479 = arith.addi %rem3A_1470, %select_n3A_1469 : i32
      %select_n3A_1480 = arith.select %and3A_1478, %add3A_1479, %rem3A_1470 : i32
      %broadcast_in_dim3A_1481 = vector.broadcast %select_n3A_1480 : i32 to vector<16xi32>
      %gather3A_1482 = arith.constant 11 : i32
      %gather3A_1483 = arith.constant 0 : i32
      %gather3A_1484 = arith.constant 0 : i32
      %gather3A_1485 = tpu.memref_slice %arg10[%gather3A_1482, %gather3A_1483, %gather3A_1484] : memref<16x32x128xf32, #tpu.memory_space<vmem>> -> memref<1x32x128xf32, #tpu.memory_space<vmem>>
      %gather3A_1486 = tpu.memref_squeeze %gather3A_1485 : memref<1x32x128xf32, #tpu.memory_space<vmem>> -> memref<32x128xf32, #tpu.memory_space<vmem>>
      %gather3A_1487 = tpu.vector_load_idx %gather3A_1486[%iota3A, %broadcast_in_dim3A_1481] : memref<32x128xf32, #tpu.memory_space<vmem>>[vector<16xi32>, vector<16xi32>], vector<16xf32>,
      %add3A_1488 = arith.constant 16 : i32
      %add3A_1489 = vector.broadcast %add3A_1488 : i32 to vector<16xi32>
      %add3A_1490 = arith.addi %iota3A, %add3A_1489 : vector<16xi32>
      %gather3A_1491 = arith.constant 11 : i32
      %gather3A_1492 = arith.constant 0 : i32
      %gather3A_1493 = arith.constant 0 : i32
      %gather3A_1494 = tpu.memref_slice %arg10[%gather3A_1491, %gather3A_1492, %gather3A_1493] : memref<16x32x128xf32, #tpu.memory_space<vmem>> -> memref<1x32x128xf32, #tpu.memory_space<vmem>>
      %gather3A_1495 = tpu.memref_squeeze %gather3A_1494 : memref<1x32x128xf32, #tpu.memory_space<vmem>> -> memref<32x128xf32, #tpu.memory_space<vmem>>
      %gather3A_1496 = tpu.vector_load_idx %gather3A_1495[%add3A_1490, %broadcast_in_dim3A_1481] : memref<32x128xf32, #tpu.memory_space<vmem>>[vector<16xi32>, vector<16xi32>], vector<16xf32>,
      %add3A_1497 = arith.constant 11 : i32
      %add3A_1498 = arith.addi %multiple_of3A_20, %add3A_1497 : i32
      %broadcast_in_dim3A_1499 = vector.broadcast %add3A_1498 : i32 to vector<16xi32>
      tpu.vector_store_idx %arg12[%iota3A, %broadcast_in_dim3A_1499], %gather3A_1487 : memref<32x512xf32, #tpu.memory_space<vmem>>[vector<16xi32>, vector<16xi32>], vector<16xf32>,
      %add3A_1500 = arith.constant 16 : i32
      %add3A_1501 = vector.broadcast %add3A_1500 : i32 to vector<16xi32>
      %add3A_1502 = arith.addi %iota3A, %add3A_1501 : vector<16xi32>
      tpu.vector_store_idx %arg12[%add3A_1502, %broadcast_in_dim3A_1499], %gather3A_1496 : memref<32x512xf32, #tpu.memory_space<vmem>>[vector<16xi32>, vector<16xi32>], vector<16xf32>,
      %jit3A_1503 = arith.constant 128 : i32
      %eq3A_1504 = arith.constant 0 : i32
      %eq3A_1505 = arith.cmpi eq, %jit3A_1503, %eq3A_1504 : i32
      %jit3A_1506 = arith.constant 1 : i32
      %select_n3A_1507 = arith.select %eq3A_1505, %jit3A_1506, %jit3A_1503 : i32
      %rem3A_1508 = arith.remsi %reduce_sum3A_619, %select_n3A_1507 : i32
      %ne3A_1509 = arith.constant 0 : i32
      %ne3A_1510 = arith.cmpi ne, %rem3A_1508, %ne3A_1509 : i32
      %lt3A_1511 = arith.constant 0 : i32
      %lt3A_1512 = arith.cmpi slt, %rem3A_1508, %lt3A_1511 : i32
      %lt3A_1513 = arith.constant 0 : i32
      %lt3A_1514 = arith.cmpi slt, %select_n3A_1507, %lt3A_1513 : i32
      %ne3A_1515 = arith.xori %lt3A_1512, %lt3A_1514 : i1
      %and3A_1516 = arith.andi %ne3A_1515, %ne3A_1510 : i1
      %add3A_1517 = arith.addi %rem3A_1508, %select_n3A_1507 : i32
      %select_n3A_1518 = arith.select %and3A_1516, %add3A_1517, %rem3A_1508 : i32
      %broadcast_in_dim3A_1519 = vector.broadcast %select_n3A_1518 : i32 to vector<16xi32>
      %gather3A_1520 = arith.constant 12 : i32
      %gather3A_1521 = arith.constant 0 : i32
      %gather3A_1522 = arith.constant 0 : i32
      %gather3A_1523 = tpu.memref_slice %arg10[%gather3A_1520, %gather3A_1521, %gather3A_1522] : memref<16x32x128xf32, #tpu.memory_space<vmem>> -> memref<1x32x128xf32, #tpu.memory_space<vmem>>
      %gather3A_1524 = tpu.memref_squeeze %gather3A_1523 : memref<1x32x128xf32, #tpu.memory_space<vmem>> -> memref<32x128xf32, #tpu.memory_space<vmem>>
      %gather3A_1525 = tpu.vector_load_idx %gather3A_1524[%iota3A, %broadcast_in_dim3A_1519] : memref<32x128xf32, #tpu.memory_space<vmem>>[vector<16xi32>, vector<16xi32>], vector<16xf32>,
      %add3A_1526 = arith.constant 16 : i32
      %add3A_1527 = vector.broadcast %add3A_1526 : i32 to vector<16xi32>
      %add3A_1528 = arith.addi %iota3A, %add3A_1527 : vector<16xi32>
      %gather3A_1529 = arith.constant 12 : i32
      %gather3A_1530 = arith.constant 0 : i32
      %gather3A_1531 = arith.constant 0 : i32
      %gather3A_1532 = tpu.memref_slice %arg10[%gather3A_1529, %gather3A_1530, %gather3A_1531] : memref<16x32x128xf32, #tpu.memory_space<vmem>> -> memref<1x32x128xf32, #tpu.memory_space<vmem>>
      %gather3A_1533 = tpu.memref_squeeze %gather3A_1532 : memref<1x32x128xf32, #tpu.memory_space<vmem>> -> memref<32x128xf32, #tpu.memory_space<vmem>>
      %gather3A_1534 = tpu.vector_load_idx %gather3A_1533[%add3A_1528, %broadcast_in_dim3A_1519] : memref<32x128xf32, #tpu.memory_space<vmem>>[vector<16xi32>, vector<16xi32>], vector<16xf32>,
      %add3A_1535 = arith.constant 12 : i32
      %add3A_1536 = arith.addi %multiple_of3A_20, %add3A_1535 : i32
      %broadcast_in_dim3A_1537 = vector.broadcast %add3A_1536 : i32 to vector<16xi32>
      tpu.vector_store_idx %arg12[%iota3A, %broadcast_in_dim3A_1537], %gather3A_1525 : memref<32x512xf32, #tpu.memory_space<vmem>>[vector<16xi32>, vector<16xi32>], vector<16xf32>,
      %add3A_1538 = arith.constant 16 : i32
      %add3A_1539 = vector.broadcast %add3A_1538 : i32 to vector<16xi32>
      %add3A_1540 = arith.addi %iota3A, %add3A_1539 : vector<16xi32>
      tpu.vector_store_idx %arg12[%add3A_1540, %broadcast_in_dim3A_1537], %gather3A_1534 : memref<32x512xf32, #tpu.memory_space<vmem>>[vector<16xi32>, vector<16xi32>], vector<16xf32>,
      %jit3A_1541 = arith.constant 128 : i32
      %eq3A_1542 = arith.constant 0 : i32
      %eq3A_1543 = arith.cmpi eq, %jit3A_1541, %eq3A_1542 : i32
      %jit3A_1544 = arith.constant 1 : i32
      %select_n3A_1545 = arith.select %eq3A_1543, %jit3A_1544, %jit3A_1541 : i32
      %rem3A_1546 = arith.remsi %reduce_sum3A_669, %select_n3A_1545 : i32
      %ne3A_1547 = arith.constant 0 : i32
      %ne3A_1548 = arith.cmpi ne, %rem3A_1546, %ne3A_1547 : i32
      %lt3A_1549 = arith.constant 0 : i32
      %lt3A_1550 = arith.cmpi slt, %rem3A_1546, %lt3A_1549 : i32
      %lt3A_1551 = arith.constant 0 : i32
      %lt3A_1552 = arith.cmpi slt, %select_n3A_1545, %lt3A_1551 : i32
      %ne3A_1553 = arith.xori %lt3A_1550, %lt3A_1552 : i1
      %and3A_1554 = arith.andi %ne3A_1553, %ne3A_1548 : i1
      %add3A_1555 = arith.addi %rem3A_1546, %select_n3A_1545 : i32
      %select_n3A_1556 = arith.select %and3A_1554, %add3A_1555, %rem3A_1546 : i32
      %broadcast_in_dim3A_1557 = vector.broadcast %select_n3A_1556 : i32 to vector<16xi32>
      %gather3A_1558 = arith.constant 13 : i32
      %gather3A_1559 = arith.constant 0 : i32
      %gather3A_1560 = arith.constant 0 : i32
      %gather3A_1561 = tpu.memref_slice %arg10[%gather3A_1558, %gather3A_1559, %gather3A_1560] : memref<16x32x128xf32, #tpu.memory_space<vmem>> -> memref<1x32x128xf32, #tpu.memory_space<vmem>>
      %gather3A_1562 = tpu.memref_squeeze %gather3A_1561 : memref<1x32x128xf32, #tpu.memory_space<vmem>> -> memref<32x128xf32, #tpu.memory_space<vmem>>
      %gather3A_1563 = tpu.vector_load_idx %gather3A_1562[%iota3A, %broadcast_in_dim3A_1557] : memref<32x128xf32, #tpu.memory_space<vmem>>[vector<16xi32>, vector<16xi32>], vector<16xf32>,
      %add3A_1564 = arith.constant 16 : i32
      %add3A_1565 = vector.broadcast %add3A_1564 : i32 to vector<16xi32>
      %add3A_1566 = arith.addi %iota3A, %add3A_1565 : vector<16xi32>
      %gather3A_1567 = arith.constant 13 : i32
      %gather3A_1568 = arith.constant 0 : i32
      %gather3A_1569 = arith.constant 0 : i32
      %gather3A_1570 = tpu.memref_slice %arg10[%gather3A_1567, %gather3A_1568, %gather3A_1569] : memref<16x32x128xf32, #tpu.memory_space<vmem>> -> memref<1x32x128xf32, #tpu.memory_space<vmem>>
      %gather3A_1571 = tpu.memref_squeeze %gather3A_1570 : memref<1x32x128xf32, #tpu.memory_space<vmem>> -> memref<32x128xf32, #tpu.memory_space<vmem>>
      %gather3A_1572 = tpu.vector_load_idx %gather3A_1571[%add3A_1566, %broadcast_in_dim3A_1557] : memref<32x128xf32, #tpu.memory_space<vmem>>[vector<16xi32>, vector<16xi32>], vector<16xf32>,
      %add3A_1573 = arith.constant 13 : i32
      %add3A_1574 = arith.addi %multiple_of3A_20, %add3A_1573 : i32
      %broadcast_in_dim3A_1575 = vector.broadcast %add3A_1574 : i32 to vector<16xi32>
      tpu.vector_store_idx %arg12[%iota3A, %broadcast_in_dim3A_1575], %gather3A_1563 : memref<32x512xf32, #tpu.memory_space<vmem>>[vector<16xi32>, vector<16xi32>], vector<16xf32>,
      %add3A_1576 = arith.constant 16 : i32
      %add3A_1577 = vector.broadcast %add3A_1576 : i32 to vector<16xi32>
      %add3A_1578 = arith.addi %iota3A, %add3A_1577 : vector<16xi32>
      tpu.vector_store_idx %arg12[%add3A_1578, %broadcast_in_dim3A_1575], %gather3A_1572 : memref<32x512xf32, #tpu.memory_space<vmem>>[vector<16xi32>, vector<16xi32>], vector<16xf32>,
      %jit3A_1579 = arith.constant 128 : i32
      %eq3A_1580 = arith.constant 0 : i32
      %eq3A_1581 = arith.cmpi eq, %jit3A_1579, %eq3A_1580 : i32
      %jit3A_1582 = arith.constant 1 : i32
      %select_n3A_1583 = arith.select %eq3A_1581, %jit3A_1582, %jit3A_1579 : i32
      %rem3A_1584 = arith.remsi %reduce_sum3A_719, %select_n3A_1583 : i32
      %ne3A_1585 = arith.constant 0 : i32
      %ne3A_1586 = arith.cmpi ne, %rem3A_1584, %ne3A_1585 : i32
      %lt3A_1587 = arith.constant 0 : i32
      %lt3A_1588 = arith.cmpi slt, %rem3A_1584, %lt3A_1587 : i32
      %lt3A_1589 = arith.constant 0 : i32
      %lt3A_1590 = arith.cmpi slt, %select_n3A_1583, %lt3A_1589 : i32
      %ne3A_1591 = arith.xori %lt3A_1588, %lt3A_1590 : i1
      %and3A_1592 = arith.andi %ne3A_1591, %ne3A_1586 : i1
      %add3A_1593 = arith.addi %rem3A_1584, %select_n3A_1583 : i32
      %select_n3A_1594 = arith.select %and3A_1592, %add3A_1593, %rem3A_1584 : i32
      %broadcast_in_dim3A_1595 = vector.broadcast %select_n3A_1594 : i32 to vector<16xi32>
      %gather3A_1596 = arith.constant 14 : i32
      %gather3A_1597 = arith.constant 0 : i32
      %gather3A_1598 = arith.constant 0 : i32
      %gather3A_1599 = tpu.memref_slice %arg10[%gather3A_1596, %gather3A_1597, %gather3A_1598] : memref<16x32x128xf32, #tpu.memory_space<vmem>> -> memref<1x32x128xf32, #tpu.memory_space<vmem>>
      %gather3A_1600 = tpu.memref_squeeze %gather3A_1599 : memref<1x32x128xf32, #tpu.memory_space<vmem>> -> memref<32x128xf32, #tpu.memory_space<vmem>>
      %gather3A_1601 = tpu.vector_load_idx %gather3A_1600[%iota3A, %broadcast_in_dim3A_1595] : memref<32x128xf32, #tpu.memory_space<vmem>>[vector<16xi32>, vector<16xi32>], vector<16xf32>,
      %add3A_1602 = arith.constant 16 : i32
      %add3A_1603 = vector.broadcast %add3A_1602 : i32 to vector<16xi32>
      %add3A_1604 = arith.addi %iota3A, %add3A_1603 : vector<16xi32>
      %gather3A_1605 = arith.constant 14 : i32
      %gather3A_1606 = arith.constant 0 : i32
      %gather3A_1607 = arith.constant 0 : i32
      %gather3A_1608 = tpu.memref_slice %arg10[%gather3A_1605, %gather3A_1606, %gather3A_1607] : memref<16x32x128xf32, #tpu.memory_space<vmem>> -> memref<1x32x128xf32, #tpu.memory_space<vmem>>
      %gather3A_1609 = tpu.memref_squeeze %gather3A_1608 : memref<1x32x128xf32, #tpu.memory_space<vmem>> -> memref<32x128xf32, #tpu.memory_space<vmem>>
      %gather3A_1610 = tpu.vector_load_idx %gather3A_1609[%add3A_1604, %broadcast_in_dim3A_1595] : memref<32x128xf32, #tpu.memory_space<vmem>>[vector<16xi32>, vector<16xi32>], vector<16xf32>,
      %add3A_1611 = arith.constant 14 : i32
      %add3A_1612 = arith.addi %multiple_of3A_20, %add3A_1611 : i32
      %broadcast_in_dim3A_1613 = vector.broadcast %add3A_1612 : i32 to vector<16xi32>
      tpu.vector_store_idx %arg12[%iota3A, %broadcast_in_dim3A_1613], %gather3A_1601 : memref<32x512xf32, #tpu.memory_space<vmem>>[vector<16xi32>, vector<16xi32>], vector<16xf32>,
      %add3A_1614 = arith.constant 16 : i32
      %add3A_1615 = vector.broadcast %add3A_1614 : i32 to vector<16xi32>
      %add3A_1616 = arith.addi %iota3A, %add3A_1615 : vector<16xi32>
      tpu.vector_store_idx %arg12[%add3A_1616, %broadcast_in_dim3A_1613], %gather3A_1610 : memref<32x512xf32, #tpu.memory_space<vmem>>[vector<16xi32>, vector<16xi32>], vector<16xf32>,
      %jit3A_1617 = arith.constant 128 : i32
      %eq3A_1618 = arith.constant 0 : i32
      %eq3A_1619 = arith.cmpi eq, %jit3A_1617, %eq3A_1618 : i32
      %jit3A_1620 = arith.constant 1 : i32
      %select_n3A_1621 = arith.select %eq3A_1619, %jit3A_1620, %jit3A_1617 : i32
      %rem3A_1622 = arith.remsi %reduce_sum3A_769, %select_n3A_1621 : i32
      %ne3A_1623 = arith.constant 0 : i32
      %ne3A_1624 = arith.cmpi ne, %rem3A_1622, %ne3A_1623 : i32
      %lt3A_1625 = arith.constant 0 : i32
      %lt3A_1626 = arith.cmpi slt, %rem3A_1622, %lt3A_1625 : i32
      %lt3A_1627 = arith.constant 0 : i32
      %lt3A_1628 = arith.cmpi slt, %select_n3A_1621, %lt3A_1627 : i32
      %ne3A_1629 = arith.xori %lt3A_1626, %lt3A_1628 : i1
      %and3A_1630 = arith.andi %ne3A_1629, %ne3A_1624 : i1
      %add3A_1631 = arith.addi %rem3A_1622, %select_n3A_1621 : i32
      %select_n3A_1632 = arith.select %and3A_1630, %add3A_1631, %rem3A_1622 : i32
      %broadcast_in_dim3A_1633 = vector.broadcast %select_n3A_1632 : i32 to vector<16xi32>
      %gather3A_1634 = arith.constant 15 : i32
      %gather3A_1635 = arith.constant 0 : i32
      %gather3A_1636 = arith.constant 0 : i32
      %gather3A_1637 = tpu.memref_slice %arg10[%gather3A_1634, %gather3A_1635, %gather3A_1636] : memref<16x32x128xf32, #tpu.memory_space<vmem>> -> memref<1x32x128xf32, #tpu.memory_space<vmem>>
      %gather3A_1638 = tpu.memref_squeeze %gather3A_1637 : memref<1x32x128xf32, #tpu.memory_space<vmem>> -> memref<32x128xf32, #tpu.memory_space<vmem>>
      %gather3A_1639 = tpu.vector_load_idx %gather3A_1638[%iota3A, %broadcast_in_dim3A_1633] : memref<32x128xf32, #tpu.memory_space<vmem>>[vector<16xi32>, vector<16xi32>], vector<16xf32>,
      %add3A_1640 = arith.constant 16 : i32
      %add3A_1641 = vector.broadcast %add3A_1640 : i32 to vector<16xi32>
      %add3A_1642 = arith.addi %iota3A, %add3A_1641 : vector<16xi32>
      %gather3A_1643 = arith.constant 15 : i32
      %gather3A_1644 = arith.constant 0 : i32
      %gather3A_1645 = arith.constant 0 : i32
      %gather3A_1646 = tpu.memref_slice %arg10[%gather3A_1643, %gather3A_1644, %gather3A_1645] : memref<16x32x128xf32, #tpu.memory_space<vmem>> -> memref<1x32x128xf32, #tpu.memory_space<vmem>>
      %gather3A_1647 = tpu.memref_squeeze %gather3A_1646 : memref<1x32x128xf32, #tpu.memory_space<vmem>> -> memref<32x128xf32, #tpu.memory_space<vmem>>
      %gather3A_1648 = tpu.vector_load_idx %gather3A_1647[%add3A_1642, %broadcast_in_dim3A_1633] : memref<32x128xf32, #tpu.memory_space<vmem>>[vector<16xi32>, vector<16xi32>], vector<16xf32>,
      %add3A_1649 = arith.constant 15 : i32
      %add3A_1650 = arith.addi %multiple_of3A_20, %add3A_1649 : i32
      %broadcast_in_dim3A_1651 = vector.broadcast %add3A_1650 : i32 to vector<16xi32>
      tpu.vector_store_idx %arg12[%iota3A, %broadcast_in_dim3A_1651], %gather3A_1639 : memref<32x512xf32, #tpu.memory_space<vmem>>[vector<16xi32>, vector<16xi32>], vector<16xf32>,
      %add3A_1652 = arith.constant 16 : i32
      %add3A_1653 = vector.broadcast %add3A_1652 : i32 to vector<16xi32>
      %add3A_1654 = arith.addi %iota3A, %add3A_1653 : vector<16xi32>
      tpu.vector_store_idx %arg12[%add3A_1654, %broadcast_in_dim3A_1651], %gather3A_1648 : memref<32x512xf32, #tpu.memory_space<vmem>>[vector<16xi32>, vector<16xi32>], vector<16xf32>,
      %scan3A_1655 = arith.constant 0 : i32
      scf.yield %scan3A_1655 : i32
    }
    %scan3A_15 = arith.constant 32 : i32
    "tpu.region"() ({
      %run_scoped3A = tpu.sem_alloc : memref<!tpu.dma_semaphore, #tpu.memory_space<semaphore_mem>>
      %dma_start3A = arith.constant 0 : i32
      %dma_start3A_16 = tpu.memref_slice %arg6[%dma_start3A, %multiple_of3A] : memref<32x16384xf32, #tpu.memory_space<hbm>> -> memref<32x512xf32, #tpu.memory_space<hbm>>
      %dma_start3A_17 = arith.constant 0 : i32
      %dma_start3A_18 = tpu.memref_slice %arg6[%dma_start3A_17, %multiple_of3A] : memref<32x16384xf32, #tpu.memory_space<hbm>> -> memref<32x512xf32, #tpu.memory_space<hbm>>
      tpu.enqueue_dma source(%arg11 : memref<32x512xf32, #tpu.memory_space<vmem>>) target(%dma_start3A_18 : memref<32x512xf32, #tpu.memory_space<hbm>>) target_semaphore(%run_scoped3A : memref<!tpu.dma_semaphore, #tpu.memory_space<semaphore_mem>>)
      %dma_wait3A = arith.constant 0 : i32
      %dma_wait3A_19 = tpu.memref_slice %arg6[%dma_wait3A, %multiple_of3A] : memref<32x16384xf32, #tpu.memory_space<hbm>> -> memref<32x512xf32, #tpu.memory_space<hbm>>
      %dma_wait3A_20 = arith.constant 0 : i32
      %dma_wait3A_21 = tpu.memref_slice %arg6[%dma_wait3A_20, %multiple_of3A] : memref<32x16384xf32, #tpu.memory_space<hbm>> -> memref<32x512xf32, #tpu.memory_space<hbm>>
      tpu.wait_dma2 semaphore(%run_scoped3A : memref<!tpu.dma_semaphore, #tpu.memory_space<semaphore_mem>>) src(%arg11 : memref<32x512xf32, #tpu.memory_space<vmem>>) dst(%dma_wait3A_21 : memref<32x512xf32, #tpu.memory_space<hbm>>)
      tpu.yield
    }) : () -> ()
    "tpu.region"() ({
      %run_scoped3A = tpu.sem_alloc : memref<!tpu.dma_semaphore, #tpu.memory_space<semaphore_mem>>
      %dma_start3A = arith.constant 0 : i32
      %dma_start3A_16 = tpu.memref_slice %arg7[%dma_start3A, %multiple_of3A] : memref<32x16384xf32, #tpu.memory_space<hbm>> -> memref<32x512xf32, #tpu.memory_space<hbm>>
      %dma_start3A_17 = arith.constant 0 : i32
      %dma_start3A_18 = tpu.memref_slice %arg7[%dma_start3A_17, %multiple_of3A] : memref<32x16384xf32, #tpu.memory_space<hbm>> -> memref<32x512xf32, #tpu.memory_space<hbm>>
      tpu.enqueue_dma source(%arg12 : memref<32x512xf32, #tpu.memory_space<vmem>>) target(%dma_start3A_18 : memref<32x512xf32, #tpu.memory_space<hbm>>) target_semaphore(%run_scoped3A : memref<!tpu.dma_semaphore, #tpu.memory_space<semaphore_mem>>)
      %dma_wait3A = arith.constant 0 : i32
      %dma_wait3A_19 = tpu.memref_slice %arg7[%dma_wait3A, %multiple_of3A] : memref<32x16384xf32, #tpu.memory_space<hbm>> -> memref<32x512xf32, #tpu.memory_space<hbm>>
      %dma_wait3A_20 = arith.constant 0 : i32
      %dma_wait3A_21 = tpu.memref_slice %arg7[%dma_wait3A_20, %multiple_of3A] : memref<32x16384xf32, #tpu.memory_space<hbm>> -> memref<32x512xf32, #tpu.memory_space<hbm>>
      tpu.wait_dma2 semaphore(%run_scoped3A : memref<!tpu.dma_semaphore, #tpu.memory_space<semaphore_mem>>) src(%arg12 : memref<32x512xf32, #tpu.memory_space<vmem>>) dst(%dma_wait3A_21 : memref<32x512xf32, #tpu.memory_space<hbm>>)
      tpu.yield
    }) : () -> ()
    return
  }
}

module attributes {stable_mosaic.version = 14 : i64} {
  func.func @_mlp_kernel(%arg0: i32, %arg1: memref<32x2048xf32, #tpu.memory_space<vmem>>, %arg2: memref<32x2048xf32, #tpu.memory_space<vmem>>, %arg3: memref<64x32xf32, #tpu.memory_space<vmem>>, %arg4: memref<64x32xf32, #tpu.memory_space<vmem>>, %arg5: memref<64x1xf32, #tpu.memory_space<vmem>>, %arg6: memref<1x64xf32, #tpu.memory_space<vmem>>, %arg7: memref<1x1xf32, #tpu.memory_space<vmem>>, %arg8: memref<1x2048xf32, #tpu.memory_space<vmem>>) attributes {dimension_semantics = [#tpu.dimension_semantics<arbitrary>], iteration_bounds = array<i64: 8>, scalar_prefetch = 0 : i64, scratch_operands = 0 : i64, tpu.core_type = #tpu.core_type<tc>, window_params = [{transform_indices = @transform_0, window_bounds = array<i64: 32, 2048>}, {transform_indices = @transform_1, window_bounds = array<i64: 32, 2048>}, {pipeline_mode = #tpu.pipeline_mode<synchronous>, transform_indices = @transform_2, window_bounds = array<i64: 64, 32>}, {pipeline_mode = #tpu.pipeline_mode<synchronous>, transform_indices = @transform_3, window_bounds = array<i64: 64, 32>}, {pipeline_mode = #tpu.pipeline_mode<synchronous>, transform_indices = @transform_4, window_bounds = array<i64: 64, 1>}, {pipeline_mode = #tpu.pipeline_mode<synchronous>, transform_indices = @transform_5, window_bounds = array<i64: 1, 64>}, {pipeline_mode = #tpu.pipeline_mode<synchronous>, transform_indices = @transform_6, window_bounds = array<i64: 1, 1>}, {transform_indices = @transform_7, window_bounds = array<i64: 1, 2048>}]} {
    %get3A = arith.constant 0 : index
    %get3A_0 = arith.constant 0 : index
    %get3A_1 = vector.load %arg3[%get3A, %get3A_0] : memref<64x32xf32, #tpu.memory_space<vmem>>, vector<64x32xf32>
    %get3A_2 = arith.constant 0 : index
    %get3A_3 = arith.constant 0 : index
    %get3A_4 = vector.load %arg1[%get3A_2, %get3A_3] : memref<32x2048xf32, #tpu.memory_space<vmem>>, vector<32x2048xf32>
    %dot_general3A = arith.constant dense<0.000000e+00> : vector<64x2048xf32>
    %dot_general3A_5 = tpu.matmul %get3A_1, %get3A_4, %dot_general3A {dimension_numbers = #tpu.dot_dimension_numbers<[1], [0], [0], [1], [0, 0, 1, 1], [], []>, transpose_lhs_hint = false} : vector<64x32xf32>, vector<32x2048xf32>, vector<64x2048xf32> -> vector<64x2048xf32>
    %get3A_6 = arith.constant 0 : index
    %get3A_7 = arith.constant 0 : index
    %get3A_8 = vector.load %arg4[%get3A_6, %get3A_7] : memref<64x32xf32, #tpu.memory_space<vmem>>, vector<64x32xf32>
    %get3A_9 = arith.constant 0 : index
    %get3A_10 = arith.constant 0 : index
    %get3A_11 = vector.load %arg2[%get3A_9, %get3A_10] : memref<32x2048xf32, #tpu.memory_space<vmem>>, vector<32x2048xf32>
    %dot_general3A_12 = arith.constant dense<0.000000e+00> : vector<64x2048xf32>
    %dot_general3A_13 = tpu.matmul %get3A_8, %get3A_11, %dot_general3A_12 {dimension_numbers = #tpu.dot_dimension_numbers<[1], [0], [0], [1], [0, 0, 1, 1], [], []>, transpose_lhs_hint = false} : vector<64x32xf32>, vector<32x2048xf32>, vector<64x2048xf32> -> vector<64x2048xf32>
    %add3A = arith.addf %dot_general3A_5, %dot_general3A_13 : vector<64x2048xf32>
    %get3A_14 = arith.constant 0 : index
    %get3A_15 = arith.constant 0 : index
    %get3A_16 = vector.load %arg5[%get3A_14, %get3A_15] : memref<64x1xf32, #tpu.memory_space<vmem>>, vector<64x1xf32>
    %add3A_17 = vector.broadcast %get3A_16 : vector<64x1xf32> to vector<64x2048xf32>
    %add3A_18 = arith.addf %add3A, %add3A_17 : vector<64x2048xf32>
    %max3A = arith.constant 0.000000e+00 : f32
    %max3A_19 = vector.broadcast %max3A : f32 to vector<64x2048xf32>
    %max3A_20 = arith.maximumf %add3A_18, %max3A_19 : vector<64x2048xf32>
    %get3A_21 = arith.constant 0 : index
    %get3A_22 = arith.constant 0 : index
    %get3A_23 = vector.load %arg6[%get3A_21, %get3A_22] : memref<1x64xf32, #tpu.memory_space<vmem>>, vector<1x64xf32>
    %dot_general3A_24 = arith.constant dense<0.000000e+00> : vector<1x2048xf32>
    %dot_general3A_25 = tpu.matmul %get3A_23, %max3A_20, %dot_general3A_24 {dimension_numbers = #tpu.dot_dimension_numbers<[1], [0], [0], [1], [0, 0, 1, 1], [], []>, transpose_lhs_hint = false} : vector<1x64xf32>, vector<64x2048xf32>, vector<1x2048xf32> -> vector<1x2048xf32>
    %get3A_26 = arith.constant 0 : index
    %get3A_27 = arith.constant 0 : index
    %get3A_28 = vector.load %arg7[%get3A_26, %get3A_27] : memref<1x1xf32, #tpu.memory_space<vmem>>, vector<1x1xf32>
    %add3A_29 = vector.broadcast %get3A_28 : vector<1x1xf32> to vector<1x2048xf32>
    %add3A_30 = arith.addf %dot_general3A_25, %add3A_29 : vector<1x2048xf32>
    %swap3A = arith.constant 0 : index
    %swap3A_31 = arith.constant 0 : index
    %swap3A_32 = vector.load %arg8[%swap3A, %swap3A_31] : memref<1x2048xf32, #tpu.memory_space<vmem>>, vector<1x2048xf32>
    tpu.vector_store %arg8[%swap3A, %swap3A_31], %add3A_30 {strides = array<i32>} : memref<1x2048xf32, #tpu.memory_space<vmem>>, vector<1x2048xf32>,
    return
  }
  func.func @transform_0(%arg0: i32) -> (i32, i32) {
    %c0_i32 = arith.constant 0 : i32
    %c0_i32_0 = arith.constant 0 : i32
    return %c0_i32, %arg0 : i32, i32
  }
  func.func @transform_1(%arg0: i32) -> (i32, i32) {
    %c0_i32 = arith.constant 0 : i32
    %c0_i32_0 = arith.constant 0 : i32
    return %c0_i32, %arg0 : i32, i32
  }
  func.func @transform_2(%arg0: i32) -> (i32, i32) {
    %c0_i32 = arith.constant 0 : i32
    %c0_i32_0 = arith.constant 0 : i32
    %c0_i32_1 = arith.constant 0 : i32
    return %c0_i32, %c0_i32_0 : i32, i32
  }
  func.func @transform_3(%arg0: i32) -> (i32, i32) {
    %c0_i32 = arith.constant 0 : i32
    %c0_i32_0 = arith.constant 0 : i32
    %c0_i32_1 = arith.constant 0 : i32
    return %c0_i32, %c0_i32_0 : i32, i32
  }
  func.func @transform_4(%arg0: i32) -> (i32, i32) {
    %c0_i32 = arith.constant 0 : i32
    %c0_i32_0 = arith.constant 0 : i32
    %c0_i32_1 = arith.constant 0 : i32
    return %c0_i32, %c0_i32_0 : i32, i32
  }
  func.func @transform_5(%arg0: i32) -> (i32, i32) {
    %c0_i32 = arith.constant 0 : i32
    %c0_i32_0 = arith.constant 0 : i32
    %c0_i32_1 = arith.constant 0 : i32
    return %c0_i32, %c0_i32_0 : i32, i32
  }
  func.func @transform_6(%arg0: i32) -> (i32, i32) {
    %c0_i32 = arith.constant 0 : i32
    %c0_i32_0 = arith.constant 0 : i32
    %c0_i32_1 = arith.constant 0 : i32
    return %c0_i32, %c0_i32_0 : i32, i32
  }
  func.func @transform_7(%arg0: i32) -> (i32, i32) {
    %c0_i32 = arith.constant 0 : i32
    %c0_i32_0 = arith.constant 0 : i32
    return %c0_i32, %arg0 : i32, i32
  }
}

</mosaic_0001>

<sc_bundles>
// kernel: gather_offload_async_start.1
scs
__scs_entry_jumppad:
0x0: {  	(pc) =	sbr.rel $0x88, $3  }
0x1: {  	(tag) =	ssettag $0x0;
	lr =	simm.s32 $0x1  }
0x2: {  	[smem:$0x3F99] =	sst lr;
	_ =	strace $0xD0000000  }
0x3: {  	_ = 	snop  }
0x4: {  	_ = 	snop  }
0x5: {  	_ = 	snop  }
0x6: {  	_ = 	snop  }
0x7: {  	_ = 	snop  }
__scs_overlays_trampoline_lowered:
0x8: {  	[smem:$0x3FA8] =	sst s0  }
0x9: {  	[smem:$0x3FA9] =	sst s1  }
0xa: {  	[smem:$0x3FAA] =	sst s2  }
0xb: {  	[smem:$0x3FAB] =	sst s3  }
0xc: {  	[smem:$0x3FAC] =	sst s4  }
0xd: {  	[smem:$0x3FAD] =	sst s5  }
0xe: {  	[smem:$0x3FAE] =	sst s6  }
0xf: {  	[smem:$0x3FAF] =	sst s7  }
0x10: {  	[smem:$0x3FB0] =	sst s8  }
0x11: {  	[smem:$0x3FB1] =	sst s9;
	s0 =	simm.s32 @!p0 $0x0  }
0x12: {  	s1 =	sld [smem:$0x3F97];
	s0 =	simm.s32 @p0 $0x1  }
0x13: {  	[smem:$0x3FB2] =	sst s0;
	s0 =	simm.s32 @!p1 $0x0  }
0x14: {  	s2 =	sld [smem:$0x3F96];
	s0 =	simm.s32 @p1 $0x1  }
0x15: {  	[smem:$0x3FB3] =	sst s0;
	s0 =	simm.s32 @!p2 $0x0  }
0x16: {  	s3 =	sld [smem:$0x3FDB];
	s0 =	simm.s32 @p2 $0x1  }
0x17: {  	s4 =	simm.s32 $0x1BF5;
	[smem:$0x3FB5] =	sst s0  }
0x18: {  	s0 =	sld [smem:$0x3F98];
	_ =	swait.ge [sflag:s4], $0x0  }
0x19: {  	s7 =	sld [smem:$0x3F99]  }
0x1a: {  	s8 =	sadd.s32 $0xFFFFE003, lr  }
0x1b: {  	s9 =	sadd.s32 $0xFFFFFEF7, lr;
	s5 =	simm.s32 $0xFFFFFFFF;
	p2 =	slt.u32 s8, $0xFFFFF086  }
0x1c: {  	p1 =	slt.u32 s9, $0xF7A;
	s5 =	simm.s32 @!p2 $0x0  }
0x1d: {  	s5 =	simm.s32 @p1 $0x1;
	p0 =	seq.s32 s7, s2  }
0x1e: {  	s7 =	smul.u32 @!p0 $0xF7A, s2;
	p2 =	seq.s32 @!p0 s5, $0x0  }
0x1f: {  	s9 =	smul.u32 $0xF7A, s1;
	s8 =	simm.s32 @!p0 $0x1BF5;
	p2 =	por !p2, p0  }
0x20: {  	[sflag:s8] =	ssyncset.s32 @!p0 $0xFFFFF086;
	s6 =	sadd.s32 @!p0 s3, s7;
	s7 =	simm.s32 @!p0 $0x108  }
0x21: {  	s3 =	sadd.s32 s3, s9;
	s6 =	sadd.s32 @!p0 $0x88, s6;
	s7 =	simm.s32 @p2 $0x1082  }
0x22: {  	[simem:s7], [sflag:s8] =	dma.local @!p0 [hbm:s6], $0xF7A  }
0x23: {  	s9 =	sor.u32 $0xD0000000, s2;
	s6 =	simm.s32 $0x108;
	_ =	swait.ge @!p0 [sflag:s8], $0x0  }
0x24: {  	s3 =	sadd.s32 $0x88, s3;
	s6 =	simm.s32 @!p1 $0x1082;
	[sflag:s4] =	ssyncset.s32 $0xFFFFF086  }
0x25: {  	[simem:s6], [sflag:s4] =	dma.local [hbm:s3], $0xF7A  }
0x26: {  	[smem:$0x3F99] =	sst s1;
	(tag) =	ssettag s2;
	_ =	strace s9  }
0x27: {  	s1 =	sld [smem:$0x3FA9]  }
0x28: {  	s2 =	sld [smem:$0x3FAA]  }
0x29: {  	s4 =	sld [smem:$0x3FAC]  }
0x2a: {  	p0 =	seq.s32 s5, $0x0;
	s5 =	sld [smem:$0x3FAD]  }
0x2b: {  	s6 =	sld [smem:$0x3FAE]  }
0x2c: {  	s7 =	sld [smem:$0x3FAF]  }
0x2d: {  	s3 =	simm.s32 $0x108;
	s8 =	sld [smem:$0x3FB0]  }
0x2e: {  	s3 =	simm.s32 @!p0 $0x1082;
	s9 =	sld [smem:$0x3FB1]  }
0x2f: {  	lr =	sadd.s32 s0, s3;
	s0 =	sld [smem:$0x3FA8]  }
0x30: {  	s3 =	sld [smem:$0x3FAB]  }
0x31: {  	[smem:$0x3FB4] =	sst s10  }
0x32: {  	s10 =	sld [smem:$0x3FB2];
	_ =	sdelay $0x3  }
0x33: {  	p0 =	seq.s32 s10, $0x1;
	s10 =	sld [smem:$0x3FB4];
	_ =	sdelay $0x3  }
0x34: {  	[smem:$0x3FB4] =	sst s10  }
0x35: {  	s10 =	sld [smem:$0x3FB3];
	_ =	sdelay $0x3  }
0x36: {  	p1 =	seq.s32 s10, $0x1;
	s10 =	sld [smem:$0x3FB4];
	_ =	sdelay $0x3  }
0x37: {  	[smem:$0x3FB4] =	sst s10  }
0x38: {  	s10 =	sld [smem:$0x3FB5]  }
0x39: {  	_ = 	snop;
	(pc) =	sbr.ind lr, $3  }
0x3a: {  	_ = 	snop  }
0x3b: {  	_ = 	snop  }
0x3c: {  	p2 =	seq.s32 s10, $0x1;
	s10 =	sld [smem:$0x3FB4]  }
0x3d: {  	_ =	shalt  }
0x3e: {  	_ =	shalt  }
0x3f: {  	_ =	shalt  }
0x40: {  	_ =	shalt  }
0x41: {  	_ =	shalt  }
0x42: {  	_ =	shalt  }
0x43: {  	_ =	shalt  }
0x44: {  	_ =	shalt  }
0x45: {  	_ =	shalt  }
0x46: {  	_ =	shalt  }
0x47: {  	_ =	shalt  }
0x48: {  	_ =	shalt  }
0x49: {  	_ =	shalt  }
0x4a: {  	_ =	shalt  }
0x4b: {  	_ =	shalt  }
0x4c: {  	_ =	shalt  }
0x4d: {  	_ =	shalt  }
0x4e: {  	_ =	shalt  }
0x4f: {  	_ =	shalt  }
0x50: {  	_ =	shalt  }
0x51: {  	_ =	shalt  }
0x52: {  	_ =	shalt  }
0x53: {  	_ =	shalt  }
0x54: {  	_ =	shalt  }
0x55: {  	_ =	shalt  }
0x56: {  	_ =	shalt  }
0x57: {  	_ =	shalt  }
0x58: {  	_ =	shalt  }
0x59: {  	_ =	shalt  }
0x5a: {  	_ =	shalt  }
0x5b: {  	_ =	shalt  }
0x5c: {  	_ =	shalt  }
0x5d: {  	_ =	shalt  }
0x5e: {  	_ =	shalt  }
0x5f: {  	_ =	shalt  }
0x60: {  	_ =	shalt  }
0x61: {  	_ =	shalt  }
0x62: {  	_ =	shalt  }
0x63: {  	_ =	shalt  }
0x64: {  	_ =	shalt  }
0x65: {  	_ =	shalt  }
0x66: {  	_ =	shalt  }
0x67: {  	_ =	shalt  }
0x68: {  	_ =	shalt  }
0x69: {  	_ =	shalt  }
0x6a: {  	_ =	shalt  }
0x6b: {  	_ =	shalt  }
0x6c: {  	_ =	shalt  }
0x6d: {  	_ =	shalt  }
0x6e: {  	_ =	shalt  }
0x6f: {  	_ =	shalt  }
0x70: {  	_ =	shalt  }
0x71: {  	_ =	shalt  }
0x72: {  	_ =	shalt  }
0x73: {  	_ =	shalt  }
0x74: {  	_ =	shalt  }
0x75: {  	_ =	shalt  }
0x76: {  	_ =	shalt  }
0x77: {  	_ =	shalt  }
0x78: {  	_ =	shalt  }
0x79: {  	_ =	shalt  }
0x7a: {  	_ =	shalt  }
0x7b: {  	_ =	shalt  }
0x7c: {  	_ =	shalt  }
0x7d: {  	_ =	shalt  }
0x7e: {  	_ =	shalt  }
0x7f: {  	_ =	shalt  }
0x80: {  	_ =	shalt  }
0x81: {  	_ =	shalt  }
0x82: {  	_ =	shalt  }
0x83: {  	_ =	shalt  }
0x84: {  	_ =	shalt  }
0x85: {  	_ =	shalt  }
0x86: {  	_ =	shalt  }
0x87: {  	_ =	shalt  }
.Lfunc_end0:
.L_simem_size_0:
called_computation.1_lowered:
.L_overlay_start_0:
0x88: {  	s2 =	sld [smem:$0x3FD9]  }
0x89: {  	s3 =	sld [smem:$0x3FFE];
	_ =	sdelay $0x1  }
0x8a: {  	s1 =	srdreg.scid  }
0x8b: {  	s0 =	sand.u32 $0x1, s1  }
0x8c: {  	s17 =	sshll.u32 s0, $0xA;
	s2 =	sadd.s32 s3, s2  }
0x8d: {  	s2 =	sadd.s32 s2, s17  }
0x8e: {  	[smem:$0x3FC0] =	sst s2  }
0x8f: {  	_ = 	snop  }
0x90: {  	s18 =	sld [smem:$0x3FC8];
	(tm) =	ssettm $0x1  }
0x91: {  	s19 =	sld [smem:$0x3FFB];
	_ =	sdelay $0x3  }
0x92: {  	_ =	strace s19  }
0x93: {  	s2 =	sld [smem:$0x3FFC];
	_ =	sdelay $0x3  }
0x94: {  	_ =	strace s2  }
0x95: {  	s2 =	sld [smem:$0x3FFD];
	_ =	sdelay $0x3  }
0x96: {  	_ =	strace s2  }
0x97: {  	_ =	strace $0x8FFFFFFF  }
0x98: {  	s20 =	sld [smem:$0x3FDB];
	_ =	sdelay $0x1  }
0x99: {  	s4 =	simm.s32 $_scs_section_size  }
0x9a: {  	s5 =	simm.s32 $_size__tile_overlayer_lowered;
	s6 =	simm.s32 $_tile_overlayer_lowered  }
0x9b: {  	s7 =	simm.s32 $0x1BFF;
	s21 =	sshll.u32 s6, $0x1;
	s4 =	sadd.s32 s4, s20  }
0x9c: {  	s22 =	simm.s32 $0x0;
	s5 =	sshll.u32 s5, $0x1;
	s6 =	sadd.s32 s21, s4  }
0x9d: {  	[timem:s22], [sflag:s7] =	dma.local [hbm:s6], s5  }
0x9e: {  	_ =	swait.ge [sflag:s7], s5  }
0x9f: {  	s5 =	ssub.s32 $0x0, s5;
	[sflag:s7] =	ssyncset.done $0x0  }
0xa0: {  	[sflag:s7] =	ssyncadd.s32 s5;
	_ =	sdelay $0x1  }
0xa1: {  	s23 =	simm.s32 $0x1B8B  }
0xa2: {  	_ =	swait.ge [sflag:s23], $0x1  }
0xa3: {  	[sflag:s23] =	ssyncset.done $0x0  }
0xa4: {  	[sflag:s23] =	ssyncadd.s32 $0xFFFFFFFF  }
0xa5: {  	s5 =	sld [smem:$0x0]  }
0xa6: {  	s6 =	sand.u32 $0xFFFFFFFE, s1  }
0xa7: {  	p0 =	sne.s32 s1, s6  }
0xa8: {  	s6 =	sshll.u32 @p0 s6, $0xE  }
0xa9: {  	s6 =	sadd.s32 @p0 $0x11B8D, s6;
	s7 =	sshll.u32 @p0 s5, $0x11  }
0xaa: {  	s6 =	sor.u32 @p0 s7, s6  }
0xab: {  	[sflag:s6] =	ssyncadd.remote.s32 @p0 $0x1;
	_ =	sdelay $0x1  }
0xac: {  	s6 =	simm.s32 @p0 $0x1B8D  }
0xad: {  	_ =	swait.eq @p0 [sflag:s6], $0x1  }
0xae: {  	[sflag:s6] =	ssyncadd.s32 @p0 $0xFFFFFFFF  }
0xaf: {  	s7 =	sshll.u32 @!p0 s1, $0xE  }
0xb0: {  	s7 =	sor.u32 @!p0 $0x4000, s7;
	s6 =	simm.s32 @!p0 $0x1B8D  }
0xb1: {  	s5 =	sshll.u32 @!p0 s5, $0x11;
	s7 =	sadd.s32 @!p0 $0x11B8D, s7;
	_ =	swait.eq @!p0 [sflag:s6], $0x1  }
0xb2: {  	s5 =	sor.u32 @!p0 s5, s7;
	[sflag:s6] =	ssyncadd.s32 @!p0 $0xFFFFFFFF  }
0xb3: {  	s25 =	simm.s32 $0x1B8E;
	s24 =	sld [smem:$0x3FFE];
	[sflag:s5] =	ssyncadd.remote.s32 @!p0 $0x1  }
0xb4: {  	s26 =	simm.s32 $execute0_lowered;
	[smem:$0x3FD2] =	sst s25  }
0xb5: {  	s6 =	sshll.u32 s26, $0x1;
	_ =	strace $0x80000049;
	[dreg:$0x1] =	wrdreg $0xFFFFFFFF  }
0xb6: {  	s28 =	simm.s32 $_size_execute0_lowered;
	s4 =	sadd.s32 s4, s6;
	[dreg:$0x0] =	wrdreg $0x0  }
0xb7: {  	s6 =	sshll.u32 s28, $0x1;
	[dreg:$0x2] =	wrdreg s4  }
0xb8: {  	[dreg:$0x3] =	wrdreg s6  }
0xb9: {  	[dreg:$0x4] =	wrdreg $0xC0  }
0xba: {  	_ =	task [dreg:s22], $0x5FFFF  }
0xbb: {  	[dreg:$0x1] =	wrdreg $0xFFFFFFFF  }
0xbc: {  	[dreg:$0x0] =	wrdreg $0x60  }
0xbd: {  	[dreg:$0x2] =	wrdreg s18  }
0xbe: {  	[dreg:$0x3] =	wrdreg s24  }
0xbf: {  	[dreg:$0x4] =	wrdreg $0xA  }
0xc0: {  	_ =	task.clear_ibuf [dreg:s22], $0x5FFFF;
	_ =	strace $0x90000049  }
0xc1: {  	s29 =	simm.s32 $0xA;
	_ =	strace $0x8000004B  }
0xc2: {  	_ =	swait.ge [sflag:s29], $0x1  }
0xc3: {  	[sflag:s29] =	ssyncadd.s32 $0xFFFFFFFF  }
0xc4: {  	_ =	strace $0x9000004B  }
0xc5: {  	_ =	sfence  }
0xc6: {  	s30 =	sld [smem:$0x0];
	_ =	sdelay $0x2  }
0xc7: {  	s31 =	sshll.u32 s1, $0xD;
	s1 =	sshrl.u32 s1, $0x2  }
0xc8: {  	s4 =	sand.u32 $0x4000, s31;
	s1 =	sadd.s32 s1, s30  }
0xc9: {  	s0 =	sor.u32 s4, s0;
	s1 =	sshll.u32 s1, $0x11  }
0xca: {  	s0 =	sor.u32 s1, s0  }
0xcb: {  	s0 =	sadd.s32 $0x8F2B, s0  }
0xcc: {  	[sflag:s0] =	ssyncadd.remote.s32 $0x1  }
0xcd: {  	_ =	sfence.sel $0xFFFF  }
0xce: {  	[dreg:$0x0] =	wrdreg $0xFFFFFFFF;
	(pc) =	sbr.abs _section_cstart, $3  }
0xcf: {  	[dreg:$0x1] =	wrdreg $0xFFFFFFFF  }
0xd0: {  	_ =	task.clear_ibuf [dreg:s22], $0x2FFFF;
	_ =	strace $0x9FFFFFFF  }
0xd1: {  	(tm) =	ssettm $0x7FFFFFFF  }
tec
execute0_lowered:
.L_overlay_start_1:
0x0: {  	(tag) =	ssettag $0x1  }
0x1: {  	s1 =	srdreg.scid;
	s2 =	rddreg [dreg:$0x0]  }
0x2: {  	s0 =	stileid.u32;
	s5 =	rddreg [dreg:$0x1];
	s6 =	simm.s32 $0x1  }
0x3: {  	s9 =	simm.s32 $0x1;
	s10 =	simm.s32 $0x3;
	s1 =	sshll.u32 s1, $0x8  }
0x4: {  	s13 =	simm.s32 $0x0;
	s3 =	sshll.u32 s0, $0x9;
	s4 =	sand.u32 $0x100, s1  }
0x5: {  	s12 =	simm.s32 $0x0;
	s1 =	rddreg [dreg:$0x2];
	s3 =	sor.u32 s3, s4  }
0x6: {  	_ =	strace $0x8000004A;
	s4 =	sadd.s32 $0x1200, s5;
	s8 =	ssub.s32 $0x4000, s3  }
.Ltmp0:
0x7: {  	s5 =	sadd.s32 $0x2200, s5;
	s7 =	sand.u32 $0x1F00, s8;
	(pc) =	sbr.rel .LBB2_1-.Ltmp0, $4  }
0x8: {  	[sflag:s6] =	ssyncpa.u1 $0x0;
	s11 =	smov.u32 s3;
	p0 =	sne.s32 s7, $0x0  }
0x9: {  	s8 =	sshrl.u32 s8, $0xD;
	s7 =	simm.s32 $0x2;
	s9 =	simm.s32 @!p0 $0x0  }
0xa: {  	[sflag:s7] =	ssyncpa.u1 $0x0;
	p0 =	por $0x0, $0x0;
	s8 =	sadd.s32 s9, s8  }
0xb: {  	vm0 =	vmmov $0xffff;
	[sflag:s10] =	ssyncpa.u1 $0x0;
	s10 =	simm.s32 $0x0;
	s9 =	sadd.s32 $0x1, s8  }
.LBB2_4:
0xc: {  	v2 =	vnsel vm1, $0x0, v2  }
0xd: {  	vm1 =	vgt.s32 v0, $0x0;
	v2 =	vmin.u32 v2, $0x3FFF  }
0xe: {  	v0 =	vnsel vm1, $0x0, v0  }
0xf: {  	v0 =	vmin.u32 v0, $0x3FFF  }
0x10: {  	[tilespmem:s15], [sflag:$0x1] =	stream.indirect_vreg.gather [hbm4b:s2+s10], $0x1, v1, vm0, $0x4038;
	[tilespmem:$0x400] =	vst v63  }
0x11: {  	(ifvalue) =	ssetifvalue $0x7FFFFFFF  }
0x12: {  	[tilespmem:s16], [sflag:$0x1] =	stream.indirect_vreg.gather [hbm4b:s2+s10], $0x1, v2, vm0, $0x4038;
	[tilespmem:$0x400] =	vst v63  }
0x13: {  	s29 =	sadd.s32 $0x10, s16;
	(ifvalue) =	ssetifvalue $0x7FFFFFFF  }
0x14: {  	[tilespmem:s29], [sflag:$0x1] =	stream.indirect_vreg.gather [hbm4b:s2+s10], $0x1, v0, vm0, $0x4038;
	[tilespmem:$0x400] =	vst v63  }
0x15: {  	_ =	swait.ge [sflag:s6], $0x100  }
0x16: {  	s30 =	sshrl.u32 s13, $0x3;
	[sflag:s6] =	ssyncset.done $0x0  }
0x17: {  	s31 =	sand.u32 $0x7, s13;
	s15 =	sadd.s32 s5, s30;
	[sflag:s6] =	ssyncadd.s32 $0xFFFFFF00  }
0x18: {  	[hbm4b:s15+s31] =	stream.linear.scatter [tilespmem:s14], [sflag:$0x3], $0x100, $0x38;
	[tilespmem:$0x400] =	vst v63  }
.LBB2_5:
0x19: {  	s15 =	sadd.s32 $0x2000, s11  }
0x1a: {  	p2 =	sgt.s32 s15, $0x3FFF  }
0x1b: {  	s15 =	smov.u32 @p2 s3;
	p2 =	sne.s32 s12, s9  }
.Ltmp1:
0x1c: {  	p1 =	slt.u32 s12, $0x2;
	(pc) =	sbr.rel @!p2 .LBB2_6-.Ltmp1, $4  }
0x1d: {  	s14 =	simm.s32 @!p1 $0x3  }
0x1e: {  	s16 =	sadd.s32 $0x1, s12;
	_ =	swait.ge @!p1 [sflag:s14], $0x100  }
0x1f: {  	s13 =	smov.u32 s11;
	p0 =	por !p0, !p0;
	[sflag:s14] =	ssyncset.done @!p1 $0x0  }
0x20: {  	s12 =	smov.u32 s16;
	s11 =	smov.u32 s15;
	[sflag:s14] =	ssyncadd.s32 @!p1 $0xFFFFFF00  }
.LBB2_1:
0x21: {  	p1 =	sge.u32 s12, s8  }
0x22: {  	s14 =	sxor.u32 @!p1 $0xFFFFFFFF, s12  }
0x23: {  	s31 =	sadd.s32 $0xFFFFFFFF, s12;
	s15 =	sshrl.u32 @!p1 s11, $0x3;
	s14 =	sshll.u32 @!p1 s14, $0x8  }
0x24: {  	s16 =	sand.u32 @!p1 $0x7, s11;
	s15 =	sadd.s32 @!p1 s4, s15;
	s14 =	sand.u32 @!p1 $0x100, s14  }
0x25: {  	[tilespmem:s14], [sflag:$0x2] =	stream.linear.gather @!p1 [hbm4b:s15+s16], $0x100, $0x38;
	[tilespmem:$0x400] =	vst v63  }
0x26: {  	p1 =	sge.u32 s31, s8  }
.Ltmp2:
0x27: {  	_ = 	snop;
	(pc) =	sbr.rel @p1 .LBB2_5-.Ltmp2, $1  }
0x28: {  	_ =	sdelay $0x3  }
0x29: {  	s14 =	simm.s32 $0x1  }
0x2a: {  	_ =	swait.ge [sflag:s7], $0x100;
	s14 =	simm.s32 @!p0 $0x0  }
0x2b: {  	[sflag:s7] =	ssyncset.done $0x0;
	s14 =	sshll.u32 s14, $0x8  }
0x2c: {  	[sflag:s7] =	ssyncadd.s32 $0xFFFFFF00;
	(ifvalue) =	ssetifvalue $0x7FFFFFFF;
	v0 =	vld.msk [tilespmem:s14+$0x0 ss:$0x1], $0xffff;
	_ =	sdelay $0x4  }
0x2d: {  	s15 =	sadd.s32 $0x10, s14;
	vm1 =	vgt.s32 v0, $0x0  }
0x2e: {  	v2 =	vld.msk [tilespmem:s15+$0x0 ss:$0x1], $0xffff;
	v1 =	vnsel vm1, $0x0, v0  }
0x2f: {  	v1 =	vmin.u32 v1, $0x3FFF;
	_ =	sdelay $0x1  }
0x30: {  	s16 =	sshll.u32 s12, $0x8;
	s18 =	simm.s32 $0x20  }
0x31: {  	s16 =	sand.u32 $0x100, s16;
	s17 =	sadd.s32 $0x10, s15;
	s15 =	sor.u32 $0x200, s14  }
0x32: {  	s14 =	sor.u32 $0x200, s16;
	s16 =	sadd.s32 $0x10, s15;
	v0 =	vld.msk [tilespmem:s17+$0x0 ss:$0x1], $0xffff;
	vm1 =	vgt.s32 v2, $0x0;
	(ifvalue) =	ssetifvalue $0x7FFFFFFF  }
.LBB2_3:
0x33: {  	[tilespmem:s15], [sflag:$0x1] =	stream.indirect_vreg.gather [hbm4b:s2+s10], $0x1, v1, vm0, $0x4038;
	[tilespmem:$0x400] =	vst v63  }
0x34: {  	s18 =	sadd.s32 $0x10, s18  }
0x35: {  	v2 =	vnsel vm1, $0x0, v2;
	p1 =	slt.u32 s18, $0xF0  }
.Ltmp3:
0x36: {  	s15 =	smov.u32 s16;
	v1 =	vmin.u32 v2, $0x3FFF;
	(pc) =	sbr.rel @p1 .LBB2_3-.Ltmp3, $3  }
0x37: {  	_ =	sdelay $0x1  }
0x38: {  	s17 =	sadd.s32 $0x10, s17  }
0x39: {  	vm1 =	vgt.s32 v0, $0x0;
	s16 =	sadd.s32 $0x10, s16;
	v2 =	vmov v0;
	(ifvalue) =	ssetifvalue $0x7FFFFFFF;
	v0 =	vld.msk [tilespmem:s17+$0x0 ss:$0x1], $0xffff  }
.Ltmp4:
0x3a: {  	_ = 	snop;
	(pc) =	sbr.rel .LBB2_4-.Ltmp4, $1  }
0x3b: {  	_ =	sdelay $0x3  }
.LBB2_6:
0x3c: {  	_ =	sfence.sel $0x180000  }
0x3d: {  	s2 =	simm.s32 $0x2;
	[bflag:$0x0] =	sbarrier.arrive $0xFFFF  }
0x3e: {  	s30 =	simm.s32 $0x3;
	[sflag:s2] =	ssyncpa.u1 $0x1  }
0x3f: {  	s31 =	simm.s32 $0x1;
	[sflag:s30] =	ssyncpa.u1 $0x1  }
0x40: {  	[sflag:s31] =	ssyncpa.u1 $0x1  }
0x41: {  	p0 =	sne.s32 s0, $0x0;
	_ =	strace $0x9000004A  }
0x42: {  	s0 =	sadd.s32 @!p0 $0x100000, s1;
	[bflag:$0x2] =	sbarrier.arrive $0xFFFF  }
0x43: {  	[sflag:s0] =	ssyncadd.tile.s32 @!p0 $0x1;
	_ =	shalt  }
.Lfunc_end2:
_tile_overlayer_lowered:
.L_overlay_start_2:
0x44: {  	(tag) =	ssettag $0x2  }
0x45: {  	s0 =	rddreg [dreg:$0x0];
	s2 =	stileid.u32  }
0x46: {  	s1 =	rddreg [dreg:$0x1];
	p0 =	sne.s32 s2, $0x0  }
0x47: {  	s3 =	rddreg [dreg:$0x2];
	[bflag:$0x3] =	sbarrier.arrive $0xFFFF;
	s2 =	simm.s32 @!p0 $0x1C01  }
0x48: {  	[timem:s3], [sflag:s2] =	dma.local @!p0 [hbm:s0], s1  }
0x49: {  	s0 =	simm.s32 @!p0 $0x1  }
0x4a: {  	_ =	swait.ge @!p0 [sflag:s0], s1  }
0x4b: {  	s1 =	ssub.s32 @!p0 $0x0, s1;
	[sflag:s0] =	ssyncset.done @!p0 $0x0  }
0x4c: {  	[sflag:s0] =	ssyncadd.s32 @!p0 s1  }
0x4d: {  	[bflag:$0x3] =	sbarrier.arrive $0xFFFF  }
0x4e: {  	_ =	shalt  }

// kernel: gather_offload_async_start.2
scs
__scs_entry_jumppad:
0x0: {  	(pc) =	sbr.rel $0x88, $3  }
0x1: {  	(tag) =	ssettag $0x0;
	lr =	simm.s32 $0x1  }
0x2: {  	[smem:$0x3F99] =	sst lr;
	_ =	strace $0xD0000000  }
0x3: {  	_ = 	snop  }
0x4: {  	_ = 	snop  }
0x5: {  	_ = 	snop  }
0x6: {  	_ = 	snop  }
0x7: {  	_ = 	snop  }
__scs_overlays_trampoline_lowered:
0x8: {  	[smem:$0x3FA8] =	sst s0  }
0x9: {  	[smem:$0x3FA9] =	sst s1  }
0xa: {  	[smem:$0x3FAA] =	sst s2  }
0xb: {  	[smem:$0x3FAB] =	sst s3  }
0xc: {  	[smem:$0x3FAC] =	sst s4  }
0xd: {  	[smem:$0x3FAD] =	sst s5  }
0xe: {  	[smem:$0x3FAE] =	sst s6  }
0xf: {  	[smem:$0x3FAF] =	sst s7  }
0x10: {  	[smem:$0x3FB0] =	sst s8  }
0x11: {  	[smem:$0x3FB1] =	sst s9;
	s0 =	simm.s32 @!p0 $0x0  }
0x12: {  	s1 =	sld [smem:$0x3F97];
	s0 =	simm.s32 @p0 $0x1  }
0x13: {  	[smem:$0x3FB2] =	sst s0;
	s0 =	simm.s32 @!p1 $0x0  }
0x14: {  	s2 =	sld [smem:$0x3F96];
	s0 =	simm.s32 @p1 $0x1  }
0x15: {  	[smem:$0x3FB3] =	sst s0;
	s0 =	simm.s32 @!p2 $0x0  }
0x16: {  	s3 =	sld [smem:$0x3FDB];
	s0 =	simm.s32 @p2 $0x1  }
0x17: {  	s4 =	simm.s32 $0x1BF5;
	[smem:$0x3FB5] =	sst s0  }
0x18: {  	s0 =	sld [smem:$0x3F98];
	_ =	swait.ge [sflag:s4], $0x0  }
0x19: {  	s7 =	sld [smem:$0x3F99]  }
0x1a: {  	s8 =	sadd.s32 $0xFFFFE003, lr  }
0x1b: {  	s9 =	sadd.s32 $0xFFFFFEF7, lr;
	s5 =	simm.s32 $0xFFFFFFFF;
	p2 =	slt.u32 s8, $0xFFFFF086  }
0x1c: {  	p1 =	slt.u32 s9, $0xF7A;
	s5 =	simm.s32 @!p2 $0x0  }
0x1d: {  	s5 =	simm.s32 @p1 $0x1;
	p0 =	seq.s32 s7, s2  }
0x1e: {  	s7 =	smul.u32 @!p0 $0xF7A, s2;
	p2 =	seq.s32 @!p0 s5, $0x0  }
0x1f: {  	s9 =	smul.u32 $0xF7A, s1;
	s8 =	simm.s32 @!p0 $0x1BF5;
	p2 =	por !p2, p0  }
0x20: {  	[sflag:s8] =	ssyncset.s32 @!p0 $0xFFFFF086;
	s6 =	sadd.s32 @!p0 s3, s7;
	s7 =	simm.s32 @!p0 $0x108  }
0x21: {  	s3 =	sadd.s32 s3, s9;
	s6 =	sadd.s32 @!p0 $0x88, s6;
	s7 =	simm.s32 @p2 $0x1082  }
0x22: {  	[simem:s7], [sflag:s8] =	dma.local @!p0 [hbm:s6], $0xF7A  }
0x23: {  	s9 =	sor.u32 $0xD0000000, s2;
	s6 =	simm.s32 $0x108;
	_ =	swait.ge @!p0 [sflag:s8], $0x0  }
0x24: {  	s3 =	sadd.s32 $0x88, s3;
	s6 =	simm.s32 @!p1 $0x1082;
	[sflag:s4] =	ssyncset.s32 $0xFFFFF086  }
0x25: {  	[simem:s6], [sflag:s4] =	dma.local [hbm:s3], $0xF7A  }
0x26: {  	[smem:$0x3F99] =	sst s1;
	(tag) =	ssettag s2;
	_ =	strace s9  }
0x27: {  	s1 =	sld [smem:$0x3FA9]  }
0x28: {  	s2 =	sld [smem:$0x3FAA]  }
0x29: {  	s4 =	sld [smem:$0x3FAC]  }
0x2a: {  	p0 =	seq.s32 s5, $0x0;
	s5 =	sld [smem:$0x3FAD]  }
0x2b: {  	s6 =	sld [smem:$0x3FAE]  }
0x2c: {  	s7 =	sld [smem:$0x3FAF]  }
0x2d: {  	s3 =	simm.s32 $0x108;
	s8 =	sld [smem:$0x3FB0]  }
0x2e: {  	s3 =	simm.s32 @!p0 $0x1082;
	s9 =	sld [smem:$0x3FB1]  }
0x2f: {  	lr =	sadd.s32 s0, s3;
	s0 =	sld [smem:$0x3FA8]  }
0x30: {  	s3 =	sld [smem:$0x3FAB]  }
0x31: {  	[smem:$0x3FB4] =	sst s10  }
0x32: {  	s10 =	sld [smem:$0x3FB2];
	_ =	sdelay $0x3  }
0x33: {  	p0 =	seq.s32 s10, $0x1;
	s10 =	sld [smem:$0x3FB4];
	_ =	sdelay $0x3  }
0x34: {  	[smem:$0x3FB4] =	sst s10  }
0x35: {  	s10 =	sld [smem:$0x3FB3];
	_ =	sdelay $0x3  }
0x36: {  	p1 =	seq.s32 s10, $0x1;
	s10 =	sld [smem:$0x3FB4];
	_ =	sdelay $0x3  }
0x37: {  	[smem:$0x3FB4] =	sst s10  }
0x38: {  	s10 =	sld [smem:$0x3FB5]  }
0x39: {  	_ = 	snop;
	(pc) =	sbr.ind lr, $3  }
0x3a: {  	_ = 	snop  }
0x3b: {  	_ = 	snop  }
0x3c: {  	p2 =	seq.s32 s10, $0x1;
	s10 =	sld [smem:$0x3FB4]  }
0x3d: {  	_ =	shalt  }
0x3e: {  	_ =	shalt  }
0x3f: {  	_ =	shalt  }
0x40: {  	_ =	shalt  }
0x41: {  	_ =	shalt  }
0x42: {  	_ =	shalt  }
0x43: {  	_ =	shalt  }
0x44: {  	_ =	shalt  }
0x45: {  	_ =	shalt  }
0x46: {  	_ =	shalt  }
0x47: {  	_ =	shalt  }
0x48: {  	_ =	shalt  }
0x49: {  	_ =	shalt  }
0x4a: {  	_ =	shalt  }
0x4b: {  	_ =	shalt  }
0x4c: {  	_ =	shalt  }
0x4d: {  	_ =	shalt  }
0x4e: {  	_ =	shalt  }
0x4f: {  	_ =	shalt  }
0x50: {  	_ =	shalt  }
0x51: {  	_ =	shalt  }
0x52: {  	_ =	shalt  }
0x53: {  	_ =	shalt  }
0x54: {  	_ =	shalt  }
0x55: {  	_ =	shalt  }
0x56: {  	_ =	shalt  }
0x57: {  	_ =	shalt  }
0x58: {  	_ =	shalt  }
0x59: {  	_ =	shalt  }
0x5a: {  	_ =	shalt  }
0x5b: {  	_ =	shalt  }
0x5c: {  	_ =	shalt  }
0x5d: {  	_ =	shalt  }
0x5e: {  	_ =	shalt  }
0x5f: {  	_ =	shalt  }
0x60: {  	_ =	shalt  }
0x61: {  	_ =	shalt  }
0x62: {  	_ =	shalt  }
0x63: {  	_ =	shalt  }
0x64: {  	_ =	shalt  }
0x65: {  	_ =	shalt  }
0x66: {  	_ =	shalt  }
0x67: {  	_ =	shalt  }
0x68: {  	_ =	shalt  }
0x69: {  	_ =	shalt  }
0x6a: {  	_ =	shalt  }
0x6b: {  	_ =	shalt  }
0x6c: {  	_ =	shalt  }
0x6d: {  	_ =	shalt  }
0x6e: {  	_ =	shalt  }
0x6f: {  	_ =	shalt  }
0x70: {  	_ =	shalt  }
0x71: {  	_ =	shalt  }
0x72: {  	_ =	shalt  }
0x73: {  	_ =	shalt  }
0x74: {  	_ =	shalt  }
0x75: {  	_ =	shalt  }
0x76: {  	_ =	shalt  }
0x77: {  	_ =	shalt  }
0x78: {  	_ =	shalt  }
0x79: {  	_ =	shalt  }
0x7a: {  	_ =	shalt  }
0x7b: {  	_ =	shalt  }
0x7c: {  	_ =	shalt  }
0x7d: {  	_ =	shalt  }
0x7e: {  	_ =	shalt  }
0x7f: {  	_ =	shalt  }
0x80: {  	_ =	shalt  }
0x81: {  	_ =	shalt  }
0x82: {  	_ =	shalt  }
0x83: {  	_ =	shalt  }
0x84: {  	_ =	shalt  }
0x85: {  	_ =	shalt  }
0x86: {  	_ =	shalt  }
0x87: {  	_ =	shalt  }
.Lfunc_end0:
.L_simem_size_0:
called_computation.2_lowered:
.L_overlay_start_0:
0x88: {  	s2 =	sld [smem:$0x3FD9]  }
0x89: {  	s3 =	sld [smem:$0x3FFE];
	_ =	sdelay $0x1  }
0x8a: {  	s1 =	srdreg.scid  }
0x8b: {  	s0 =	sand.u32 $0x1, s1  }
0x8c: {  	s17 =	sshll.u32 s0, $0xA;
	s2 =	sadd.s32 s3, s2  }
0x8d: {  	s2 =	sadd.s32 s2, s17  }
0x8e: {  	[smem:$0x3FC0] =	sst s2  }
0x8f: {  	_ = 	snop  }
0x90: {  	s2 =	sld [smem:$0x3FD0];
	(tm) =	ssettm $0x1  }
0x91: {  	s18 =	sld [smem:$0x3FFB];
	_ =	sdelay $0x3  }
0x92: {  	_ =	strace s18  }
0x93: {  	s3 =	sld [smem:$0x3FFC];
	_ =	sdelay $0x3  }
0x94: {  	_ =	strace s3  }
0x95: {  	s3 =	sld [smem:$0x3FFD];
	_ =	sdelay $0x3  }
0x96: {  	_ =	strace s3  }
0x97: {  	_ =	strace $0x8FFFFFFF  }
0x98: {  	s19 =	sld [smem:$0x3FDB];
	_ =	sdelay $0x1  }
0x99: {  	s4 =	simm.s32 $_scs_section_size  }
0x9a: {  	s5 =	simm.s32 $_size__tile_overlayer_lowered;
	s6 =	simm.s32 $_tile_overlayer_lowered  }
0x9b: {  	s22 =	simm.s32 $0x1BFF;
	s21 =	sshll.u32 s6, $0x1;
	s3 =	sadd.s32 s4, s19  }
0x9c: {  	s7 =	simm.s32 $0x0;
	s20 =	sshll.u32 s5, $0x1;
	s5 =	sadd.s32 s21, s3  }
0x9d: {  	[timem:s7], [sflag:s22] =	dma.local [hbm:s5], s20  }
0x9e: {  	_ =	swait.ge [sflag:s22], s20  }
0x9f: {  	s4 =	ssub.s32 $0x0, s20;
	[sflag:s22] =	ssyncset.done $0x0  }
0xa0: {  	[sflag:s22] =	ssyncadd.s32 s4;
	_ =	sdelay $0x1  }
0xa1: {  	s23 =	simm.s32 $0x1B8B  }
0xa2: {  	_ =	swait.ge [sflag:s23], $0x1  }
0xa3: {  	[sflag:s23] =	ssyncset.done $0x0  }
0xa4: {  	s25 =	simm.s32 $0x1B8E;
	s24 =	sld [smem:$0x3FFE];
	[sflag:s23] =	ssyncadd.s32 $0xFFFFFFFF  }
0xa5: {  	s26 =	simm.s32 $execute0_lowered;
	[smem:$0x3FD2] =	sst s25  }
0xa6: {  	s5 =	sshll.u32 s26, $0x1;
	_ =	strace $0x8000004F;
	[dreg:$0x1] =	wrdreg $0xFFFFFFFF  }
0xa7: {  	s28 =	simm.s32 $_size_execute0_lowered;
	s3 =	sadd.s32 s3, s5;
	[dreg:$0x0] =	wrdreg $0x0  }
0xa8: {  	s5 =	sshll.u32 s28, $0x1;
	[dreg:$0x2] =	wrdreg s3  }
0xa9: {  	[dreg:$0x3] =	wrdreg s5  }
0xaa: {  	[dreg:$0x4] =	wrdreg $0xC0  }
0xab: {  	_ =	task [dreg:s7], $0x5FFFF  }
0xac: {  	[dreg:$0x1] =	wrdreg $0xFFFFFFFF  }
0xad: {  	[dreg:$0x0] =	wrdreg $0x60  }
0xae: {  	[dreg:$0x2] =	wrdreg s24  }
0xaf: {  	[dreg:$0x3] =	wrdreg s2  }
0xb0: {  	[dreg:$0x4] =	wrdreg $0x9  }
0xb1: {  	_ =	task.clear_ibuf [dreg:s7], $0x5FFFF;
	_ =	strace $0x9000004F  }
0xb2: {  	s29 =	simm.s32 $0x9;
	_ =	strace $0x80000051  }
0xb3: {  	_ =	swait.ge [sflag:s29], $0x1  }
0xb4: {  	[sflag:s29] =	ssyncadd.s32 $0xFFFFFFFF  }
0xb5: {  	_ =	strace $0x90000051  }
0xb6: {  	_ =	sfence  }
0xb7: {  	s30 =	sld [smem:$0x0];
	_ =	sdelay $0x2  }
0xb8: {  	s31 =	sshll.u32 s1, $0xD;
	s1 =	sshrl.u32 s1, $0x2  }
0xb9: {  	s3 =	sand.u32 $0x4000, s31;
	s1 =	sadd.s32 s1, s30  }
0xba: {  	s0 =	sor.u32 s3, s0;
	s1 =	sshll.u32 s1, $0x11  }
0xbb: {  	s0 =	sor.u32 s1, s0  }
0xbc: {  	s0 =	sadd.s32 $0x8F2B, s0  }
0xbd: {  	[sflag:s0] =	ssyncadd.remote.s32 $0x1  }
0xbe: {  	_ =	sfence.sel $0xFFFF  }
0xbf: {  	[dreg:$0x0] =	wrdreg $0xFFFFFFFF;
	(pc) =	sbr.abs _section_cstart, $3  }
0xc0: {  	[dreg:$0x1] =	wrdreg $0xFFFFFFFF  }
0xc1: {  	_ =	task.clear_ibuf [dreg:s7], $0x2FFFF;
	_ =	strace $0x9FFFFFFF  }
0xc2: {  	(tm) =	ssettm $0x7FFFFFFF  }
0xc3: {  	_ =	shalt  }
tec
execute0_lowered:
.L_overlay_start_1:
0x0: {  	(tag) =	ssettag $0x1  }
0x1: {  	s1 =	srdreg.scid;
	s5 =	rddreg [dreg:$0x0]  }
0x2: {  	s0 =	stileid.u32;
	s2 =	rddreg [dreg:$0x1];
	s6 =	simm.s32 $0x1  }
0x3: {  	s9 =	simm.s32 $0x1;
	s10 =	simm.s32 $0x3;
	s1 =	sshll.u32 s1, $0x8  }
0x4: {  	s13 =	simm.s32 $0x0;
	s3 =	sshll.u32 s0, $0x9;
	s4 =	sand.u32 $0x100, s1  }
0x5: {  	s12 =	simm.s32 $0x0;
	s1 =	rddreg [dreg:$0x2];
	s3 =	sor.u32 s3, s4  }
0x6: {  	_ =	strace $0x80000050;
	s4 =	sadd.s32 $0x1200, s5;
	s8 =	ssub.s32 $0x4000, s3  }
.Ltmp0:
0x7: {  	s5 =	sadd.s32 $0x22A00, s5;
	s7 =	sand.u32 $0x1F00, s8;
	(pc) =	sbr.rel .LBB2_1-.Ltmp0, $4  }
0x8: {  	[sflag:s6] =	ssyncpa.u1 $0x0;
	s11 =	smov.u32 s3;
	p0 =	sne.s32 s7, $0x0  }
0x9: {  	s8 =	sshrl.u32 s8, $0xD;
	s7 =	simm.s32 $0x2;
	s9 =	simm.s32 @!p0 $0x0  }
0xa: {  	[sflag:s7] =	ssyncpa.u1 $0x0;
	p0 =	por $0x0, $0x0;
	s8 =	sadd.s32 s9, s8  }
0xb: {  	vm0 =	vmmov $0xffff;
	[sflag:s10] =	ssyncpa.u1 $0x0;
	s10 =	simm.s32 $0x0;
	s9 =	sadd.s32 $0x1, s8  }
.LBB2_4:
0xc: {  	v2 =	vnsel vm1, $0x0, v2  }
0xd: {  	vm1 =	vgt.s32 v0, $0x0;
	v2 =	vmin.u32 v2, $0x3FFF  }
0xe: {  	v0 =	vnsel vm1, $0x0, v0  }
0xf: {  	v0 =	vmin.u32 v0, $0x3FFF  }
0x10: {  	[tilespmem:s15], [sflag:$0x1] =	stream.indirect_vreg.gather [hbm4b:s4+s10], $0x1, v1, vm0, $0x4038;
	[tilespmem:$0x400] =	vst v63  }
0x11: {  	(ifvalue) =	ssetifvalue $0x7FFFFFFF  }
0x12: {  	[tilespmem:s16], [sflag:$0x1] =	stream.indirect_vreg.gather [hbm4b:s4+s10], $0x1, v2, vm0, $0x4038;
	[tilespmem:$0x400] =	vst v63  }
0x13: {  	s29 =	sadd.s32 $0x10, s16;
	(ifvalue) =	ssetifvalue $0x7FFFFFFF  }
0x14: {  	[tilespmem:s29], [sflag:$0x1] =	stream.indirect_vreg.gather [hbm4b:s4+s10], $0x1, v0, vm0, $0x4038;
	[tilespmem:$0x400] =	vst v63  }
0x15: {  	_ =	swait.ge [sflag:s6], $0x100  }
0x16: {  	s30 =	sshrl.u32 s13, $0x3;
	[sflag:s6] =	ssyncset.done $0x0  }
0x17: {  	s31 =	sand.u32 $0x7, s13;
	s15 =	sadd.s32 s2, s30;
	[sflag:s6] =	ssyncadd.s32 $0xFFFFFF00  }
0x18: {  	[hbm4b:s15+s31] =	stream.linear.scatter [tilespmem:s14], [sflag:$0x3], $0x100, $0x38;
	[tilespmem:$0x400] =	vst v63  }
.LBB2_5:
0x19: {  	s15 =	sadd.s32 $0x2000, s11  }
0x1a: {  	p2 =	sgt.s32 s15, $0x3FFF  }
0x1b: {  	s15 =	smov.u32 @p2 s3;
	p2 =	sne.s32 s12, s9  }
.Ltmp1:
0x1c: {  	p1 =	slt.u32 s12, $0x2;
	(pc) =	sbr.rel @!p2 .LBB2_6-.Ltmp1, $4  }
0x1d: {  	s14 =	simm.s32 @!p1 $0x3  }
0x1e: {  	s16 =	sadd.s32 $0x1, s12;
	_ =	swait.ge @!p1 [sflag:s14], $0x100  }
0x1f: {  	s13 =	smov.u32 s11;
	p0 =	por !p0, !p0;
	[sflag:s14] =	ssyncset.done @!p1 $0x0  }
0x20: {  	s12 =	smov.u32 s16;
	s11 =	smov.u32 s15;
	[sflag:s14] =	ssyncadd.s32 @!p1 $0xFFFFFF00  }
.LBB2_1:
0x21: {  	p1 =	sge.u32 s12, s8  }
0x22: {  	s14 =	sxor.u32 @!p1 $0xFFFFFFFF, s12  }
0x23: {  	s31 =	sadd.s32 $0xFFFFFFFF, s12;
	s15 =	sshrl.u32 @!p1 s11, $0x3;
	s14 =	sshll.u32 @!p1 s14, $0x8  }
0x24: {  	s16 =	sand.u32 @!p1 $0x7, s11;
	s15 =	sadd.s32 @!p1 s5, s15;
	s14 =	sand.u32 @!p1 $0x100, s14  }
0x25: {  	[tilespmem:s14], [sflag:$0x2] =	stream.linear.gather @!p1 [hbm4b:s15+s16], $0x100, $0x38;
	[tilespmem:$0x400] =	vst v63  }
0x26: {  	p1 =	sge.u32 s31, s8  }
.Ltmp2:
0x27: {  	_ = 	snop;
	(pc) =	sbr.rel @p1 .LBB2_5-.Ltmp2, $1  }
0x28: {  	_ =	sdelay $0x3  }
0x29: {  	s14 =	simm.s32 $0x1  }
0x2a: {  	_ =	swait.ge [sflag:s7], $0x100;
	s14 =	simm.s32 @!p0 $0x0  }
0x2b: {  	[sflag:s7] =	ssyncset.done $0x0;
	s14 =	sshll.u32 s14, $0x8  }
0x2c: {  	[sflag:s7] =	ssyncadd.s32 $0xFFFFFF00;
	(ifvalue) =	ssetifvalue $0x7FFFFFFF;
	v0 =	vld.msk [tilespmem:s14+$0x0 ss:$0x1], $0xffff;
	_ =	sdelay $0x4  }
0x2d: {  	s15 =	sadd.s32 $0x10, s14;
	vm1 =	vgt.s32 v0, $0x0  }
0x2e: {  	v2 =	vld.msk [tilespmem:s15+$0x0 ss:$0x1], $0xffff;
	v1 =	vnsel vm1, $0x0, v0  }
0x2f: {  	v1 =	vmin.u32 v1, $0x3FFF;
	_ =	sdelay $0x1  }
0x30: {  	s16 =	sshll.u32 s12, $0x8;
	s18 =	simm.s32 $0x20  }
0x31: {  	s16 =	sand.u32 $0x100, s16;
	s17 =	sadd.s32 $0x10, s15;
	s15 =	sor.u32 $0x200, s14  }
0x32: {  	s14 =	sor.u32 $0x200, s16;
	s16 =	sadd.s32 $0x10, s15;
	v0 =	vld.msk [tilespmem:s17+$0x0 ss:$0x1], $0xffff;
	vm1 =	vgt.s32 v2, $0x0;
	(ifvalue) =	ssetifvalue $0x7FFFFFFF  }
.LBB2_3:
0x33: {  	[tilespmem:s15], [sflag:$0x1] =	stream.indirect_vreg.gather [hbm4b:s4+s10], $0x1, v1, vm0, $0x4038;
	[tilespmem:$0x400] =	vst v63  }
0x34: {  	s18 =	sadd.s32 $0x10, s18  }
0x35: {  	v2 =	vnsel vm1, $0x0, v2;
	p1 =	slt.u32 s18, $0xF0  }
.Ltmp3:
0x36: {  	s15 =	smov.u32 s16;
	v1 =	vmin.u32 v2, $0x3FFF;
	(pc) =	sbr.rel @p1 .LBB2_3-.Ltmp3, $3  }
0x37: {  	_ =	sdelay $0x1  }
0x38: {  	s17 =	sadd.s32 $0x10, s17  }
0x39: {  	vm1 =	vgt.s32 v0, $0x0;
	s16 =	sadd.s32 $0x10, s16;
	v2 =	vmov v0;
	(ifvalue) =	ssetifvalue $0x7FFFFFFF;
	v0 =	vld.msk [tilespmem:s17+$0x0 ss:$0x1], $0xffff  }
.Ltmp4:
0x3a: {  	_ = 	snop;
	(pc) =	sbr.rel .LBB2_4-.Ltmp4, $1  }
0x3b: {  	_ =	sdelay $0x3  }
.LBB2_6:
0x3c: {  	_ =	sfence.sel $0x180000  }
0x3d: {  	s2 =	simm.s32 $0x2;
	[bflag:$0x0] =	sbarrier.arrive $0xFFFF  }
0x3e: {  	s30 =	simm.s32 $0x3;
	[sflag:s2] =	ssyncpa.u1 $0x1  }
0x3f: {  	s31 =	simm.s32 $0x1;
	[sflag:s30] =	ssyncpa.u1 $0x1  }
0x40: {  	[sflag:s31] =	ssyncpa.u1 $0x1  }
0x41: {  	p0 =	sne.s32 s0, $0x0;
	_ =	strace $0x90000050  }
0x42: {  	s0 =	sadd.s32 @!p0 $0x100000, s1;
	[bflag:$0x2] =	sbarrier.arrive $0xFFFF  }
0x43: {  	[sflag:s0] =	ssyncadd.tile.s32 @!p0 $0x1;
	_ =	shalt  }
.Lfunc_end2:
_tile_overlayer_lowered:
.L_overlay_start_2:
0x44: {  	(tag) =	ssettag $0x2  }
0x45: {  	s0 =	rddreg [dreg:$0x0];
	s2 =	stileid.u32  }
0x46: {  	s1 =	rddreg [dreg:$0x1];
	p0 =	sne.s32 s2, $0x0  }
0x47: {  	s3 =	rddreg [dreg:$0x2];
	[bflag:$0x3] =	sbarrier.arrive $0xFFFF;
	s2 =	simm.s32 @!p0 $0x1C01  }
0x48: {  	[timem:s3], [sflag:s2] =	dma.local @!p0 [hbm:s0], s1  }
0x49: {  	s0 =	simm.s32 @!p0 $0x1  }
0x4a: {  	_ =	swait.ge @!p0 [sflag:s0], s1  }
0x4b: {  	s1 =	ssub.s32 @!p0 $0x0, s1;
	[sflag:s0] =	ssyncset.done @!p0 $0x0  }
0x4c: {  	[sflag:s0] =	ssyncadd.s32 @!p0 s1  }
0x4d: {  	[bflag:$0x3] =	sbarrier.arrive $0xFFFF  }
0x4e: {  	_ =	shalt  }

// kernel: gather_offload_async_start
scs
__scs_entry_jumppad:
0x0: {  	(pc) =	sbr.rel $0x88, $3  }
0x1: {  	(tag) =	ssettag $0x0;
	lr =	simm.s32 $0x1  }
0x2: {  	[smem:$0x3F99] =	sst lr;
	_ =	strace $0xD0000000  }
0x3: {  	_ = 	snop  }
0x4: {  	_ = 	snop  }
0x5: {  	_ = 	snop  }
0x6: {  	_ = 	snop  }
0x7: {  	_ = 	snop  }
__scs_overlays_trampoline_lowered:
0x8: {  	[smem:$0x3FA8] =	sst s0  }
0x9: {  	[smem:$0x3FA9] =	sst s1  }
0xa: {  	[smem:$0x3FAA] =	sst s2  }
0xb: {  	[smem:$0x3FAB] =	sst s3  }
0xc: {  	[smem:$0x3FAC] =	sst s4  }
0xd: {  	[smem:$0x3FAD] =	sst s5  }
0xe: {  	[smem:$0x3FAE] =	sst s6  }
0xf: {  	[smem:$0x3FAF] =	sst s7  }
0x10: {  	[smem:$0x3FB0] =	sst s8  }
0x11: {  	[smem:$0x3FB1] =	sst s9;
	s0 =	simm.s32 @!p0 $0x0  }
0x12: {  	s1 =	sld [smem:$0x3F97];
	s0 =	simm.s32 @p0 $0x1  }
0x13: {  	[smem:$0x3FB2] =	sst s0;
	s0 =	simm.s32 @!p1 $0x0  }
0x14: {  	s2 =	sld [smem:$0x3F96];
	s0 =	simm.s32 @p1 $0x1  }
0x15: {  	[smem:$0x3FB3] =	sst s0;
	s0 =	simm.s32 @!p2 $0x0  }
0x16: {  	s3 =	sld [smem:$0x3FDB];
	s0 =	simm.s32 @p2 $0x1  }
0x17: {  	s4 =	simm.s32 $0x1BF5;
	[smem:$0x3FB5] =	sst s0  }
0x18: {  	s0 =	sld [smem:$0x3F98];
	_ =	swait.ge [sflag:s4], $0x0  }
0x19: {  	s7 =	sld [smem:$0x3F99]  }
0x1a: {  	s8 =	sadd.s32 $0xFFFFE003, lr  }
0x1b: {  	s9 =	sadd.s32 $0xFFFFFEF7, lr;
	s5 =	simm.s32 $0xFFFFFFFF;
	p2 =	slt.u32 s8, $0xFFFFF086  }
0x1c: {  	p1 =	slt.u32 s9, $0xF7A;
	s5 =	simm.s32 @!p2 $0x0  }
0x1d: {  	s5 =	simm.s32 @p1 $0x1;
	p0 =	seq.s32 s7, s2  }
0x1e: {  	s7 =	smul.u32 @!p0 $0xF7A, s2;
	p2 =	seq.s32 @!p0 s5, $0x0  }
0x1f: {  	s9 =	smul.u32 $0xF7A, s1;
	s8 =	simm.s32 @!p0 $0x1BF5;
	p2 =	por !p2, p0  }
0x20: {  	[sflag:s8] =	ssyncset.s32 @!p0 $0xFFFFF086;
	s6 =	sadd.s32 @!p0 s3, s7;
	s7 =	simm.s32 @!p0 $0x108  }
0x21: {  	s3 =	sadd.s32 s3, s9;
	s6 =	sadd.s32 @!p0 $0x88, s6;
	s7 =	simm.s32 @p2 $0x1082  }
0x22: {  	[simem:s7], [sflag:s8] =	dma.local @!p0 [hbm:s6], $0xF7A  }
0x23: {  	s9 =	sor.u32 $0xD0000000, s2;
	s6 =	simm.s32 $0x108;
	_ =	swait.ge @!p0 [sflag:s8], $0x0  }
0x24: {  	s3 =	sadd.s32 $0x88, s3;
	s6 =	simm.s32 @!p1 $0x1082;
	[sflag:s4] =	ssyncset.s32 $0xFFFFF086  }
0x25: {  	[simem:s6], [sflag:s4] =	dma.local [hbm:s3], $0xF7A  }
0x26: {  	[smem:$0x3F99] =	sst s1;
	(tag) =	ssettag s2;
	_ =	strace s9  }
0x27: {  	s1 =	sld [smem:$0x3FA9]  }
0x28: {  	s2 =	sld [smem:$0x3FAA]  }
0x29: {  	s4 =	sld [smem:$0x3FAC]  }
0x2a: {  	p0 =	seq.s32 s5, $0x0;
	s5 =	sld [smem:$0x3FAD]  }
0x2b: {  	s6 =	sld [smem:$0x3FAE]  }
0x2c: {  	s7 =	sld [smem:$0x3FAF]  }
0x2d: {  	s3 =	simm.s32 $0x108;
	s8 =	sld [smem:$0x3FB0]  }
0x2e: {  	s3 =	simm.s32 @!p0 $0x1082;
	s9 =	sld [smem:$0x3FB1]  }
0x2f: {  	lr =	sadd.s32 s0, s3;
	s0 =	sld [smem:$0x3FA8]  }
0x30: {  	s3 =	sld [smem:$0x3FAB]  }
0x31: {  	[smem:$0x3FB4] =	sst s10  }
0x32: {  	s10 =	sld [smem:$0x3FB2];
	_ =	sdelay $0x3  }
0x33: {  	p0 =	seq.s32 s10, $0x1;
	s10 =	sld [smem:$0x3FB4];
	_ =	sdelay $0x3  }
0x34: {  	[smem:$0x3FB4] =	sst s10  }
0x35: {  	s10 =	sld [smem:$0x3FB3];
	_ =	sdelay $0x3  }
0x36: {  	p1 =	seq.s32 s10, $0x1;
	s10 =	sld [smem:$0x3FB4];
	_ =	sdelay $0x3  }
0x37: {  	[smem:$0x3FB4] =	sst s10  }
0x38: {  	s10 =	sld [smem:$0x3FB5]  }
0x39: {  	_ = 	snop;
	(pc) =	sbr.ind lr, $3  }
0x3a: {  	_ = 	snop  }
0x3b: {  	_ = 	snop  }
0x3c: {  	p2 =	seq.s32 s10, $0x1;
	s10 =	sld [smem:$0x3FB4]  }
0x3d: {  	_ =	shalt  }
0x3e: {  	_ =	shalt  }
0x3f: {  	_ =	shalt  }
0x40: {  	_ =	shalt  }
0x41: {  	_ =	shalt  }
0x42: {  	_ =	shalt  }
0x43: {  	_ =	shalt  }
0x44: {  	_ =	shalt  }
0x45: {  	_ =	shalt  }
0x46: {  	_ =	shalt  }
0x47: {  	_ =	shalt  }
0x48: {  	_ =	shalt  }
0x49: {  	_ =	shalt  }
0x4a: {  	_ =	shalt  }
0x4b: {  	_ =	shalt  }
0x4c: {  	_ =	shalt  }
0x4d: {  	_ =	shalt  }
0x4e: {  	_ =	shalt  }
0x4f: {  	_ =	shalt  }
0x50: {  	_ =	shalt  }
0x51: {  	_ =	shalt  }
0x52: {  	_ =	shalt  }
0x53: {  	_ =	shalt  }
0x54: {  	_ =	shalt  }
0x55: {  	_ =	shalt  }
0x56: {  	_ =	shalt  }
0x57: {  	_ =	shalt  }
0x58: {  	_ =	shalt  }
0x59: {  	_ =	shalt  }
0x5a: {  	_ =	shalt  }
0x5b: {  	_ =	shalt  }
0x5c: {  	_ =	shalt  }
0x5d: {  	_ =	shalt  }
0x5e: {  	_ =	shalt  }
0x5f: {  	_ =	shalt  }
0x60: {  	_ =	shalt  }
0x61: {  	_ =	shalt  }
0x62: {  	_ =	shalt  }
0x63: {  	_ =	shalt  }
0x64: {  	_ =	shalt  }
0x65: {  	_ =	shalt  }
0x66: {  	_ =	shalt  }
0x67: {  	_ =	shalt  }
0x68: {  	_ =	shalt  }
0x69: {  	_ =	shalt  }
0x6a: {  	_ =	shalt  }
0x6b: {  	_ =	shalt  }
0x6c: {  	_ =	shalt  }
0x6d: {  	_ =	shalt  }
0x6e: {  	_ =	shalt  }
0x6f: {  	_ =	shalt  }
0x70: {  	_ =	shalt  }
0x71: {  	_ =	shalt  }
0x72: {  	_ =	shalt  }
0x73: {  	_ =	shalt  }
0x74: {  	_ =	shalt  }
0x75: {  	_ =	shalt  }
0x76: {  	_ =	shalt  }
0x77: {  	_ =	shalt  }
0x78: {  	_ =	shalt  }
0x79: {  	_ =	shalt  }
0x7a: {  	_ =	shalt  }
0x7b: {  	_ =	shalt  }
0x7c: {  	_ =	shalt  }
0x7d: {  	_ =	shalt  }
0x7e: {  	_ =	shalt  }
0x7f: {  	_ =	shalt  }
0x80: {  	_ =	shalt  }
0x81: {  	_ =	shalt  }
0x82: {  	_ =	shalt  }
0x83: {  	_ =	shalt  }
0x84: {  	_ =	shalt  }
0x85: {  	_ =	shalt  }
0x86: {  	_ =	shalt  }
0x87: {  	_ =	shalt  }
.Lfunc_end0:
.L_simem_size_0:
called_computation_lowered:
.L_overlay_start_0:
0x88: {  	s2 =	sld [smem:$0x3FD9]  }
0x89: {  	s3 =	sld [smem:$0x3FFE];
	_ =	sdelay $0x1  }
0x8a: {  	s1 =	srdreg.scid  }
0x8b: {  	s0 =	sand.u32 $0x1, s1  }
0x8c: {  	s17 =	sshll.u32 s0, $0xA;
	s2 =	sadd.s32 s3, s2  }
0x8d: {  	s2 =	sadd.s32 s2, s17  }
0x8e: {  	[smem:$0x3FC0] =	sst s2  }
0x8f: {  	_ = 	snop  }
0x90: {  	s2 =	sld [smem:$0x3FC9];
	(tm) =	ssettm $0x1  }
0x91: {  	s18 =	sld [smem:$0x3FFB];
	_ =	sdelay $0x3  }
0x92: {  	_ =	strace s18  }
0x93: {  	s3 =	sld [smem:$0x3FFC];
	_ =	sdelay $0x3  }
0x94: {  	_ =	strace s3  }
0x95: {  	s3 =	sld [smem:$0x3FFD];
	_ =	sdelay $0x3  }
0x96: {  	_ =	strace s3  }
0x97: {  	_ =	strace $0x8FFFFFFF  }
0x98: {  	s19 =	sld [smem:$0x3FDB];
	_ =	sdelay $0x1  }
0x99: {  	s4 =	simm.s32 $_scs_section_size  }
0x9a: {  	s5 =	simm.s32 $_size__tile_overlayer_lowered;
	s6 =	simm.s32 $_tile_overlayer_lowered  }
0x9b: {  	s22 =	simm.s32 $0x1BFF;
	s21 =	sshll.u32 s6, $0x1;
	s3 =	sadd.s32 s4, s19  }
0x9c: {  	s7 =	simm.s32 $0x0;
	s20 =	sshll.u32 s5, $0x1;
	s5 =	sadd.s32 s21, s3  }
0x9d: {  	[timem:s7], [sflag:s22] =	dma.local [hbm:s5], s20  }
0x9e: {  	_ =	swait.ge [sflag:s22], s20  }
0x9f: {  	s4 =	ssub.s32 $0x0, s20;
	[sflag:s22] =	ssyncset.done $0x0  }
0xa0: {  	[sflag:s22] =	ssyncadd.s32 s4;
	_ =	sdelay $0x1  }
0xa1: {  	s23 =	simm.s32 $0x1B8B  }
0xa2: {  	_ =	swait.ge [sflag:s23], $0x1  }
0xa3: {  	[sflag:s23] =	ssyncset.done $0x0  }
0xa4: {  	s25 =	simm.s32 $0x1B8E;
	s24 =	sld [smem:$0x3FFE];
	[sflag:s23] =	ssyncadd.s32 $0xFFFFFFFF  }
0xa5: {  	s26 =	simm.s32 $execute0_lowered;
	[smem:$0x3FD2] =	sst s25  }
0xa6: {  	s5 =	sshll.u32 s26, $0x1;
	_ =	strace $0x80000046;
	[dreg:$0x1] =	wrdreg $0xFFFFFFFF  }
0xa7: {  	s28 =	simm.s32 $_size_execute0_lowered;
	s3 =	sadd.s32 s3, s5;
	[dreg:$0x0] =	wrdreg $0x0  }
0xa8: {  	s5 =	sshll.u32 s28, $0x1;
	[dreg:$0x2] =	wrdreg s3  }
0xa9: {  	[dreg:$0x3] =	wrdreg s5  }
0xaa: {  	[dreg:$0x4] =	wrdreg $0xC0  }
0xab: {  	_ =	task [dreg:s7], $0x5FFFF  }
0xac: {  	[dreg:$0x1] =	wrdreg $0xFFFFFFFF  }
0xad: {  	[dreg:$0x0] =	wrdreg $0x60  }
0xae: {  	[dreg:$0x2] =	wrdreg s2  }
0xaf: {  	[dreg:$0x3] =	wrdreg s24  }
0xb0: {  	[dreg:$0x4] =	wrdreg $0x9  }
0xb1: {  	_ =	task.clear_ibuf [dreg:s7], $0x5FFFF;
	_ =	strace $0x90000046  }
0xb2: {  	s29 =	simm.s32 $0x9;
	_ =	strace $0x80000048  }
0xb3: {  	_ =	swait.ge [sflag:s29], $0x1  }
0xb4: {  	[sflag:s29] =	ssyncadd.s32 $0xFFFFFFFF  }
0xb5: {  	_ =	strace $0x90000048  }
0xb6: {  	_ =	sfence  }
0xb7: {  	s30 =	sld [smem:$0x0];
	_ =	sdelay $0x2  }
0xb8: {  	s31 =	sshll.u32 s1, $0xD;
	s1 =	sshrl.u32 s1, $0x2  }
0xb9: {  	s3 =	sand.u32 $0x4000, s31;
	s1 =	sadd.s32 s1, s30  }
0xba: {  	s0 =	sor.u32 s3, s0;
	s1 =	sshll.u32 s1, $0x11  }
0xbb: {  	s0 =	sor.u32 s1, s0  }
0xbc: {  	s0 =	sadd.s32 $0x8F2B, s0  }
0xbd: {  	[sflag:s0] =	ssyncadd.remote.s32 $0x1  }
0xbe: {  	_ =	sfence.sel $0xFFFF  }
0xbf: {  	[dreg:$0x0] =	wrdreg $0xFFFFFFFF;
	(pc) =	sbr.abs _section_cstart, $3  }
0xc0: {  	[dreg:$0x1] =	wrdreg $0xFFFFFFFF  }
0xc1: {  	_ =	task.clear_ibuf [dreg:s7], $0x2FFFF;
	_ =	strace $0x9FFFFFFF  }
0xc2: {  	(tm) =	ssettm $0x7FFFFFFF  }
0xc3: {  	_ =	shalt  }
tec
execute0_lowered:
.L_overlay_start_1:
0x0: {  	(tag) =	ssettag $0x1  }
0x1: {  	s1 =	srdreg.scid;
	s2 =	rddreg [dreg:$0x0]  }
0x2: {  	s0 =	stileid.u32;
	s5 =	rddreg [dreg:$0x1];
	s6 =	simm.s32 $0x1  }
0x3: {  	s9 =	simm.s32 $0x1;
	s10 =	simm.s32 $0x3;
	s1 =	sshll.u32 s1, $0x8  }
0x4: {  	s13 =	simm.s32 $0x0;
	s3 =	sshll.u32 s0, $0x9;
	s4 =	sand.u32 $0x100, s1  }
0x5: {  	s12 =	simm.s32 $0x0;
	s1 =	rddreg [dreg:$0x2];
	s3 =	sor.u32 s3, s4  }
0x6: {  	_ =	strace $0x80000047;
	s4 =	sadd.s32 $0x1200, s5;
	s8 =	ssub.s32 $0x4000, s3  }
.Ltmp0:
0x7: {  	s5 =	sadd.s32 $0x1A00, s5;
	s7 =	sand.u32 $0x1F00, s8;
	(pc) =	sbr.rel .LBB2_1-.Ltmp0, $4  }
0x8: {  	[sflag:s6] =	ssyncpa.u1 $0x0;
	s11 =	smov.u32 s3;
	p0 =	sne.s32 s7, $0x0  }
0x9: {  	s8 =	sshrl.u32 s8, $0xD;
	s7 =	simm.s32 $0x2;
	s9 =	simm.s32 @!p0 $0x0  }
0xa: {  	[sflag:s7] =	ssyncpa.u1 $0x0;
	p0 =	por $0x0, $0x0;
	s8 =	sadd.s32 s9, s8  }
0xb: {  	vm0 =	vmmov $0xffff;
	[sflag:s10] =	ssyncpa.u1 $0x0;
	s10 =	simm.s32 $0x0;
	s9 =	sadd.s32 $0x1, s8  }
.LBB2_4:
0xc: {  	v2 =	vnsel vm1, $0x0, v2  }
0xd: {  	vm1 =	vgt.s32 v0, $0x0;
	v2 =	vmin.u32 v2, $0x3FFF  }
0xe: {  	v0 =	vnsel vm1, $0x0, v0  }
0xf: {  	v0 =	vmin.u32 v0, $0x3FFF  }
0x10: {  	[tilespmem:s15], [sflag:$0x1] =	stream.indirect_vreg.gather [hbm4b:s2+s10], $0x1, v1, vm0, $0x4038;
	[tilespmem:$0x400] =	vst v63  }
0x11: {  	(ifvalue) =	ssetifvalue $0x7FFFFFFF  }
0x12: {  	[tilespmem:s16], [sflag:$0x1] =	stream.indirect_vreg.gather [hbm4b:s2+s10], $0x1, v2, vm0, $0x4038;
	[tilespmem:$0x400] =	vst v63  }
0x13: {  	s29 =	sadd.s32 $0x10, s16;
	(ifvalue) =	ssetifvalue $0x7FFFFFFF  }
0x14: {  	[tilespmem:s29], [sflag:$0x1] =	stream.indirect_vreg.gather [hbm4b:s2+s10], $0x1, v0, vm0, $0x4038;
	[tilespmem:$0x400] =	vst v63  }
0x15: {  	_ =	swait.ge [sflag:s6], $0x100  }
0x16: {  	s30 =	sshrl.u32 s13, $0x3;
	[sflag:s6] =	ssyncset.done $0x0  }
0x17: {  	s31 =	sand.u32 $0x7, s13;
	s15 =	sadd.s32 s5, s30;
	[sflag:s6] =	ssyncadd.s32 $0xFFFFFF00  }
0x18: {  	[hbm4b:s15+s31] =	stream.linear.scatter [tilespmem:s14], [sflag:$0x3], $0x100, $0x38;
	[tilespmem:$0x400] =	vst v63  }
.LBB2_5:
0x19: {  	s15 =	sadd.s32 $0x2000, s11  }
0x1a: {  	p2 =	sgt.s32 s15, $0x3FFF  }
0x1b: {  	s15 =	smov.u32 @p2 s3;
	p2 =	sne.s32 s12, s9  }
.Ltmp1:
0x1c: {  	p1 =	slt.u32 s12, $0x2;
	(pc) =	sbr.rel @!p2 .LBB2_6-.Ltmp1, $4  }
0x1d: {  	s14 =	simm.s32 @!p1 $0x3  }
0x1e: {  	s16 =	sadd.s32 $0x1, s12;
	_ =	swait.ge @!p1 [sflag:s14], $0x100  }
0x1f: {  	s13 =	smov.u32 s11;
	p0 =	por !p0, !p0;
	[sflag:s14] =	ssyncset.done @!p1 $0x0  }
0x20: {  	s12 =	smov.u32 s16;
	s11 =	smov.u32 s15;
	[sflag:s14] =	ssyncadd.s32 @!p1 $0xFFFFFF00  }
.LBB2_1:
0x21: {  	p1 =	sge.u32 s12, s8  }
0x22: {  	s14 =	sxor.u32 @!p1 $0xFFFFFFFF, s12  }
0x23: {  	s31 =	sadd.s32 $0xFFFFFFFF, s12;
	s15 =	sshrl.u32 @!p1 s11, $0x3;
	s14 =	sshll.u32 @!p1 s14, $0x8  }
0x24: {  	s16 =	sand.u32 @!p1 $0x7, s11;
	s15 =	sadd.s32 @!p1 s4, s15;
	s14 =	sand.u32 @!p1 $0x100, s14  }
0x25: {  	[tilespmem:s14], [sflag:$0x2] =	stream.linear.gather @!p1 [hbm4b:s15+s16], $0x100, $0x38;
	[tilespmem:$0x400] =	vst v63  }
0x26: {  	p1 =	sge.u32 s31, s8  }
.Ltmp2:
0x27: {  	_ = 	snop;
	(pc) =	sbr.rel @p1 .LBB2_5-.Ltmp2, $1  }
0x28: {  	_ =	sdelay $0x3  }
0x29: {  	s14 =	simm.s32 $0x1  }
0x2a: {  	_ =	swait.ge [sflag:s7], $0x100;
	s14 =	simm.s32 @!p0 $0x0  }
0x2b: {  	[sflag:s7] =	ssyncset.done $0x0;
	s14 =	sshll.u32 s14, $0x8  }
0x2c: {  	[sflag:s7] =	ssyncadd.s32 $0xFFFFFF00;
	(ifvalue) =	ssetifvalue $0x7FFFFFFF;
	v0 =	vld.msk [tilespmem:s14+$0x0 ss:$0x1], $0xffff;
	_ =	sdelay $0x4  }
0x2d: {  	s15 =	sadd.s32 $0x10, s14;
	vm1 =	vgt.s32 v0, $0x0  }
0x2e: {  	v2 =	vld.msk [tilespmem:s15+$0x0 ss:$0x1], $0xffff;
	v1 =	vnsel vm1, $0x0, v0  }
0x2f: {  	v1 =	vmin.u32 v1, $0x3FFF;
	_ =	sdelay $0x1  }
0x30: {  	s16 =	sshll.u32 s12, $0x8;
	s18 =	simm.s32 $0x20  }
0x31: {  	s16 =	sand.u32 $0x100, s16;
	s17 =	sadd.s32 $0x10, s15;
	s15 =	sor.u32 $0x200, s14  }
0x32: {  	s14 =	sor.u32 $0x200, s16;
	s16 =	sadd.s32 $0x10, s15;
	v0 =	vld.msk [tilespmem:s17+$0x0 ss:$0x1], $0xffff;
	vm1 =	vgt.s32 v2, $0x0;
	(ifvalue) =	ssetifvalue $0x7FFFFFFF  }
.LBB2_3:
0x33: {  	[tilespmem:s15], [sflag:$0x1] =	stream.indirect_vreg.gather [hbm4b:s2+s10], $0x1, v1, vm0, $0x4038;
	[tilespmem:$0x400] =	vst v63  }
0x34: {  	s18 =	sadd.s32 $0x10, s18  }
0x35: {  	v2 =	vnsel vm1, $0x0, v2;
	p1 =	slt.u32 s18, $0xF0  }
.Ltmp3:
0x36: {  	s15 =	smov.u32 s16;
	v1 =	vmin.u32 v2, $0x3FFF;
	(pc) =	sbr.rel @p1 .LBB2_3-.Ltmp3, $3  }
0x37: {  	_ =	sdelay $0x1  }
0x38: {  	s17 =	sadd.s32 $0x10, s17  }
0x39: {  	vm1 =	vgt.s32 v0, $0x0;
	s16 =	sadd.s32 $0x10, s16;
	v2 =	vmov v0;
	(ifvalue) =	ssetifvalue $0x7FFFFFFF;
	v0 =	vld.msk [tilespmem:s17+$0x0 ss:$0x1], $0xffff  }
.Ltmp4:
0x3a: {  	_ = 	snop;
	(pc) =	sbr.rel .LBB2_4-.Ltmp4, $1  }
0x3b: {  	_ =	sdelay $0x3  }
.LBB2_6:
0x3c: {  	_ =	sfence.sel $0x180000  }
0x3d: {  	s2 =	simm.s32 $0x2;
	[bflag:$0x0] =	sbarrier.arrive $0xFFFF  }
0x3e: {  	s30 =	simm.s32 $0x3;
	[sflag:s2] =	ssyncpa.u1 $0x1  }
0x3f: {  	s31 =	simm.s32 $0x1;
	[sflag:s30] =	ssyncpa.u1 $0x1  }
0x40: {  	[sflag:s31] =	ssyncpa.u1 $0x1  }
0x41: {  	p0 =	sne.s32 s0, $0x0;
	_ =	strace $0x90000047  }
0x42: {  	s0 =	sadd.s32 @!p0 $0x100000, s1;
	[bflag:$0x2] =	sbarrier.arrive $0xFFFF  }
0x43: {  	[sflag:s0] =	ssyncadd.tile.s32 @!p0 $0x1;
	_ =	shalt  }
.Lfunc_end2:
_tile_overlayer_lowered:
.L_overlay_start_2:
0x44: {  	(tag) =	ssettag $0x2  }
0x45: {  	s0 =	rddreg [dreg:$0x0];
	s2 =	stileid.u32  }
0x46: {  	s1 =	rddreg [dreg:$0x1];
	p0 =	sne.s32 s2, $0x0  }
0x47: {  	s3 =	rddreg [dreg:$0x2];
	[bflag:$0x3] =	sbarrier.arrive $0xFFFF;
	s2 =	simm.s32 @!p0 $0x1C01  }
0x48: {  	[timem:s3], [sflag:s2] =	dma.local @!p0 [hbm:s0], s1  }
0x49: {  	s0 =	simm.s32 @!p0 $0x1  }
0x4a: {  	_ =	swait.ge @!p0 [sflag:s0], s1  }
0x4b: {  	s1 =	ssub.s32 @!p0 $0x0, s1;
	[sflag:s0] =	ssyncset.done @!p0 $0x0  }
0x4c: {  	[sflag:s0] =	ssyncadd.s32 @!p0 s1  }
0x4d: {  	[bflag:$0x3] =	sbarrier.arrive $0xFFFF  }
0x4e: {  	_ =	shalt  }

// kernel: kernel.4.cloned.1.call-start
scs
__scs_entry_jumppad:
0x0: {  	(pc) =	sbr.rel $0x88, $3  }
0x1: {  	(tag) =	ssettag $0x0;
	lr =	simm.s32 $0x1  }
0x2: {  	[smem:$0x3F99] =	sst lr;
	_ =	strace $0xD0000000  }
0x3: {  	_ = 	snop  }
0x4: {  	_ = 	snop  }
0x5: {  	_ = 	snop  }
0x6: {  	_ = 	snop  }
0x7: {  	_ = 	snop  }
__scs_overlays_trampoline_lowered:
0x8: {  	[smem:$0x3FA8] =	sst s0  }
0x9: {  	[smem:$0x3FA9] =	sst s1  }
0xa: {  	[smem:$0x3FAA] =	sst s2  }
0xb: {  	[smem:$0x3FAB] =	sst s3  }
0xc: {  	[smem:$0x3FAC] =	sst s4  }
0xd: {  	[smem:$0x3FAD] =	sst s5  }
0xe: {  	[smem:$0x3FAE] =	sst s6  }
0xf: {  	[smem:$0x3FAF] =	sst s7  }
0x10: {  	[smem:$0x3FB0] =	sst s8  }
0x11: {  	[smem:$0x3FB1] =	sst s9;
	s0 =	simm.s32 @!p0 $0x0  }
0x12: {  	s1 =	sld [smem:$0x3F97];
	s0 =	simm.s32 @p0 $0x1  }
0x13: {  	[smem:$0x3FB2] =	sst s0;
	s0 =	simm.s32 @!p1 $0x0  }
0x14: {  	s2 =	sld [smem:$0x3F96];
	s0 =	simm.s32 @p1 $0x1  }
0x15: {  	[smem:$0x3FB3] =	sst s0;
	s0 =	simm.s32 @!p2 $0x0  }
0x16: {  	s3 =	sld [smem:$0x3FDB];
	s0 =	simm.s32 @p2 $0x1  }
0x17: {  	s4 =	simm.s32 $0x1BF5;
	[smem:$0x3FB5] =	sst s0  }
0x18: {  	s0 =	sld [smem:$0x3F98];
	_ =	swait.ge [sflag:s4], $0x0  }
0x19: {  	s7 =	sld [smem:$0x3F99]  }
0x1a: {  	s8 =	sadd.s32 $0xFFFFE003, lr  }
0x1b: {  	s9 =	sadd.s32 $0xFFFFFEF7, lr;
	s5 =	simm.s32 $0xFFFFFFFF;
	p2 =	slt.u32 s8, $0xFFFFF086  }
0x1c: {  	p1 =	slt.u32 s9, $0xF7A;
	s5 =	simm.s32 @!p2 $0x0  }
0x1d: {  	s5 =	simm.s32 @p1 $0x1;
	p0 =	seq.s32 s7, s2  }
0x1e: {  	s7 =	smul.u32 @!p0 $0xF7A, s2;
	p2 =	seq.s32 @!p0 s5, $0x0  }
0x1f: {  	s9 =	smul.u32 $0xF7A, s1;
	s8 =	simm.s32 @!p0 $0x1BF5;
	p2 =	por !p2, p0  }
0x20: {  	[sflag:s8] =	ssyncset.s32 @!p0 $0xFFFFF086;
	s6 =	sadd.s32 @!p0 s3, s7;
	s7 =	simm.s32 @!p0 $0x108  }
0x21: {  	s3 =	sadd.s32 s3, s9;
	s6 =	sadd.s32 @!p0 $0x88, s6;
	s7 =	simm.s32 @p2 $0x1082  }
0x22: {  	[simem:s7], [sflag:s8] =	dma.local @!p0 [hbm:s6], $0xF7A  }
0x23: {  	s9 =	sor.u32 $0xD0000000, s2;
	s6 =	simm.s32 $0x108;
	_ =	swait.ge @!p0 [sflag:s8], $0x0  }
0x24: {  	s3 =	sadd.s32 $0x88, s3;
	s6 =	simm.s32 @!p1 $0x1082;
	[sflag:s4] =	ssyncset.s32 $0xFFFFF086  }
0x25: {  	[simem:s6], [sflag:s4] =	dma.local [hbm:s3], $0xF7A  }
0x26: {  	[smem:$0x3F99] =	sst s1;
	(tag) =	ssettag s2;
	_ =	strace s9  }
0x27: {  	s1 =	sld [smem:$0x3FA9]  }
0x28: {  	s2 =	sld [smem:$0x3FAA]  }
0x29: {  	s4 =	sld [smem:$0x3FAC]  }
0x2a: {  	p0 =	seq.s32 s5, $0x0;
	s5 =	sld [smem:$0x3FAD]  }
0x2b: {  	s6 =	sld [smem:$0x3FAE]  }
0x2c: {  	s7 =	sld [smem:$0x3FAF]  }
0x2d: {  	s3 =	simm.s32 $0x108;
	s8 =	sld [smem:$0x3FB0]  }
0x2e: {  	s3 =	simm.s32 @!p0 $0x1082;
	s9 =	sld [smem:$0x3FB1]  }
0x2f: {  	lr =	sadd.s32 s0, s3;
	s0 =	sld [smem:$0x3FA8]  }
0x30: {  	s3 =	sld [smem:$0x3FAB]  }
0x31: {  	[smem:$0x3FB4] =	sst s10  }
0x32: {  	s10 =	sld [smem:$0x3FB2];
	_ =	sdelay $0x3  }
0x33: {  	p0 =	seq.s32 s10, $0x1;
	s10 =	sld [smem:$0x3FB4];
	_ =	sdelay $0x3  }
0x34: {  	[smem:$0x3FB4] =	sst s10  }
0x35: {  	s10 =	sld [smem:$0x3FB3];
	_ =	sdelay $0x3  }
0x36: {  	p1 =	seq.s32 s10, $0x1;
	s10 =	sld [smem:$0x3FB4];
	_ =	sdelay $0x3  }
0x37: {  	[smem:$0x3FB4] =	sst s10  }
0x38: {  	s10 =	sld [smem:$0x3FB5]  }
0x39: {  	_ = 	snop;
	(pc) =	sbr.ind lr, $3  }
0x3a: {  	_ = 	snop  }
0x3b: {  	_ = 	snop  }
0x3c: {  	p2 =	seq.s32 s10, $0x1;
	s10 =	sld [smem:$0x3FB4]  }
0x3d: {  	_ =	shalt  }
0x3e: {  	_ =	shalt  }
0x3f: {  	_ =	shalt  }
0x40: {  	_ =	shalt  }
0x41: {  	_ =	shalt  }
0x42: {  	_ =	shalt  }
0x43: {  	_ =	shalt  }
0x44: {  	_ =	shalt  }
0x45: {  	_ =	shalt  }
0x46: {  	_ =	shalt  }
0x47: {  	_ =	shalt  }
0x48: {  	_ =	shalt  }
0x49: {  	_ =	shalt  }
0x4a: {  	_ =	shalt  }
0x4b: {  	_ =	shalt  }
0x4c: {  	_ =	shalt  }
0x4d: {  	_ =	shalt  }
0x4e: {  	_ =	shalt  }
0x4f: {  	_ =	shalt  }
0x50: {  	_ =	shalt  }
0x51: {  	_ =	shalt  }
0x52: {  	_ =	shalt  }
0x53: {  	_ =	shalt  }
0x54: {  	_ =	shalt  }
0x55: {  	_ =	shalt  }
0x56: {  	_ =	shalt  }
0x57: {  	_ =	shalt  }
0x58: {  	_ =	shalt  }
0x59: {  	_ =	shalt  }
0x5a: {  	_ =	shalt  }
0x5b: {  	_ =	shalt  }
0x5c: {  	_ =	shalt  }
0x5d: {  	_ =	shalt  }
0x5e: {  	_ =	shalt  }
0x5f: {  	_ =	shalt  }
0x60: {  	_ =	shalt  }
0x61: {  	_ =	shalt  }
0x62: {  	_ =	shalt  }
0x63: {  	_ =	shalt  }
0x64: {  	_ =	shalt  }
0x65: {  	_ =	shalt  }
0x66: {  	_ =	shalt  }
0x67: {  	_ =	shalt  }
0x68: {  	_ =	shalt  }
0x69: {  	_ =	shalt  }
0x6a: {  	_ =	shalt  }
0x6b: {  	_ =	shalt  }
0x6c: {  	_ =	shalt  }
0x6d: {  	_ =	shalt  }
0x6e: {  	_ =	shalt  }
0x6f: {  	_ =	shalt  }
0x70: {  	_ =	shalt  }
0x71: {  	_ =	shalt  }
0x72: {  	_ =	shalt  }
0x73: {  	_ =	shalt  }
0x74: {  	_ =	shalt  }
0x75: {  	_ =	shalt  }
0x76: {  	_ =	shalt  }
0x77: {  	_ =	shalt  }
0x78: {  	_ =	shalt  }
0x79: {  	_ =	shalt  }
0x7a: {  	_ =	shalt  }
0x7b: {  	_ =	shalt  }
0x7c: {  	_ =	shalt  }
0x7d: {  	_ =	shalt  }
0x7e: {  	_ =	shalt  }
0x7f: {  	_ =	shalt  }
0x80: {  	_ =	shalt  }
0x81: {  	_ =	shalt  }
0x82: {  	_ =	shalt  }
0x83: {  	_ =	shalt  }
0x84: {  	_ =	shalt  }
0x85: {  	_ =	shalt  }
0x86: {  	_ =	shalt  }
0x87: {  	_ =	shalt  }
.Lfunc_end0:
.L_simem_size_0:
called_computation.3_lowered:
.L_overlay_start_0:
0x88: {  	s2 =	sld [smem:$0x3FD9]  }
0x89: {  	s3 =	sld [smem:$0x3FFE];
	_ =	sdelay $0x1  }
0x8a: {  	s1 =	srdreg.scid  }
0x8b: {  	s0 =	sand.u32 $0x1, s1  }
0x8c: {  	s17 =	sshll.u32 s0, $0xA;
	s2 =	sadd.s32 s3, s2  }
0x8d: {  	s2 =	sadd.s32 s2, s17  }
0x8e: {  	[smem:$0x3FC0] =	sst s2  }
0x8f: {  	_ = 	snop  }
0x90: {  	s2 =	sld [smem:$0x3FC7]  }
0x91: {  	s18 =	sld [smem:$0x3FC6];
	(tm) =	ssettm $0x1  }
0x92: {  	s4 =	sld [smem:$0x3FFB];
	_ =	sdelay $0x3  }
0x93: {  	_ =	strace s4  }
0x94: {  	s4 =	sld [smem:$0x3FFC];
	_ =	sdelay $0x3  }
0x95: {  	_ =	strace s4  }
0x96: {  	s4 =	sld [smem:$0x3FFD];
	_ =	sdelay $0x3  }
0x97: {  	_ =	strace s4  }
0x98: {  	_ =	strace $0x8FFFFFFF  }
0x99: {  	s19 =	sld [smem:$0x3FDB];
	_ =	sdelay $0x1  }
0x9a: {  	s5 =	simm.s32 $_scs_section_size  }
0x9b: {  	s6 =	simm.s32 $_size__tile_overlayer_lowered;
	s7 =	simm.s32 $_tile_overlayer_lowered  }
0x9c: {  	s22 =	simm.s32 $0x1BFF;
	s21 =	sshll.u32 s7, $0x1;
	s4 =	sadd.s32 s5, s19  }
0x9d: {  	s8 =	simm.s32 $0x0;
	s20 =	sshll.u32 s6, $0x1;
	s6 =	sadd.s32 s21, s4  }
0x9e: {  	[timem:s8], [sflag:s22] =	dma.local [hbm:s6], s20  }
0x9f: {  	_ =	swait.ge [sflag:s22], s20  }
0xa0: {  	s5 =	ssub.s32 $0x0, s20;
	[sflag:s22] =	ssyncset.done $0x0  }
0xa1: {  	[sflag:s22] =	ssyncadd.s32 s5;
	_ =	sdelay $0x1  }
0xa2: {  	s23 =	simm.s32 $0x1B8B  }
0xa3: {  	_ =	swait.ge [sflag:s23], $0x1  }
0xa4: {  	[sflag:s23] =	ssyncset.done $0x0  }
0xa5: {  	s25 =	simm.s32 $0x1B8E;
	s24 =	sld [smem:$0x3FFE];
	[sflag:s23] =	ssyncadd.s32 $0xFFFFFFFF  }
0xa6: {  	s26 =	simm.s32 $execute0_lowered;
	[smem:$0x3FD2] =	sst s25  }
0xa7: {  	s6 =	sshll.u32 s26, $0x1;
	_ =	strace $0x8000004C;
	[dreg:$0x1] =	wrdreg $0xFFFFFFFF  }
0xa8: {  	s28 =	simm.s32 $_size_execute0_lowered;
	s4 =	sadd.s32 s4, s6;
	[dreg:$0x0] =	wrdreg $0x0  }
0xa9: {  	s6 =	sshll.u32 s28, $0x1;
	[dreg:$0x2] =	wrdreg s4  }
0xaa: {  	[dreg:$0x3] =	wrdreg s6  }
0xab: {  	[dreg:$0x4] =	wrdreg $0xC0  }
0xac: {  	_ =	task [dreg:s8], $0x5FFFF  }
0xad: {  	[dreg:$0x1] =	wrdreg $0xFFFFFFFF  }
0xae: {  	[dreg:$0x0] =	wrdreg $0x60  }
0xaf: {  	[dreg:$0x2] =	wrdreg s24  }
0xb0: {  	[dreg:$0x3] =	wrdreg s2  }
0xb1: {  	[dreg:$0x4] =	wrdreg s18  }
0xb2: {  	[dreg:$0x5] =	wrdreg $0x9  }
0xb3: {  	_ =	task.clear_ibuf [dreg:s8], $0x6FFFF;
	_ =	strace $0x9000004C  }
0xb4: {  	s29 =	simm.s32 $0x9;
	_ =	strace $0x8000004E  }
0xb5: {  	_ =	swait.ge [sflag:s29], $0x1  }
0xb6: {  	[sflag:s29] =	ssyncadd.s32 $0xFFFFFFFF  }
0xb7: {  	_ =	strace $0x9000004E  }
0xb8: {  	_ =	sfence  }
0xb9: {  	s30 =	sld [smem:$0x0];
	_ =	sdelay $0x2  }
0xba: {  	s31 =	sshll.u32 s1, $0xD;
	s1 =	sshrl.u32 s1, $0x2  }
0xbb: {  	s3 =	sand.u32 $0x4000, s31;
	s1 =	sadd.s32 s1, s30  }
0xbc: {  	s0 =	sor.u32 s3, s0;
	s1 =	sshll.u32 s1, $0x11  }
0xbd: {  	s0 =	sor.u32 s1, s0  }
0xbe: {  	s0 =	sadd.s32 $0x8F2B, s0  }
0xbf: {  	[sflag:s0] =	ssyncadd.remote.s32 $0x1  }
0xc0: {  	_ =	sfence.sel $0xFFFF  }
0xc1: {  	[dreg:$0x0] =	wrdreg $0xFFFFFFFF;
	(pc) =	sbr.abs _section_cstart, $3  }
0xc2: {  	[dreg:$0x1] =	wrdreg $0xFFFFFFFF  }
0xc3: {  	_ =	task.clear_ibuf [dreg:s8], $0x2FFFF;
	_ =	strace $0x9FFFFFFF  }
0xc4: {  	(tm) =	ssettm $0x7FFFFFFF  }
0xc5: {  	_ =	shalt  }
tec
execute0_lowered:
.L_overlay_start_1:
0x0: {  	(tag) =	ssettag $0x1  }
0x1: {  	vm0 =	vmmov $0x1  }
0x2: {  	vm1 =	vcmask $0x308;
	vm2 =	vcmask $0x70C;
	vm3 =	vcmask $0xB10  }
0x3: {  	vm4 =	vcmask $0xF14;
	vm5 =	vcmask $0x1318;
	vm6 =	vcmask $0x171C  }
0x4: {  	vm7 =	vcmask $0x1B20;
	vm8 =	vcmask $0x1F24;
	vm9 =	vcmask $0x2328  }
0x5: {  	vm10 =	vcmask $0x272C;
	vm11 =	vcmask $0x2B30;
	vm12 =	vcmask $0x2F34  }
0x6: {  	vm13 =	vcmask $0x3338;
	v0 =	vlaneseq.u32;
	v1 =	vimm.s32 $0x1380  }
0x7: {  	vm14 =	vcmask $0x300;
	vm15 =	vcmask $0x704;
	v2 =	vimm.s32 $0x3380  }
0x8: {  	v0 =	vmul.u32 $0x80, v0;
	v1 =	vsel vm14, $0x0, v1;
	v2 =	vsel vm14, $0x2000, v2  }
0x9: {  	s1 =	rddreg [dreg:$0x0];
	vm14 =	vcmask $0xB08;
	v1 =	vsel vm15, $0x80, v1;
	v2 =	vsel vm15, $0x2080, v2  }
0xa: {  	s0 =	rddreg [dreg:$0x1];
	vm15 =	vcmask $0xF0C;
	v1 =	vsel vm14, $0x100, v1;
	v2 =	vsel vm14, $0x2100, v2  }
0xb: {  	s2 =	rddreg [dreg:$0x2];
	vm14 =	vcmask $0x1310;
	v3 =	vor.u32 $0x800, v0;
	v1 =	vsel vm15, $0x180, v1  }
0xc: {  	s3 =	srdreg.scid;
	s4 =	stileid.u32;
	s6 =	simm.s32 $0x0;
	v2 =	vsel vm15, $0x2180, v2;
	vm15 =	vcmask $0x1714;
	v1 =	vsel vm14, $0x200, v1  }
0xd: {  	s12 =	simm.s32 $0x1;
	s13 =	simm.s32 $0x7A1400;
	s3 =	sand.u32 $0x1, s3;
	v2 =	vsel vm14, $0x2200, v2;
	vm14 =	vcmask $0x1B18;
	v1 =	vsel vm15, $0x280, v1  }
0xe: {  	s4 =	sshll.u32 s4, $0xA;
	s5 =	sshll.u32 s3, $0x9;
	s3 =	ssub.s32 $0x2, s3;
	v2 =	vsel vm15, $0x2280, v2;
	vm15 =	vcmask $0x1F1C;
	v1 =	vsel vm14, $0x300, v1  }
0xf: {  	s14 =	simm.s32 $0x400;
	s4 =	sor.u32 s5, s4;
	s24 =	sshrl.u32 s3, $0x1;
	v2 =	vsel vm14, $0x2300, v2;
	vm14 =	vcmask $0x2320;
	v1 =	vsel vm15, $0x380, v1  }
0x10: {  	s28 =	simm.s32 $0x4400;
	s5 =	sshrl.u32 s4, $0x3;
	s3 =	ssub.s32 s3, s24;
	v2 =	vsel vm15, $0x2380, v2;
	vm15 =	vcmask $0x2724;
	v1 =	vsel vm14, $0x1000, v1  }
0x11: {  	[smem:$0x7FF] =	sst s6;
	s5 =	sadd.s32 s5, s1;
	s30 =	smax.u32 s3, $0x1;
	v2 =	vsel vm14, $0x3000, v2;
	vm14 =	vcmask $0x2B28;
	v1 =	vsel vm15, $0x1080, v1  }
0x12: {  	_ =	strace $0x8000004D;
	s25 =	sadd.s32 $0x1A00, s5;
	[dreg:$0x8] =	wrdreg s30;
	v2 =	vsel vm15, $0x3080, v2;
	vm15 =	vcmask $0x2F2C;
	v1 =	vsel vm14, $0x1100, v1  }
0x13: {  	s1 =	sadd.s32 s4, s1;
	s26 =	sadd.s32 $0x2200, s5;
	[dreg:$0x4] =	wrdreg s25;
	v2 =	vsel vm14, $0x3100, v2;
	vm14 =	vcmask $0x2F2C;
	v1 =	vsel vm15, $0x1180, v1  }
0x14: {  	s31 =	simm.s32 $0x10400;
	s29 =	sadd.s32 $0x2A00, s1;
	[dreg:$0x5] =	wrdreg s26;
	vm15 =	vcmask $0x3330;
	v2 =	vsel vm14, $0x3180, v2;
	vm14 =	vcmask $0x3734  }
0x15: {  	s24 =	simm.s32 $0x3400;
	s1 =	sadd.s32 $0x12A00, s1;
	[dreg:$0x6] =	wrdreg s29;
	v1 =	vsel vm15, $0x1200, v1;
	v2 =	vsel vm15, $0x3200, v2;
	vm15 =	vcmask $0x3B38  }
0x16: {  	s4 =	simm.s32 $0x0;
	s5 =	simm.s32 $0x2;
	[dreg:$0x7] =	wrdreg s1;
	v1 =	vsel vm14, $0x1280, v1;
	v2 =	vsel vm14, $0x3280, v2;
	vm14 =	vcmask $0x373C  }
0x17: {  	s26 =	simm.s32 $0x1400;
	s25 =	simm.s32 $0x2400;
	s1 =	simm.s32 $0x14400;
	v1 =	vsel vm15, $0x1300, v1;
	v2 =	vsel vm15, $0x3300, v2;
	vm15 =	vmmov $0x7fff  }
.LBB2_1:
0x18: {  	[dreg:$0x9] =	wrdreg s4  }
0x19: {  	s3 =	simm.s32 $0x0;
	s29 =	rddreg [dreg:$0x4]  }
0x1a: {  	[tilespmem:s3], [sflag:$0x2] =	stream.linear.gather [hbm4b:s29+s3], $0x200, $0x38;
	[tilespmem:$0x18400] =	vst v63  }
0x1b: {  	_ =	swait.ge [sflag:s5], $0x200  }
0x1c: {  	[sflag:s5] =	ssyncset.done $0x0  }
0x1d: {  	s6 =	simm.s32 $0x200;
	s30 =	rddreg [dreg:$0x5];
	[sflag:s5] =	ssyncadd.s32 $0xFFFFFE00  }
0x1e: {  	[tilespmem:s6], [sflag:$0x2] =	stream.linear.gather [hbm4b:s30+s3], $0x200, $0x38;
	[tilespmem:$0x18400] =	vst v63  }
0x1f: {  	_ =	swait.ge [sflag:s5], $0x200  }
0x20: {  	s7 =	simm.s32 $0xF;
	[sflag:s5] =	ssyncset.done $0x0  }
0x21: {  	s6 =	simm.s32 $0x0;
	[sflag:s5] =	ssyncadd.s32 $0xFFFFFE00;
	s5 =	simm.s32 $0xF  }
.LBB2_2:
0x22: {  	v4 =	vld [tilespmem:s6+$0x0];
	_ =	sdelay $0x4  }
0x23: {  	v5 =	vnsel vm0, $0x0, v4  }
0x24: {  	(xrf0) =	vadd.scan.msk.s32 $0xffff, v5;
	_ =	sdelay $0x5  }
0x25: {  	v5, _, _ =	vpop (xrf0)  }
0x26: {  	(v2sf) =	vpush v5, $0xF;
	_ =	sdelay $0x2  }
0x27: {  	v5 =	vsel vm1, $0x0, v4  }
0x28: {  	(xrf0) =	vadd.scan.msk.s32 $0xffff, v5;
	_ =	sdelay $0x5  }
0x29: {  	v5, _, _ =	vpop (xrf0)  }
0x2a: {  	(v2sf) =	vpush v5, $0xF;
	_ =	sdelay $0x3  }
0x2b: {  	s8 =	spop (v2sf)  }
0x2c: {  	s3 =	sshra.s32 s8, $0x1F  }
0x2d: {  	s3 =	sshrl.u32 s3, $0x19  }
0x2e: {  	v5 =	vsel vm2, $0x0, v4;
	s3 =	sadd.s32 s3, s8  }
0x2f: {  	(xrf0) =	vadd.scan.msk.s32 $0xffff, v5;
	s4 =	sand.u32 $0xFFFFFF80, s3  }
0x30: {  	p0 =	slt.s32 s8, $0x1;
	p1 =	sne.s32 s8, s4  }
0x31: {  	p0 =	por !p0, !p1  }
0x32: {  	s4 =	simm.s32 $0x1;
	p0 =	por !p0, !p0  }
0x33: {  	s3 =	sshrl.u32 s3, $0x7;
	s4 =	simm.s32 @!p0 $0x0  }
0x34: {  	s3 =	ssub.s32 s3, s4  }
0x35: {  	v5, _, _ =	vpop (xrf0);
	s3 =	sshll.u32 s3, $0x7  }
0x36: {  	(v2sf) =	vpush v5, $0xF;
	s9 =	spop (v2sf);
	s3 =	sand.u32 $0x1FFFFF80, s3  }
0x37: {  	s11 =	sshra.s32 s9, $0x1F;
	s3 =	sadd.s32 s0, s3  }
0x38: {  	[tilespmem:s14], [sflag:$0x1] =	stream.strided.gather [hbm4b:s3+s14], $0x1000, s13, s14, $0x38;
	[tilespmem:$0x18400] =	vst v63  }
0x39: {  	s3 =	sshrl.u32 s11, $0x19  }
0x3a: {  	v5 =	vsel vm3, $0x0, v4;
	s3 =	sadd.s32 s3, s9  }
0x3b: {  	(xrf0) =	vadd.scan.msk.s32 $0xffff, v5;
	s15 =	sand.u32 $0xFFFFFF80, s3  }
0x3c: {  	p1 =	slt.s32 s9, $0x1;
	p2 =	sne.s32 s9, s15  }
0x3d: {  	p0 =	por !p1, !p2  }
0x3e: {  	s4 =	simm.s32 $0x1;
	p0 =	por !p0, !p0  }
0x3f: {  	s3 =	sshrl.u32 s3, $0x7;
	s4 =	simm.s32 @!p0 $0x0  }
0x40: {  	s3 =	ssub.s32 s3, s4  }
0x41: {  	v5, _, _ =	vpop (xrf0);
	s3 =	sshll.u32 s3, $0x7  }
0x42: {  	(v2sf) =	vpush v5, $0xF;
	s3 =	sand.u32 $0x1FFFFF80, s3  }
0x43: {  	s3 =	sadd.s32 s0, s3  }
0x44: {  	[tilespmem:s26], [sflag:$0x1] =	stream.strided.gather [hbm4b:s3+s14], $0x1000, s13, s14, $0x38;
	[tilespmem:$0x18400] =	vst v63  }
0x45: {  	s3 =	spop (v2sf)  }
0x46: {  	v5 =	vsel vm4, $0x0, v4;
	s16 =	sshra.s32 s3, $0x1F  }
0x47: {  	(xrf0) =	vadd.scan.msk.s32 $0xffff, v5;
	s4 =	sshrl.u32 s16, $0x19  }
0x48: {  	s4 =	sadd.s32 s4, s3  }
0x49: {  	s10 =	sand.u32 $0xFFFFFF80, s4  }
0x4a: {  	p3 =	slt.s32 s3, $0x1;
	p4 =	sne.s32 s3, s10  }
0x4b: {  	p0 =	por !p3, !p4  }
0x4c: {  	s10 =	simm.s32 $0x1;
	p0 =	por !p0, !p0  }
0x4d: {  	v5, _, _ =	vpop (xrf0);
	s4 =	sshrl.u32 s4, $0x7;
	s10 =	simm.s32 @!p0 $0x0  }
0x4e: {  	(v2sf) =	vpush v5, $0xF;
	s4 =	ssub.s32 s4, s10  }
0x4f: {  	s4 =	sshll.u32 s4, $0x7  }
0x50: {  	s4 =	sand.u32 $0x1FFFFF80, s4  }
0x51: {  	s11 =	spop (v2sf);
	s4 =	sadd.s32 s0, s4  }
0x52: {  	[tilespmem:s25], [sflag:$0x1] =	stream.strided.gather [hbm4b:s4+s14], $0x1000, s13, s14, $0x38;
	[tilespmem:$0x18400] =	vst v63  }
0x53: {  	s25 =	sshra.s32 s11, $0x1F  }
0x54: {  	s4 =	sshrl.u32 s25, $0x19  }
0x55: {  	v5 =	vsel vm5, $0x0, v4;
	s4 =	sadd.s32 s4, s11  }
0x56: {  	(xrf0) =	vadd.scan.msk.s32 $0xffff, v5;
	s26 =	sand.u32 $0xFFFFFF80, s4  }
0x57: {  	p5 =	slt.s32 s11, $0x1;
	p6 =	sne.s32 s11, s26  }
0x58: {  	p0 =	por !p5, !p6  }
0x59: {  	s10 =	simm.s32 $0x1;
	p0 =	por !p0, !p0  }
0x5a: {  	s4 =	sshrl.u32 s4, $0x7;
	s10 =	simm.s32 @!p0 $0x0  }
0x5b: {  	s4 =	ssub.s32 s4, s10  }
0x5c: {  	v5, _, _ =	vpop (xrf0);
	s4 =	sshll.u32 s4, $0x7  }
0x5d: {  	(v2sf) =	vpush v5, $0xF;
	s10 =	spop (v2sf);
	s4 =	sand.u32 $0x1FFFFF80, s4  }
0x5e: {  	s15 =	sshra.s32 s10, $0x1F;
	s4 =	sadd.s32 s0, s4  }
0x5f: {  	[tilespmem:s24], [sflag:$0x1] =	stream.strided.gather [hbm4b:s4+s14], $0x1000, s13, s14, $0x38;
	[tilespmem:$0x18400] =	vst v63  }
0x60: {  	s4 =	sshrl.u32 s15, $0x19  }
0x61: {  	s4 =	sadd.s32 s4, s10  }
0x62: {  	s15 =	sand.u32 $0xFFFFFF80, s4  }
0x63: {  	v5 =	vsel vm6, $0x0, v4;
	p1 =	slt.s32 s10, $0x1;
	p2 =	sne.s32 s10, s15  }
0x64: {  	(xrf0) =	vadd.scan.msk.s32 $0xffff, v5;
	p0 =	por !p1, !p2  }
0x65: {  	s15 =	simm.s32 $0x1;
	p0 =	por !p0, !p0  }
0x66: {  	s4 =	sshrl.u32 s4, $0x7;
	s15 =	simm.s32 @!p0 $0x0  }
0x67: {  	s4 =	ssub.s32 s4, s15  }
0x68: {  	s4 =	sshll.u32 s4, $0x7  }
0x69: {  	s4 =	sand.u32 $0x1FFFFF80, s4  }
0x6a: {  	v5, _, _ =	vpop (xrf0);
	s4 =	sadd.s32 s0, s4  }
0x6b: {  	(v2sf) =	vpush v5, $0xF;
	[tilespmem:s28], [sflag:$0x1] =	stream.strided.gather [hbm4b:s4+s14], $0x1000, s13, s14, $0x38;
	[tilespmem:$0x18400] =	vst v63  }
0x6c: {  	s4 =	spop (v2sf)  }
0x6d: {  	s16 =	sshra.s32 s4, $0x1F  }
0x6e: {  	s15 =	sshrl.u32 s16, $0x19  }
0x6f: {  	s15 =	sadd.s32 s15, s4  }
0x70: {  	s16 =	sand.u32 $0xFFFFFF80, s15  }
0x71: {  	v5 =	vsel vm7, $0x0, v4;
	p3 =	slt.s32 s4, $0x1;
	p4 =	sne.s32 s4, s16  }
0x72: {  	(xrf0) =	vadd.scan.msk.s32 $0xffff, v5;
	p0 =	por !p3, !p4  }
0x73: {  	s16 =	simm.s32 $0x1;
	p0 =	por !p0, !p0  }
0x74: {  	s15 =	sshrl.u32 s15, $0x7;
	s16 =	simm.s32 @!p0 $0x0  }
0x75: {  	s15 =	ssub.s32 s15, s16  }
0x76: {  	s15 =	sshll.u32 s15, $0x7  }
0x77: {  	s15 =	sand.u32 $0x1FFFFF80, s15  }
0x78: {  	s17 =	simm.s32 $0x5400;
	v5, _, _ =	vpop (xrf0);
	s15 =	sadd.s32 s0, s15  }
0x79: {  	(v2sf) =	vpush v5, $0xF;
	[tilespmem:s17], [sflag:$0x1] =	stream.strided.gather [hbm4b:s15+s14], $0x1000, s13, s14, $0x38;
	[tilespmem:$0x18400] =	vst v63  }
0x7a: {  	s15 =	spop (v2sf)  }
0x7b: {  	s17 =	sshra.s32 s15, $0x1F  }
0x7c: {  	s16 =	sshrl.u32 s17, $0x19  }
0x7d: {  	s16 =	sadd.s32 s16, s15  }
0x7e: {  	s24 =	sand.u32 $0xFFFFFF80, s16  }
0x7f: {  	v5 =	vsel vm8, $0x0, v4;
	p5 =	slt.s32 s15, $0x1;
	p6 =	sne.s32 s15, s24  }
0x80: {  	(xrf0) =	vadd.scan.msk.s32 $0xffff, v5;
	p0 =	por !p5, !p6  }
0x81: {  	s17 =	simm.s32 $0x1;
	p0 =	por !p0, !p0  }
0x82: {  	s16 =	sshrl.u32 s16, $0x7;
	s17 =	simm.s32 @!p0 $0x0  }
0x83: {  	s16 =	ssub.s32 s16, s17  }
0x84: {  	s16 =	sshll.u32 s16, $0x7  }
0x85: {  	s16 =	sand.u32 $0x1FFFFF80, s16  }
0x86: {  	s18 =	simm.s32 $0x6400;
	v5, _, _ =	vpop (xrf0);
	s16 =	sadd.s32 s0, s16  }
0x87: {  	(v2sf) =	vpush v5, $0xF;
	[tilespmem:s18], [sflag:$0x1] =	stream.strided.gather [hbm4b:s16+s14], $0x1000, s13, s14, $0x38;
	[tilespmem:$0x18400] =	vst v63  }
0x88: {  	s16 =	spop (v2sf)  }
0x89: {  	s25 =	sshra.s32 s16, $0x1F  }
0x8a: {  	s17 =	sshrl.u32 s25, $0x19  }
0x8b: {  	s17 =	sadd.s32 s17, s16  }
0x8c: {  	s26 =	sand.u32 $0xFFFFFF80, s17  }
0x8d: {  	v5 =	vsel vm9, $0x0, v4;
	p1 =	slt.s32 s16, $0x1;
	p2 =	sne.s32 s16, s26  }
0x8e: {  	(xrf0) =	vadd.scan.msk.s32 $0xffff, v5;
	p0 =	por !p1, !p2  }
0x8f: {  	s18 =	simm.s32 $0x1;
	p0 =	por !p0, !p0  }
0x90: {  	s17 =	sshrl.u32 s17, $0x7;
	s18 =	simm.s32 @!p0 $0x0  }
0x91: {  	s17 =	ssub.s32 s17, s18  }
0x92: {  	s17 =	sshll.u32 s17, $0x7  }
0x93: {  	s17 =	sand.u32 $0x1FFFFF80, s17  }
0x94: {  	s19 =	simm.s32 $0x7400;
	v5, _, _ =	vpop (xrf0);
	s17 =	sadd.s32 s0, s17  }
0x95: {  	(v2sf) =	vpush v5, $0xF;
	[tilespmem:s19], [sflag:$0x1] =	stream.strided.gather [hbm4b:s17+s14], $0x1000, s13, s14, $0x38;
	[tilespmem:$0x18400] =	vst v63  }
0x96: {  	s17 =	spop (v2sf)  }
0x97: {  	s19 =	sshra.s32 s17, $0x1F  }
0x98: {  	s18 =	sshrl.u32 s19, $0x19  }
0x99: {  	s18 =	sadd.s32 s18, s17  }
0x9a: {  	s24 =	sand.u32 $0xFFFFFF80, s18  }
0x9b: {  	v5 =	vsel vm10, $0x0, v4;
	p3 =	slt.s32 s17, $0x1;
	p4 =	sne.s32 s17, s24  }
0x9c: {  	(xrf0) =	vadd.scan.msk.s32 $0xffff, v5;
	p0 =	por !p3, !p4  }
0x9d: {  	s19 =	simm.s32 $0x1;
	p0 =	por !p0, !p0  }
0x9e: {  	s18 =	sshrl.u32 s18, $0x7;
	s19 =	simm.s32 @!p0 $0x0  }
0x9f: {  	s18 =	ssub.s32 s18, s19  }
0xa0: {  	s18 =	sshll.u32 s18, $0x7  }
0xa1: {  	s18 =	sand.u32 $0x1FFFFF80, s18  }
0xa2: {  	s20 =	simm.s32 $0x8400;
	v5, _, _ =	vpop (xrf0);
	s18 =	sadd.s32 s0, s18  }
0xa3: {  	(v2sf) =	vpush v5, $0xF;
	[tilespmem:s20], [sflag:$0x1] =	stream.strided.gather [hbm4b:s18+s14], $0x1000, s13, s14, $0x38;
	[tilespmem:$0x18400] =	vst v63  }
0xa4: {  	s18 =	spop (v2sf)  }
0xa5: {  	s25 =	sshra.s32 s18, $0x1F  }
0xa6: {  	s19 =	sshrl.u32 s25, $0x19  }
0xa7: {  	s19 =	sadd.s32 s19, s18  }
0xa8: {  	s26 =	sand.u32 $0xFFFFFF80, s19  }
0xa9: {  	v5 =	vsel vm11, $0x0, v4;
	p5 =	slt.s32 s18, $0x1;
	p6 =	sne.s32 s18, s26  }
0xaa: {  	(xrf0) =	vadd.scan.msk.s32 $0xffff, v5;
	p0 =	por !p5, !p6  }
0xab: {  	s20 =	simm.s32 $0x1;
	p0 =	por !p0, !p0  }
0xac: {  	s19 =	sshrl.u32 s19, $0x7;
	s20 =	simm.s32 @!p0 $0x0  }
0xad: {  	s19 =	ssub.s32 s19, s20  }
0xae: {  	s19 =	sshll.u32 s19, $0x7  }
0xaf: {  	s19 =	sand.u32 $0x1FFFFF80, s19  }
0xb0: {  	s21 =	simm.s32 $0x9400;
	v5, _, _ =	vpop (xrf0);
	s19 =	sadd.s32 s0, s19  }
0xb1: {  	(v2sf) =	vpush v5, $0xF;
	[tilespmem:s21], [sflag:$0x1] =	stream.strided.gather [hbm4b:s19+s14], $0x1000, s13, s14, $0x38;
	[tilespmem:$0x18400] =	vst v63  }
0xb2: {  	s19 =	spop (v2sf)  }
0xb3: {  	s21 =	sshra.s32 s19, $0x1F  }
0xb4: {  	s20 =	sshrl.u32 s21, $0x19  }
0xb5: {  	s20 =	sadd.s32 s20, s19  }
0xb6: {  	s24 =	sand.u32 $0xFFFFFF80, s20  }
0xb7: {  	v5 =	vsel vm12, $0x0, v4;
	p1 =	slt.s32 s19, $0x1;
	p2 =	sne.s32 s19, s24  }
0xb8: {  	(xrf0) =	vadd.scan.msk.s32 $0xffff, v5;
	p0 =	por !p1, !p2  }
0xb9: {  	s21 =	simm.s32 $0x1;
	p0 =	por !p0, !p0  }
0xba: {  	s20 =	sshrl.u32 s20, $0x7;
	s21 =	simm.s32 @!p0 $0x0  }
0xbb: {  	s20 =	ssub.s32 s20, s21  }
0xbc: {  	s20 =	sshll.u32 s20, $0x7  }
0xbd: {  	s20 =	sand.u32 $0x1FFFFF80, s20  }
0xbe: {  	s22 =	simm.s32 $0xA400;
	v5, _, _ =	vpop (xrf0);
	s20 =	sadd.s32 s0, s20  }
0xbf: {  	(v2sf) =	vpush v5, $0xF;
	[tilespmem:s22], [sflag:$0x1] =	stream.strided.gather [hbm4b:s20+s14], $0x1000, s13, s14, $0x38;
	[tilespmem:$0x18400] =	vst v63  }
0xc0: {  	s20 =	spop (v2sf)  }
0xc1: {  	s25 =	sshra.s32 s20, $0x1F  }
0xc2: {  	v5 =	vsel vm13, $0x0, v4;
	s21 =	sshrl.u32 s25, $0x19  }
0xc3: {  	(xrf0) =	vadd.scan.msk.s32 $0xffff, v5;
	s21 =	sadd.s32 s21, s20  }
0xc4: {  	s26 =	sand.u32 $0xFFFFFF80, s21  }
0xc5: {  	p3 =	slt.s32 s20, $0x1;
	p4 =	sne.s32 s20, s26  }
0xc6: {  	p0 =	por !p3, !p4  }
0xc7: {  	s22 =	simm.s32 $0x1;
	p0 =	por !p0, !p0  }
0xc8: {  	s21 =	sshrl.u32 s21, $0x7;
	s22 =	simm.s32 @!p0 $0x0  }
0xc9: {  	v5, _, _ =	vpop (xrf0);
	s21 =	ssub.s32 s21, s22  }
0xca: {  	(v2sf) =	vpush v5, $0xF;
	s21 =	sshll.u32 s21, $0x7  }
0xcb: {  	s21 =	sand.u32 $0x1FFFFF80, s21  }
0xcc: {  	s23 =	simm.s32 $0xB400;
	s21 =	sadd.s32 s0, s21  }
0xcd: {  	[tilespmem:s23], [sflag:$0x1] =	stream.strided.gather [hbm4b:s21+s14], $0x1000, s13, s14, $0x38;
	[tilespmem:$0x18400] =	vst v63  }
0xce: {  	s21 =	spop (v2sf)  }
0xcf: {  	v5 =	vsel vm14, $0x0, v4;
	s24 =	sshra.s32 s21, $0x1F  }
0xd0: {  	(xrf0) =	vadd.scan.msk.s32 $0xffff, v5;
	s22 =	sshrl.u32 s24, $0x19  }
0xd1: {  	s22 =	sadd.s32 s22, s21  }
0xd2: {  	s25 =	sand.u32 $0xFFFFFF80, s22  }
0xd3: {  	p5 =	slt.s32 s21, $0x1;
	p6 =	sne.s32 s21, s25  }
0xd4: {  	p0 =	por !p5, !p6  }
0xd5: {  	s23 =	simm.s32 $0x1;
	p0 =	por !p0, !p0  }
0xd6: {  	v5, _, _ =	vpop (xrf0);
	s22 =	sshrl.u32 s22, $0x7;
	s23 =	simm.s32 @!p0 $0x0  }
0xd7: {  	(v2sf) =	vpush v5, $0xF;
	s22 =	ssub.s32 s22, s23  }
0xd8: {  	s22 =	sshll.u32 s22, $0x7  }
0xd9: {  	s26 =	sand.u32 $0x1FFFFF80, s22;
	s22 =	spop (v2sf)  }
0xda: {  	s29 =	simm.s32 $0xC400;
	s23 =	sadd.s32 s0, s26;
	s24 =	sshra.s32 s22, $0x1F  }
0xdb: {  	[tilespmem:s29], [sflag:$0x1] =	stream.strided.gather [hbm4b:s23+s14], $0x1000, s13, s14, $0x38;
	[tilespmem:$0x18400] =	vst v63  }
0xdc: {  	s23 =	sshrl.u32 s24, $0x19  }
0xdd: {  	s23 =	sadd.s32 s23, s22  }
0xde: {  	v4 =	vsel vm15, $0x0, v4;
	s25 =	sand.u32 $0xFFFFFF80, s23  }
0xdf: {  	(xrf0) =	vadd.scan.msk.s32 $0xffff, v4;
	p1 =	slt.s32 s22, $0x1;
	p2 =	sne.s32 s22, s25  }
0xe0: {  	p0 =	por !p1, !p2  }
0xe1: {  	s24 =	simm.s32 $0x1;
	p0 =	por !p0, !p0  }
0xe2: {  	s23 =	sshrl.u32 s23, $0x7;
	s24 =	simm.s32 @!p0 $0x0  }
0xe3: {  	s23 =	ssub.s32 s23, s24  }
0xe4: {  	s23 =	sshll.u32 s23, $0x7  }
0xe5: {  	v4, _, _ =	vpop (xrf0);
	s23 =	sand.u32 $0x1FFFFF80, s23  }
0xe6: {  	s29 =	simm.s32 $0xD400;
	s26 =	sadd.s32 s0, s23;
	s23 =	spop (v2sf);
	(v2sf) =	vpush v4, $0xF  }
0xe7: {  	[tilespmem:s29], [sflag:$0x1] =	stream.strided.gather [hbm4b:s26+s14], $0x1000, s13, s14, $0x38;
	[tilespmem:$0x18400] =	vst v63  }
0xe8: {  	s25 =	sshra.s32 s23, $0x1F  }
0xe9: {  	s24 =	sshrl.u32 s25, $0x19  }
0xea: {  	s24 =	sadd.s32 s24, s23  }
0xeb: {  	s26 =	sand.u32 $0xFFFFFF80, s24  }
0xec: {  	p3 =	slt.s32 s23, $0x1;
	p4 =	sne.s32 s23, s26  }
0xed: {  	p0 =	por !p3, !p4  }
0xee: {  	s25 =	simm.s32 $0x1;
	p0 =	por !p0, !p0  }
0xef: {  	s24 =	sshrl.u32 s24, $0x7;
	s25 =	simm.s32 @!p0 $0x0  }
0xf0: {  	s24 =	ssub.s32 s24, s25  }
0xf1: {  	s24 =	sshll.u32 s24, $0x7  }
0xf2: {  	s24 =	sand.u32 $0x1FFFFF80, s24  }
0xf3: {  	s30 =	simm.s32 $0xE400;
	s24 =	sadd.s32 s0, s24  }
0xf4: {  	[tilespmem:s30], [sflag:$0x1] =	stream.strided.gather [hbm4b:s24+s14], $0x1000, s13, s14, $0x38;
	[tilespmem:$0x18400] =	vst v63  }
0xf5: {  	s24 =	spop (v2sf)  }
0xf6: {  	s26 =	sshra.s32 s24, $0x1F  }
0xf7: {  	s25 =	sshrl.u32 s26, $0x19  }
0xf8: {  	s25 =	sadd.s32 s25, s24  }
0xf9: {  	s26 =	sand.u32 $0xFFFFFF80, s25  }
0xfa: {  	p5 =	slt.s32 s24, $0x1;
	p6 =	sne.s32 s24, s26  }
0xfb: {  	p0 =	por !p5, !p6  }
0xfc: {  	s26 =	simm.s32 $0x1;
	p0 =	por !p0, !p0  }
0xfd: {  	s25 =	sshrl.u32 s25, $0x7;
	s26 =	simm.s32 @!p0 $0x0  }
0xfe: {  	s25 =	ssub.s32 s25, s26  }
0xff: {  	s25 =	sshll.u32 s25, $0x7  }
0x100: {  	s25 =	sand.u32 $0x1FFFFF80, s25  }
0x101: {  	s30 =	simm.s32 $0xF400;
	s25 =	sadd.s32 s0, s25  }
0x102: {  	[tilespmem:s30], [sflag:$0x1] =	stream.strided.gather [hbm4b:s25+s14], $0x1000, s13, s14, $0x38;
	[tilespmem:$0x18400] =	vst v63  }
0x103: {  	_ =	swait.ge [sflag:s12], $0x1000  }
0x104: {  	[sflag:s12] =	ssyncset.done $0x0  }
0x105: {  	[sflag:s12] =	ssyncadd.s32 $0xFFFFF000  }
0x106: {  	_ =	swait.ge [sflag:s12], $0x1000  }
0x107: {  	[sflag:s12] =	ssyncset.done $0x0  }
0x108: {  	[sflag:s12] =	ssyncadd.s32 $0xFFFFF000  }
0x109: {  	_ =	swait.ge [sflag:s12], $0x1000  }
0x10a: {  	[sflag:s12] =	ssyncset.done $0x0  }
0x10b: {  	[sflag:s12] =	ssyncadd.s32 $0xFFFFF000  }
0x10c: {  	_ =	swait.ge [sflag:s12], $0x1000  }
0x10d: {  	[sflag:s12] =	ssyncset.done $0x0  }
0x10e: {  	[sflag:s12] =	ssyncadd.s32 $0xFFFFF000  }
0x10f: {  	_ =	swait.ge [sflag:s12], $0x1000  }
0x110: {  	[sflag:s12] =	ssyncset.done $0x0  }
0x111: {  	[sflag:s12] =	ssyncadd.s32 $0xFFFFF000  }
0x112: {  	_ =	swait.ge [sflag:s12], $0x1000  }
0x113: {  	[sflag:s12] =	ssyncset.done $0x0  }
0x114: {  	[sflag:s12] =	ssyncadd.s32 $0xFFFFF000  }
0x115: {  	_ =	swait.ge [sflag:s12], $0x1000  }
0x116: {  	[sflag:s12] =	ssyncset.done $0x0  }
0x117: {  	[sflag:s12] =	ssyncadd.s32 $0xFFFFF000  }
0x118: {  	_ =	swait.ge [sflag:s12], $0x1000  }
0x119: {  	[sflag:s12] =	ssyncset.done $0x0  }
0x11a: {  	[sflag:s12] =	ssyncadd.s32 $0xFFFFF000  }
0x11b: {  	_ =	swait.ge [sflag:s12], $0x1000  }
0x11c: {  	[sflag:s12] =	ssyncset.done $0x0  }
0x11d: {  	[sflag:s12] =	ssyncadd.s32 $0xFFFFF000  }
0x11e: {  	_ =	swait.ge [sflag:s12], $0x1000  }
0x11f: {  	[sflag:s12] =	ssyncset.done $0x0  }
0x120: {  	[sflag:s12] =	ssyncadd.s32 $0xFFFFF000  }
0x121: {  	_ =	swait.ge [sflag:s12], $0x1000  }
0x122: {  	[sflag:s12] =	ssyncset.done $0x0  }
0x123: {  	[sflag:s12] =	ssyncadd.s32 $0xFFFFF000  }
0x124: {  	_ =	swait.ge [sflag:s12], $0x1000  }
0x125: {  	[sflag:s12] =	ssyncset.done $0x0  }
0x126: {  	[sflag:s12] =	ssyncadd.s32 $0xFFFFF000  }
0x127: {  	_ =	swait.ge [sflag:s12], $0x1000  }
0x128: {  	[sflag:s12] =	ssyncset.done $0x0  }
0x129: {  	[sflag:s12] =	ssyncadd.s32 $0xFFFFF000  }
0x12a: {  	_ =	swait.ge [sflag:s12], $0x1000  }
0x12b: {  	[sflag:s12] =	ssyncset.done $0x0  }
0x12c: {  	[sflag:s12] =	ssyncadd.s32 $0xFFFFF000  }
0x12d: {  	s8 =	sand.u32 $0x7F, s8;
	_ =	swait.ge [sflag:s12], $0x1000  }
0x12e: {  	v4 =	vor.u32 s8, v0;
	s25 =	sadd.s32 $0xFFFFFFF1, s7;
	[sflag:s12] =	ssyncset.done $0x0  }
0x12f: {  	v5 =	vor.u32 s8, v3;
	v6 =	vmov s25;
	[sflag:s12] =	ssyncadd.s32 $0xFFFFF000  }
0x130: {  	v7 =	vshll.u32 v6, $0x3;
	_ =	swait.ge [sflag:s12], $0x1000  }
0x131: {  	v6 =	vand.u32 $0x70, v6;
	v7 =	vand.u32 $0xC00, v7;
	[sflag:s12] =	ssyncset.done $0x0  }
0x132: {  	v6 =	vor.u32 v6, v7;
	[sflag:s12] =	ssyncadd.s32 $0xFFFFF000  }
0x133: {  	v7 =	vor.u32 v1, v6;
	v4 =	vld.idx.msk [tilespmem:v4+s14+$0x0], $0xffff  }
0x134: {  	s8 =	sand.u32 $0x7F, s9;
	v6 =	vor.u32 v2, v6;
	v5 =	vld.idx.msk [tilespmem:v5+s14+$0x0], $0xffff  }
0x135: {  	s9 =	sadd.s32 $0xFFFFFFF2, s7;
	v8 =	vor.u32 s8, v0  }
0x136: {  	v9 =	vor.u32 s8, v3;
	v10 =	vmov s9  }
0x137: {  	v11 =	vshll.u32 v10, $0x3  }
0x138: {  	v43 =	vand.u32 $0xC00, v11;
	[tilespmem:v7+s31+$0x0] =	vst.idx.msk $0xffff, v4;
	v4 =	vand.u32 $0x71, v10  }
0x139: {  	s26 =	simm.s32 $0x1400;
	[tilespmem:v6+s31+$0x0] =	vst.idx.msk $0xffff, v5;
	v4 =	vor.u32 v4, v43  }
0x13a: {  	v5 =	vld.idx.msk [tilespmem:v8+s26+$0x0], $0xffff;
	v44 =	vor.u32 v1, v4  }
0x13b: {  	s3 =	sand.u32 $0x7F, s3;
	v45 =	vld.idx.msk [tilespmem:v9+s26+$0x0], $0xffff;
	v4 =	vor.u32 v2, v4  }
0x13c: {  	v46 =	vor.u32 s3, v0;
	s9 =	sadd.s32 $0xFFFFFFF3, s7  }
0x13d: {  	v47 =	vor.u32 s3, v3;
	v48 =	vmov s9  }
0x13e: {  	v49 =	vshll.u32 v48, $0x3  }
0x13f: {  	v50 =	vand.u32 $0xC00, v49;
	[tilespmem:v44+s31+$0x0] =	vst.idx.msk $0xffff, v5;
	v5 =	vand.u32 $0x72, v48  }
0x140: {  	s25 =	simm.s32 $0x2400;
	[tilespmem:v4+s31+$0x0] =	vst.idx.msk $0xffff, v45;
	v4 =	vor.u32 v5, v50  }
0x141: {  	v5 =	vld.idx.msk [tilespmem:v46+s25+$0x0], $0xffff;
	v6 =	vor.u32 v1, v4  }
0x142: {  	s9 =	sand.u32 $0x7F, s11;
	v7 =	vld.idx.msk [tilespmem:v47+s25+$0x0], $0xffff;
	v4 =	vor.u32 v2, v4  }
0x143: {  	s11 =	sadd.s32 $0xFFFFFFF4, s7;
	v51 =	vor.u32 s9, v0  }
0x144: {  	v52 =	vor.u32 s9, v3;
	v53 =	vmov s11  }
0x145: {  	v54 =	vshll.u32 v53, $0x3  }
0x146: {  	v55 =	vand.u32 $0xC00, v54;
	[tilespmem:v6+s31+$0x0] =	vst.idx.msk $0xffff, v5;
	v5 =	vand.u32 $0x73, v53  }
0x147: {  	s28 =	simm.s32 $0x3400;
	[tilespmem:v4+s31+$0x0] =	vst.idx.msk $0xffff, v7;
	v4 =	vor.u32 v5, v55  }
0x148: {  	v5 =	vld.idx.msk [tilespmem:v51+s28+$0x0], $0xffff;
	v6 =	vor.u32 v1, v4  }
0x149: {  	s9 =	sand.u32 $0x7F, s10;
	v7 =	vld.idx.msk [tilespmem:v52+s28+$0x0], $0xffff;
	v4 =	vor.u32 v2, v4  }
0x14a: {  	s10 =	sadd.s32 $0xFFFFFFF5, s7;
	v56 =	vor.u32 s9, v0  }
0x14b: {  	v57 =	vor.u32 s9, v3;
	v58 =	vmov s10  }
0x14c: {  	v59 =	vshll.u32 v58, $0x3  }
0x14d: {  	v60 =	vand.u32 $0xC00, v59;
	[tilespmem:v6+s31+$0x0] =	vst.idx.msk $0xffff, v5;
	v5 =	vand.u32 $0x74, v58  }
0x14e: {  	s28 =	simm.s32 $0x4400;
	[tilespmem:v4+s31+$0x0] =	vst.idx.msk $0xffff, v7;
	v4 =	vor.u32 v5, v60  }
0x14f: {  	v5 =	vld.idx.msk [tilespmem:v56+s28+$0x0], $0xffff;
	v6 =	vor.u32 v1, v4  }
0x150: {  	s9 =	sand.u32 $0x7F, s4;
	v7 =	vld.idx.msk [tilespmem:v57+s28+$0x0], $0xffff;
	v4 =	vor.u32 v2, v4  }
0x151: {  	s10 =	sadd.s32 $0xFFFFFFF6, s7;
	v61 =	vor.u32 s9, v0  }
0x152: {  	v62 =	vor.u32 s9, v3;
	v63 =	vmov s10  }
0x153: {  	v12 =	vshll.u32 v63, $0x3  }
0x154: {  	v13 =	vand.u32 $0xC00, v12;
	[tilespmem:v6+s31+$0x0] =	vst.idx.msk $0xffff, v5;
	v5 =	vand.u32 $0x75, v63  }
0x155: {  	s11 =	simm.s32 $0x5400;
	[tilespmem:v4+s31+$0x0] =	vst.idx.msk $0xffff, v7;
	v4 =	vor.u32 v5, v13  }
0x156: {  	v5 =	vld.idx.msk [tilespmem:v61+s11+$0x0], $0xffff;
	v6 =	vor.u32 v1, v4  }
0x157: {  	s4 =	sand.u32 $0x7F, s15;
	v7 =	vld.idx.msk [tilespmem:v62+s11+$0x0], $0xffff;
	v4 =	vor.u32 v2, v4  }
0x158: {  	v14 =	vor.u32 s4, v0;
	s9 =	sadd.s32 $0xFFFFFFF7, s7  }
0x159: {  	v15 =	vor.u32 s4, v3;
	v16 =	vmov s9  }
0x15a: {  	v17 =	vshll.u32 v16, $0x3  }
0x15b: {  	v18 =	vand.u32 $0xC00, v17;
	[tilespmem:v6+s31+$0x0] =	vst.idx.msk $0xffff, v5;
	v5 =	vand.u32 $0x76, v16  }
0x15c: {  	s11 =	simm.s32 $0x6400;
	[tilespmem:v4+s31+$0x0] =	vst.idx.msk $0xffff, v7;
	v4 =	vor.u32 v5, v18  }
0x15d: {  	v5 =	vld.idx.msk [tilespmem:v14+s11+$0x0], $0xffff;
	v6 =	vor.u32 v1, v4  }
0x15e: {  	v7 =	vld.idx.msk [tilespmem:v15+s11+$0x0], $0xffff;
	v4 =	vor.u32 v2, v4;
	s11 =	sand.u32 $0x7F, s16  }
0x15f: {  	s15 =	sadd.s32 $0xFFFFFFF8, s7;
	v19 =	vor.u32 s11, v0  }
0x160: {  	v21 =	vmov s15;
	v20 =	vor.u32 s11, v3  }
0x161: {  	v22 =	vshll.u32 v21, $0x3  }
0x162: {  	v23 =	vand.u32 $0xC00, v22;
	[tilespmem:v6+s31+$0x0] =	vst.idx.msk $0xffff, v5;
	v5 =	vand.u32 $0x77, v21  }
0x163: {  	s10 =	simm.s32 $0x7400;
	[tilespmem:v4+s31+$0x0] =	vst.idx.msk $0xffff, v7;
	v4 =	vor.u32 v5, v23  }
0x164: {  	v5 =	vld.idx.msk [tilespmem:v19+s10+$0x0], $0xffff;
	v6 =	vor.u32 v1, v4  }
0x165: {  	s9 =	sand.u32 $0x7F, s17;
	v7 =	vld.idx.msk [tilespmem:v20+s10+$0x0], $0xffff;
	v4 =	vor.u32 v2, v4  }
0x166: {  	v24 =	vor.u32 s9, v0;
	s10 =	sadd.s32 $0xFFFFFFF9, s7  }
0x167: {  	v25 =	vor.u32 s9, v3;
	v26 =	vmov s10  }
0x168: {  	v27 =	vshll.u32 v26, $0x3  }
0x169: {  	v28 =	vand.u32 $0xC00, v27;
	[tilespmem:v6+s31+$0x0] =	vst.idx.msk $0xffff, v5;
	v5 =	vand.u32 $0x78, v26  }
0x16a: {  	s16 =	simm.s32 $0x8400;
	[tilespmem:v4+s31+$0x0] =	vst.idx.msk $0xffff, v7;
	v4 =	vor.u32 v5, v28  }
0x16b: {  	v5 =	vld.idx.msk [tilespmem:v24+s16+$0x0], $0xffff;
	v6 =	vor.u32 v1, v4  }
0x16c: {  	s15 =	sand.u32 $0x7F, s18;
	v7 =	vld.idx.msk [tilespmem:v25+s16+$0x0], $0xffff;
	v4 =	vor.u32 v2, v4  }
0x16d: {  	v29 =	vor.u32 s15, v0;
	s16 =	sadd.s32 $0xFFFFFFFA, s7  }
0x16e: {  	v30 =	vor.u32 s15, v3;
	v31 =	vmov s16  }
0x16f: {  	v32 =	vshll.u32 v31, $0x3  }
0x170: {  	v33 =	vand.u32 $0xC00, v32;
	[tilespmem:v6+s31+$0x0] =	vst.idx.msk $0xffff, v5;
	v5 =	vand.u32 $0x79, v31  }
0x171: {  	s11 =	simm.s32 $0x9400;
	[tilespmem:v4+s31+$0x0] =	vst.idx.msk $0xffff, v7;
	v4 =	vor.u32 v5, v33  }
0x172: {  	v5 =	vld.idx.msk [tilespmem:v29+s11+$0x0], $0xffff;
	v6 =	vor.u32 v1, v4  }
0x173: {  	s18 =	sand.u32 $0x7F, s19;
	v7 =	vld.idx.msk [tilespmem:v30+s11+$0x0], $0xffff;
	v4 =	vor.u32 v2, v4  }
0x174: {  	s19 =	sadd.s32 $0xFFFFFFFB, s7;
	v34 =	vor.u32 s18, v0  }
0x175: {  	v35 =	vor.u32 s18, v3;
	v36 =	vmov s19  }
0x176: {  	v37 =	vshll.u32 v36, $0x3  }
0x177: {  	v38 =	vand.u32 $0xC00, v37;
	[tilespmem:v6+s31+$0x0] =	vst.idx.msk $0xffff, v5;
	v5 =	vand.u32 $0x7A, v36  }
0x178: {  	s17 =	simm.s32 $0xA400;
	[tilespmem:v4+s31+$0x0] =	vst.idx.msk $0xffff, v7;
	v4 =	vor.u32 v5, v38  }
0x179: {  	v5 =	vld.idx.msk [tilespmem:v34+s17+$0x0], $0xffff;
	v6 =	vor.u32 v1, v4  }
0x17a: {  	s10 =	sand.u32 $0x7F, s20;
	v7 =	vld.idx.msk [tilespmem:v35+s17+$0x0], $0xffff;
	v4 =	vor.u32 v2, v4  }
0x17b: {  	v39 =	vor.u32 s10, v0;
	s11 =	sadd.s32 $0xFFFFFFFC, s7  }
0x17c: {  	v40 =	vor.u32 s10, v3;
	v41 =	vmov s11  }
0x17d: {  	v42 =	vshll.u32 v41, $0x3  }
0x17e: {  	v43 =	vand.u32 $0xC00, v42;
	[tilespmem:v6+s31+$0x0] =	vst.idx.msk $0xffff, v5;
	v5 =	vand.u32 $0x7B, v41  }
0x17f: {  	s9 =	simm.s32 $0xB400;
	[tilespmem:v4+s31+$0x0] =	vst.idx.msk $0xffff, v7;
	v4 =	vor.u32 v5, v43  }
0x180: {  	v5 =	vld.idx.msk [tilespmem:v39+s9+$0x0], $0xffff;
	v6 =	vor.u32 v1, v4  }
0x181: {  	s16 =	sand.u32 $0x7F, s21;
	v7 =	vld.idx.msk [tilespmem:v40+s9+$0x0], $0xffff;
	v4 =	vor.u32 v2, v4  }
0x182: {  	v44 =	vor.u32 s16, v0;
	s17 =	sadd.s32 $0xFFFFFFFD, s7  }
0x183: {  	v45 =	vor.u32 s16, v3;
	v46 =	vmov s17  }
0x184: {  	v47 =	vshll.u32 v46, $0x3  }
0x185: {  	v48 =	vand.u32 $0xC00, v47;
	[tilespmem:v6+s31+$0x0] =	vst.idx.msk $0xffff, v5;
	v5 =	vand.u32 $0x7C, v46  }
0x186: {  	s15 =	simm.s32 $0xC400;
	[tilespmem:v4+s31+$0x0] =	vst.idx.msk $0xffff, v7;
	v4 =	vor.u32 v5, v48  }
0x187: {  	v5 =	vld.idx.msk [tilespmem:v44+s15+$0x0], $0xffff;
	v6 =	vor.u32 v1, v4  }
0x188: {  	s19 =	sand.u32 $0x7F, s22;
	v7 =	vld.idx.msk [tilespmem:v45+s15+$0x0], $0xffff;
	v4 =	vor.u32 v2, v4  }
0x189: {  	v49 =	vor.u32 s19, v0;
	s20 =	sadd.s32 $0xFFFFFFFE, s7  }
0x18a: {  	v50 =	vor.u32 s19, v3;
	v51 =	vmov s20  }
0x18b: {  	v52 =	vshll.u32 v51, $0x3  }
0x18c: {  	v53 =	vand.u32 $0xC00, v52;
	[tilespmem:v6+s31+$0x0] =	vst.idx.msk $0xffff, v5;
	v5 =	vand.u32 $0x7D, v51  }
0x18d: {  	[tilespmem:v4+s31+$0x0] =	vst.idx.msk $0xffff, v7;
	v4 =	vor.u32 v5, v53  }
0x18e: {  	v5 =	vld.idx.msk [tilespmem:v49+s29+$0x0], $0xffff;
	v6 =	vor.u32 v1, v4  }
0x18f: {  	s21 =	sand.u32 $0x7F, s23;
	v7 =	vld.idx.msk [tilespmem:v50+s29+$0x0], $0xffff;
	v4 =	vor.u32 v2, v4  }
0x190: {  	s22 =	sadd.s32 $0xFFFFFFFF, s7;
	v54 =	vor.u32 s21, v0  }
0x191: {  	v56 =	vmov s22;
	v55 =	vor.u32 s21, v3  }
0x192: {  	v57 =	vshll.u32 v56, $0x3  }
0x193: {  	v58 =	vand.u32 $0xC00, v57;
	[tilespmem:v6+s31+$0x0] =	vst.idx.msk $0xffff, v5;
	v5 =	vand.u32 $0x7E, v56  }
0x194: {  	s18 =	simm.s32 $0xE400;
	[tilespmem:v4+s31+$0x0] =	vst.idx.msk $0xffff, v7;
	v4 =	vor.u32 v5, v58  }
0x195: {  	v5 =	vld.idx.msk [tilespmem:v54+s18+$0x0], $0xffff;
	v6 =	vor.u32 v1, v4  }
0x196: {  	s23 =	sand.u32 $0x7F, s24;
	v7 =	vld.idx.msk [tilespmem:v55+s18+$0x0], $0xffff;
	v4 =	vor.u32 v2, v4  }
0x197: {  	v59 =	vor.u32 s23, v0  }
0x198: {  	v61 =	vmov s7;
	v60 =	vor.u32 s23, v3  }
0x199: {  	v62 =	vshll.u32 v61, $0x3  }
0x19a: {  	v63 =	vand.u32 $0xC00, v62;
	[tilespmem:v6+s31+$0x0] =	vst.idx.msk $0xffff, v5;
	v5 =	vand.u32 $0x7F, v61  }
0x19b: {  	[tilespmem:v4+s31+$0x0] =	vst.idx.msk $0xffff, v7;
	v4 =	vor.u32 v5, v63  }
0x19c: {  	v5 =	vld.idx.msk [tilespmem:v59+s30+$0x0], $0xffff;
	v6 =	vor.u32 v1, v4  }
0x19d: {  	p0 =	sne.s32 s7, $0x1FF;
	v7 =	vld.idx.msk [tilespmem:v60+s30+$0x0], $0xffff;
	v4 =	vor.u32 v2, v4  }
.Ltmp0:
0x19e: {  	_ = 	snop;
	(pc) =	sbr.rel @p0 .LBB2_2-.Ltmp0, $3  }
0x19f: {  	_ =	sdelay $0x1  }
0x1a0: {  	[tilespmem:v6+s31+$0x0] =	vst.idx.msk $0xffff, v5  }
0x1a1: {  	s6 =	sadd.s32 $0x10, s6;
	s24 =	simm.s32 $0x3400;
	s7 =	sadd.s32 $0x10, s7;
	[tilespmem:v4+s31+$0x0] =	vst.idx.msk $0xffff, v7  }
0x1a2: {  	s6 =	simm.s32 $0x200  }
.LBB2_4:
0x1a3: {  	v4 =	vld [tilespmem:s6+$0x0];
	_ =	sdelay $0x4  }
0x1a4: {  	v5 =	vnsel vm0, $0x0, v4  }
0x1a5: {  	(xrf0) =	vadd.scan.msk.s32 $0xffff, v5;
	_ =	sdelay $0x5  }
0x1a6: {  	v5, _, _ =	vpop (xrf0)  }
0x1a7: {  	(v2sf) =	vpush v5, $0xF;
	_ =	sdelay $0x2  }
0x1a8: {  	v5 =	vsel vm1, $0x0, v4  }
0x1a9: {  	(xrf0) =	vadd.scan.msk.s32 $0xffff, v5;
	_ =	sdelay $0x5  }
0x1aa: {  	v5, _, _ =	vpop (xrf0)  }
0x1ab: {  	(v2sf) =	vpush v5, $0xF;
	_ =	sdelay $0x3  }
0x1ac: {  	s7 =	spop (v2sf)  }
0x1ad: {  	s3 =	sshra.s32 s7, $0x1F  }
0x1ae: {  	s3 =	sshrl.u32 s3, $0x19  }
0x1af: {  	v5 =	vsel vm2, $0x0, v4;
	s3 =	sadd.s32 s3, s7  }
0x1b0: {  	(xrf0) =	vadd.scan.msk.s32 $0xffff, v5;
	s4 =	sand.u32 $0xFFFFFF80, s3  }
0x1b1: {  	p0 =	slt.s32 s7, $0x1;
	p1 =	sne.s32 s7, s4  }
0x1b2: {  	p0 =	por !p0, !p1  }
0x1b3: {  	s4 =	simm.s32 $0x1;
	p0 =	por !p0, !p0  }
0x1b4: {  	s3 =	sshrl.u32 s3, $0x7;
	s4 =	simm.s32 @!p0 $0x0  }
0x1b5: {  	s3 =	ssub.s32 s3, s4  }
0x1b6: {  	v5, _, _ =	vpop (xrf0);
	s3 =	sshll.u32 s3, $0x7  }
0x1b7: {  	(v2sf) =	vpush v5, $0xF;
	s8 =	spop (v2sf);
	s3 =	sand.u32 $0x1FFFFF80, s3  }
0x1b8: {  	s11 =	sshra.s32 s8, $0x1F;
	s3 =	sadd.s32 s2, s3  }
0x1b9: {  	[tilespmem:s14], [sflag:$0x1] =	stream.strided.gather [hbm4b:s3+s14], $0x1000, s13, s14, $0x38;
	[tilespmem:$0x18400] =	vst v63  }
0x1ba: {  	v5 =	vsel vm3, $0x0, v4;
	s3 =	sshrl.u32 s11, $0x19  }
0x1bb: {  	(xrf0) =	vadd.scan.msk.s32 $0xffff, v5;
	s3 =	sadd.s32 s3, s8  }
0x1bc: {  	s15 =	sand.u32 $0xFFFFFF80, s3  }
0x1bd: {  	p1 =	slt.s32 s8, $0x1;
	p2 =	sne.s32 s8, s15  }
0x1be: {  	p0 =	por !p1, !p2  }
0x1bf: {  	s4 =	simm.s32 $0x1;
	p0 =	por !p0, !p0  }
0x1c0: {  	s3 =	sshrl.u32 s3, $0x7;
	s4 =	simm.s32 @!p0 $0x0  }
0x1c1: {  	v5, _, _ =	vpop (xrf0);
	s3 =	ssub.s32 s3, s4  }
0x1c2: {  	(v2sf) =	vpush v5, $0xF;
	s3 =	sshll.u32 s3, $0x7  }
0x1c3: {  	s3 =	sand.u32 $0x1FFFFF80, s3  }
0x1c4: {  	s3 =	sadd.s32 s2, s3  }
0x1c5: {  	[tilespmem:s26], [sflag:$0x1] =	stream.strided.gather [hbm4b:s3+s14], $0x1000, s13, s14, $0x38;
	[tilespmem:$0x18400] =	vst v63  }
0x1c6: {  	v5 =	vsel vm4, $0x0, v4;
	s3 =	spop (v2sf)  }
0x1c7: {  	(xrf0) =	vadd.scan.msk.s32 $0xffff, v5;
	s9 =	sshra.s32 s3, $0x1F  }
0x1c8: {  	s4 =	sshrl.u32 s9, $0x19  }
0x1c9: {  	s4 =	sadd.s32 s4, s3  }
0x1ca: {  	s9 =	sand.u32 $0xFFFFFF80, s4  }
0x1cb: {  	p3 =	slt.s32 s3, $0x1;
	p4 =	sne.s32 s3, s9  }
0x1cc: {  	p0 =	por !p3, !p4  }
0x1cd: {  	v5, _, _ =	vpop (xrf0);
	s9 =	simm.s32 $0x1;
	p0 =	por !p0, !p0  }
0x1ce: {  	(v2sf) =	vpush v5, $0xF;
	s4 =	sshrl.u32 s4, $0x7;
	s9 =	simm.s32 @!p0 $0x0  }
0x1cf: {  	s4 =	ssub.s32 s4, s9  }
0x1d0: {  	s4 =	sshll.u32 s4, $0x7  }
0x1d1: {  	s9 =	spop (v2sf);
	s4 =	sand.u32 $0x1FFFFF80, s4  }
0x1d2: {  	s10 =	sshra.s32 s9, $0x1F;
	s4 =	sadd.s32 s2, s4  }
0x1d3: {  	[tilespmem:s25], [sflag:$0x1] =	stream.strided.gather [hbm4b:s4+s14], $0x1000, s13, s14, $0x38;
	[tilespmem:$0x18400] =	vst v63  }
0x1d4: {  	s4 =	sshrl.u32 s10, $0x19  }
0x1d5: {  	v5 =	vsel vm5, $0x0, v4;
	s4 =	sadd.s32 s4, s9  }
0x1d6: {  	(xrf0) =	vadd.scan.msk.s32 $0xffff, v5;
	s10 =	sand.u32 $0xFFFFFF80, s4  }
0x1d7: {  	p5 =	slt.s32 s9, $0x1;
	p6 =	sne.s32 s9, s10  }
0x1d8: {  	p0 =	por !p5, !p6  }
0x1d9: {  	s10 =	simm.s32 $0x1;
	p0 =	por !p0, !p0  }
0x1da: {  	s4 =	sshrl.u32 s4, $0x7;
	s10 =	simm.s32 @!p0 $0x0  }
0x1db: {  	s4 =	ssub.s32 s4, s10  }
0x1dc: {  	v5, _, _ =	vpop (xrf0);
	s4 =	sshll.u32 s4, $0x7  }
0x1dd: {  	(v2sf) =	vpush v5, $0xF;
	s10 =	spop (v2sf);
	s4 =	sand.u32 $0x1FFFFF80, s4  }
0x1de: {  	s11 =	sshra.s32 s10, $0x1F;
	s4 =	sadd.s32 s2, s4  }
0x1df: {  	[tilespmem:s24], [sflag:$0x1] =	stream.strided.gather [hbm4b:s4+s14], $0x1000, s13, s14, $0x38;
	[tilespmem:$0x18400] =	vst v63  }
0x1e0: {  	s4 =	sshrl.u32 s11, $0x19  }
0x1e1: {  	s4 =	sadd.s32 s4, s10  }
0x1e2: {  	s11 =	sand.u32 $0xFFFFFF80, s4  }
0x1e3: {  	v5 =	vsel vm6, $0x0, v4;
	p1 =	slt.s32 s10, $0x1;
	p2 =	sne.s32 s10, s11  }
0x1e4: {  	(xrf0) =	vadd.scan.msk.s32 $0xffff, v5;
	p0 =	por !p1, !p2  }
0x1e5: {  	s11 =	simm.s32 $0x1;
	p0 =	por !p0, !p0  }
0x1e6: {  	s4 =	sshrl.u32 s4, $0x7;
	s11 =	simm.s32 @!p0 $0x0  }
0x1e7: {  	s4 =	ssub.s32 s4, s11  }
0x1e8: {  	s4 =	sshll.u32 s4, $0x7  }
0x1e9: {  	s4 =	sand.u32 $0x1FFFFF80, s4  }
0x1ea: {  	v5, _, _ =	vpop (xrf0);
	s4 =	sadd.s32 s2, s4  }
0x1eb: {  	(v2sf) =	vpush v5, $0xF;
	[tilespmem:s28], [sflag:$0x1] =	stream.strided.gather [hbm4b:s4+s14], $0x1000, s13, s14, $0x38;
	[tilespmem:$0x18400] =	vst v63  }
0x1ec: {  	s4 =	spop (v2sf)  }
0x1ed: {  	s15 =	sshra.s32 s4, $0x1F  }
0x1ee: {  	s11 =	sshrl.u32 s15, $0x19  }
0x1ef: {  	s11 =	sadd.s32 s11, s4  }
0x1f0: {  	s15 =	sand.u32 $0xFFFFFF80, s11  }
0x1f1: {  	v5 =	vsel vm7, $0x0, v4;
	p3 =	slt.s32 s4, $0x1;
	p4 =	sne.s32 s4, s15  }
0x1f2: {  	(xrf0) =	vadd.scan.msk.s32 $0xffff, v5;
	p0 =	por !p3, !p4  }
0x1f3: {  	s15 =	simm.s32 $0x1;
	p0 =	por !p0, !p0  }
0x1f4: {  	s11 =	sshrl.u32 s11, $0x7;
	s15 =	simm.s32 @!p0 $0x0  }
0x1f5: {  	s11 =	ssub.s32 s11, s15  }
0x1f6: {  	s11 =	sshll.u32 s11, $0x7  }
0x1f7: {  	s11 =	sand.u32 $0x1FFFFF80, s11  }
0x1f8: {  	s16 =	simm.s32 $0x5400;
	v5, _, _ =	vpop (xrf0);
	s11 =	sadd.s32 s2, s11  }
0x1f9: {  	(v2sf) =	vpush v5, $0xF;
	[tilespmem:s16], [sflag:$0x1] =	stream.strided.gather [hbm4b:s11+s14], $0x1000, s13, s14, $0x38;
	[tilespmem:$0x18400] =	vst v63  }
0x1fa: {  	s11 =	spop (v2sf)  }
0x1fb: {  	s24 =	sshra.s32 s11, $0x1F  }
0x1fc: {  	s15 =	sshrl.u32 s24, $0x19  }
0x1fd: {  	s15 =	sadd.s32 s15, s11  }
0x1fe: {  	s25 =	sand.u32 $0xFFFFFF80, s15  }
0x1ff: {  	v5 =	vsel vm8, $0x0, v4;
	p5 =	slt.s32 s11, $0x1;
	p6 =	sne.s32 s11, s25  }
0x200: {  	(xrf0) =	vadd.scan.msk.s32 $0xffff, v5;
	p0 =	por !p5, !p6  }
0x201: {  	s16 =	simm.s32 $0x1;
	p0 =	por !p0, !p0  }
0x202: {  	s15 =	sshrl.u32 s15, $0x7;
	s16 =	simm.s32 @!p0 $0x0  }
0x203: {  	s15 =	ssub.s32 s15, s16  }
0x204: {  	s15 =	sshll.u32 s15, $0x7  }
0x205: {  	s15 =	sand.u32 $0x1FFFFF80, s15  }
0x206: {  	s17 =	simm.s32 $0x6400;
	v5, _, _ =	vpop (xrf0);
	s15 =	sadd.s32 s2, s15  }
0x207: {  	(v2sf) =	vpush v5, $0xF;
	[tilespmem:s17], [sflag:$0x1] =	stream.strided.gather [hbm4b:s15+s14], $0x1000, s13, s14, $0x38;
	[tilespmem:$0x18400] =	vst v63  }
0x208: {  	s15 =	spop (v2sf)  }
0x209: {  	s24 =	sshra.s32 s15, $0x1F  }
0x20a: {  	s16 =	sshrl.u32 s24, $0x19  }
0x20b: {  	s16 =	sadd.s32 s16, s15  }
0x20c: {  	s25 =	sand.u32 $0xFFFFFF80, s16  }
0x20d: {  	v5 =	vsel vm9, $0x0, v4;
	p1 =	slt.s32 s15, $0x1;
	p2 =	sne.s32 s15, s25  }
0x20e: {  	(xrf0) =	vadd.scan.msk.s32 $0xffff, v5;
	p0 =	por !p1, !p2  }
0x20f: {  	s17 =	simm.s32 $0x1;
	p0 =	por !p0, !p0  }
0x210: {  	s16 =	sshrl.u32 s16, $0x7;
	s17 =	simm.s32 @!p0 $0x0  }
0x211: {  	s16 =	ssub.s32 s16, s17  }
0x212: {  	s16 =	sshll.u32 s16, $0x7  }
0x213: {  	s16 =	sand.u32 $0x1FFFFF80, s16  }
0x214: {  	s18 =	simm.s32 $0x7400;
	v5, _, _ =	vpop (xrf0);
	s16 =	sadd.s32 s2, s16  }
0x215: {  	(v2sf) =	vpush v5, $0xF;
	[tilespmem:s18], [sflag:$0x1] =	stream.strided.gather [hbm4b:s16+s14], $0x1000, s13, s14, $0x38;
	[tilespmem:$0x18400] =	vst v63  }
0x216: {  	s16 =	spop (v2sf)  }
0x217: {  	s24 =	sshra.s32 s16, $0x1F  }
0x218: {  	s17 =	sshrl.u32 s24, $0x19  }
0x219: {  	s17 =	sadd.s32 s17, s16  }
0x21a: {  	s25 =	sand.u32 $0xFFFFFF80, s17  }
0x21b: {  	v5 =	vsel vm10, $0x0, v4;
	p3 =	slt.s32 s16, $0x1;
	p4 =	sne.s32 s16, s25  }
0x21c: {  	(xrf0) =	vadd.scan.msk.s32 $0xffff, v5;
	p0 =	por !p3, !p4  }
0x21d: {  	s18 =	simm.s32 $0x1;
	p0 =	por !p0, !p0  }
0x21e: {  	s17 =	sshrl.u32 s17, $0x7;
	s18 =	simm.s32 @!p0 $0x0  }
0x21f: {  	s17 =	ssub.s32 s17, s18  }
0x220: {  	s17 =	sshll.u32 s17, $0x7  }
0x221: {  	s17 =	sand.u32 $0x1FFFFF80, s17  }
0x222: {  	s19 =	simm.s32 $0x8400;
	v5, _, _ =	vpop (xrf0);
	s17 =	sadd.s32 s2, s17  }
0x223: {  	(v2sf) =	vpush v5, $0xF;
	[tilespmem:s19], [sflag:$0x1] =	stream.strided.gather [hbm4b:s17+s14], $0x1000, s13, s14, $0x38;
	[tilespmem:$0x18400] =	vst v63  }
0x224: {  	s17 =	spop (v2sf)  }
0x225: {  	s24 =	sshra.s32 s17, $0x1F  }
0x226: {  	s18 =	sshrl.u32 s24, $0x19  }
0x227: {  	s18 =	sadd.s32 s18, s17  }
0x228: {  	s25 =	sand.u32 $0xFFFFFF80, s18  }
0x229: {  	v5 =	vsel vm11, $0x0, v4;
	p5 =	slt.s32 s17, $0x1;
	p6 =	sne.s32 s17, s25  }
0x22a: {  	(xrf0) =	vadd.scan.msk.s32 $0xffff, v5;
	p0 =	por !p5, !p6  }
0x22b: {  	s19 =	simm.s32 $0x1;
	p0 =	por !p0, !p0  }
0x22c: {  	s18 =	sshrl.u32 s18, $0x7;
	s19 =	simm.s32 @!p0 $0x0  }
0x22d: {  	s18 =	ssub.s32 s18, s19  }
0x22e: {  	s18 =	sshll.u32 s18, $0x7  }
0x22f: {  	s18 =	sand.u32 $0x1FFFFF80, s18  }
0x230: {  	s20 =	simm.s32 $0x9400;
	v5, _, _ =	vpop (xrf0);
	s18 =	sadd.s32 s2, s18  }
0x231: {  	(v2sf) =	vpush v5, $0xF;
	[tilespmem:s20], [sflag:$0x1] =	stream.strided.gather [hbm4b:s18+s14], $0x1000, s13, s14, $0x38;
	[tilespmem:$0x18400] =	vst v63  }
0x232: {  	s18 =	spop (v2sf)  }
0x233: {  	s24 =	sshra.s32 s18, $0x1F  }
0x234: {  	s19 =	sshrl.u32 s24, $0x19  }
0x235: {  	s19 =	sadd.s32 s19, s18  }
0x236: {  	s25 =	sand.u32 $0xFFFFFF80, s19  }
0x237: {  	v5 =	vsel vm12, $0x0, v4;
	p1 =	slt.s32 s18, $0x1;
	p2 =	sne.s32 s18, s25  }
0x238: {  	(xrf0) =	vadd.scan.msk.s32 $0xffff, v5;
	p0 =	por !p1, !p2  }
0x239: {  	s20 =	simm.s32 $0x1;
	p0 =	por !p0, !p0  }
0x23a: {  	s19 =	sshrl.u32 s19, $0x7;
	s20 =	simm.s32 @!p0 $0x0  }
0x23b: {  	s19 =	ssub.s32 s19, s20  }
0x23c: {  	s19 =	sshll.u32 s19, $0x7  }
0x23d: {  	s19 =	sand.u32 $0x1FFFFF80, s19  }
0x23e: {  	s21 =	simm.s32 $0xA400;
	v5, _, _ =	vpop (xrf0);
	s19 =	sadd.s32 s2, s19  }
0x23f: {  	(v2sf) =	vpush v5, $0xF;
	[tilespmem:s21], [sflag:$0x1] =	stream.strided.gather [hbm4b:s19+s14], $0x1000, s13, s14, $0x38;
	[tilespmem:$0x18400] =	vst v63  }
0x240: {  	s19 =	spop (v2sf)  }
0x241: {  	s24 =	sshra.s32 s19, $0x1F  }
0x242: {  	s20 =	sshrl.u32 s24, $0x19  }
0x243: {  	v5 =	vsel vm13, $0x0, v4;
	s20 =	sadd.s32 s20, s19  }
0x244: {  	(xrf0) =	vadd.scan.msk.s32 $0xffff, v5;
	s25 =	sand.u32 $0xFFFFFF80, s20  }
0x245: {  	p3 =	slt.s32 s19, $0x1;
	p4 =	sne.s32 s19, s25  }
0x246: {  	p0 =	por !p3, !p4  }
0x247: {  	s21 =	simm.s32 $0x1;
	p0 =	por !p0, !p0  }
0x248: {  	s20 =	sshrl.u32 s20, $0x7;
	s21 =	simm.s32 @!p0 $0x0  }
0x249: {  	s20 =	ssub.s32 s20, s21  }
0x24a: {  	v5, _, _ =	vpop (xrf0);
	s20 =	sshll.u32 s20, $0x7  }
0x24b: {  	(v2sf) =	vpush v5, $0xF;
	s20 =	sand.u32 $0x1FFFFF80, s20  }
0x24c: {  	s22 =	simm.s32 $0xB400;
	s20 =	sadd.s32 s2, s20  }
0x24d: {  	[tilespmem:s22], [sflag:$0x1] =	stream.strided.gather [hbm4b:s20+s14], $0x1000, s13, s14, $0x38;
	[tilespmem:$0x18400] =	vst v63  }
0x24e: {  	s20 =	spop (v2sf)  }
0x24f: {  	s22 =	sshra.s32 s20, $0x1F  }
0x250: {  	v5 =	vsel vm14, $0x0, v4;
	s21 =	sshrl.u32 s22, $0x19  }
0x251: {  	(xrf0) =	vadd.scan.msk.s32 $0xffff, v5;
	s21 =	sadd.s32 s21, s20  }
0x252: {  	s24 =	sand.u32 $0xFFFFFF80, s21  }
0x253: {  	p5 =	slt.s32 s20, $0x1;
	p6 =	sne.s32 s20, s24  }
0x254: {  	p0 =	por !p5, !p6  }
0x255: {  	s22 =	simm.s32 $0x1;
	p0 =	por !p0, !p0  }
0x256: {  	s21 =	sshrl.u32 s21, $0x7;
	s22 =	simm.s32 @!p0 $0x0  }
0x257: {  	v5, _, _ =	vpop (xrf0);
	s21 =	ssub.s32 s21, s22  }
0x258: {  	(v2sf) =	vpush v5, $0xF;
	s21 =	sshll.u32 s21, $0x7  }
0x259: {  	s25 =	sand.u32 $0x1FFFFF80, s21  }
0x25a: {  	s23 =	simm.s32 $0xC400;
	s21 =	spop (v2sf);
	s22 =	sadd.s32 s2, s25  }
0x25b: {  	[tilespmem:s23], [sflag:$0x1] =	stream.strided.gather [hbm4b:s22+s14], $0x1000, s13, s14, $0x38;
	[tilespmem:$0x18400] =	vst v63  }
0x25c: {  	s23 =	sshra.s32 s21, $0x1F  }
0x25d: {  	s22 =	sshrl.u32 s23, $0x19  }
0x25e: {  	s22 =	sadd.s32 s22, s21  }
0x25f: {  	v4 =	vsel vm15, $0x0, v4;
	s24 =	sand.u32 $0xFFFFFF80, s22  }
0x260: {  	(xrf0) =	vadd.scan.msk.s32 $0xffff, v4;
	p1 =	slt.s32 s21, $0x1;
	p2 =	sne.s32 s21, s24  }
0x261: {  	p0 =	por !p1, !p2  }
0x262: {  	s23 =	simm.s32 $0x1;
	p0 =	por !p0, !p0  }
0x263: {  	s22 =	sshrl.u32 s22, $0x7;
	s23 =	simm.s32 @!p0 $0x0  }
0x264: {  	s22 =	ssub.s32 s22, s23  }
0x265: {  	s22 =	sshll.u32 s22, $0x7  }
0x266: {  	v4, _, _ =	vpop (xrf0);
	s22 =	sand.u32 $0x1FFFFF80, s22  }
0x267: {  	s25 =	sadd.s32 s2, s22;
	s22 =	spop (v2sf);
	(v2sf) =	vpush v4, $0xF  }
0x268: {  	[tilespmem:s29], [sflag:$0x1] =	stream.strided.gather [hbm4b:s25+s14], $0x1000, s13, s14, $0x38;
	[tilespmem:$0x18400] =	vst v63  }
0x269: {  	s24 =	sshra.s32 s22, $0x1F  }
0x26a: {  	s23 =	sshrl.u32 s24, $0x19  }
0x26b: {  	s23 =	sadd.s32 s23, s22  }
0x26c: {  	s25 =	sand.u32 $0xFFFFFF80, s23  }
0x26d: {  	p3 =	slt.s32 s22, $0x1;
	p4 =	sne.s32 s22, s25  }
0x26e: {  	p0 =	por !p3, !p4  }
0x26f: {  	s24 =	simm.s32 $0x1;
	p0 =	por !p0, !p0  }
0x270: {  	s23 =	sshrl.u32 s23, $0x7;
	s24 =	simm.s32 @!p0 $0x0  }
0x271: {  	s23 =	ssub.s32 s23, s24  }
0x272: {  	s23 =	sshll.u32 s23, $0x7  }
0x273: {  	s23 =	sand.u32 $0x1FFFFF80, s23  }
0x274: {  	s30 =	simm.s32 $0xE400;
	s23 =	sadd.s32 s2, s23  }
0x275: {  	[tilespmem:s30], [sflag:$0x1] =	stream.strided.gather [hbm4b:s23+s14], $0x1000, s13, s14, $0x38;
	[tilespmem:$0x18400] =	vst v63  }
0x276: {  	s23 =	spop (v2sf)  }
0x277: {  	s25 =	sshra.s32 s23, $0x1F  }
0x278: {  	s24 =	sshrl.u32 s25, $0x19  }
0x279: {  	s24 =	sadd.s32 s24, s23  }
0x27a: {  	s25 =	sand.u32 $0xFFFFFF80, s24  }
0x27b: {  	p5 =	slt.s32 s23, $0x1;
	p6 =	sne.s32 s23, s25  }
0x27c: {  	p0 =	por !p5, !p6  }
0x27d: {  	s25 =	simm.s32 $0x1;
	p0 =	por !p0, !p0  }
0x27e: {  	s24 =	sshrl.u32 s24, $0x7;
	s25 =	simm.s32 @!p0 $0x0  }
0x27f: {  	s24 =	ssub.s32 s24, s25  }
0x280: {  	s24 =	sshll.u32 s24, $0x7  }
0x281: {  	s24 =	sand.u32 $0x1FFFFF80, s24  }
0x282: {  	s30 =	simm.s32 $0xF400;
	s24 =	sadd.s32 s2, s24  }
0x283: {  	[tilespmem:s30], [sflag:$0x1] =	stream.strided.gather [hbm4b:s24+s14], $0x1000, s13, s14, $0x38;
	[tilespmem:$0x18400] =	vst v63  }
0x284: {  	_ =	swait.ge [sflag:s12], $0x1000  }
0x285: {  	[sflag:s12] =	ssyncset.done $0x0  }
0x286: {  	[sflag:s12] =	ssyncadd.s32 $0xFFFFF000  }
0x287: {  	_ =	swait.ge [sflag:s12], $0x1000  }
0x288: {  	[sflag:s12] =	ssyncset.done $0x0  }
0x289: {  	[sflag:s12] =	ssyncadd.s32 $0xFFFFF000  }
0x28a: {  	_ =	swait.ge [sflag:s12], $0x1000  }
0x28b: {  	[sflag:s12] =	ssyncset.done $0x0  }
0x28c: {  	[sflag:s12] =	ssyncadd.s32 $0xFFFFF000  }
0x28d: {  	_ =	swait.ge [sflag:s12], $0x1000  }
0x28e: {  	[sflag:s12] =	ssyncset.done $0x0  }
0x28f: {  	[sflag:s12] =	ssyncadd.s32 $0xFFFFF000  }
0x290: {  	_ =	swait.ge [sflag:s12], $0x1000  }
0x291: {  	[sflag:s12] =	ssyncset.done $0x0  }
0x292: {  	[sflag:s12] =	ssyncadd.s32 $0xFFFFF000  }
0x293: {  	_ =	swait.ge [sflag:s12], $0x1000  }
0x294: {  	[sflag:s12] =	ssyncset.done $0x0  }
0x295: {  	[sflag:s12] =	ssyncadd.s32 $0xFFFFF000  }
0x296: {  	_ =	swait.ge [sflag:s12], $0x1000  }
0x297: {  	[sflag:s12] =	ssyncset.done $0x0  }
0x298: {  	[sflag:s12] =	ssyncadd.s32 $0xFFFFF000  }
0x299: {  	_ =	swait.ge [sflag:s12], $0x1000  }
0x29a: {  	[sflag:s12] =	ssyncset.done $0x0  }
0x29b: {  	[sflag:s12] =	ssyncadd.s32 $0xFFFFF000  }
0x29c: {  	_ =	swait.ge [sflag:s12], $0x1000  }
0x29d: {  	[sflag:s12] =	ssyncset.done $0x0  }
0x29e: {  	[sflag:s12] =	ssyncadd.s32 $0xFFFFF000  }
0x29f: {  	_ =	swait.ge [sflag:s12], $0x1000  }
0x2a0: {  	[sflag:s12] =	ssyncset.done $0x0  }
0x2a1: {  	[sflag:s12] =	ssyncadd.s32 $0xFFFFF000  }
0x2a2: {  	_ =	swait.ge [sflag:s12], $0x1000  }
0x2a3: {  	[sflag:s12] =	ssyncset.done $0x0  }
0x2a4: {  	[sflag:s12] =	ssyncadd.s32 $0xFFFFF000  }
0x2a5: {  	_ =	swait.ge [sflag:s12], $0x1000  }
0x2a6: {  	[sflag:s12] =	ssyncset.done $0x0  }
0x2a7: {  	[sflag:s12] =	ssyncadd.s32 $0xFFFFF000  }
0x2a8: {  	_ =	swait.ge [sflag:s12], $0x1000  }
0x2a9: {  	[sflag:s12] =	ssyncset.done $0x0  }
0x2aa: {  	[sflag:s12] =	ssyncadd.s32 $0xFFFFF000  }
0x2ab: {  	_ =	swait.ge [sflag:s12], $0x1000  }
0x2ac: {  	[sflag:s12] =	ssyncset.done $0x0  }
0x2ad: {  	[sflag:s12] =	ssyncadd.s32 $0xFFFFF000  }
0x2ae: {  	s7 =	sand.u32 $0x7F, s7;
	_ =	swait.ge [sflag:s12], $0x1000  }
0x2af: {  	v4 =	vor.u32 s7, v0;
	s24 =	sadd.s32 $0xFFFFFFF1, s5;
	[sflag:s12] =	ssyncset.done $0x0  }
0x2b0: {  	v5 =	vor.u32 s7, v3;
	v6 =	vmov s24;
	[sflag:s12] =	ssyncadd.s32 $0xFFFFF000  }
0x2b1: {  	v7 =	vshll.u32 v6, $0x3;
	_ =	swait.ge [sflag:s12], $0x1000  }
0x2b2: {  	v6 =	vand.u32 $0x70, v6;
	v7 =	vand.u32 $0xC00, v7;
	[sflag:s12] =	ssyncset.done $0x0  }
0x2b3: {  	v6 =	vor.u32 v6, v7;
	[sflag:s12] =	ssyncadd.s32 $0xFFFFF000  }
0x2b4: {  	v7 =	vor.u32 v1, v6;
	v4 =	vld.idx.msk [tilespmem:v4+s14+$0x0], $0xffff  }
0x2b5: {  	s7 =	sand.u32 $0x7F, s8;
	v6 =	vor.u32 v2, v6;
	v5 =	vld.idx.msk [tilespmem:v5+s14+$0x0], $0xffff  }
0x2b6: {  	s8 =	sadd.s32 $0xFFFFFFF2, s5;
	v8 =	vor.u32 s7, v0  }
0x2b7: {  	v9 =	vor.u32 s7, v3;
	v10 =	vmov s8  }
0x2b8: {  	v11 =	vshll.u32 v10, $0x3  }
0x2b9: {  	v43 =	vand.u32 $0xC00, v11;
	[tilespmem:v7+s1+$0x0] =	vst.idx.msk $0xffff, v4;
	v4 =	vand.u32 $0x71, v10  }
0x2ba: {  	[tilespmem:v6+s1+$0x0] =	vst.idx.msk $0xffff, v5;
	v4 =	vor.u32 v4, v43  }
0x2bb: {  	v5 =	vld.idx.msk [tilespmem:v8+s26+$0x0], $0xffff;
	v44 =	vor.u32 v1, v4  }
0x2bc: {  	s3 =	sand.u32 $0x7F, s3;
	v45 =	vld.idx.msk [tilespmem:v9+s26+$0x0], $0xffff;
	v4 =	vor.u32 v2, v4  }
0x2bd: {  	v46 =	vor.u32 s3, v0;
	s7 =	sadd.s32 $0xFFFFFFF3, s5  }
0x2be: {  	v47 =	vor.u32 s3, v3;
	v48 =	vmov s7  }
0x2bf: {  	v49 =	vshll.u32 v48, $0x3  }
0x2c0: {  	v50 =	vand.u32 $0xC00, v49;
	[tilespmem:v44+s1+$0x0] =	vst.idx.msk $0xffff, v5;
	v5 =	vand.u32 $0x72, v48  }
0x2c1: {  	s25 =	simm.s32 $0x2400;
	[tilespmem:v4+s1+$0x0] =	vst.idx.msk $0xffff, v45;
	v4 =	vor.u32 v5, v50  }
0x2c2: {  	v5 =	vld.idx.msk [tilespmem:v46+s25+$0x0], $0xffff;
	v6 =	vor.u32 v1, v4  }
0x2c3: {  	s7 =	sand.u32 $0x7F, s9;
	v7 =	vld.idx.msk [tilespmem:v47+s25+$0x0], $0xffff;
	v4 =	vor.u32 v2, v4  }
0x2c4: {  	s9 =	sadd.s32 $0xFFFFFFF4, s5;
	v51 =	vor.u32 s7, v0  }
0x2c5: {  	v52 =	vor.u32 s7, v3;
	v53 =	vmov s9  }
0x2c6: {  	v54 =	vshll.u32 v53, $0x3  }
0x2c7: {  	v55 =	vand.u32 $0xC00, v54;
	[tilespmem:v6+s1+$0x0] =	vst.idx.msk $0xffff, v5;
	v5 =	vand.u32 $0x73, v53  }
0x2c8: {  	s24 =	simm.s32 $0x3400;
	[tilespmem:v4+s1+$0x0] =	vst.idx.msk $0xffff, v7;
	v4 =	vor.u32 v5, v55  }
0x2c9: {  	v5 =	vld.idx.msk [tilespmem:v51+s24+$0x0], $0xffff;
	v6 =	vor.u32 v1, v4  }
0x2ca: {  	s9 =	sand.u32 $0x7F, s10;
	v7 =	vld.idx.msk [tilespmem:v52+s24+$0x0], $0xffff;
	v4 =	vor.u32 v2, v4  }
0x2cb: {  	s10 =	sadd.s32 $0xFFFFFFF5, s5;
	v56 =	vor.u32 s9, v0  }
0x2cc: {  	v57 =	vor.u32 s9, v3;
	v58 =	vmov s10  }
0x2cd: {  	v59 =	vshll.u32 v58, $0x3  }
0x2ce: {  	v60 =	vand.u32 $0xC00, v59;
	[tilespmem:v6+s1+$0x0] =	vst.idx.msk $0xffff, v5;
	v5 =	vand.u32 $0x74, v58  }
0x2cf: {  	[tilespmem:v4+s1+$0x0] =	vst.idx.msk $0xffff, v7;
	v4 =	vor.u32 v5, v60  }
0x2d0: {  	v5 =	vld.idx.msk [tilespmem:v56+s28+$0x0], $0xffff;
	v6 =	vor.u32 v1, v4  }
0x2d1: {  	s7 =	sand.u32 $0x7F, s4;
	v7 =	vld.idx.msk [tilespmem:v57+s28+$0x0], $0xffff;
	v4 =	vor.u32 v2, v4  }
0x2d2: {  	v61 =	vor.u32 s7, v0;
	s9 =	sadd.s32 $0xFFFFFFF6, s5  }
0x2d3: {  	v62 =	vor.u32 s7, v3;
	v63 =	vmov s9  }
0x2d4: {  	v12 =	vshll.u32 v63, $0x3  }
0x2d5: {  	v13 =	vand.u32 $0xC00, v12;
	[tilespmem:v6+s1+$0x0] =	vst.idx.msk $0xffff, v5;
	v5 =	vand.u32 $0x75, v63  }
0x2d6: {  	s8 =	simm.s32 $0x5400;
	[tilespmem:v4+s1+$0x0] =	vst.idx.msk $0xffff, v7;
	v4 =	vor.u32 v5, v13  }
0x2d7: {  	v5 =	vld.idx.msk [tilespmem:v61+s8+$0x0], $0xffff;
	v6 =	vor.u32 v1, v4  }
0x2d8: {  	s4 =	sand.u32 $0x7F, s11;
	v7 =	vld.idx.msk [tilespmem:v62+s8+$0x0], $0xffff;
	v4 =	vor.u32 v2, v4  }
0x2d9: {  	v14 =	vor.u32 s4, v0;
	s9 =	sadd.s32 $0xFFFFFFF7, s5  }
0x2da: {  	v15 =	vor.u32 s4, v3;
	v16 =	vmov s9  }
0x2db: {  	v17 =	vshll.u32 v16, $0x3  }
0x2dc: {  	v18 =	vand.u32 $0xC00, v17;
	[tilespmem:v6+s1+$0x0] =	vst.idx.msk $0xffff, v5;
	v5 =	vand.u32 $0x76, v16  }
0x2dd: {  	s10 =	simm.s32 $0x6400;
	[tilespmem:v4+s1+$0x0] =	vst.idx.msk $0xffff, v7;
	v4 =	vor.u32 v5, v18  }
0x2de: {  	v5 =	vld.idx.msk [tilespmem:v14+s10+$0x0], $0xffff;
	v6 =	vor.u32 v1, v4  }
0x2df: {  	v7 =	vld.idx.msk [tilespmem:v15+s10+$0x0], $0xffff;
	v4 =	vor.u32 v2, v4;
	s10 =	sand.u32 $0x7F, s15  }
0x2e0: {  	s11 =	sadd.s32 $0xFFFFFFF8, s5;
	v19 =	vor.u32 s10, v0  }
0x2e1: {  	v21 =	vmov s11;
	v20 =	vor.u32 s10, v3  }
0x2e2: {  	v22 =	vshll.u32 v21, $0x3  }
0x2e3: {  	v23 =	vand.u32 $0xC00, v22;
	[tilespmem:v6+s1+$0x0] =	vst.idx.msk $0xffff, v5;
	v5 =	vand.u32 $0x77, v21  }
0x2e4: {  	s8 =	simm.s32 $0x7400;
	[tilespmem:v4+s1+$0x0] =	vst.idx.msk $0xffff, v7;
	v4 =	vor.u32 v5, v23  }
0x2e5: {  	v5 =	vld.idx.msk [tilespmem:v19+s8+$0x0], $0xffff;
	v6 =	vor.u32 v1, v4  }
0x2e6: {  	s9 =	sand.u32 $0x7F, s16;
	v7 =	vld.idx.msk [tilespmem:v20+s8+$0x0], $0xffff;
	v4 =	vor.u32 v2, v4  }
0x2e7: {  	v24 =	vor.u32 s9, v0;
	s10 =	sadd.s32 $0xFFFFFFF9, s5  }
0x2e8: {  	v25 =	vor.u32 s9, v3;
	v26 =	vmov s10  }
0x2e9: {  	v27 =	vshll.u32 v26, $0x3  }
0x2ea: {  	v28 =	vand.u32 $0xC00, v27;
	[tilespmem:v6+s1+$0x0] =	vst.idx.msk $0xffff, v5;
	v5 =	vand.u32 $0x78, v26  }
0x2eb: {  	s15 =	simm.s32 $0x8400;
	[tilespmem:v4+s1+$0x0] =	vst.idx.msk $0xffff, v7;
	v4 =	vor.u32 v5, v28  }
0x2ec: {  	v5 =	vld.idx.msk [tilespmem:v24+s15+$0x0], $0xffff;
	v6 =	vor.u32 v1, v4  }
0x2ed: {  	s11 =	sand.u32 $0x7F, s17;
	v7 =	vld.idx.msk [tilespmem:v25+s15+$0x0], $0xffff;
	v4 =	vor.u32 v2, v4  }
0x2ee: {  	v29 =	vor.u32 s11, v0;
	s15 =	sadd.s32 $0xFFFFFFFA, s5  }
0x2ef: {  	v30 =	vor.u32 s11, v3;
	v31 =	vmov s15  }
0x2f0: {  	v32 =	vshll.u32 v31, $0x3  }
0x2f1: {  	v33 =	vand.u32 $0xC00, v32;
	[tilespmem:v6+s1+$0x0] =	vst.idx.msk $0xffff, v5;
	v5 =	vand.u32 $0x79, v31  }
0x2f2: {  	s8 =	simm.s32 $0x9400;
	[tilespmem:v4+s1+$0x0] =	vst.idx.msk $0xffff, v7;
	v4 =	vor.u32 v5, v33  }
0x2f3: {  	v5 =	vld.idx.msk [tilespmem:v29+s8+$0x0], $0xffff;
	v6 =	vor.u32 v1, v4  }
0x2f4: {  	s4 =	sand.u32 $0x7F, s18;
	v7 =	vld.idx.msk [tilespmem:v30+s8+$0x0], $0xffff;
	v4 =	vor.u32 v2, v4  }
0x2f5: {  	v34 =	vor.u32 s4, v0;
	s9 =	sadd.s32 $0xFFFFFFFB, s5  }
0x2f6: {  	v35 =	vor.u32 s4, v3;
	v36 =	vmov s9  }
0x2f7: {  	v37 =	vshll.u32 v36, $0x3  }
0x2f8: {  	v38 =	vand.u32 $0xC00, v37;
	[tilespmem:v6+s1+$0x0] =	vst.idx.msk $0xffff, v5;
	v5 =	vand.u32 $0x7A, v36  }
0x2f9: {  	s17 =	simm.s32 $0xA400;
	[tilespmem:v4+s1+$0x0] =	vst.idx.msk $0xffff, v7;
	v4 =	vor.u32 v5, v38  }
0x2fa: {  	v5 =	vld.idx.msk [tilespmem:v34+s17+$0x0], $0xffff;
	v6 =	vor.u32 v1, v4  }
0x2fb: {  	s10 =	sand.u32 $0x7F, s19;
	v7 =	vld.idx.msk [tilespmem:v35+s17+$0x0], $0xffff;
	v4 =	vor.u32 v2, v4  }
0x2fc: {  	s11 =	sadd.s32 $0xFFFFFFFC, s5;
	v39 =	vor.u32 s10, v0  }
0x2fd: {  	v41 =	vmov s11;
	v40 =	vor.u32 s10, v3  }
0x2fe: {  	v42 =	vshll.u32 v41, $0x3  }
0x2ff: {  	v43 =	vand.u32 $0xC00, v42;
	[tilespmem:v6+s1+$0x0] =	vst.idx.msk $0xffff, v5;
	v5 =	vand.u32 $0x7B, v41  }
0x300: {  	s16 =	simm.s32 $0xB400;
	[tilespmem:v4+s1+$0x0] =	vst.idx.msk $0xffff, v7;
	v4 =	vor.u32 v5, v43  }
0x301: {  	v5 =	vld.idx.msk [tilespmem:v39+s16+$0x0], $0xffff;
	v6 =	vor.u32 v1, v4  }
0x302: {  	s17 =	sand.u32 $0x7F, s20;
	v7 =	vld.idx.msk [tilespmem:v40+s16+$0x0], $0xffff;
	v4 =	vor.u32 v2, v4  }
0x303: {  	s18 =	sadd.s32 $0xFFFFFFFD, s5;
	v44 =	vor.u32 s17, v0  }
0x304: {  	v46 =	vmov s18;
	v45 =	vor.u32 s17, v3  }
0x305: {  	v47 =	vshll.u32 v46, $0x3  }
0x306: {  	v48 =	vand.u32 $0xC00, v47;
	[tilespmem:v6+s1+$0x0] =	vst.idx.msk $0xffff, v5;
	v5 =	vand.u32 $0x7C, v46  }
0x307: {  	s16 =	simm.s32 $0xC400;
	[tilespmem:v4+s1+$0x0] =	vst.idx.msk $0xffff, v7;
	v4 =	vor.u32 v5, v48  }
0x308: {  	v5 =	vld.idx.msk [tilespmem:v44+s16+$0x0], $0xffff;
	v6 =	vor.u32 v1, v4  }
0x309: {  	s19 =	sand.u32 $0x7F, s21;
	v7 =	vld.idx.msk [tilespmem:v45+s16+$0x0], $0xffff;
	v4 =	vor.u32 v2, v4  }
0x30a: {  	v49 =	vor.u32 s19, v0;
	s20 =	sadd.s32 $0xFFFFFFFE, s5  }
0x30b: {  	v50 =	vor.u32 s19, v3;
	v51 =	vmov s20  }
0x30c: {  	v52 =	vshll.u32 v51, $0x3  }
0x30d: {  	v53 =	vand.u32 $0xC00, v52;
	[tilespmem:v6+s1+$0x0] =	vst.idx.msk $0xffff, v5;
	v5 =	vand.u32 $0x7D, v51  }
0x30e: {  	[tilespmem:v4+s1+$0x0] =	vst.idx.msk $0xffff, v7;
	v4 =	vor.u32 v5, v53  }
0x30f: {  	v5 =	vld.idx.msk [tilespmem:v49+s29+$0x0], $0xffff;
	v6 =	vor.u32 v1, v4  }
0x310: {  	s21 =	sand.u32 $0x7F, s22;
	v7 =	vld.idx.msk [tilespmem:v50+s29+$0x0], $0xffff;
	v4 =	vor.u32 v2, v4  }
0x311: {  	s22 =	sadd.s32 $0xFFFFFFFF, s5;
	v54 =	vor.u32 s21, v0  }
0x312: {  	v55 =	vor.u32 s21, v3;
	v56 =	vmov s22  }
0x313: {  	v57 =	vshll.u32 v56, $0x3  }
0x314: {  	v58 =	vand.u32 $0xC00, v57;
	[tilespmem:v6+s1+$0x0] =	vst.idx.msk $0xffff, v5;
	v5 =	vand.u32 $0x7E, v56  }
0x315: {  	s15 =	simm.s32 $0xE400;
	[tilespmem:v4+s1+$0x0] =	vst.idx.msk $0xffff, v7;
	v4 =	vor.u32 v5, v58  }
0x316: {  	v5 =	vld.idx.msk [tilespmem:v54+s15+$0x0], $0xffff;
	v6 =	vor.u32 v1, v4  }
0x317: {  	s23 =	sand.u32 $0x7F, s23;
	v7 =	vld.idx.msk [tilespmem:v55+s15+$0x0], $0xffff;
	v4 =	vor.u32 v2, v4  }
0x318: {  	v59 =	vor.u32 s23, v0  }
0x319: {  	v60 =	vor.u32 s23, v3;
	v61 =	vmov s5  }
0x31a: {  	v62 =	vshll.u32 v61, $0x3  }
0x31b: {  	v63 =	vand.u32 $0xC00, v62;
	[tilespmem:v6+s1+$0x0] =	vst.idx.msk $0xffff, v5;
	v5 =	vand.u32 $0x7F, v61  }
0x31c: {  	[tilespmem:v4+s1+$0x0] =	vst.idx.msk $0xffff, v7;
	v4 =	vor.u32 v5, v63  }
0x31d: {  	v5 =	vld.idx.msk [tilespmem:v59+s30+$0x0], $0xffff;
	v6 =	vor.u32 v1, v4  }
0x31e: {  	p0 =	sne.s32 s5, $0x1FF;
	v7 =	vld.idx.msk [tilespmem:v60+s30+$0x0], $0xffff;
	v4 =	vor.u32 v2, v4  }
.Ltmp1:
0x31f: {  	_ = 	snop;
	(pc) =	sbr.rel @p0 .LBB2_4-.Ltmp1, $3  }
0x320: {  	_ =	sdelay $0x1  }
0x321: {  	[tilespmem:v6+s1+$0x0] =	vst.idx.msk $0xffff, v5  }
0x322: {  	s6 =	sadd.s32 $0x10, s6;
	s5 =	sadd.s32 $0x10, s5;
	[tilespmem:v4+s1+$0x0] =	vst.idx.msk $0xffff, v7  }
0x323: {  	s3 =	rddreg [dreg:$0x6]  }
0x324: {  	s4 =	simm.s32 $0x1000;
	s6 =	simm.s32 $0x20000;
	s5 =	simm.s32 $0x2  }
0x325: {  	[hbm4b:s3+s4] =	stream.strided.scatter [tilespmem:s31], [sflag:$0x2], $0x4000, s6, s4, $0x38;
	[tilespmem:$0x18400] =	vst v63  }
0x326: {  	_ =	swait.ge [sflag:s5], $0x4000  }
0x327: {  	[sflag:s5] =	ssyncset.done $0x0  }
0x328: {  	s23 =	rddreg [dreg:$0x7];
	[sflag:s5] =	ssyncadd.s32 $0xFFFFC000  }
0x329: {  	[hbm4b:s23+s4] =	stream.strided.scatter [tilespmem:s1], [sflag:$0x2], $0x4000, s6, s4, $0x38;
	[tilespmem:$0x18400] =	vst v63  }
0x32a: {  	_ =	swait.ge [sflag:s5], $0x4000  }
0x32b: {  	s29 =	rddreg [dreg:$0x9]  }
0x32c: {  	s30 =	rddreg [dreg:$0x8];
	s4 =	sadd.s32 $0x1, s29  }
0x32d: {  	p0 =	sne.s32 s4, s30  }
.Ltmp2:
0x32e: {  	_ = 	snop;
	(pc) =	sbr.rel @p0 .LBB2_1-.Ltmp2, $3  }
0x32f: {  	_ =	sdelay $0x1  }
0x330: {  	[sflag:s5] =	ssyncset.done $0x0  }
0x331: {  	[sflag:s5] =	ssyncadd.s32 $0xFFFFC000  }
0x332: {  	_ =	sfence.sel $0x180000  }
0x333: {  	[bflag:$0x0] =	sbarrier.arrive $0xFFFF  }
0x334: {  	_ =	strace $0x9000004D  }
0x335: {  	s0 =	stileid.u32;
	[bflag:$0x2] =	sbarrier.arrive $0xFFFF  }
0x336: {  	p0 =	sne.s32 s0, $0x0;
	s0 =	rddreg [dreg:$0x3]  }
0x337: {  	s0 =	sadd.s32 @!p0 $0x100000, s0  }
0x338: {  	[sflag:s0] =	ssyncadd.tile.s32 @!p0 $0x1;
	_ =	shalt  }
.Lfunc_end2:
_tile_overlayer_lowered:
.L_overlay_start_2:
0x339: {  	(tag) =	ssettag $0x2  }
0x33a: {  	s0 =	rddreg [dreg:$0x0];
	s2 =	stileid.u32  }
0x33b: {  	s1 =	rddreg [dreg:$0x1];
	p0 =	sne.s32 s2, $0x0  }
0x33c: {  	s3 =	rddreg [dreg:$0x2];
	[bflag:$0x3] =	sbarrier.arrive $0xFFFF;
	s2 =	simm.s32 @!p0 $0x1C02  }
0x33d: {  	[timem:s3], [sflag:s2] =	dma.local @!p0 [hbm:s0], s1  }
0x33e: {  	s0 =	simm.s32 @!p0 $0x2  }
0x33f: {  	_ =	swait.ge @!p0 [sflag:s0], s1  }
0x340: {  	s1 =	ssub.s32 @!p0 $0x0, s1;
	[sflag:s0] =	ssyncset.done @!p0 $0x0  }
0x341: {  	[sflag:s0] =	ssyncadd.s32 @!p0 s1  }
0x342: {  	[bflag:$0x3] =	sbarrier.arrive $0xFFFF  }
0x343: {  	_ =	shalt  }

</sc_bundles>
